<compile_context>
chip_gen: v7x
topology: tpu7x:2x2x1
jax: 0.10.2.dev20260603
libtpu: 0.0.44.dev20260713+nightly
codegen_flags: <defaults>
</compile_context>

<pallas_src>
import functools

import jax
import jax.numpy as jnp
from jax import lax
from jax.experimental import pallas as pl
from jax.experimental.pallas import tpu as pltpu
from jax.experimental.pallas import tpu_sc as plsc

N = 10000
E = 320000
D = 128
F = 16

NC = 2
NS = 16
L = 16
NW = NC * NS

CHUNK = 128
EROWS = E // CHUNK
NR = EROWS // NW
NLEFT = EROWS - NR * NW
NRMAX = NR + 1

NP = 10240
SLICE_N = NP // NS

DEG_DEPTH = 16
NBUF = 4


def _deg_body(ei_hbm, deg_out, idx_v, ones_v, z_v, deg_sh, sem):
    cid = lax.axis_index("c")
    sid = lax.axis_index("s")
    wid = sid * NC + cid
    nrows = NR + jnp.where(wid < NLEFT, 1, 0)
    for j in range(CHUNK // L):
        ones_v[pl.ds(j * L, L)] = jnp.ones((L,), jnp.float32)
    for j in range(SLICE_N // L):
        z_v[pl.ds(j * L, L)] = jnp.zeros((L,), jnp.float32)
    pltpu.sync_copy(z_v, deg_sh.at[pl.ds(sid * SLICE_N, SLICE_N)])
    pltpu.sync_copy(ei_hbm.at[pl.ds(wid * NR, NR), 1], idx_v.at[pl.ds(0, NR)])

    @pl.when(wid < NLEFT)
    def _():
        pltpu.sync_copy(ei_hbm.at[NW * NR + wid, 1], idx_v.at[NR])

    plsc.subcore_barrier()

    for j in range(DEG_DEPTH):
        pltpu.async_copy(ones_v, deg_sh.at[idx_v.at[j]], sem, add=True)

    @pl.loop(0, NRMAX - DEG_DEPTH)
    def _(g):
        @pl.when(g + DEG_DEPTH < nrows)
        def _():
            pltpu.make_async_copy(ones_v, deg_sh.at[pl.ds(0, CHUNK)],
                                  sem).wait()
            pltpu.async_copy(ones_v, deg_sh.at[idx_v.at[g + DEG_DEPTH]], sem,
                             add=True)

    for j in range(DEG_DEPTH):
        pltpu.make_async_copy(ones_v, deg_sh.at[pl.ds(0, CHUNK)], sem).wait()

    plsc.subcore_barrier()
    pltpu.sync_copy(
        deg_sh.at[pl.ds(sid * SLICE_N, SLICE_N)],
        deg_out.at[pl.ds(cid * NP + sid * SLICE_N, SLICE_N)],
    )


def _scat_body(ei_hbm, hn_hbm, s_out, si_v, di_v, rows_v, z_v,
               hn_sh, s_sh, *gsems):
    cid = lax.axis_index("c")
    sid = lax.axis_index("s")
    wid = sid * NC + cid
    nrows = NR + jnp.where(wid < NLEFT, 1, 0)
    pltpu.sync_copy(
        hn_hbm.at[pl.ds(sid * SLICE_N, SLICE_N), pl.ds(0, F)],
        hn_sh.at[pl.ds(sid * SLICE_N, SLICE_N)],
    )
    for j in range(CHUNK):
        z_v[j, :] = jnp.zeros((L,), jnp.float32)
    for k in range(SLICE_N // CHUNK):
        pltpu.sync_copy(
            z_v, s_sh.at[pl.ds(sid * SLICE_N + k * CHUNK, CHUNK)])
    pltpu.sync_copy(ei_hbm.at[pl.ds(wid * NR, NR), 0], si_v.at[pl.ds(0, NR)])
    pltpu.sync_copy(ei_hbm.at[pl.ds(wid * NR, NR), 1], di_v.at[pl.ds(0, NR)])

    @pl.when(wid < NLEFT)
    def _():
        pltpu.sync_copy(ei_hbm.at[NW * NR + wid, 0], si_v.at[NR])
        pltpu.sync_copy(ei_hbm.at[NW * NR + wid, 1], di_v.at[NR])

    plsc.subcore_barrier()

    for b in range(NBUF):
        pltpu.async_copy(hn_sh.at[si_v.at[b]], rows_v.at[b], gsems[b])

    @pl.loop(0, NRMAX // NBUF + 1)
    def _(g):
        for b in range(NBUF):
            j = g * NBUF + b

            @pl.when(j < nrows)
            def _():
                pltpu.make_async_copy(hn_sh.at[pl.ds(0, CHUNK)], rows_v.at[b],
                                      gsems[b]).wait()
                pltpu.sync_copy(rows_v.at[b], s_sh.at[di_v.at[j]], add=True)

            @pl.when(j + NBUF < nrows)
            def _():
                pltpu.async_copy(hn_sh.at[si_v.at[j + NBUF]], rows_v.at[b],
                                 gsems[b])

    plsc.subcore_barrier()
    pltpu.sync_copy(
        s_sh.at[pl.ds(sid * SLICE_N, SLICE_N)],
        s_out.at[pl.ds(cid * NP + sid * SLICE_N, SLICE_N)],
    )


@functools.lru_cache(maxsize=None)
def _sc_kernels():
    mesh = plsc.VectorSubcoreMesh(
        core_axis_name="c", subcore_axis_name="s",
        num_cores=NC, num_subcores=NS,
    )
    params = pltpu.CompilerParams(use_tc_tiling_on_sc=False)
    deg_kernel = pl.kernel(
        _deg_body,
        out_type=jax.ShapeDtypeStruct((NC * NP,), jnp.float32),
        mesh=mesh,
        compiler_params=params,
        scratch_types=[
            pltpu.VMEM((NRMAX, CHUNK), jnp.int32),
            pltpu.VMEM((CHUNK,), jnp.float32),
            pltpu.VMEM((SLICE_N,), jnp.float32),
            pltpu.VMEM_SHARED((NP,), jnp.float32),
            pltpu.SemaphoreType.DMA,
        ],
    )
    scat_kernel = pl.kernel(
        _scat_body,
        out_type=jax.ShapeDtypeStruct((NC * NP, F), jnp.float32),
        mesh=mesh,
        compiler_params=params,
        scratch_types=[
            pltpu.VMEM((NRMAX, CHUNK), jnp.int32),
            pltpu.VMEM((NRMAX, CHUNK), jnp.int32),
            pltpu.VMEM((NBUF, CHUNK, F), jnp.float32),
            pltpu.VMEM((CHUNK, F), jnp.float32),
            pltpu.VMEM_SHARED((NP, F), jnp.float32),
            pltpu.VMEM_SHARED((NP, F), jnp.float32),
        ] + [pltpu.SemaphoreType.DMA] * NBUF,
    )
    return deg_kernel, scat_kernel


BLK = 1024
GRID = NP // BLK


def _mm_body(x_ref, w1_ref, h_ref):
    h_ref[...] = jnp.dot(x_ref[...], w1_ref[...],
                         preferred_element_type=jnp.float32)


def _mm_call(x_p, W1):
    return pl.pallas_call(
        _mm_body,
        grid=(GRID,),
        in_specs=[
            pl.BlockSpec((BLK, D), lambda i: (i, 0)),
            pl.BlockSpec((D, F), lambda i: (0, 0)),
        ],
        out_specs=pl.BlockSpec((BLK, F), lambda i: (i, 0)),
        out_shape=jax.ShapeDtypeStruct((NP, F), jnp.float32),
    )(x_p, W1)


def _hn_body(h_ref, degp_ref, hn_ref, dinv_ref):
    i = pl.program_id(0)
    deg = (degp_ref[pl.ds(i * BLK, BLK)]
           + degp_ref[pl.ds(NP + i * BLK, BLK)] + 1.0)
    dinv = lax.rsqrt(deg)
    hn = h_ref[...] * dinv[:, None]
    hn_ref[...] = jnp.pad(hn, ((0, 0), (0, 128 - F)))
    dinv_ref[0, pl.ds(i * BLK, BLK)] = dinv


def _hn_call(h, degp_flat):
    return pl.pallas_call(
        _hn_body,
        grid=(GRID,),
        in_specs=[
            pl.BlockSpec((BLK, F), lambda i: (i, 0)),
            pl.BlockSpec((NC * NP,), lambda i: (0,)),
        ],
        out_specs=[
            pl.BlockSpec((BLK, 128), lambda i: (i, 0)),
            pl.BlockSpec((1, NP), lambda i: (0, 0)),
        ],
        out_shape=[
            jax.ShapeDtypeStruct((NP, 128), jnp.float32),
            jax.ShapeDtypeStruct((1, NP), jnp.float32),
        ],
    )(h, degp_flat)


def _mlp_body(sp0_ref, sp1_ref, hn_ref, dinv_ref, b1_ref, w2_ref, b2_ref,
              w3_ref, b3_ref, w4_ref, b4_ref, out_ref):
    s = sp0_ref[...] + sp1_ref[...] + hn_ref[..., :F]
    dinv = dinv_ref[0, pl.ds(pl.program_id(0) * BLK, BLK)]
    a = jnp.maximum(s * dinv[:, None] + b1_ref[...], 0.0)
    a = jnp.maximum(
        jnp.dot(a, w2_ref[...], preferred_element_type=jnp.float32)
        + b2_ref[...], 0.0)
    a = jnp.maximum(
        jnp.dot(a, w3_ref[...], preferred_element_type=jnp.float32)
        + b3_ref[...], 0.0)
    z = (jnp.dot(a, w4_ref[...], preferred_element_type=jnp.float32)
         + b4_ref[...])
    out_ref[...] = jax.nn.sigmoid(z)


def _mlp_call(sp, hn, dinv, b1, W2, b2, W3, b3, W4, b4):
    return pl.pallas_call(
        _mlp_body,
        grid=(GRID,),
        in_specs=[
            pl.BlockSpec((BLK, F), lambda i: (i, 0)),
            pl.BlockSpec((BLK, F), lambda i: (i + GRID, 0)),
            pl.BlockSpec((BLK, 128), lambda i: (i, 0)),
            pl.BlockSpec((1, NP), lambda i: (0, 0)),
            pl.BlockSpec((1, F), lambda i: (0, 0)),
            pl.BlockSpec((F, 16), lambda i: (0, 0)),
            pl.BlockSpec((1, 16), lambda i: (0, 0)),
            pl.BlockSpec((16, 32), lambda i: (0, 0)),
            pl.BlockSpec((1, 32), lambda i: (0, 0)),
            pl.BlockSpec((32, 1), lambda i: (0, 0)),
            pl.BlockSpec((1, 1), lambda i: (0, 0)),
        ],
        out_specs=pl.BlockSpec((BLK, 1), lambda i: (i, 0)),
        out_shape=jax.ShapeDtypeStruct((NP, 1), jnp.float32),
    )(sp, sp, hn, dinv, b1, W2, b2, W3, b3, W4, b4)


def kernel(x, edge_index, W1, b1, W2, b2, W3, b3, W4, b4):
    ei3 = edge_index.reshape(2, EROWS, CHUNK).transpose(1, 0, 2)

    deg_kernel, scat_kernel = _sc_kernels()
    degp_flat = deg_kernel(ei3)
    x_p = jnp.pad(x, ((0, NP - N), (0, 0)))
    h = _mm_call(x_p, W1)
    hn_pad, dinv = _hn_call(h, degp_flat)
    sp = scat_kernel(ei3, hn_pad)
    out = _mlp_call(sp, hn_pad, dinv, b1.reshape(1, F), W2, b2.reshape(1, 16),
                    W3, b3.reshape(1, 32), W4, b4.reshape(1, 1))
    return out[:N]

# --- scband reference (transcript-rebuilt; emitter-appended) ---
"""Pipeline reference for scband-gcn-homo-38371237823055 (READ-ONLY COPY).

The authoritative reference and input builder live on the scoring server;
editing this copy changes nothing except your own understanding.
"""

import jax, jax.numpy as jnp
import numpy as np

N_NODES = 10000
N_EDGES = 320000
D_FEAT = 128


def gcn_conv(x, edge_index, W, b):
    # torch_geometric GCNConv default: add self loops + symmetric normalization
    N = x.shape[0]
    src = edge_index[0]
    dst = edge_index[1]
    loop = jnp.arange(N, dtype=src.dtype)
    src = jnp.concatenate([src, loop])
    dst = jnp.concatenate([dst, loop])
    deg = jnp.zeros((N,), dtype=x.dtype).at[dst].add(1.0)
    dinv = jnp.where(deg > 0, deg ** -0.5, 0.0)
    norm = dinv[src] * dinv[dst]
    h = x @ W  # linear transform first (small out dim)
    msg = h[src] * norm[:, None]  # gather
    out = jnp.zeros((N, h.shape[1]), dtype=x.dtype).at[dst].add(msg)  # scatter-add
    return out + b


def setup_inputs(seed: int = 0) -> dict:
    key = jax.random.key(seed)
    ks = jax.random.split(key, 10)
    x = jax.random.normal(ks[0], (N_NODES, D_FEAT), dtype=jnp.float32)
    edge_index = jax.random.randint(ks[1], (2, N_EDGES), 0, N_NODES, dtype=jnp.int32)
    # conv: node_features(128) -> 16 ; fc: 16->16, 16->32, 32->1
    W1 = jax.random.normal(ks[2], (D_FEAT, 16), dtype=jnp.float32) * (1.0 / np.sqrt(D_FEAT))
    b1 = jnp.zeros((16,), dtype=jnp.float32)
    W2 = jax.random.normal(ks[3], (16, 16), dtype=jnp.float32) * (1.0 / np.sqrt(16))
    b2 = jnp.zeros((16,), dtype=jnp.float32)
    W3 = jax.random.normal(ks[4], (16, 32), dtype=jnp.float32) * (1.0 / np.sqrt(16))
    b3 = jnp.zeros((32,), dtype=jnp.float32)
    W4 = jax.random.normal(ks[5], (32, 1), dtype=jnp.float32) * (1.0 / np.sqrt(32))
    b4 = jnp.zeros((1,), dtype=jnp.float32)
    return {"x": x, "edge_index": edge_index, "W1": W1, "b1": b1, "W2": W2, "b2": b2, "W3": W3, "b3": b3, "W4": W4, "b4": b4}


def reference(x, edge_index, W1, b1, W2, b2, W3, b3, W4, b4):
    h = gcn_conv(x, edge_index, W1, b1)
    h = jax.nn.relu(h)
    h = jax.nn.relu(h @ W2 + b2)
    h = jax.nn.relu(h @ W3 + b3)
    h = jax.nn.sigmoid(h @ W4 + b4)
    return h

if __name__ == "__main__":
    import jax
    _d = setup_inputs()
    print(jax.jit(kernel)(*tuple(_d.values())))

</pallas_src>

<mosaic_0001>
#map = affine_map<(d0, d1) -> (0, 0, 0)>
#map1 = affine_map<(d0, d1) -> (0)>
module attributes {stable_mosaic.version = 14 : i64} {
  func.func @_deg_body(%arg0: i32, %arg1: i32, %arg2: memref<2500x2x128xi32, #tpu.memory_space<hbm>>, %arg3: memref<20480xf32, #tpu.memory_space<hbm>>, %arg4: memref<79x128xi32, #tpu.memory_space<vmem>>, %arg5: memref<128xf32, #tpu.memory_space<vmem>>, %arg6: memref<640xf32, #tpu.memory_space<vmem>>, %arg7: memref<10240xf32, #tpu.memory_space<vmem_shared>>, %arg8: memref<!tpu.dma_semaphore, #tpu.memory_space<semaphore_mem>>) attributes {dimension_semantics = [#tpu.dimension_semantics<core_parallel>, #tpu.dimension_semantics<subcore_parallel>], iteration_bounds = array<i64: 2, 16>, scalar_prefetch = 0 : i64, scratch_operands = 5 : i64, tpu.core_type = #tpu.core_type<sc_vector_subcore>, window_params = [{transform_indices = #map}, {transform_indices = #map1}]} {
    %mul3A = arith.constant 2 : i32
    %mul3A_0 = arith.muli %arg1, %mul3A : i32
    %add3A = arith.addi %mul3A_0, %arg0 : i32
    %lt3A = arith.constant 4 : i32
    %lt3A_1 = arith.cmpi slt, %add3A, %lt3A : i32
    %jit3A = arith.constant 1 : i32
    %jit3A_2 = arith.constant 0 : i32
    %select_n3A = arith.select %lt3A_1, %jit3A, %jit3A_2 : i32
    %add3A_3 = arith.constant 78 : i32
    %add3A_4 = arith.addi %add3A_3, %select_n3A : i32
    %broadcast_in_dim3A = arith.constant 1.000000e+00 : f32
    %broadcast_in_dim3A_5 = vector.broadcast %broadcast_in_dim3A : f32 to vector<16xf32>
    %swap3A = arith.constant 0 : index
    %swap3A_6 = tpu.vector_load %arg5[%swap3A] {strides = array<i32>} : memref<128xf32, #tpu.memory_space<vmem>>, vector<16xf32>,
    %swap3A_7 = vector.shape_cast %swap3A_6 : vector<16xf32> to vector<16xf32>
    %swap3A_8 = vector.shape_cast %broadcast_in_dim3A_5 : vector<16xf32> to vector<16xf32>
    tpu.vector_store %arg5[%swap3A], %swap3A_8 {strides = array<i32>} : memref<128xf32, #tpu.memory_space<vmem>>, vector<16xf32>,
    %broadcast_in_dim3A_9 = arith.constant 1.000000e+00 : f32
    %broadcast_in_dim3A_10 = vector.broadcast %broadcast_in_dim3A_9 : f32 to vector<16xf32>
    %swap3A_11 = arith.constant 16 : index
    %swap3A_12 = tpu.vector_load %arg5[%swap3A_11] {strides = array<i32>} : memref<128xf32, #tpu.memory_space<vmem>>, vector<16xf32>,
    %swap3A_13 = vector.shape_cast %swap3A_12 : vector<16xf32> to vector<16xf32>
    %swap3A_14 = vector.shape_cast %broadcast_in_dim3A_10 : vector<16xf32> to vector<16xf32>
    tpu.vector_store %arg5[%swap3A_11], %swap3A_14 {strides = array<i32>} : memref<128xf32, #tpu.memory_space<vmem>>, vector<16xf32>,
    %broadcast_in_dim3A_15 = arith.constant 1.000000e+00 : f32
    %broadcast_in_dim3A_16 = vector.broadcast %broadcast_in_dim3A_15 : f32 to vector<16xf32>
    %swap3A_17 = arith.constant 32 : index
    %swap3A_18 = tpu.vector_load %arg5[%swap3A_17] {strides = array<i32>} : memref<128xf32, #tpu.memory_space<vmem>>, vector<16xf32>,
    %swap3A_19 = vector.shape_cast %swap3A_18 : vector<16xf32> to vector<16xf32>
    %swap3A_20 = vector.shape_cast %broadcast_in_dim3A_16 : vector<16xf32> to vector<16xf32>
    tpu.vector_store %arg5[%swap3A_17], %swap3A_20 {strides = array<i32>} : memref<128xf32, #tpu.memory_space<vmem>>, vector<16xf32>,
    %broadcast_in_dim3A_21 = arith.constant 1.000000e+00 : f32
    %broadcast_in_dim3A_22 = vector.broadcast %broadcast_in_dim3A_21 : f32 to vector<16xf32>
    %swap3A_23 = arith.constant 48 : index
    %swap3A_24 = tpu.vector_load %arg5[%swap3A_23] {strides = array<i32>} : memref<128xf32, #tpu.memory_space<vmem>>, vector<16xf32>,
    %swap3A_25 = vector.shape_cast %swap3A_24 : vector<16xf32> to vector<16xf32>
    %swap3A_26 = vector.shape_cast %broadcast_in_dim3A_22 : vector<16xf32> to vector<16xf32>
    tpu.vector_store %arg5[%swap3A_23], %swap3A_26 {strides = array<i32>} : memref<128xf32, #tpu.memory_space<vmem>>, vector<16xf32>,
    %broadcast_in_dim3A_27 = arith.constant 1.000000e+00 : f32
    %broadcast_in_dim3A_28 = vector.broadcast %broadcast_in_dim3A_27 : f32 to vector<16xf32>
    %swap3A_29 = arith.constant 64 : index
    %swap3A_30 = tpu.vector_load %arg5[%swap3A_29] {strides = array<i32>} : memref<128xf32, #tpu.memory_space<vmem>>, vector<16xf32>,
    %swap3A_31 = vector.shape_cast %swap3A_30 : vector<16xf32> to vector<16xf32>
    %swap3A_32 = vector.shape_cast %broadcast_in_dim3A_28 : vector<16xf32> to vector<16xf32>
    tpu.vector_store %arg5[%swap3A_29], %swap3A_32 {strides = array<i32>} : memref<128xf32, #tpu.memory_space<vmem>>, vector<16xf32>,
    %broadcast_in_dim3A_33 = arith.constant 1.000000e+00 : f32
    %broadcast_in_dim3A_34 = vector.broadcast %broadcast_in_dim3A_33 : f32 to vector<16xf32>
    %swap3A_35 = arith.constant 80 : index
    %swap3A_36 = tpu.vector_load %arg5[%swap3A_35] {strides = array<i32>} : memref<128xf32, #tpu.memory_space<vmem>>, vector<16xf32>,
    %swap3A_37 = vector.shape_cast %swap3A_36 : vector<16xf32> to vector<16xf32>
    %swap3A_38 = vector.shape_cast %broadcast_in_dim3A_34 : vector<16xf32> to vector<16xf32>
    tpu.vector_store %arg5[%swap3A_35], %swap3A_38 {strides = array<i32>} : memref<128xf32, #tpu.memory_space<vmem>>, vector<16xf32>,
    %broadcast_in_dim3A_39 = arith.constant 1.000000e+00 : f32
    %broadcast_in_dim3A_40 = vector.broadcast %broadcast_in_dim3A_39 : f32 to vector<16xf32>
    %swap3A_41 = arith.constant 96 : index
    %swap3A_42 = tpu.vector_load %arg5[%swap3A_41] {strides = array<i32>} : memref<128xf32, #tpu.memory_space<vmem>>, vector<16xf32>,
    %swap3A_43 = vector.shape_cast %swap3A_42 : vector<16xf32> to vector<16xf32>
    %swap3A_44 = vector.shape_cast %broadcast_in_dim3A_40 : vector<16xf32> to vector<16xf32>
    tpu.vector_store %arg5[%swap3A_41], %swap3A_44 {strides = array<i32>} : memref<128xf32, #tpu.memory_space<vmem>>, vector<16xf32>,
    %broadcast_in_dim3A_45 = arith.constant 1.000000e+00 : f32
    %broadcast_in_dim3A_46 = vector.broadcast %broadcast_in_dim3A_45 : f32 to vector<16xf32>
    %swap3A_47 = arith.constant 112 : index
    %swap3A_48 = tpu.vector_load %arg5[%swap3A_47] {strides = array<i32>} : memref<128xf32, #tpu.memory_space<vmem>>, vector<16xf32>,
    %swap3A_49 = vector.shape_cast %swap3A_48 : vector<16xf32> to vector<16xf32>
    %swap3A_50 = vector.shape_cast %broadcast_in_dim3A_46 : vector<16xf32> to vector<16xf32>
    tpu.vector_store %arg5[%swap3A_47], %swap3A_50 {strides = array<i32>} : memref<128xf32, #tpu.memory_space<vmem>>, vector<16xf32>,
    %broadcast_in_dim3A_51 = arith.constant 0.000000e+00 : f32
    %broadcast_in_dim3A_52 = vector.broadcast %broadcast_in_dim3A_51 : f32 to vector<16xf32>
    %swap3A_53 = arith.constant 0 : index
    %swap3A_54 = tpu.vector_load %arg6[%swap3A_53] {strides = array<i32>} : memref<640xf32, #tpu.memory_space<vmem>>, vector<16xf32>,
    %swap3A_55 = vector.shape_cast %swap3A_54 : vector<16xf32> to vector<16xf32>
    %swap3A_56 = vector.shape_cast %broadcast_in_dim3A_52 : vector<16xf32> to vector<16xf32>
    tpu.vector_store %arg6[%swap3A_53], %swap3A_56 {strides = array<i32>} : memref<640xf32, #tpu.memory_space<vmem>>, vector<16xf32>,
    %broadcast_in_dim3A_57 = arith.constant 0.000000e+00 : f32
    %broadcast_in_dim3A_58 = vector.broadcast %broadcast_in_dim3A_57 : f32 to vector<16xf32>
    %swap3A_59 = arith.constant 16 : index
    %swap3A_60 = tpu.vector_load %arg6[%swap3A_59] {strides = array<i32>} : memref<640xf32, #tpu.memory_space<vmem>>, vector<16xf32>,
    %swap3A_61 = vector.shape_cast %swap3A_60 : vector<16xf32> to vector<16xf32>
    %swap3A_62 = vector.shape_cast %broadcast_in_dim3A_58 : vector<16xf32> to vector<16xf32>
    tpu.vector_store %arg6[%swap3A_59], %swap3A_62 {strides = array<i32>} : memref<640xf32, #tpu.memory_space<vmem>>, vector<16xf32>,
    %broadcast_in_dim3A_63 = arith.constant 0.000000e+00 : f32
    %broadcast_in_dim3A_64 = vector.broadcast %broadcast_in_dim3A_63 : f32 to vector<16xf32>
    %swap3A_65 = arith.constant 32 : index
    %swap3A_66 = tpu.vector_load %arg6[%swap3A_65] {strides = array<i32>} : memref<640xf32, #tpu.memory_space<vmem>>, vector<16xf32>,
    %swap3A_67 = vector.shape_cast %swap3A_66 : vector<16xf32> to vector<16xf32>
    %swap3A_68 = vector.shape_cast %broadcast_in_dim3A_64 : vector<16xf32> to vector<16xf32>
    tpu.vector_store %arg6[%swap3A_65], %swap3A_68 {strides = array<i32>} : memref<640xf32, #tpu.memory_space<vmem>>, vector<16xf32>,
    %broadcast_in_dim3A_69 = arith.constant 0.000000e+00 : f32
    %broadcast_in_dim3A_70 = vector.broadcast %broadcast_in_dim3A_69 : f32 to vector<16xf32>
    %swap3A_71 = arith.constant 48 : index
    %swap3A_72 = tpu.vector_load %arg6[%swap3A_71] {strides = array<i32>} : memref<640xf32, #tpu.memory_space<vmem>>, vector<16xf32>,
    %swap3A_73 = vector.shape_cast %swap3A_72 : vector<16xf32> to vector<16xf32>
    %swap3A_74 = vector.shape_cast %broadcast_in_dim3A_70 : vector<16xf32> to vector<16xf32>
    tpu.vector_store %arg6[%swap3A_71], %swap3A_74 {strides = array<i32>} : memref<640xf32, #tpu.memory_space<vmem>>, vector<16xf32>,
    %broadcast_in_dim3A_75 = arith.constant 0.000000e+00 : f32
    %broadcast_in_dim3A_76 = vector.broadcast %broadcast_in_dim3A_75 : f32 to vector<16xf32>
    %swap3A_77 = arith.constant 64 : index
    %swap3A_78 = tpu.vector_load %arg6[%swap3A_77] {strides = array<i32>} : memref<640xf32, #tpu.memory_space<vmem>>, vector<16xf32>,
    %swap3A_79 = vector.shape_cast %swap3A_78 : vector<16xf32> to vector<16xf32>
    %swap3A_80 = vector.shape_cast %broadcast_in_dim3A_76 : vector<16xf32> to vector<16xf32>
    tpu.vector_store %arg6[%swap3A_77], %swap3A_80 {strides = array<i32>} : memref<640xf32, #tpu.memory_space<vmem>>, vector<16xf32>,
    %broadcast_in_dim3A_81 = arith.constant 0.000000e+00 : f32
    %broadcast_in_dim3A_82 = vector.broadcast %broadcast_in_dim3A_81 : f32 to vector<16xf32>
    %swap3A_83 = arith.constant 80 : index
    %swap3A_84 = tpu.vector_load %arg6[%swap3A_83] {strides = array<i32>} : memref<640xf32, #tpu.memory_space<vmem>>, vector<16xf32>,
    %swap3A_85 = vector.shape_cast %swap3A_84 : vector<16xf32> to vector<16xf32>
    %swap3A_86 = vector.shape_cast %broadcast_in_dim3A_82 : vector<16xf32> to vector<16xf32>
    tpu.vector_store %arg6[%swap3A_83], %swap3A_86 {strides = array<i32>} : memref<640xf32, #tpu.memory_space<vmem>>, vector<16xf32>,
    %broadcast_in_dim3A_87 = arith.constant 0.000000e+00 : f32
    %broadcast_in_dim3A_88 = vector.broadcast %broadcast_in_dim3A_87 : f32 to vector<16xf32>
    %swap3A_89 = arith.constant 96 : index
    %swap3A_90 = tpu.vector_load %arg6[%swap3A_89] {strides = array<i32>} : memref<640xf32, #tpu.memory_space<vmem>>, vector<16xf32>,
    %swap3A_91 = vector.shape_cast %swap3A_90 : vector<16xf32> to vector<16xf32>
    %swap3A_92 = vector.shape_cast %broadcast_in_dim3A_88 : vector<16xf32> to vector<16xf32>
    tpu.vector_store %arg6[%swap3A_89], %swap3A_92 {strides = array<i32>} : memref<640xf32, #tpu.memory_space<vmem>>, vector<16xf32>,
    %broadcast_in_dim3A_93 = arith.constant 0.000000e+00 : f32
    %broadcast_in_dim3A_94 = vector.broadcast %broadcast_in_dim3A_93 : f32 to vector<16xf32>
    %swap3A_95 = arith.constant 112 : index
    %swap3A_96 = tpu.vector_load %arg6[%swap3A_95] {strides = array<i32>} : memref<640xf32, #tpu.memory_space<vmem>>, vector<16xf32>,
    %swap3A_97 = vector.shape_cast %swap3A_96 : vector<16xf32> to vector<16xf32>
    %swap3A_98 = vector.shape_cast %broadcast_in_dim3A_94 : vector<16xf32> to vector<16xf32>
    tpu.vector_store %arg6[%swap3A_95], %swap3A_98 {strides = array<i32>} : memref<640xf32, #tpu.memory_space<vmem>>, vector<16xf32>,
    %broadcast_in_dim3A_99 = arith.constant 0.000000e+00 : f32
    %broadcast_in_dim3A_100 = vector.broadcast %broadcast_in_dim3A_99 : f32 to vector<16xf32>
    %swap3A_101 = arith.constant 128 : index
    %swap3A_102 = tpu.vector_load %arg6[%swap3A_101] {strides = array<i32>} : memref<640xf32, #tpu.memory_space<vmem>>, vector<16xf32>,
    %swap3A_103 = vector.shape_cast %swap3A_102 : vector<16xf32> to vector<16xf32>
    %swap3A_104 = vector.shape_cast %broadcast_in_dim3A_100 : vector<16xf32> to vector<16xf32>
    tpu.vector_store %arg6[%swap3A_101], %swap3A_104 {strides = array<i32>} : memref<640xf32, #tpu.memory_space<vmem>>, vector<16xf32>,
    %broadcast_in_dim3A_105 = arith.constant 0.000000e+00 : f32
    %broadcast_in_dim3A_106 = vector.broadcast %broadcast_in_dim3A_105 : f32 to vector<16xf32>
    %swap3A_107 = arith.constant 144 : index
    %swap3A_108 = tpu.vector_load %arg6[%swap3A_107] {strides = array<i32>} : memref<640xf32, #tpu.memory_space<vmem>>, vector<16xf32>,
    %swap3A_109 = vector.shape_cast %swap3A_108 : vector<16xf32> to vector<16xf32>
    %swap3A_110 = vector.shape_cast %broadcast_in_dim3A_106 : vector<16xf32> to vector<16xf32>
    tpu.vector_store %arg6[%swap3A_107], %swap3A_110 {strides = array<i32>} : memref<640xf32, #tpu.memory_space<vmem>>, vector<16xf32>,
    %broadcast_in_dim3A_111 = arith.constant 0.000000e+00 : f32
    %broadcast_in_dim3A_112 = vector.broadcast %broadcast_in_dim3A_111 : f32 to vector<16xf32>
    %swap3A_113 = arith.constant 160 : index
    %swap3A_114 = tpu.vector_load %arg6[%swap3A_113] {strides = array<i32>} : memref<640xf32, #tpu.memory_space<vmem>>, vector<16xf32>,
    %swap3A_115 = vector.shape_cast %swap3A_114 : vector<16xf32> to vector<16xf32>
    %swap3A_116 = vector.shape_cast %broadcast_in_dim3A_112 : vector<16xf32> to vector<16xf32>
    tpu.vector_store %arg6[%swap3A_113], %swap3A_116 {strides = array<i32>} : memref<640xf32, #tpu.memory_space<vmem>>, vector<16xf32>,
    %broadcast_in_dim3A_117 = arith.constant 0.000000e+00 : f32
    %broadcast_in_dim3A_118 = vector.broadcast %broadcast_in_dim3A_117 : f32 to vector<16xf32>
    %swap3A_119 = arith.constant 176 : index
    %swap3A_120 = tpu.vector_load %arg6[%swap3A_119] {strides = array<i32>} : memref<640xf32, #tpu.memory_space<vmem>>, vector<16xf32>,
    %swap3A_121 = vector.shape_cast %swap3A_120 : vector<16xf32> to vector<16xf32>
    %swap3A_122 = vector.shape_cast %broadcast_in_dim3A_118 : vector<16xf32> to vector<16xf32>
    tpu.vector_store %arg6[%swap3A_119], %swap3A_122 {strides = array<i32>} : memref<640xf32, #tpu.memory_space<vmem>>, vector<16xf32>,
    %broadcast_in_dim3A_123 = arith.constant 0.000000e+00 : f32
    %broadcast_in_dim3A_124 = vector.broadcast %broadcast_in_dim3A_123 : f32 to vector<16xf32>
    %swap3A_125 = arith.constant 192 : index
    %swap3A_126 = tpu.vector_load %arg6[%swap3A_125] {strides = array<i32>} : memref<640xf32, #tpu.memory_space<vmem>>, vector<16xf32>,
    %swap3A_127 = vector.shape_cast %swap3A_126 : vector<16xf32> to vector<16xf32>
    %swap3A_128 = vector.shape_cast %broadcast_in_dim3A_124 : vector<16xf32> to vector<16xf32>
    tpu.vector_store %arg6[%swap3A_125], %swap3A_128 {strides = array<i32>} : memref<640xf32, #tpu.memory_space<vmem>>, vector<16xf32>,
    %broadcast_in_dim3A_129 = arith.constant 0.000000e+00 : f32
    %broadcast_in_dim3A_130 = vector.broadcast %broadcast_in_dim3A_129 : f32 to vector<16xf32>
    %swap3A_131 = arith.constant 208 : index
    %swap3A_132 = tpu.vector_load %arg6[%swap3A_131] {strides = array<i32>} : memref<640xf32, #tpu.memory_space<vmem>>, vector<16xf32>,
    %swap3A_133 = vector.shape_cast %swap3A_132 : vector<16xf32> to vector<16xf32>
    %swap3A_134 = vector.shape_cast %broadcast_in_dim3A_130 : vector<16xf32> to vector<16xf32>
    tpu.vector_store %arg6[%swap3A_131], %swap3A_134 {strides = array<i32>} : memref<640xf32, #tpu.memory_space<vmem>>, vector<16xf32>,
    %broadcast_in_dim3A_135 = arith.constant 0.000000e+00 : f32
    %broadcast_in_dim3A_136 = vector.broadcast %broadcast_in_dim3A_135 : f32 to vector<16xf32>
    %swap3A_137 = arith.constant 224 : index
    %swap3A_138 = tpu.vector_load %arg6[%swap3A_137] {strides = array<i32>} : memref<640xf32, #tpu.memory_space<vmem>>, vector<16xf32>,
    %swap3A_139 = vector.shape_cast %swap3A_138 : vector<16xf32> to vector<16xf32>
    %swap3A_140 = vector.shape_cast %broadcast_in_dim3A_136 : vector<16xf32> to vector<16xf32>
    tpu.vector_store %arg6[%swap3A_137], %swap3A_140 {strides = array<i32>} : memref<640xf32, #tpu.memory_space<vmem>>, vector<16xf32>,
    %broadcast_in_dim3A_141 = arith.constant 0.000000e+00 : f32
    %broadcast_in_dim3A_142 = vector.broadcast %broadcast_in_dim3A_141 : f32 to vector<16xf32>
    %swap3A_143 = arith.constant 240 : index
    %swap3A_144 = tpu.vector_load %arg6[%swap3A_143] {strides = array<i32>} : memref<640xf32, #tpu.memory_space<vmem>>, vector<16xf32>,
    %swap3A_145 = vector.shape_cast %swap3A_144 : vector<16xf32> to vector<16xf32>
    %swap3A_146 = vector.shape_cast %broadcast_in_dim3A_142 : vector<16xf32> to vector<16xf32>
    tpu.vector_store %arg6[%swap3A_143], %swap3A_146 {strides = array<i32>} : memref<640xf32, #tpu.memory_space<vmem>>, vector<16xf32>,
    %broadcast_in_dim3A_147 = arith.constant 0.000000e+00 : f32
    %broadcast_in_dim3A_148 = vector.broadcast %broadcast_in_dim3A_147 : f32 to vector<16xf32>
    %swap3A_149 = arith.constant 256 : index
    %swap3A_150 = tpu.vector_load %arg6[%swap3A_149] {strides = array<i32>} : memref<640xf32, #tpu.memory_space<vmem>>, vector<16xf32>,
    %swap3A_151 = vector.shape_cast %swap3A_150 : vector<16xf32> to vector<16xf32>
    %swap3A_152 = vector.shape_cast %broadcast_in_dim3A_148 : vector<16xf32> to vector<16xf32>
    tpu.vector_store %arg6[%swap3A_149], %swap3A_152 {strides = array<i32>} : memref<640xf32, #tpu.memory_space<vmem>>, vector<16xf32>,
    %broadcast_in_dim3A_153 = arith.constant 0.000000e+00 : f32
    %broadcast_in_dim3A_154 = vector.broadcast %broadcast_in_dim3A_153 : f32 to vector<16xf32>
    %swap3A_155 = arith.constant 272 : index
    %swap3A_156 = tpu.vector_load %arg6[%swap3A_155] {strides = array<i32>} : memref<640xf32, #tpu.memory_space<vmem>>, vector<16xf32>,
    %swap3A_157 = vector.shape_cast %swap3A_156 : vector<16xf32> to vector<16xf32>
    %swap3A_158 = vector.shape_cast %broadcast_in_dim3A_154 : vector<16xf32> to vector<16xf32>
    tpu.vector_store %arg6[%swap3A_155], %swap3A_158 {strides = array<i32>} : memref<640xf32, #tpu.memory_space<vmem>>, vector<16xf32>,
    %broadcast_in_dim3A_159 = arith.constant 0.000000e+00 : f32
    %broadcast_in_dim3A_160 = vector.broadcast %broadcast_in_dim3A_159 : f32 to vector<16xf32>
    %swap3A_161 = arith.constant 288 : index
    %swap3A_162 = tpu.vector_load %arg6[%swap3A_161] {strides = array<i32>} : memref<640xf32, #tpu.memory_space<vmem>>, vector<16xf32>,
    %swap3A_163 = vector.shape_cast %swap3A_162 : vector<16xf32> to vector<16xf32>
    %swap3A_164 = vector.shape_cast %broadcast_in_dim3A_160 : vector<16xf32> to vector<16xf32>
    tpu.vector_store %arg6[%swap3A_161], %swap3A_164 {strides = array<i32>} : memref<640xf32, #tpu.memory_space<vmem>>, vector<16xf32>,
    %broadcast_in_dim3A_165 = arith.constant 0.000000e+00 : f32
    %broadcast_in_dim3A_166 = vector.broadcast %broadcast_in_dim3A_165 : f32 to vector<16xf32>
    %swap3A_167 = arith.constant 304 : index
    %swap3A_168 = tpu.vector_load %arg6[%swap3A_167] {strides = array<i32>} : memref<640xf32, #tpu.memory_space<vmem>>, vector<16xf32>,
    %swap3A_169 = vector.shape_cast %swap3A_168 : vector<16xf32> to vector<16xf32>
    %swap3A_170 = vector.shape_cast %broadcast_in_dim3A_166 : vector<16xf32> to vector<16xf32>
    tpu.vector_store %arg6[%swap3A_167], %swap3A_170 {strides = array<i32>} : memref<640xf32, #tpu.memory_space<vmem>>, vector<16xf32>,
    %broadcast_in_dim3A_171 = arith.constant 0.000000e+00 : f32
    %broadcast_in_dim3A_172 = vector.broadcast %broadcast_in_dim3A_171 : f32 to vector<16xf32>
    %swap3A_173 = arith.constant 320 : index
    %swap3A_174 = tpu.vector_load %arg6[%swap3A_173] {strides = array<i32>} : memref<640xf32, #tpu.memory_space<vmem>>, vector<16xf32>,
    %swap3A_175 = vector.shape_cast %swap3A_174 : vector<16xf32> to vector<16xf32>
    %swap3A_176 = vector.shape_cast %broadcast_in_dim3A_172 : vector<16xf32> to vector<16xf32>
    tpu.vector_store %arg6[%swap3A_173], %swap3A_176 {strides = array<i32>} : memref<640xf32, #tpu.memory_space<vmem>>, vector<16xf32>,
    %broadcast_in_dim3A_177 = arith.constant 0.000000e+00 : f32
    %broadcast_in_dim3A_178 = vector.broadcast %broadcast_in_dim3A_177 : f32 to vector<16xf32>
    %swap3A_179 = arith.constant 336 : index
    %swap3A_180 = tpu.vector_load %arg6[%swap3A_179] {strides = array<i32>} : memref<640xf32, #tpu.memory_space<vmem>>, vector<16xf32>,
    %swap3A_181 = vector.shape_cast %swap3A_180 : vector<16xf32> to vector<16xf32>
    %swap3A_182 = vector.shape_cast %broadcast_in_dim3A_178 : vector<16xf32> to vector<16xf32>
    tpu.vector_store %arg6[%swap3A_179], %swap3A_182 {strides = array<i32>} : memref<640xf32, #tpu.memory_space<vmem>>, vector<16xf32>,
    %broadcast_in_dim3A_183 = arith.constant 0.000000e+00 : f32
    %broadcast_in_dim3A_184 = vector.broadcast %broadcast_in_dim3A_183 : f32 to vector<16xf32>
    %swap3A_185 = arith.constant 352 : index
    %swap3A_186 = tpu.vector_load %arg6[%swap3A_185] {strides = array<i32>} : memref<640xf32, #tpu.memory_space<vmem>>, vector<16xf32>,
    %swap3A_187 = vector.shape_cast %swap3A_186 : vector<16xf32> to vector<16xf32>
    %swap3A_188 = vector.shape_cast %broadcast_in_dim3A_184 : vector<16xf32> to vector<16xf32>
    tpu.vector_store %arg6[%swap3A_185], %swap3A_188 {strides = array<i32>} : memref<640xf32, #tpu.memory_space<vmem>>, vector<16xf32>,
    %broadcast_in_dim3A_189 = arith.constant 0.000000e+00 : f32
    %broadcast_in_dim3A_190 = vector.broadcast %broadcast_in_dim3A_189 : f32 to vector<16xf32>
    %swap3A_191 = arith.constant 368 : index
    %swap3A_192 = tpu.vector_load %arg6[%swap3A_191] {strides = array<i32>} : memref<640xf32, #tpu.memory_space<vmem>>, vector<16xf32>,
    %swap3A_193 = vector.shape_cast %swap3A_192 : vector<16xf32> to vector<16xf32>
    %swap3A_194 = vector.shape_cast %broadcast_in_dim3A_190 : vector<16xf32> to vector<16xf32>
    tpu.vector_store %arg6[%swap3A_191], %swap3A_194 {strides = array<i32>} : memref<640xf32, #tpu.memory_space<vmem>>, vector<16xf32>,
    %broadcast_in_dim3A_195 = arith.constant 0.000000e+00 : f32
    %broadcast_in_dim3A_196 = vector.broadcast %broadcast_in_dim3A_195 : f32 to vector<16xf32>
    %swap3A_197 = arith.constant 384 : index
    %swap3A_198 = tpu.vector_load %arg6[%swap3A_197] {strides = array<i32>} : memref<640xf32, #tpu.memory_space<vmem>>, vector<16xf32>,
    %swap3A_199 = vector.shape_cast %swap3A_198 : vector<16xf32> to vector<16xf32>
    %swap3A_200 = vector.shape_cast %broadcast_in_dim3A_196 : vector<16xf32> to vector<16xf32>
    tpu.vector_store %arg6[%swap3A_197], %swap3A_200 {strides = array<i32>} : memref<640xf32, #tpu.memory_space<vmem>>, vector<16xf32>,
    %broadcast_in_dim3A_201 = arith.constant 0.000000e+00 : f32
    %broadcast_in_dim3A_202 = vector.broadcast %broadcast_in_dim3A_201 : f32 to vector<16xf32>
    %swap3A_203 = arith.constant 400 : index
    %swap3A_204 = tpu.vector_load %arg6[%swap3A_203] {strides = array<i32>} : memref<640xf32, #tpu.memory_space<vmem>>, vector<16xf32>,
    %swap3A_205 = vector.shape_cast %swap3A_204 : vector<16xf32> to vector<16xf32>
    %swap3A_206 = vector.shape_cast %broadcast_in_dim3A_202 : vector<16xf32> to vector<16xf32>
    tpu.vector_store %arg6[%swap3A_203], %swap3A_206 {strides = array<i32>} : memref<640xf32, #tpu.memory_space<vmem>>, vector<16xf32>,
    %broadcast_in_dim3A_207 = arith.constant 0.000000e+00 : f32
    %broadcast_in_dim3A_208 = vector.broadcast %broadcast_in_dim3A_207 : f32 to vector<16xf32>
    %swap3A_209 = arith.constant 416 : index
    %swap3A_210 = tpu.vector_load %arg6[%swap3A_209] {strides = array<i32>} : memref<640xf32, #tpu.memory_space<vmem>>, vector<16xf32>,
    %swap3A_211 = vector.shape_cast %swap3A_210 : vector<16xf32> to vector<16xf32>
    %swap3A_212 = vector.shape_cast %broadcast_in_dim3A_208 : vector<16xf32> to vector<16xf32>
    tpu.vector_store %arg6[%swap3A_209], %swap3A_212 {strides = array<i32>} : memref<640xf32, #tpu.memory_space<vmem>>, vector<16xf32>,
    %broadcast_in_dim3A_213 = arith.constant 0.000000e+00 : f32
    %broadcast_in_dim3A_214 = vector.broadcast %broadcast_in_dim3A_213 : f32 to vector<16xf32>
    %swap3A_215 = arith.constant 432 : index
    %swap3A_216 = tpu.vector_load %arg6[%swap3A_215] {strides = array<i32>} : memref<640xf32, #tpu.memory_space<vmem>>, vector<16xf32>,
    %swap3A_217 = vector.shape_cast %swap3A_216 : vector<16xf32> to vector<16xf32>
    %swap3A_218 = vector.shape_cast %broadcast_in_dim3A_214 : vector<16xf32> to vector<16xf32>
    tpu.vector_store %arg6[%swap3A_215], %swap3A_218 {strides = array<i32>} : memref<640xf32, #tpu.memory_space<vmem>>, vector<16xf32>,
    %broadcast_in_dim3A_219 = arith.constant 0.000000e+00 : f32
    %broadcast_in_dim3A_220 = vector.broadcast %broadcast_in_dim3A_219 : f32 to vector<16xf32>
    %swap3A_221 = arith.constant 448 : index
    %swap3A_222 = tpu.vector_load %arg6[%swap3A_221] {strides = array<i32>} : memref<640xf32, #tpu.memory_space<vmem>>, vector<16xf32>,
    %swap3A_223 = vector.shape_cast %swap3A_222 : vector<16xf32> to vector<16xf32>
    %swap3A_224 = vector.shape_cast %broadcast_in_dim3A_220 : vector<16xf32> to vector<16xf32>
    tpu.vector_store %arg6[%swap3A_221], %swap3A_224 {strides = array<i32>} : memref<640xf32, #tpu.memory_space<vmem>>, vector<16xf32>,
    %broadcast_in_dim3A_225 = arith.constant 0.000000e+00 : f32
    %broadcast_in_dim3A_226 = vector.broadcast %broadcast_in_dim3A_225 : f32 to vector<16xf32>
    %swap3A_227 = arith.constant 464 : index
    %swap3A_228 = tpu.vector_load %arg6[%swap3A_227] {strides = array<i32>} : memref<640xf32, #tpu.memory_space<vmem>>, vector<16xf32>,
    %swap3A_229 = vector.shape_cast %swap3A_228 : vector<16xf32> to vector<16xf32>
    %swap3A_230 = vector.shape_cast %broadcast_in_dim3A_226 : vector<16xf32> to vector<16xf32>
    tpu.vector_store %arg6[%swap3A_227], %swap3A_230 {strides = array<i32>} : memref<640xf32, #tpu.memory_space<vmem>>, vector<16xf32>,
    %broadcast_in_dim3A_231 = arith.constant 0.000000e+00 : f32
    %broadcast_in_dim3A_232 = vector.broadcast %broadcast_in_dim3A_231 : f32 to vector<16xf32>
    %swap3A_233 = arith.constant 480 : index
    %swap3A_234 = tpu.vector_load %arg6[%swap3A_233] {strides = array<i32>} : memref<640xf32, #tpu.memory_space<vmem>>, vector<16xf32>,
    %swap3A_235 = vector.shape_cast %swap3A_234 : vector<16xf32> to vector<16xf32>
    %swap3A_236 = vector.shape_cast %broadcast_in_dim3A_232 : vector<16xf32> to vector<16xf32>
    tpu.vector_store %arg6[%swap3A_233], %swap3A_236 {strides = array<i32>} : memref<640xf32, #tpu.memory_space<vmem>>, vector<16xf32>,
    %broadcast_in_dim3A_237 = arith.constant 0.000000e+00 : f32
    %broadcast_in_dim3A_238 = vector.broadcast %broadcast_in_dim3A_237 : f32 to vector<16xf32>
    %swap3A_239 = arith.constant 496 : index
    %swap3A_240 = tpu.vector_load %arg6[%swap3A_239] {strides = array<i32>} : memref<640xf32, #tpu.memory_space<vmem>>, vector<16xf32>,
    %swap3A_241 = vector.shape_cast %swap3A_240 : vector<16xf32> to vector<16xf32>
    %swap3A_242 = vector.shape_cast %broadcast_in_dim3A_238 : vector<16xf32> to vector<16xf32>
    tpu.vector_store %arg6[%swap3A_239], %swap3A_242 {strides = array<i32>} : memref<640xf32, #tpu.memory_space<vmem>>, vector<16xf32>,
    %broadcast_in_dim3A_243 = arith.constant 0.000000e+00 : f32
    %broadcast_in_dim3A_244 = vector.broadcast %broadcast_in_dim3A_243 : f32 to vector<16xf32>
    %swap3A_245 = arith.constant 512 : index
    %swap3A_246 = tpu.vector_load %arg6[%swap3A_245] {strides = array<i32>} : memref<640xf32, #tpu.memory_space<vmem>>, vector<16xf32>,
    %swap3A_247 = vector.shape_cast %swap3A_246 : vector<16xf32> to vector<16xf32>
    %swap3A_248 = vector.shape_cast %broadcast_in_dim3A_244 : vector<16xf32> to vector<16xf32>
    tpu.vector_store %arg6[%swap3A_245], %swap3A_248 {strides = array<i32>} : memref<640xf32, #tpu.memory_space<vmem>>, vector<16xf32>,
    %broadcast_in_dim3A_249 = arith.constant 0.000000e+00 : f32
    %broadcast_in_dim3A_250 = vector.broadcast %broadcast_in_dim3A_249 : f32 to vector<16xf32>
    %swap3A_251 = arith.constant 528 : index
    %swap3A_252 = tpu.vector_load %arg6[%swap3A_251] {strides = array<i32>} : memref<640xf32, #tpu.memory_space<vmem>>, vector<16xf32>,
    %swap3A_253 = vector.shape_cast %swap3A_252 : vector<16xf32> to vector<16xf32>
    %swap3A_254 = vector.shape_cast %broadcast_in_dim3A_250 : vector<16xf32> to vector<16xf32>
    tpu.vector_store %arg6[%swap3A_251], %swap3A_254 {strides = array<i32>} : memref<640xf32, #tpu.memory_space<vmem>>, vector<16xf32>,
    %broadcast_in_dim3A_255 = arith.constant 0.000000e+00 : f32
    %broadcast_in_dim3A_256 = vector.broadcast %broadcast_in_dim3A_255 : f32 to vector<16xf32>
    %swap3A_257 = arith.constant 544 : index
    %swap3A_258 = tpu.vector_load %arg6[%swap3A_257] {strides = array<i32>} : memref<640xf32, #tpu.memory_space<vmem>>, vector<16xf32>,
    %swap3A_259 = vector.shape_cast %swap3A_258 : vector<16xf32> to vector<16xf32>
    %swap3A_260 = vector.shape_cast %broadcast_in_dim3A_256 : vector<16xf32> to vector<16xf32>
    tpu.vector_store %arg6[%swap3A_257], %swap3A_260 {strides = array<i32>} : memref<640xf32, #tpu.memory_space<vmem>>, vector<16xf32>,
    %broadcast_in_dim3A_261 = arith.constant 0.000000e+00 : f32
    %broadcast_in_dim3A_262 = vector.broadcast %broadcast_in_dim3A_261 : f32 to vector<16xf32>
    %swap3A_263 = arith.constant 560 : index
    %swap3A_264 = tpu.vector_load %arg6[%swap3A_263] {strides = array<i32>} : memref<640xf32, #tpu.memory_space<vmem>>, vector<16xf32>,
    %swap3A_265 = vector.shape_cast %swap3A_264 : vector<16xf32> to vector<16xf32>
    %swap3A_266 = vector.shape_cast %broadcast_in_dim3A_262 : vector<16xf32> to vector<16xf32>
    tpu.vector_store %arg6[%swap3A_263], %swap3A_266 {strides = array<i32>} : memref<640xf32, #tpu.memory_space<vmem>>, vector<16xf32>,
    %broadcast_in_dim3A_267 = arith.constant 0.000000e+00 : f32
    %broadcast_in_dim3A_268 = vector.broadcast %broadcast_in_dim3A_267 : f32 to vector<16xf32>
    %swap3A_269 = arith.constant 576 : index
    %swap3A_270 = tpu.vector_load %arg6[%swap3A_269] {strides = array<i32>} : memref<640xf32, #tpu.memory_space<vmem>>, vector<16xf32>,
    %swap3A_271 = vector.shape_cast %swap3A_270 : vector<16xf32> to vector<16xf32>
    %swap3A_272 = vector.shape_cast %broadcast_in_dim3A_268 : vector<16xf32> to vector<16xf32>
    tpu.vector_store %arg6[%swap3A_269], %swap3A_272 {strides = array<i32>} : memref<640xf32, #tpu.memory_space<vmem>>, vector<16xf32>,
    %broadcast_in_dim3A_273 = arith.constant 0.000000e+00 : f32
    %broadcast_in_dim3A_274 = vector.broadcast %broadcast_in_dim3A_273 : f32 to vector<16xf32>
    %swap3A_275 = arith.constant 592 : index
    %swap3A_276 = tpu.vector_load %arg6[%swap3A_275] {strides = array<i32>} : memref<640xf32, #tpu.memory_space<vmem>>, vector<16xf32>,
    %swap3A_277 = vector.shape_cast %swap3A_276 : vector<16xf32> to vector<16xf32>
    %swap3A_278 = vector.shape_cast %broadcast_in_dim3A_274 : vector<16xf32> to vector<16xf32>
    tpu.vector_store %arg6[%swap3A_275], %swap3A_278 {strides = array<i32>} : memref<640xf32, #tpu.memory_space<vmem>>, vector<16xf32>,
    %broadcast_in_dim3A_279 = arith.constant 0.000000e+00 : f32
    %broadcast_in_dim3A_280 = vector.broadcast %broadcast_in_dim3A_279 : f32 to vector<16xf32>
    %swap3A_281 = arith.constant 608 : index
    %swap3A_282 = tpu.vector_load %arg6[%swap3A_281] {strides = array<i32>} : memref<640xf32, #tpu.memory_space<vmem>>, vector<16xf32>,
    %swap3A_283 = vector.shape_cast %swap3A_282 : vector<16xf32> to vector<16xf32>
    %swap3A_284 = vector.shape_cast %broadcast_in_dim3A_280 : vector<16xf32> to vector<16xf32>
    tpu.vector_store %arg6[%swap3A_281], %swap3A_284 {strides = array<i32>} : memref<640xf32, #tpu.memory_space<vmem>>, vector<16xf32>,
    %broadcast_in_dim3A_285 = arith.constant 0.000000e+00 : f32
    %broadcast_in_dim3A_286 = vector.broadcast %broadcast_in_dim3A_285 : f32 to vector<16xf32>
    %swap3A_287 = arith.constant 624 : index
    %swap3A_288 = tpu.vector_load %arg6[%swap3A_287] {strides = array<i32>} : memref<640xf32, #tpu.memory_space<vmem>>, vector<16xf32>,
    %swap3A_289 = vector.shape_cast %swap3A_288 : vector<16xf32> to vector<16xf32>
    %swap3A_290 = vector.shape_cast %broadcast_in_dim3A_286 : vector<16xf32> to vector<16xf32>
    tpu.vector_store %arg6[%swap3A_287], %swap3A_290 {strides = array<i32>} : memref<640xf32, #tpu.memory_space<vmem>>, vector<16xf32>,
    %mul3A_291 = arith.constant 640 : i32
    %mul3A_292 = arith.muli %arg1, %mul3A_291 : i32
    "tpu.region"() ({
      %run_scoped3A_468 = tpu.sem_alloc : memref<!tpu.dma_semaphore, #tpu.memory_space<semaphore_mem>>
      %dma_start3A_469 = tpu.memref_slice %arg7[%mul3A_292] : memref<10240xf32, #tpu.memory_space<vmem_shared>> -> memref<640xf32, #tpu.memory_space<vmem_shared>>
      %dma_start3A_470 = tpu.memref_slice %arg7[%mul3A_292] : memref<10240xf32, #tpu.memory_space<vmem_shared>> -> memref<640xf32, #tpu.memory_space<vmem_shared>>
      tpu.enqueue_dma source(%arg6 : memref<640xf32, #tpu.memory_space<vmem>>) target(%dma_start3A_470 : memref<640xf32, #tpu.memory_space<vmem_shared>>) target_semaphore(%run_scoped3A_468 : memref<!tpu.dma_semaphore, #tpu.memory_space<semaphore_mem>>)
      %dma_wait3A_471 = tpu.memref_slice %arg7[%mul3A_292] : memref<10240xf32, #tpu.memory_space<vmem_shared>> -> memref<640xf32, #tpu.memory_space<vmem_shared>>
      %dma_wait3A_472 = tpu.memref_slice %arg7[%mul3A_292] : memref<10240xf32, #tpu.memory_space<vmem_shared>> -> memref<640xf32, #tpu.memory_space<vmem_shared>>
      tpu.wait_dma2 semaphore(%run_scoped3A_468 : memref<!tpu.dma_semaphore, #tpu.memory_space<semaphore_mem>>) src(%arg6 : memref<640xf32, #tpu.memory_space<vmem>>) dst(%dma_wait3A_472 : memref<640xf32, #tpu.memory_space<vmem_shared>>)
      tpu.yield
    }) : () -> ()
    %mul3A_293 = arith.constant 78 : i32
    %mul3A_294 = arith.muli %add3A, %mul3A_293 : i32
    %run_scoped3A = arith.constant 1 : i32
    "tpu.region"() ({
      %run_scoped3A_468 = tpu.sem_alloc : memref<!tpu.dma_semaphore, #tpu.memory_space<semaphore_mem>>
      %dma_start3A_469 = arith.constant 0 : i32
      %dma_start3A_470 = arith.constant 0 : i32
      %dma_start3A_471 = tpu.memref_slice %arg4[%dma_start3A_469, %dma_start3A_470] : memref<79x128xi32, #tpu.memory_space<vmem>> -> memref<78x128xi32, #tpu.memory_space<vmem>>
      %dma_start3A_472 = arith.constant 0 : i32
      %dma_start3A_473 = tpu.memref_slice %arg2[%mul3A_294, %run_scoped3A, %dma_start3A_472] : memref<2500x2x128xi32, #tpu.memory_space<hbm>> -> memref<78x1x128xi32, #tpu.memory_space<hbm>>
      %dma_start3A_474 = tpu.memref_squeeze %dma_start3A_473 : memref<78x1x128xi32, #tpu.memory_space<hbm>> -> memref<78x128xi32, #tpu.memory_space<hbm>>
      %dma_start3A_475 = arith.constant 0 : i32
      %dma_start3A_476 = arith.constant 0 : i32
      %dma_start3A_477 = tpu.memref_slice %arg4[%dma_start3A_475, %dma_start3A_476] : memref<79x128xi32, #tpu.memory_space<vmem>> -> memref<78x128xi32, #tpu.memory_space<vmem>>
      %dma_start3A_478 = arith.constant 0 : i32
      %dma_start3A_479 = tpu.memref_slice %arg2[%mul3A_294, %run_scoped3A, %dma_start3A_478] : memref<2500x2x128xi32, #tpu.memory_space<hbm>> -> memref<78x1x128xi32, #tpu.memory_space<hbm>>
      %dma_start3A_480 = tpu.memref_squeeze %dma_start3A_479 : memref<78x1x128xi32, #tpu.memory_space<hbm>> -> memref<78x128xi32, #tpu.memory_space<hbm>>
      tpu.enqueue_dma source(%dma_start3A_480 : memref<78x128xi32, #tpu.memory_space<hbm>>) target(%dma_start3A_477 : memref<78x128xi32, #tpu.memory_space<vmem>>) target_semaphore(%run_scoped3A_468 : memref<!tpu.dma_semaphore, #tpu.memory_space<semaphore_mem>>)
      %dma_wait3A_481 = arith.constant 0 : i32
      %dma_wait3A_482 = arith.constant 0 : i32
      %dma_wait3A_483 = tpu.memref_slice %arg4[%dma_wait3A_481, %dma_wait3A_482] : memref<79x128xi32, #tpu.memory_space<vmem>> -> memref<78x128xi32, #tpu.memory_space<vmem>>
      %dma_wait3A_484 = arith.constant 0 : i32
      %dma_wait3A_485 = tpu.memref_slice %arg2[%mul3A_294, %run_scoped3A, %dma_wait3A_484] : memref<2500x2x128xi32, #tpu.memory_space<hbm>> -> memref<78x1x128xi32, #tpu.memory_space<hbm>>
      %dma_wait3A_486 = tpu.memref_squeeze %dma_wait3A_485 : memref<78x1x128xi32, #tpu.memory_space<hbm>> -> memref<78x128xi32, #tpu.memory_space<hbm>>
      %dma_wait3A_487 = arith.constant 0 : i32
      %dma_wait3A_488 = arith.constant 0 : i32
      %dma_wait3A_489 = tpu.memref_slice %arg4[%dma_wait3A_487, %dma_wait3A_488] : memref<79x128xi32, #tpu.memory_space<vmem>> -> memref<78x128xi32, #tpu.memory_space<vmem>>
      %dma_wait3A_490 = arith.constant 0 : i32
      %dma_wait3A_491 = tpu.memref_slice %arg2[%mul3A_294, %run_scoped3A, %dma_wait3A_490] : memref<2500x2x128xi32, #tpu.memory_space<hbm>> -> memref<78x1x128xi32, #tpu.memory_space<hbm>>
      %dma_wait3A_492 = tpu.memref_squeeze %dma_wait3A_491 : memref<78x1x128xi32, #tpu.memory_space<hbm>> -> memref<78x128xi32, #tpu.memory_space<hbm>>
      tpu.wait_dma2 semaphore(%run_scoped3A_468 : memref<!tpu.dma_semaphore, #tpu.memory_space<semaphore_mem>>) src(%dma_wait3A_492 : memref<78x128xi32, #tpu.memory_space<hbm>>) dst(%dma_wait3A_489 : memref<78x128xi32, #tpu.memory_space<vmem>>)
      tpu.yield
    }) : () -> ()
    %lt3A_295 = arith.constant 4 : i32
    %lt3A_296 = arith.cmpi slt, %add3A, %lt3A_295 : i32
    %convert_element_type3A = arith.extui %lt3A_296 : i1 to i32
    %cond3A = arith.constant 0 : i32
    %cond3A_297 = arith.cmpi ne, %convert_element_type3A, %cond3A : i32
    scf.if %cond3A_297 {
      %add3A_468 = arith.constant 2496 : i32
      %add3A_469 = arith.addi %add3A_468, %add3A : i32
      %run_scoped3A_470 = arith.constant 1 : i32
      %run_scoped3A_471 = arith.constant 78 : i32
      "tpu.region"() ({
        %run_scoped3A_472 = tpu.sem_alloc : memref<!tpu.dma_semaphore, #tpu.memory_space<semaphore_mem>>
        %dma_start3A_473 = arith.constant 0 : i32
        %dma_start3A_474 = tpu.memref_slice %arg4[%run_scoped3A_471, %dma_start3A_473] : memref<79x128xi32, #tpu.memory_space<vmem>> -> memref<1x128xi32, #tpu.memory_space<vmem>>
        %dma_start3A_475 = tpu.memref_squeeze %dma_start3A_474 : memref<1x128xi32, #tpu.memory_space<vmem>> -> memref<128xi32, #tpu.memory_space<vmem>>
        %dma_start3A_476 = arith.constant 0 : i32
        %dma_start3A_477 = tpu.memref_slice %arg2[%add3A_469, %run_scoped3A_470, %dma_start3A_476] : memref<2500x2x128xi32, #tpu.memory_space<hbm>> -> memref<1x1x128xi32, #tpu.memory_space<hbm>>
        %dma_start3A_478 = tpu.memref_squeeze %dma_start3A_477 : memref<1x1x128xi32, #tpu.memory_space<hbm>> -> memref<128xi32, #tpu.memory_space<hbm>>
        %dma_start3A_479 = arith.constant 0 : i32
        %dma_start3A_480 = tpu.memref_slice %arg4[%run_scoped3A_471, %dma_start3A_479] : memref<79x128xi32, #tpu.memory_space<vmem>> -> memref<1x128xi32, #tpu.memory_space<vmem>>
        %dma_start3A_481 = tpu.memref_squeeze %dma_start3A_480 : memref<1x128xi32, #tpu.memory_space<vmem>> -> memref<128xi32, #tpu.memory_space<vmem>>
        %dma_start3A_482 = arith.constant 0 : i32
        %dma_start3A_483 = tpu.memref_slice %arg2[%add3A_469, %run_scoped3A_470, %dma_start3A_482] : memref<2500x2x128xi32, #tpu.memory_space<hbm>> -> memref<1x1x128xi32, #tpu.memory_space<hbm>>
        %dma_start3A_484 = tpu.memref_squeeze %dma_start3A_483 : memref<1x1x128xi32, #tpu.memory_space<hbm>> -> memref<128xi32, #tpu.memory_space<hbm>>
        tpu.enqueue_dma source(%dma_start3A_484 : memref<128xi32, #tpu.memory_space<hbm>>) target(%dma_start3A_481 : memref<128xi32, #tpu.memory_space<vmem>>) target_semaphore(%run_scoped3A_472 : memref<!tpu.dma_semaphore, #tpu.memory_space<semaphore_mem>>)
        %dma_wait3A_485 = arith.constant 0 : i32
        %dma_wait3A_486 = tpu.memref_slice %arg4[%run_scoped3A_471, %dma_wait3A_485] : memref<79x128xi32, #tpu.memory_space<vmem>> -> memref<1x128xi32, #tpu.memory_space<vmem>>
        %dma_wait3A_487 = tpu.memref_squeeze %dma_wait3A_486 : memref<1x128xi32, #tpu.memory_space<vmem>> -> memref<128xi32, #tpu.memory_space<vmem>>
        %dma_wait3A_488 = arith.constant 0 : i32
        %dma_wait3A_489 = tpu.memref_slice %arg2[%add3A_469, %run_scoped3A_470, %dma_wait3A_488] : memref<2500x2x128xi32, #tpu.memory_space<hbm>> -> memref<1x1x128xi32, #tpu.memory_space<hbm>>
        %dma_wait3A_490 = tpu.memref_squeeze %dma_wait3A_489 : memref<1x1x128xi32, #tpu.memory_space<hbm>> -> memref<128xi32, #tpu.memory_space<hbm>>
        %dma_wait3A_491 = arith.constant 0 : i32
        %dma_wait3A_492 = tpu.memref_slice %arg4[%run_scoped3A_471, %dma_wait3A_491] : memref<79x128xi32, #tpu.memory_space<vmem>> -> memref<1x128xi32, #tpu.memory_space<vmem>>
        %dma_wait3A_493 = tpu.memref_squeeze %dma_wait3A_492 : memref<1x128xi32, #tpu.memory_space<vmem>> -> memref<128xi32, #tpu.memory_space<vmem>>
        %dma_wait3A_494 = arith.constant 0 : i32
        %dma_wait3A_495 = tpu.memref_slice %arg2[%add3A_469, %run_scoped3A_470, %dma_wait3A_494] : memref<2500x2x128xi32, #tpu.memory_space<hbm>> -> memref<1x1x128xi32, #tpu.memory_space<hbm>>
        %dma_wait3A_496 = tpu.memref_squeeze %dma_wait3A_495 : memref<1x1x128xi32, #tpu.memory_space<hbm>> -> memref<128xi32, #tpu.memory_space<hbm>>
        tpu.wait_dma2 semaphore(%run_scoped3A_472 : memref<!tpu.dma_semaphore, #tpu.memory_space<semaphore_mem>>) src(%dma_wait3A_496 : memref<128xi32, #tpu.memory_space<hbm>>) dst(%dma_wait3A_493 : memref<128xi32, #tpu.memory_space<vmem>>)
        tpu.yield
      }) : () -> ()
    } else {
    }
    %barrier3A = arith.constant 0 : index
    tpu.barrier barrier_id(%barrier3A)
    %dma_start3A = arith.constant 0 : i32
    %dma_start3A_298 = arith.constant 0 : i32
    %dma_start3A_299 = tpu.memref_slice %arg4[%dma_start3A, %dma_start3A_298] : memref<79x128xi32, #tpu.memory_space<vmem>> -> memref<1x128xi32, #tpu.memory_space<vmem>>
    %dma_start3A_300 = tpu.memref_squeeze %dma_start3A_299 : memref<1x128xi32, #tpu.memory_space<vmem>> -> memref<128xi32, #tpu.memory_space<vmem>>
    %dma_start3A_301 = arith.constant 0 : i32
    %dma_start3A_302 = tpu.memref_slice %arg7[%dma_start3A_301] : memref<10240xf32, #tpu.memory_space<vmem_shared>> -> memref<10240xf32, #tpu.memory_space<vmem_shared>>
    tpu.enqueue_indirect_dma source(%arg5 : memref<128xf32, #tpu.memory_space<vmem>>) target(%dma_start3A_302 : memref<10240xf32, #tpu.memory_space<vmem_shared>>) offsets(%dma_start3A_300 : memref<128xi32, #tpu.memory_space<vmem>>) semaphore(%arg8 : memref<!tpu.dma_semaphore, #tpu.memory_space<semaphore_mem>>) {add = true}
    %dma_start3A_303 = arith.constant 1 : i32
    %dma_start3A_304 = arith.constant 0 : i32
    %dma_start3A_305 = tpu.memref_slice %arg4[%dma_start3A_303, %dma_start3A_304] : memref<79x128xi32, #tpu.memory_space<vmem>> -> memref<1x128xi32, #tpu.memory_space<vmem>>
    %dma_start3A_306 = tpu.memref_squeeze %dma_start3A_305 : memref<1x128xi32, #tpu.memory_space<vmem>> -> memref<128xi32, #tpu.memory_space<vmem>>
    %dma_start3A_307 = arith.constant 0 : i32
    %dma_start3A_308 = tpu.memref_slice %arg7[%dma_start3A_307] : memref<10240xf32, #tpu.memory_space<vmem_shared>> -> memref<10240xf32, #tpu.memory_space<vmem_shared>>
    tpu.enqueue_indirect_dma source(%arg5 : memref<128xf32, #tpu.memory_space<vmem>>) target(%dma_start3A_308 : memref<10240xf32, #tpu.memory_space<vmem_shared>>) offsets(%dma_start3A_306 : memref<128xi32, #tpu.memory_space<vmem>>) semaphore(%arg8 : memref<!tpu.dma_semaphore, #tpu.memory_space<semaphore_mem>>) {add = true}
    %dma_start3A_309 = arith.constant 2 : i32
    %dma_start3A_310 = arith.constant 0 : i32
    %dma_start3A_311 = tpu.memref_slice %arg4[%dma_start3A_309, %dma_start3A_310] : memref<79x128xi32, #tpu.memory_space<vmem>> -> memref<1x128xi32, #tpu.memory_space<vmem>>
    %dma_start3A_312 = tpu.memref_squeeze %dma_start3A_311 : memref<1x128xi32, #tpu.memory_space<vmem>> -> memref<128xi32, #tpu.memory_space<vmem>>
    %dma_start3A_313 = arith.constant 0 : i32
    %dma_start3A_314 = tpu.memref_slice %arg7[%dma_start3A_313] : memref<10240xf32, #tpu.memory_space<vmem_shared>> -> memref<10240xf32, #tpu.memory_space<vmem_shared>>
    tpu.enqueue_indirect_dma source(%arg5 : memref<128xf32, #tpu.memory_space<vmem>>) target(%dma_start3A_314 : memref<10240xf32, #tpu.memory_space<vmem_shared>>) offsets(%dma_start3A_312 : memref<128xi32, #tpu.memory_space<vmem>>) semaphore(%arg8 : memref<!tpu.dma_semaphore, #tpu.memory_space<semaphore_mem>>) {add = true}
    %dma_start3A_315 = arith.constant 3 : i32
    %dma_start3A_316 = arith.constant 0 : i32
    %dma_start3A_317 = tpu.memref_slice %arg4[%dma_start3A_315, %dma_start3A_316] : memref<79x128xi32, #tpu.memory_space<vmem>> -> memref<1x128xi32, #tpu.memory_space<vmem>>
    %dma_start3A_318 = tpu.memref_squeeze %dma_start3A_317 : memref<1x128xi32, #tpu.memory_space<vmem>> -> memref<128xi32, #tpu.memory_space<vmem>>
    %dma_start3A_319 = arith.constant 0 : i32
    %dma_start3A_320 = tpu.memref_slice %arg7[%dma_start3A_319] : memref<10240xf32, #tpu.memory_space<vmem_shared>> -> memref<10240xf32, #tpu.memory_space<vmem_shared>>
    tpu.enqueue_indirect_dma source(%arg5 : memref<128xf32, #tpu.memory_space<vmem>>) target(%dma_start3A_320 : memref<10240xf32, #tpu.memory_space<vmem_shared>>) offsets(%dma_start3A_318 : memref<128xi32, #tpu.memory_space<vmem>>) semaphore(%arg8 : memref<!tpu.dma_semaphore, #tpu.memory_space<semaphore_mem>>) {add = true}
    %dma_start3A_321 = arith.constant 4 : i32
    %dma_start3A_322 = arith.constant 0 : i32
    %dma_start3A_323 = tpu.memref_slice %arg4[%dma_start3A_321, %dma_start3A_322] : memref<79x128xi32, #tpu.memory_space<vmem>> -> memref<1x128xi32, #tpu.memory_space<vmem>>
    %dma_start3A_324 = tpu.memref_squeeze %dma_start3A_323 : memref<1x128xi32, #tpu.memory_space<vmem>> -> memref<128xi32, #tpu.memory_space<vmem>>
    %dma_start3A_325 = arith.constant 0 : i32
    %dma_start3A_326 = tpu.memref_slice %arg7[%dma_start3A_325] : memref<10240xf32, #tpu.memory_space<vmem_shared>> -> memref<10240xf32, #tpu.memory_space<vmem_shared>>
    tpu.enqueue_indirect_dma source(%arg5 : memref<128xf32, #tpu.memory_space<vmem>>) target(%dma_start3A_326 : memref<10240xf32, #tpu.memory_space<vmem_shared>>) offsets(%dma_start3A_324 : memref<128xi32, #tpu.memory_space<vmem>>) semaphore(%arg8 : memref<!tpu.dma_semaphore, #tpu.memory_space<semaphore_mem>>) {add = true}
    %dma_start3A_327 = arith.constant 5 : i32
    %dma_start3A_328 = arith.constant 0 : i32
    %dma_start3A_329 = tpu.memref_slice %arg4[%dma_start3A_327, %dma_start3A_328] : memref<79x128xi32, #tpu.memory_space<vmem>> -> memref<1x128xi32, #tpu.memory_space<vmem>>
    %dma_start3A_330 = tpu.memref_squeeze %dma_start3A_329 : memref<1x128xi32, #tpu.memory_space<vmem>> -> memref<128xi32, #tpu.memory_space<vmem>>
    %dma_start3A_331 = arith.constant 0 : i32
    %dma_start3A_332 = tpu.memref_slice %arg7[%dma_start3A_331] : memref<10240xf32, #tpu.memory_space<vmem_shared>> -> memref<10240xf32, #tpu.memory_space<vmem_shared>>
    tpu.enqueue_indirect_dma source(%arg5 : memref<128xf32, #tpu.memory_space<vmem>>) target(%dma_start3A_332 : memref<10240xf32, #tpu.memory_space<vmem_shared>>) offsets(%dma_start3A_330 : memref<128xi32, #tpu.memory_space<vmem>>) semaphore(%arg8 : memref<!tpu.dma_semaphore, #tpu.memory_space<semaphore_mem>>) {add = true}
    %dma_start3A_333 = arith.constant 6 : i32
    %dma_start3A_334 = arith.constant 0 : i32
    %dma_start3A_335 = tpu.memref_slice %arg4[%dma_start3A_333, %dma_start3A_334] : memref<79x128xi32, #tpu.memory_space<vmem>> -> memref<1x128xi32, #tpu.memory_space<vmem>>
    %dma_start3A_336 = tpu.memref_squeeze %dma_start3A_335 : memref<1x128xi32, #tpu.memory_space<vmem>> -> memref<128xi32, #tpu.memory_space<vmem>>
    %dma_start3A_337 = arith.constant 0 : i32
    %dma_start3A_338 = tpu.memref_slice %arg7[%dma_start3A_337] : memref<10240xf32, #tpu.memory_space<vmem_shared>> -> memref<10240xf32, #tpu.memory_space<vmem_shared>>
    tpu.enqueue_indirect_dma source(%arg5 : memref<128xf32, #tpu.memory_space<vmem>>) target(%dma_start3A_338 : memref<10240xf32, #tpu.memory_space<vmem_shared>>) offsets(%dma_start3A_336 : memref<128xi32, #tpu.memory_space<vmem>>) semaphore(%arg8 : memref<!tpu.dma_semaphore, #tpu.memory_space<semaphore_mem>>) {add = true}
    %dma_start3A_339 = arith.constant 7 : i32
    %dma_start3A_340 = arith.constant 0 : i32
    %dma_start3A_341 = tpu.memref_slice %arg4[%dma_start3A_339, %dma_start3A_340] : memref<79x128xi32, #tpu.memory_space<vmem>> -> memref<1x128xi32, #tpu.memory_space<vmem>>
    %dma_start3A_342 = tpu.memref_squeeze %dma_start3A_341 : memref<1x128xi32, #tpu.memory_space<vmem>> -> memref<128xi32, #tpu.memory_space<vmem>>
    %dma_start3A_343 = arith.constant 0 : i32
    %dma_start3A_344 = tpu.memref_slice %arg7[%dma_start3A_343] : memref<10240xf32, #tpu.memory_space<vmem_shared>> -> memref<10240xf32, #tpu.memory_space<vmem_shared>>
    tpu.enqueue_indirect_dma source(%arg5 : memref<128xf32, #tpu.memory_space<vmem>>) target(%dma_start3A_344 : memref<10240xf32, #tpu.memory_space<vmem_shared>>) offsets(%dma_start3A_342 : memref<128xi32, #tpu.memory_space<vmem>>) semaphore(%arg8 : memref<!tpu.dma_semaphore, #tpu.memory_space<semaphore_mem>>) {add = true}
    %dma_start3A_345 = arith.constant 8 : i32
    %dma_start3A_346 = arith.constant 0 : i32
    %dma_start3A_347 = tpu.memref_slice %arg4[%dma_start3A_345, %dma_start3A_346] : memref<79x128xi32, #tpu.memory_space<vmem>> -> memref<1x128xi32, #tpu.memory_space<vmem>>
    %dma_start3A_348 = tpu.memref_squeeze %dma_start3A_347 : memref<1x128xi32, #tpu.memory_space<vmem>> -> memref<128xi32, #tpu.memory_space<vmem>>
    %dma_start3A_349 = arith.constant 0 : i32
    %dma_start3A_350 = tpu.memref_slice %arg7[%dma_start3A_349] : memref<10240xf32, #tpu.memory_space<vmem_shared>> -> memref<10240xf32, #tpu.memory_space<vmem_shared>>
    tpu.enqueue_indirect_dma source(%arg5 : memref<128xf32, #tpu.memory_space<vmem>>) target(%dma_start3A_350 : memref<10240xf32, #tpu.memory_space<vmem_shared>>) offsets(%dma_start3A_348 : memref<128xi32, #tpu.memory_space<vmem>>) semaphore(%arg8 : memref<!tpu.dma_semaphore, #tpu.memory_space<semaphore_mem>>) {add = true}
    %dma_start3A_351 = arith.constant 9 : i32
    %dma_start3A_352 = arith.constant 0 : i32
    %dma_start3A_353 = tpu.memref_slice %arg4[%dma_start3A_351, %dma_start3A_352] : memref<79x128xi32, #tpu.memory_space<vmem>> -> memref<1x128xi32, #tpu.memory_space<vmem>>
    %dma_start3A_354 = tpu.memref_squeeze %dma_start3A_353 : memref<1x128xi32, #tpu.memory_space<vmem>> -> memref<128xi32, #tpu.memory_space<vmem>>
    %dma_start3A_355 = arith.constant 0 : i32
    %dma_start3A_356 = tpu.memref_slice %arg7[%dma_start3A_355] : memref<10240xf32, #tpu.memory_space<vmem_shared>> -> memref<10240xf32, #tpu.memory_space<vmem_shared>>
    tpu.enqueue_indirect_dma source(%arg5 : memref<128xf32, #tpu.memory_space<vmem>>) target(%dma_start3A_356 : memref<10240xf32, #tpu.memory_space<vmem_shared>>) offsets(%dma_start3A_354 : memref<128xi32, #tpu.memory_space<vmem>>) semaphore(%arg8 : memref<!tpu.dma_semaphore, #tpu.memory_space<semaphore_mem>>) {add = true}
    %dma_start3A_357 = arith.constant 10 : i32
    %dma_start3A_358 = arith.constant 0 : i32
    %dma_start3A_359 = tpu.memref_slice %arg4[%dma_start3A_357, %dma_start3A_358] : memref<79x128xi32, #tpu.memory_space<vmem>> -> memref<1x128xi32, #tpu.memory_space<vmem>>
    %dma_start3A_360 = tpu.memref_squeeze %dma_start3A_359 : memref<1x128xi32, #tpu.memory_space<vmem>> -> memref<128xi32, #tpu.memory_space<vmem>>
    %dma_start3A_361 = arith.constant 0 : i32
    %dma_start3A_362 = tpu.memref_slice %arg7[%dma_start3A_361] : memref<10240xf32, #tpu.memory_space<vmem_shared>> -> memref<10240xf32, #tpu.memory_space<vmem_shared>>
    tpu.enqueue_indirect_dma source(%arg5 : memref<128xf32, #tpu.memory_space<vmem>>) target(%dma_start3A_362 : memref<10240xf32, #tpu.memory_space<vmem_shared>>) offsets(%dma_start3A_360 : memref<128xi32, #tpu.memory_space<vmem>>) semaphore(%arg8 : memref<!tpu.dma_semaphore, #tpu.memory_space<semaphore_mem>>) {add = true}
    %dma_start3A_363 = arith.constant 11 : i32
    %dma_start3A_364 = arith.constant 0 : i32
    %dma_start3A_365 = tpu.memref_slice %arg4[%dma_start3A_363, %dma_start3A_364] : memref<79x128xi32, #tpu.memory_space<vmem>> -> memref<1x128xi32, #tpu.memory_space<vmem>>
    %dma_start3A_366 = tpu.memref_squeeze %dma_start3A_365 : memref<1x128xi32, #tpu.memory_space<vmem>> -> memref<128xi32, #tpu.memory_space<vmem>>
    %dma_start3A_367 = arith.constant 0 : i32
    %dma_start3A_368 = tpu.memref_slice %arg7[%dma_start3A_367] : memref<10240xf32, #tpu.memory_space<vmem_shared>> -> memref<10240xf32, #tpu.memory_space<vmem_shared>>
    tpu.enqueue_indirect_dma source(%arg5 : memref<128xf32, #tpu.memory_space<vmem>>) target(%dma_start3A_368 : memref<10240xf32, #tpu.memory_space<vmem_shared>>) offsets(%dma_start3A_366 : memref<128xi32, #tpu.memory_space<vmem>>) semaphore(%arg8 : memref<!tpu.dma_semaphore, #tpu.memory_space<semaphore_mem>>) {add = true}
    %dma_start3A_369 = arith.constant 12 : i32
    %dma_start3A_370 = arith.constant 0 : i32
    %dma_start3A_371 = tpu.memref_slice %arg4[%dma_start3A_369, %dma_start3A_370] : memref<79x128xi32, #tpu.memory_space<vmem>> -> memref<1x128xi32, #tpu.memory_space<vmem>>
    %dma_start3A_372 = tpu.memref_squeeze %dma_start3A_371 : memref<1x128xi32, #tpu.memory_space<vmem>> -> memref<128xi32, #tpu.memory_space<vmem>>
    %dma_start3A_373 = arith.constant 0 : i32
    %dma_start3A_374 = tpu.memref_slice %arg7[%dma_start3A_373] : memref<10240xf32, #tpu.memory_space<vmem_shared>> -> memref<10240xf32, #tpu.memory_space<vmem_shared>>
    tpu.enqueue_indirect_dma source(%arg5 : memref<128xf32, #tpu.memory_space<vmem>>) target(%dma_start3A_374 : memref<10240xf32, #tpu.memory_space<vmem_shared>>) offsets(%dma_start3A_372 : memref<128xi32, #tpu.memory_space<vmem>>) semaphore(%arg8 : memref<!tpu.dma_semaphore, #tpu.memory_space<semaphore_mem>>) {add = true}
    %dma_start3A_375 = arith.constant 13 : i32
    %dma_start3A_376 = arith.constant 0 : i32
    %dma_start3A_377 = tpu.memref_slice %arg4[%dma_start3A_375, %dma_start3A_376] : memref<79x128xi32, #tpu.memory_space<vmem>> -> memref<1x128xi32, #tpu.memory_space<vmem>>
    %dma_start3A_378 = tpu.memref_squeeze %dma_start3A_377 : memref<1x128xi32, #tpu.memory_space<vmem>> -> memref<128xi32, #tpu.memory_space<vmem>>
    %dma_start3A_379 = arith.constant 0 : i32
    %dma_start3A_380 = tpu.memref_slice %arg7[%dma_start3A_379] : memref<10240xf32, #tpu.memory_space<vmem_shared>> -> memref<10240xf32, #tpu.memory_space<vmem_shared>>
    tpu.enqueue_indirect_dma source(%arg5 : memref<128xf32, #tpu.memory_space<vmem>>) target(%dma_start3A_380 : memref<10240xf32, #tpu.memory_space<vmem_shared>>) offsets(%dma_start3A_378 : memref<128xi32, #tpu.memory_space<vmem>>) semaphore(%arg8 : memref<!tpu.dma_semaphore, #tpu.memory_space<semaphore_mem>>) {add = true}
    %dma_start3A_381 = arith.constant 14 : i32
    %dma_start3A_382 = arith.constant 0 : i32
    %dma_start3A_383 = tpu.memref_slice %arg4[%dma_start3A_381, %dma_start3A_382] : memref<79x128xi32, #tpu.memory_space<vmem>> -> memref<1x128xi32, #tpu.memory_space<vmem>>
    %dma_start3A_384 = tpu.memref_squeeze %dma_start3A_383 : memref<1x128xi32, #tpu.memory_space<vmem>> -> memref<128xi32, #tpu.memory_space<vmem>>
    %dma_start3A_385 = arith.constant 0 : i32
    %dma_start3A_386 = tpu.memref_slice %arg7[%dma_start3A_385] : memref<10240xf32, #tpu.memory_space<vmem_shared>> -> memref<10240xf32, #tpu.memory_space<vmem_shared>>
    tpu.enqueue_indirect_dma source(%arg5 : memref<128xf32, #tpu.memory_space<vmem>>) target(%dma_start3A_386 : memref<10240xf32, #tpu.memory_space<vmem_shared>>) offsets(%dma_start3A_384 : memref<128xi32, #tpu.memory_space<vmem>>) semaphore(%arg8 : memref<!tpu.dma_semaphore, #tpu.memory_space<semaphore_mem>>) {add = true}
    %dma_start3A_387 = arith.constant 15 : i32
    %dma_start3A_388 = arith.constant 0 : i32
    %dma_start3A_389 = tpu.memref_slice %arg4[%dma_start3A_387, %dma_start3A_388] : memref<79x128xi32, #tpu.memory_space<vmem>> -> memref<1x128xi32, #tpu.memory_space<vmem>>
    %dma_start3A_390 = tpu.memref_squeeze %dma_start3A_389 : memref<1x128xi32, #tpu.memory_space<vmem>> -> memref<128xi32, #tpu.memory_space<vmem>>
    %dma_start3A_391 = arith.constant 0 : i32
    %dma_start3A_392 = tpu.memref_slice %arg7[%dma_start3A_391] : memref<10240xf32, #tpu.memory_space<vmem_shared>> -> memref<10240xf32, #tpu.memory_space<vmem_shared>>
    tpu.enqueue_indirect_dma source(%arg5 : memref<128xf32, #tpu.memory_space<vmem>>) target(%dma_start3A_392 : memref<10240xf32, #tpu.memory_space<vmem_shared>>) offsets(%dma_start3A_390 : memref<128xi32, #tpu.memory_space<vmem>>) semaphore(%arg8 : memref<!tpu.dma_semaphore, #tpu.memory_space<semaphore_mem>>) {add = true}
    %scan3A = arith.constant 0 : i32
    %scan3A_393 = arith.constant 63 : i32
    %scan3A_394 = arith.addi %scan3A, %scan3A_393 : i32
    %scan3A_395 = arith.constant 1 : i32
    scf.for %scan3A_468 = %scan3A to %scan3A_394 step %scan3A_395  : i32 {
      %mul3A_469 = arith.constant 1 : i32
      %mul3A_470 = arith.muli %scan3A_468, %mul3A_469 : i32
      %add3A_471 = arith.constant 0 : i32
      %add3A_472 = arith.addi %add3A_471, %mul3A_470 : i32
      %add3A_473 = arith.constant 16 : i32
      %add3A_474 = arith.addi %add3A_472, %add3A_473 : i32
      %lt3A_475 = arith.cmpi slt, %add3A_474, %add3A_4 : i32
      %convert_element_type3A_476 = arith.extui %lt3A_475 : i1 to i32
      %cond3A_477 = arith.constant 0 : i32
      %cond3A_478 = arith.cmpi ne, %convert_element_type3A_476, %cond3A_477 : i32
      scf.if %cond3A_478 {
        %dma_wait3A_479 = arith.constant 0 : i32
        %dma_wait3A_480 = tpu.memref_slice %arg7[%dma_wait3A_479] : memref<10240xf32, #tpu.memory_space<vmem_shared>> -> memref<128xf32, #tpu.memory_space<vmem_shared>>
        %dma_wait3A_481 = arith.constant 0 : i32
        %dma_wait3A_482 = tpu.memref_slice %arg7[%dma_wait3A_481] : memref<10240xf32, #tpu.memory_space<vmem_shared>> -> memref<128xf32, #tpu.memory_space<vmem_shared>>
        tpu.wait_dma2 semaphore(%arg8 : memref<!tpu.dma_semaphore, #tpu.memory_space<semaphore_mem>>) src(%arg5 : memref<128xf32, #tpu.memory_space<vmem>>) dst(%dma_wait3A_482 : memref<128xf32, #tpu.memory_space<vmem_shared>>)
        %add3A_483 = arith.constant 16 : i32
        %add3A_484 = arith.addi %add3A_472, %add3A_483 : i32
        %dma_start3A_485 = arith.constant 0 : i32
        %dma_start3A_486 = tpu.memref_slice %arg4[%add3A_484, %dma_start3A_485] : memref<79x128xi32, #tpu.memory_space<vmem>> -> memref<1x128xi32, #tpu.memory_space<vmem>>
        %dma_start3A_487 = tpu.memref_squeeze %dma_start3A_486 : memref<1x128xi32, #tpu.memory_space<vmem>> -> memref<128xi32, #tpu.memory_space<vmem>>
        %dma_start3A_488 = arith.constant 0 : i32
        %dma_start3A_489 = tpu.memref_slice %arg7[%dma_start3A_488] : memref<10240xf32, #tpu.memory_space<vmem_shared>> -> memref<10240xf32, #tpu.memory_space<vmem_shared>>
        tpu.enqueue_indirect_dma source(%arg5 : memref<128xf32, #tpu.memory_space<vmem>>) target(%dma_start3A_489 : memref<10240xf32, #tpu.memory_space<vmem_shared>>) offsets(%dma_start3A_487 : memref<128xi32, #tpu.memory_space<vmem>>) semaphore(%arg8 : memref<!tpu.dma_semaphore, #tpu.memory_space<semaphore_mem>>) {add = true}
      } else {
      }
    }
    %scan3A_396 = arith.constant 63 : i32
    %dma_wait3A = arith.constant 0 : i32
    %dma_wait3A_397 = tpu.memref_slice %arg7[%dma_wait3A] : memref<10240xf32, #tpu.memory_space<vmem_shared>> -> memref<128xf32, #tpu.memory_space<vmem_shared>>
    %dma_wait3A_398 = arith.constant 0 : i32
    %dma_wait3A_399 = tpu.memref_slice %arg7[%dma_wait3A_398] : memref<10240xf32, #tpu.memory_space<vmem_shared>> -> memref<128xf32, #tpu.memory_space<vmem_shared>>
    tpu.wait_dma2 semaphore(%arg8 : memref<!tpu.dma_semaphore, #tpu.memory_space<semaphore_mem>>) src(%arg5 : memref<128xf32, #tpu.memory_space<vmem>>) dst(%dma_wait3A_399 : memref<128xf32, #tpu.memory_space<vmem_shared>>)
    %dma_wait3A_400 = arith.constant 0 : i32
    %dma_wait3A_401 = tpu.memref_slice %arg7[%dma_wait3A_400] : memref<10240xf32, #tpu.memory_space<vmem_shared>> -> memref<128xf32, #tpu.memory_space<vmem_shared>>
    %dma_wait3A_402 = arith.constant 0 : i32
    %dma_wait3A_403 = tpu.memref_slice %arg7[%dma_wait3A_402] : memref<10240xf32, #tpu.memory_space<vmem_shared>> -> memref<128xf32, #tpu.memory_space<vmem_shared>>
    tpu.wait_dma2 semaphore(%arg8 : memref<!tpu.dma_semaphore, #tpu.memory_space<semaphore_mem>>) src(%arg5 : memref<128xf32, #tpu.memory_space<vmem>>) dst(%dma_wait3A_403 : memref<128xf32, #tpu.memory_space<vmem_shared>>)
    %dma_wait3A_404 = arith.constant 0 : i32
    %dma_wait3A_405 = tpu.memref_slice %arg7[%dma_wait3A_404] : memref<10240xf32, #tpu.memory_space<vmem_shared>> -> memref<128xf32, #tpu.memory_space<vmem_shared>>
    %dma_wait3A_406 = arith.constant 0 : i32
    %dma_wait3A_407 = tpu.memref_slice %arg7[%dma_wait3A_406] : memref<10240xf32, #tpu.memory_space<vmem_shared>> -> memref<128xf32, #tpu.memory_space<vmem_shared>>
    tpu.wait_dma2 semaphore(%arg8 : memref<!tpu.dma_semaphore, #tpu.memory_space<semaphore_mem>>) src(%arg5 : memref<128xf32, #tpu.memory_space<vmem>>) dst(%dma_wait3A_407 : memref<128xf32, #tpu.memory_space<vmem_shared>>)
    %dma_wait3A_408 = arith.constant 0 : i32
    %dma_wait3A_409 = tpu.memref_slice %arg7[%dma_wait3A_408] : memref<10240xf32, #tpu.memory_space<vmem_shared>> -> memref<128xf32, #tpu.memory_space<vmem_shared>>
    %dma_wait3A_410 = arith.constant 0 : i32
    %dma_wait3A_411 = tpu.memref_slice %arg7[%dma_wait3A_410] : memref<10240xf32, #tpu.memory_space<vmem_shared>> -> memref<128xf32, #tpu.memory_space<vmem_shared>>
    tpu.wait_dma2 semaphore(%arg8 : memref<!tpu.dma_semaphore, #tpu.memory_space<semaphore_mem>>) src(%arg5 : memref<128xf32, #tpu.memory_space<vmem>>) dst(%dma_wait3A_411 : memref<128xf32, #tpu.memory_space<vmem_shared>>)
    %dma_wait3A_412 = arith.constant 0 : i32
    %dma_wait3A_413 = tpu.memref_slice %arg7[%dma_wait3A_412] : memref<10240xf32, #tpu.memory_space<vmem_shared>> -> memref<128xf32, #tpu.memory_space<vmem_shared>>
    %dma_wait3A_414 = arith.constant 0 : i32
    %dma_wait3A_415 = tpu.memref_slice %arg7[%dma_wait3A_414] : memref<10240xf32, #tpu.memory_space<vmem_shared>> -> memref<128xf32, #tpu.memory_space<vmem_shared>>
    tpu.wait_dma2 semaphore(%arg8 : memref<!tpu.dma_semaphore, #tpu.memory_space<semaphore_mem>>) src(%arg5 : memref<128xf32, #tpu.memory_space<vmem>>) dst(%dma_wait3A_415 : memref<128xf32, #tpu.memory_space<vmem_shared>>)
    %dma_wait3A_416 = arith.constant 0 : i32
    %dma_wait3A_417 = tpu.memref_slice %arg7[%dma_wait3A_416] : memref<10240xf32, #tpu.memory_space<vmem_shared>> -> memref<128xf32, #tpu.memory_space<vmem_shared>>
    %dma_wait3A_418 = arith.constant 0 : i32
    %dma_wait3A_419 = tpu.memref_slice %arg7[%dma_wait3A_418] : memref<10240xf32, #tpu.memory_space<vmem_shared>> -> memref<128xf32, #tpu.memory_space<vmem_shared>>
    tpu.wait_dma2 semaphore(%arg8 : memref<!tpu.dma_semaphore, #tpu.memory_space<semaphore_mem>>) src(%arg5 : memref<128xf32, #tpu.memory_space<vmem>>) dst(%dma_wait3A_419 : memref<128xf32, #tpu.memory_space<vmem_shared>>)
    %dma_wait3A_420 = arith.constant 0 : i32
    %dma_wait3A_421 = tpu.memref_slice %arg7[%dma_wait3A_420] : memref<10240xf32, #tpu.memory_space<vmem_shared>> -> memref<128xf32, #tpu.memory_space<vmem_shared>>
    %dma_wait3A_422 = arith.constant 0 : i32
    %dma_wait3A_423 = tpu.memref_slice %arg7[%dma_wait3A_422] : memref<10240xf32, #tpu.memory_space<vmem_shared>> -> memref<128xf32, #tpu.memory_space<vmem_shared>>
    tpu.wait_dma2 semaphore(%arg8 : memref<!tpu.dma_semaphore, #tpu.memory_space<semaphore_mem>>) src(%arg5 : memref<128xf32, #tpu.memory_space<vmem>>) dst(%dma_wait3A_423 : memref<128xf32, #tpu.memory_space<vmem_shared>>)
    %dma_wait3A_424 = arith.constant 0 : i32
    %dma_wait3A_425 = tpu.memref_slice %arg7[%dma_wait3A_424] : memref<10240xf32, #tpu.memory_space<vmem_shared>> -> memref<128xf32, #tpu.memory_space<vmem_shared>>
    %dma_wait3A_426 = arith.constant 0 : i32
    %dma_wait3A_427 = tpu.memref_slice %arg7[%dma_wait3A_426] : memref<10240xf32, #tpu.memory_space<vmem_shared>> -> memref<128xf32, #tpu.memory_space<vmem_shared>>
    tpu.wait_dma2 semaphore(%arg8 : memref<!tpu.dma_semaphore, #tpu.memory_space<semaphore_mem>>) src(%arg5 : memref<128xf32, #tpu.memory_space<vmem>>) dst(%dma_wait3A_427 : memref<128xf32, #tpu.memory_space<vmem_shared>>)
    %dma_wait3A_428 = arith.constant 0 : i32
    %dma_wait3A_429 = tpu.memref_slice %arg7[%dma_wait3A_428] : memref<10240xf32, #tpu.memory_space<vmem_shared>> -> memref<128xf32, #tpu.memory_space<vmem_shared>>
    %dma_wait3A_430 = arith.constant 0 : i32
    %dma_wait3A_431 = tpu.memref_slice %arg7[%dma_wait3A_430] : memref<10240xf32, #tpu.memory_space<vmem_shared>> -> memref<128xf32, #tpu.memory_space<vmem_shared>>
    tpu.wait_dma2 semaphore(%arg8 : memref<!tpu.dma_semaphore, #tpu.memory_space<semaphore_mem>>) src(%arg5 : memref<128xf32, #tpu.memory_space<vmem>>) dst(%dma_wait3A_431 : memref<128xf32, #tpu.memory_space<vmem_shared>>)
    %dma_wait3A_432 = arith.constant 0 : i32
    %dma_wait3A_433 = tpu.memref_slice %arg7[%dma_wait3A_432] : memref<10240xf32, #tpu.memory_space<vmem_shared>> -> memref<128xf32, #tpu.memory_space<vmem_shared>>
    %dma_wait3A_434 = arith.constant 0 : i32
    %dma_wait3A_435 = tpu.memref_slice %arg7[%dma_wait3A_434] : memref<10240xf32, #tpu.memory_space<vmem_shared>> -> memref<128xf32, #tpu.memory_space<vmem_shared>>
    tpu.wait_dma2 semaphore(%arg8 : memref<!tpu.dma_semaphore, #tpu.memory_space<semaphore_mem>>) src(%arg5 : memref<128xf32, #tpu.memory_space<vmem>>) dst(%dma_wait3A_435 : memref<128xf32, #tpu.memory_space<vmem_shared>>)
    %dma_wait3A_436 = arith.constant 0 : i32
    %dma_wait3A_437 = tpu.memref_slice %arg7[%dma_wait3A_436] : memref<10240xf32, #tpu.memory_space<vmem_shared>> -> memref<128xf32, #tpu.memory_space<vmem_shared>>
    %dma_wait3A_438 = arith.constant 0 : i32
    %dma_wait3A_439 = tpu.memref_slice %arg7[%dma_wait3A_438] : memref<10240xf32, #tpu.memory_space<vmem_shared>> -> memref<128xf32, #tpu.memory_space<vmem_shared>>
    tpu.wait_dma2 semaphore(%arg8 : memref<!tpu.dma_semaphore, #tpu.memory_space<semaphore_mem>>) src(%arg5 : memref<128xf32, #tpu.memory_space<vmem>>) dst(%dma_wait3A_439 : memref<128xf32, #tpu.memory_space<vmem_shared>>)
    %dma_wait3A_440 = arith.constant 0 : i32
    %dma_wait3A_441 = tpu.memref_slice %arg7[%dma_wait3A_440] : memref<10240xf32, #tpu.memory_space<vmem_shared>> -> memref<128xf32, #tpu.memory_space<vmem_shared>>
    %dma_wait3A_442 = arith.constant 0 : i32
    %dma_wait3A_443 = tpu.memref_slice %arg7[%dma_wait3A_442] : memref<10240xf32, #tpu.memory_space<vmem_shared>> -> memref<128xf32, #tpu.memory_space<vmem_shared>>
    tpu.wait_dma2 semaphore(%arg8 : memref<!tpu.dma_semaphore, #tpu.memory_space<semaphore_mem>>) src(%arg5 : memref<128xf32, #tpu.memory_space<vmem>>) dst(%dma_wait3A_443 : memref<128xf32, #tpu.memory_space<vmem_shared>>)
    %dma_wait3A_444 = arith.constant 0 : i32
    %dma_wait3A_445 = tpu.memref_slice %arg7[%dma_wait3A_444] : memref<10240xf32, #tpu.memory_space<vmem_shared>> -> memref<128xf32, #tpu.memory_space<vmem_shared>>
    %dma_wait3A_446 = arith.constant 0 : i32
    %dma_wait3A_447 = tpu.memref_slice %arg7[%dma_wait3A_446] : memref<10240xf32, #tpu.memory_space<vmem_shared>> -> memref<128xf32, #tpu.memory_space<vmem_shared>>
    tpu.wait_dma2 semaphore(%arg8 : memref<!tpu.dma_semaphore, #tpu.memory_space<semaphore_mem>>) src(%arg5 : memref<128xf32, #tpu.memory_space<vmem>>) dst(%dma_wait3A_447 : memref<128xf32, #tpu.memory_space<vmem_shared>>)
    %dma_wait3A_448 = arith.constant 0 : i32
    %dma_wait3A_449 = tpu.memref_slice %arg7[%dma_wait3A_448] : memref<10240xf32, #tpu.memory_space<vmem_shared>> -> memref<128xf32, #tpu.memory_space<vmem_shared>>
    %dma_wait3A_450 = arith.constant 0 : i32
    %dma_wait3A_451 = tpu.memref_slice %arg7[%dma_wait3A_450] : memref<10240xf32, #tpu.memory_space<vmem_shared>> -> memref<128xf32, #tpu.memory_space<vmem_shared>>
    tpu.wait_dma2 semaphore(%arg8 : memref<!tpu.dma_semaphore, #tpu.memory_space<semaphore_mem>>) src(%arg5 : memref<128xf32, #tpu.memory_space<vmem>>) dst(%dma_wait3A_451 : memref<128xf32, #tpu.memory_space<vmem_shared>>)
    %dma_wait3A_452 = arith.constant 0 : i32
    %dma_wait3A_453 = tpu.memref_slice %arg7[%dma_wait3A_452] : memref<10240xf32, #tpu.memory_space<vmem_shared>> -> memref<128xf32, #tpu.memory_space<vmem_shared>>
    %dma_wait3A_454 = arith.constant 0 : i32
    %dma_wait3A_455 = tpu.memref_slice %arg7[%dma_wait3A_454] : memref<10240xf32, #tpu.memory_space<vmem_shared>> -> memref<128xf32, #tpu.memory_space<vmem_shared>>
    tpu.wait_dma2 semaphore(%arg8 : memref<!tpu.dma_semaphore, #tpu.memory_space<semaphore_mem>>) src(%arg5 : memref<128xf32, #tpu.memory_space<vmem>>) dst(%dma_wait3A_455 : memref<128xf32, #tpu.memory_space<vmem_shared>>)
    %dma_wait3A_456 = arith.constant 0 : i32
    %dma_wait3A_457 = tpu.memref_slice %arg7[%dma_wait3A_456] : memref<10240xf32, #tpu.memory_space<vmem_shared>> -> memref<128xf32, #tpu.memory_space<vmem_shared>>
    %dma_wait3A_458 = arith.constant 0 : i32
    %dma_wait3A_459 = tpu.memref_slice %arg7[%dma_wait3A_458] : memref<10240xf32, #tpu.memory_space<vmem_shared>> -> memref<128xf32, #tpu.memory_space<vmem_shared>>
    tpu.wait_dma2 semaphore(%arg8 : memref<!tpu.dma_semaphore, #tpu.memory_space<semaphore_mem>>) src(%arg5 : memref<128xf32, #tpu.memory_space<vmem>>) dst(%dma_wait3A_459 : memref<128xf32, #tpu.memory_space<vmem_shared>>)
    %barrier3A_460 = arith.constant 0 : index
    tpu.barrier barrier_id(%barrier3A_460)
    %mul3A_461 = arith.constant 640 : i32
    %mul3A_462 = arith.muli %arg1, %mul3A_461 : i32
    %mul3A_463 = arith.constant 10240 : i32
    %mul3A_464 = arith.muli %arg0, %mul3A_463 : i32
    %mul3A_465 = arith.constant 640 : i32
    %mul3A_466 = arith.muli %arg1, %mul3A_465 : i32
    %add3A_467 = arith.addi %mul3A_464, %mul3A_466 : i32
    "tpu.region"() ({
      %run_scoped3A_468 = tpu.sem_alloc : memref<!tpu.dma_semaphore, #tpu.memory_space<semaphore_mem>>
      %dma_start3A_469 = tpu.memref_slice %arg3[%add3A_467] : memref<20480xf32, #tpu.memory_space<hbm>> -> memref<640xf32, #tpu.memory_space<hbm>>
      %dma_start3A_470 = tpu.memref_slice %arg7[%mul3A_462] : memref<10240xf32, #tpu.memory_space<vmem_shared>> -> memref<640xf32, #tpu.memory_space<vmem_shared>>
      tpu.enqueue_dma source(%dma_start3A_470 : memref<640xf32, #tpu.memory_space<vmem_shared>>) target(%dma_start3A_469 : memref<640xf32, #tpu.memory_space<hbm>>) target_semaphore(%run_scoped3A_468 : memref<!tpu.dma_semaphore, #tpu.memory_space<semaphore_mem>>)
      %dma_wait3A_471 = tpu.memref_slice %arg3[%add3A_467] : memref<20480xf32, #tpu.memory_space<hbm>> -> memref<640xf32, #tpu.memory_space<hbm>>
      %dma_wait3A_472 = tpu.memref_slice %arg7[%mul3A_462] : memref<10240xf32, #tpu.memory_space<vmem_shared>> -> memref<640xf32, #tpu.memory_space<vmem_shared>>
      tpu.wait_dma2 semaphore(%run_scoped3A_468 : memref<!tpu.dma_semaphore, #tpu.memory_space<semaphore_mem>>) src(%dma_wait3A_472 : memref<640xf32, #tpu.memory_space<vmem_shared>>) dst(%dma_wait3A_471 : memref<640xf32, #tpu.memory_space<hbm>>)
      tpu.yield
    }) : () -> ()
    return
  }
}

#map = affine_map<(d0, d1) -> (0, 0, 0)>
#map1 = affine_map<(d0, d1) -> (0, 0)>
module attributes {stable_mosaic.version = 14 : i64} {
  func.func @_scat_body(%arg0: i32, %arg1: i32, %arg2: memref<2500x2x128xi32, #tpu.memory_space<hbm>>, %arg3: memref<10240x128xf32, #tpu.memory_space<hbm>>, %arg4: memref<20480x16xf32, #tpu.memory_space<hbm>>, %arg5: memref<79x128xi32, #tpu.memory_space<vmem>>, %arg6: memref<79x128xi32, #tpu.memory_space<vmem>>, %arg7: memref<4x128x16xf32, #tpu.memory_space<vmem>>, %arg8: memref<128x16xf32, #tpu.memory_space<vmem>>, %arg9: memref<10240x16xf32, #tpu.memory_space<vmem_shared>>, %arg10: memref<10240x16xf32, #tpu.memory_space<vmem_shared>>, %arg11: memref<!tpu.dma_semaphore, #tpu.memory_space<semaphore_mem>>, %arg12: memref<!tpu.dma_semaphore, #tpu.memory_space<semaphore_mem>>, %arg13: memref<!tpu.dma_semaphore, #tpu.memory_space<semaphore_mem>>, %arg14: memref<!tpu.dma_semaphore, #tpu.memory_space<semaphore_mem>>) attributes {dimension_semantics = [#tpu.dimension_semantics<core_parallel>, #tpu.dimension_semantics<subcore_parallel>], iteration_bounds = array<i64: 2, 16>, scalar_prefetch = 0 : i64, scratch_operands = 10 : i64, tpu.core_type = #tpu.core_type<sc_vector_subcore>, window_params = [{transform_indices = #map}, {transform_indices = #map1}, {transform_indices = #map1}]} {
    %mul3A = arith.constant 2 : i32
    %mul3A_0 = arith.muli %arg1, %mul3A : i32
    %add3A = arith.addi %mul3A_0, %arg0 : i32
    %lt3A = arith.constant 4 : i32
    %lt3A_1 = arith.cmpi slt, %add3A, %lt3A : i32
    %jit3A = arith.constant 1 : i32
    %jit3A_2 = arith.constant 0 : i32
    %select_n3A = arith.select %lt3A_1, %jit3A, %jit3A_2 : i32
    %add3A_3 = arith.constant 78 : i32
    %add3A_4 = arith.addi %add3A_3, %select_n3A : i32
    %mul3A_5 = arith.constant 640 : i32
    %mul3A_6 = arith.muli %arg1, %mul3A_5 : i32
    %mul3A_7 = arith.constant 640 : i32
    %mul3A_8 = arith.muli %arg1, %mul3A_7 : i32
    "tpu.region"() ({
      %run_scoped3A_1118 = tpu.sem_alloc : memref<!tpu.dma_semaphore, #tpu.memory_space<semaphore_mem>>
      %dma_start3A_1119 = arith.constant 0 : i32
      %dma_start3A_1120 = tpu.memref_slice %arg9[%mul3A_8, %dma_start3A_1119] : memref<10240x16xf32, #tpu.memory_space<vmem_shared>> -> memref<640x16xf32, #tpu.memory_space<vmem_shared>>
      %dma_start3A_1121 = arith.constant 0 : i32
      %dma_start3A_1122 = tpu.memref_slice %arg3[%mul3A_6, %dma_start3A_1121] : memref<10240x128xf32, #tpu.memory_space<hbm>> -> memref<640x16xf32, #tpu.memory_space<hbm>>
      tpu.enqueue_dma source(%dma_start3A_1122 : memref<640x16xf32, #tpu.memory_space<hbm>>) target(%dma_start3A_1120 : memref<640x16xf32, #tpu.memory_space<vmem_shared>>) target_semaphore(%run_scoped3A_1118 : memref<!tpu.dma_semaphore, #tpu.memory_space<semaphore_mem>>)
      %dma_wait3A = arith.constant 0 : i32
      %dma_wait3A_1123 = tpu.memref_slice %arg9[%mul3A_8, %dma_wait3A] : memref<10240x16xf32, #tpu.memory_space<vmem_shared>> -> memref<640x16xf32, #tpu.memory_space<vmem_shared>>
      %dma_wait3A_1124 = arith.constant 0 : i32
      %dma_wait3A_1125 = tpu.memref_slice %arg3[%mul3A_6, %dma_wait3A_1124] : memref<10240x128xf32, #tpu.memory_space<hbm>> -> memref<640x16xf32, #tpu.memory_space<hbm>>
      tpu.wait_dma2 semaphore(%run_scoped3A_1118 : memref<!tpu.dma_semaphore, #tpu.memory_space<semaphore_mem>>) src(%dma_wait3A_1125 : memref<640x16xf32, #tpu.memory_space<hbm>>) dst(%dma_wait3A_1123 : memref<640x16xf32, #tpu.memory_space<vmem_shared>>)
      tpu.yield
    }) : () -> ()
    %broadcast_in_dim3A = arith.constant 0.000000e+00 : f32
    %broadcast_in_dim3A_9 = vector.broadcast %broadcast_in_dim3A : f32 to vector<16xf32>
    %swap3A = arith.constant 0 : i32
    %swap3A_10 = arith.index_cast %swap3A : i32 to index
    %swap3A_11 = arith.constant 0 : index
    %swap3A_12 = tpu.vector_load %arg8[%swap3A_10, %swap3A_11] {strides = array<i32>} : memref<128x16xf32, #tpu.memory_space<vmem>>, vector<1x16xf32>,
    %swap3A_13 = vector.shape_cast %swap3A_12 : vector<1x16xf32> to vector<16xf32>
    %swap3A_14 = vector.shape_cast %broadcast_in_dim3A_9 : vector<16xf32> to vector<1x16xf32>
    tpu.vector_store %arg8[%swap3A_10, %swap3A_11], %swap3A_14 {strides = array<i32>} : memref<128x16xf32, #tpu.memory_space<vmem>>, vector<1x16xf32>,
    %broadcast_in_dim3A_15 = arith.constant 0.000000e+00 : f32
    %broadcast_in_dim3A_16 = vector.broadcast %broadcast_in_dim3A_15 : f32 to vector<16xf32>
    %swap3A_17 = arith.constant 1 : i32
    %swap3A_18 = arith.index_cast %swap3A_17 : i32 to index
    %swap3A_19 = arith.constant 0 : index
    %swap3A_20 = tpu.vector_load %arg8[%swap3A_18, %swap3A_19] {strides = array<i32>} : memref<128x16xf32, #tpu.memory_space<vmem>>, vector<1x16xf32>,
    %swap3A_21 = vector.shape_cast %swap3A_20 : vector<1x16xf32> to vector<16xf32>
    %swap3A_22 = vector.shape_cast %broadcast_in_dim3A_16 : vector<16xf32> to vector<1x16xf32>
    tpu.vector_store %arg8[%swap3A_18, %swap3A_19], %swap3A_22 {strides = array<i32>} : memref<128x16xf32, #tpu.memory_space<vmem>>, vector<1x16xf32>,
    %broadcast_in_dim3A_23 = arith.constant 0.000000e+00 : f32
    %broadcast_in_dim3A_24 = vector.broadcast %broadcast_in_dim3A_23 : f32 to vector<16xf32>
    %swap3A_25 = arith.constant 2 : i32
    %swap3A_26 = arith.index_cast %swap3A_25 : i32 to index
    %swap3A_27 = arith.constant 0 : index
    %swap3A_28 = tpu.vector_load %arg8[%swap3A_26, %swap3A_27] {strides = array<i32>} : memref<128x16xf32, #tpu.memory_space<vmem>>, vector<1x16xf32>,
    %swap3A_29 = vector.shape_cast %swap3A_28 : vector<1x16xf32> to vector<16xf32>
    %swap3A_30 = vector.shape_cast %broadcast_in_dim3A_24 : vector<16xf32> to vector<1x16xf32>
    tpu.vector_store %arg8[%swap3A_26, %swap3A_27], %swap3A_30 {strides = array<i32>} : memref<128x16xf32, #tpu.memory_space<vmem>>, vector<1x16xf32>,
    %broadcast_in_dim3A_31 = arith.constant 0.000000e+00 : f32
    %broadcast_in_dim3A_32 = vector.broadcast %broadcast_in_dim3A_31 : f32 to vector<16xf32>
    %swap3A_33 = arith.constant 3 : i32
    %swap3A_34 = arith.index_cast %swap3A_33 : i32 to index
    %swap3A_35 = arith.constant 0 : index
    %swap3A_36 = tpu.vector_load %arg8[%swap3A_34, %swap3A_35] {strides = array<i32>} : memref<128x16xf32, #tpu.memory_space<vmem>>, vector<1x16xf32>,
    %swap3A_37 = vector.shape_cast %swap3A_36 : vector<1x16xf32> to vector<16xf32>
    %swap3A_38 = vector.shape_cast %broadcast_in_dim3A_32 : vector<16xf32> to vector<1x16xf32>
    tpu.vector_store %arg8[%swap3A_34, %swap3A_35], %swap3A_38 {strides = array<i32>} : memref<128x16xf32, #tpu.memory_space<vmem>>, vector<1x16xf32>,
    %broadcast_in_dim3A_39 = arith.constant 0.000000e+00 : f32
    %broadcast_in_dim3A_40 = vector.broadcast %broadcast_in_dim3A_39 : f32 to vector<16xf32>
    %swap3A_41 = arith.constant 4 : i32
    %swap3A_42 = arith.index_cast %swap3A_41 : i32 to index
    %swap3A_43 = arith.constant 0 : index
    %swap3A_44 = tpu.vector_load %arg8[%swap3A_42, %swap3A_43] {strides = array<i32>} : memref<128x16xf32, #tpu.memory_space<vmem>>, vector<1x16xf32>,
    %swap3A_45 = vector.shape_cast %swap3A_44 : vector<1x16xf32> to vector<16xf32>
    %swap3A_46 = vector.shape_cast %broadcast_in_dim3A_40 : vector<16xf32> to vector<1x16xf32>
    tpu.vector_store %arg8[%swap3A_42, %swap3A_43], %swap3A_46 {strides = array<i32>} : memref<128x16xf32, #tpu.memory_space<vmem>>, vector<1x16xf32>,
    %broadcast_in_dim3A_47 = arith.constant 0.000000e+00 : f32
    %broadcast_in_dim3A_48 = vector.broadcast %broadcast_in_dim3A_47 : f32 to vector<16xf32>
    %swap3A_49 = arith.constant 5 : i32
    %swap3A_50 = arith.index_cast %swap3A_49 : i32 to index
    %swap3A_51 = arith.constant 0 : index
    %swap3A_52 = tpu.vector_load %arg8[%swap3A_50, %swap3A_51] {strides = array<i32>} : memref<128x16xf32, #tpu.memory_space<vmem>>, vector<1x16xf32>,
    %swap3A_53 = vector.shape_cast %swap3A_52 : vector<1x16xf32> to vector<16xf32>
    %swap3A_54 = vector.shape_cast %broadcast_in_dim3A_48 : vector<16xf32> to vector<1x16xf32>
    tpu.vector_store %arg8[%swap3A_50, %swap3A_51], %swap3A_54 {strides = array<i32>} : memref<128x16xf32, #tpu.memory_space<vmem>>, vector<1x16xf32>,
    %broadcast_in_dim3A_55 = arith.constant 0.000000e+00 : f32
    %broadcast_in_dim3A_56 = vector.broadcast %broadcast_in_dim3A_55 : f32 to vector<16xf32>
    %swap3A_57 = arith.constant 6 : i32
    %swap3A_58 = arith.index_cast %swap3A_57 : i32 to index
    %swap3A_59 = arith.constant 0 : index
    %swap3A_60 = tpu.vector_load %arg8[%swap3A_58, %swap3A_59] {strides = array<i32>} : memref<128x16xf32, #tpu.memory_space<vmem>>, vector<1x16xf32>,
    %swap3A_61 = vector.shape_cast %swap3A_60 : vector<1x16xf32> to vector<16xf32>
    %swap3A_62 = vector.shape_cast %broadcast_in_dim3A_56 : vector<16xf32> to vector<1x16xf32>
    tpu.vector_store %arg8[%swap3A_58, %swap3A_59], %swap3A_62 {strides = array<i32>} : memref<128x16xf32, #tpu.memory_space<vmem>>, vector<1x16xf32>,
    %broadcast_in_dim3A_63 = arith.constant 0.000000e+00 : f32
    %broadcast_in_dim3A_64 = vector.broadcast %broadcast_in_dim3A_63 : f32 to vector<16xf32>
    %swap3A_65 = arith.constant 7 : i32
    %swap3A_66 = arith.index_cast %swap3A_65 : i32 to index
    %swap3A_67 = arith.constant 0 : index
    %swap3A_68 = tpu.vector_load %arg8[%swap3A_66, %swap3A_67] {strides = array<i32>} : memref<128x16xf32, #tpu.memory_space<vmem>>, vector<1x16xf32>,
    %swap3A_69 = vector.shape_cast %swap3A_68 : vector<1x16xf32> to vector<16xf32>
    %swap3A_70 = vector.shape_cast %broadcast_in_dim3A_64 : vector<16xf32> to vector<1x16xf32>
    tpu.vector_store %arg8[%swap3A_66, %swap3A_67], %swap3A_70 {strides = array<i32>} : memref<128x16xf32, #tpu.memory_space<vmem>>, vector<1x16xf32>,
    %broadcast_in_dim3A_71 = arith.constant 0.000000e+00 : f32
    %broadcast_in_dim3A_72 = vector.broadcast %broadcast_in_dim3A_71 : f32 to vector<16xf32>
    %swap3A_73 = arith.constant 8 : i32
    %swap3A_74 = arith.index_cast %swap3A_73 : i32 to index
    %swap3A_75 = arith.constant 0 : index
    %swap3A_76 = tpu.vector_load %arg8[%swap3A_74, %swap3A_75] {strides = array<i32>} : memref<128x16xf32, #tpu.memory_space<vmem>>, vector<1x16xf32>,
    %swap3A_77 = vector.shape_cast %swap3A_76 : vector<1x16xf32> to vector<16xf32>
    %swap3A_78 = vector.shape_cast %broadcast_in_dim3A_72 : vector<16xf32> to vector<1x16xf32>
    tpu.vector_store %arg8[%swap3A_74, %swap3A_75], %swap3A_78 {strides = array<i32>} : memref<128x16xf32, #tpu.memory_space<vmem>>, vector<1x16xf32>,
    %broadcast_in_dim3A_79 = arith.constant 0.000000e+00 : f32
    %broadcast_in_dim3A_80 = vector.broadcast %broadcast_in_dim3A_79 : f32 to vector<16xf32>
    %swap3A_81 = arith.constant 9 : i32
    %swap3A_82 = arith.index_cast %swap3A_81 : i32 to index
    %swap3A_83 = arith.constant 0 : index
    %swap3A_84 = tpu.vector_load %arg8[%swap3A_82, %swap3A_83] {strides = array<i32>} : memref<128x16xf32, #tpu.memory_space<vmem>>, vector<1x16xf32>,
    %swap3A_85 = vector.shape_cast %swap3A_84 : vector<1x16xf32> to vector<16xf32>
    %swap3A_86 = vector.shape_cast %broadcast_in_dim3A_80 : vector<16xf32> to vector<1x16xf32>
    tpu.vector_store %arg8[%swap3A_82, %swap3A_83], %swap3A_86 {strides = array<i32>} : memref<128x16xf32, #tpu.memory_space<vmem>>, vector<1x16xf32>,
    %broadcast_in_dim3A_87 = arith.constant 0.000000e+00 : f32
    %broadcast_in_dim3A_88 = vector.broadcast %broadcast_in_dim3A_87 : f32 to vector<16xf32>
    %swap3A_89 = arith.constant 10 : i32
    %swap3A_90 = arith.index_cast %swap3A_89 : i32 to index
    %swap3A_91 = arith.constant 0 : index
    %swap3A_92 = tpu.vector_load %arg8[%swap3A_90, %swap3A_91] {strides = array<i32>} : memref<128x16xf32, #tpu.memory_space<vmem>>, vector<1x16xf32>,
    %swap3A_93 = vector.shape_cast %swap3A_92 : vector<1x16xf32> to vector<16xf32>
    %swap3A_94 = vector.shape_cast %broadcast_in_dim3A_88 : vector<16xf32> to vector<1x16xf32>
    tpu.vector_store %arg8[%swap3A_90, %swap3A_91], %swap3A_94 {strides = array<i32>} : memref<128x16xf32, #tpu.memory_space<vmem>>, vector<1x16xf32>,
    %broadcast_in_dim3A_95 = arith.constant 0.000000e+00 : f32
    %broadcast_in_dim3A_96 = vector.broadcast %broadcast_in_dim3A_95 : f32 to vector<16xf32>
    %swap3A_97 = arith.constant 11 : i32
    %swap3A_98 = arith.index_cast %swap3A_97 : i32 to index
    %swap3A_99 = arith.constant 0 : index
    %swap3A_100 = tpu.vector_load %arg8[%swap3A_98, %swap3A_99] {strides = array<i32>} : memref<128x16xf32, #tpu.memory_space<vmem>>, vector<1x16xf32>,
    %swap3A_101 = vector.shape_cast %swap3A_100 : vector<1x16xf32> to vector<16xf32>
    %swap3A_102 = vector.shape_cast %broadcast_in_dim3A_96 : vector<16xf32> to vector<1x16xf32>
    tpu.vector_store %arg8[%swap3A_98, %swap3A_99], %swap3A_102 {strides = array<i32>} : memref<128x16xf32, #tpu.memory_space<vmem>>, vector<1x16xf32>,
    %broadcast_in_dim3A_103 = arith.constant 0.000000e+00 : f32
    %broadcast_in_dim3A_104 = vector.broadcast %broadcast_in_dim3A_103 : f32 to vector<16xf32>
    %swap3A_105 = arith.constant 12 : i32
    %swap3A_106 = arith.index_cast %swap3A_105 : i32 to index
    %swap3A_107 = arith.constant 0 : index
    %swap3A_108 = tpu.vector_load %arg8[%swap3A_106, %swap3A_107] {strides = array<i32>} : memref<128x16xf32, #tpu.memory_space<vmem>>, vector<1x16xf32>,
    %swap3A_109 = vector.shape_cast %swap3A_108 : vector<1x16xf32> to vector<16xf32>
    %swap3A_110 = vector.shape_cast %broadcast_in_dim3A_104 : vector<16xf32> to vector<1x16xf32>
    tpu.vector_store %arg8[%swap3A_106, %swap3A_107], %swap3A_110 {strides = array<i32>} : memref<128x16xf32, #tpu.memory_space<vmem>>, vector<1x16xf32>,
    %broadcast_in_dim3A_111 = arith.constant 0.000000e+00 : f32
    %broadcast_in_dim3A_112 = vector.broadcast %broadcast_in_dim3A_111 : f32 to vector<16xf32>
    %swap3A_113 = arith.constant 13 : i32
    %swap3A_114 = arith.index_cast %swap3A_113 : i32 to index
    %swap3A_115 = arith.constant 0 : index
    %swap3A_116 = tpu.vector_load %arg8[%swap3A_114, %swap3A_115] {strides = array<i32>} : memref<128x16xf32, #tpu.memory_space<vmem>>, vector<1x16xf32>,
    %swap3A_117 = vector.shape_cast %swap3A_116 : vector<1x16xf32> to vector<16xf32>
    %swap3A_118 = vector.shape_cast %broadcast_in_dim3A_112 : vector<16xf32> to vector<1x16xf32>
    tpu.vector_store %arg8[%swap3A_114, %swap3A_115], %swap3A_118 {strides = array<i32>} : memref<128x16xf32, #tpu.memory_space<vmem>>, vector<1x16xf32>,
    %broadcast_in_dim3A_119 = arith.constant 0.000000e+00 : f32
    %broadcast_in_dim3A_120 = vector.broadcast %broadcast_in_dim3A_119 : f32 to vector<16xf32>
    %swap3A_121 = arith.constant 14 : i32
    %swap3A_122 = arith.index_cast %swap3A_121 : i32 to index
    %swap3A_123 = arith.constant 0 : index
    %swap3A_124 = tpu.vector_load %arg8[%swap3A_122, %swap3A_123] {strides = array<i32>} : memref<128x16xf32, #tpu.memory_space<vmem>>, vector<1x16xf32>,
    %swap3A_125 = vector.shape_cast %swap3A_124 : vector<1x16xf32> to vector<16xf32>
    %swap3A_126 = vector.shape_cast %broadcast_in_dim3A_120 : vector<16xf32> to vector<1x16xf32>
    tpu.vector_store %arg8[%swap3A_122, %swap3A_123], %swap3A_126 {strides = array<i32>} : memref<128x16xf32, #tpu.memory_space<vmem>>, vector<1x16xf32>,
    %broadcast_in_dim3A_127 = arith.constant 0.000000e+00 : f32
    %broadcast_in_dim3A_128 = vector.broadcast %broadcast_in_dim3A_127 : f32 to vector<16xf32>
    %swap3A_129 = arith.constant 15 : i32
    %swap3A_130 = arith.index_cast %swap3A_129 : i32 to index
    %swap3A_131 = arith.constant 0 : index
    %swap3A_132 = tpu.vector_load %arg8[%swap3A_130, %swap3A_131] {strides = array<i32>} : memref<128x16xf32, #tpu.memory_space<vmem>>, vector<1x16xf32>,
    %swap3A_133 = vector.shape_cast %swap3A_132 : vector<1x16xf32> to vector<16xf32>
    %swap3A_134 = vector.shape_cast %broadcast_in_dim3A_128 : vector<16xf32> to vector<1x16xf32>
    tpu.vector_store %arg8[%swap3A_130, %swap3A_131], %swap3A_134 {strides = array<i32>} : memref<128x16xf32, #tpu.memory_space<vmem>>, vector<1x16xf32>,
    %broadcast_in_dim3A_135 = arith.constant 0.000000e+00 : f32
    %broadcast_in_dim3A_136 = vector.broadcast %broadcast_in_dim3A_135 : f32 to vector<16xf32>
    %swap3A_137 = arith.constant 16 : i32
    %swap3A_138 = arith.index_cast %swap3A_137 : i32 to index
    %swap3A_139 = arith.constant 0 : index
    %swap3A_140 = tpu.vector_load %arg8[%swap3A_138, %swap3A_139] {strides = array<i32>} : memref<128x16xf32, #tpu.memory_space<vmem>>, vector<1x16xf32>,
    %swap3A_141 = vector.shape_cast %swap3A_140 : vector<1x16xf32> to vector<16xf32>
    %swap3A_142 = vector.shape_cast %broadcast_in_dim3A_136 : vector<16xf32> to vector<1x16xf32>
    tpu.vector_store %arg8[%swap3A_138, %swap3A_139], %swap3A_142 {strides = array<i32>} : memref<128x16xf32, #tpu.memory_space<vmem>>, vector<1x16xf32>,
    %broadcast_in_dim3A_143 = arith.constant 0.000000e+00 : f32
    %broadcast_in_dim3A_144 = vector.broadcast %broadcast_in_dim3A_143 : f32 to vector<16xf32>
    %swap3A_145 = arith.constant 17 : i32
    %swap3A_146 = arith.index_cast %swap3A_145 : i32 to index
    %swap3A_147 = arith.constant 0 : index
    %swap3A_148 = tpu.vector_load %arg8[%swap3A_146, %swap3A_147] {strides = array<i32>} : memref<128x16xf32, #tpu.memory_space<vmem>>, vector<1x16xf32>,
    %swap3A_149 = vector.shape_cast %swap3A_148 : vector<1x16xf32> to vector<16xf32>
    %swap3A_150 = vector.shape_cast %broadcast_in_dim3A_144 : vector<16xf32> to vector<1x16xf32>
    tpu.vector_store %arg8[%swap3A_146, %swap3A_147], %swap3A_150 {strides = array<i32>} : memref<128x16xf32, #tpu.memory_space<vmem>>, vector<1x16xf32>,
    %broadcast_in_dim3A_151 = arith.constant 0.000000e+00 : f32
    %broadcast_in_dim3A_152 = vector.broadcast %broadcast_in_dim3A_151 : f32 to vector<16xf32>
    %swap3A_153 = arith.constant 18 : i32
    %swap3A_154 = arith.index_cast %swap3A_153 : i32 to index
    %swap3A_155 = arith.constant 0 : index
    %swap3A_156 = tpu.vector_load %arg8[%swap3A_154, %swap3A_155] {strides = array<i32>} : memref<128x16xf32, #tpu.memory_space<vmem>>, vector<1x16xf32>,
    %swap3A_157 = vector.shape_cast %swap3A_156 : vector<1x16xf32> to vector<16xf32>
    %swap3A_158 = vector.shape_cast %broadcast_in_dim3A_152 : vector<16xf32> to vector<1x16xf32>
    tpu.vector_store %arg8[%swap3A_154, %swap3A_155], %swap3A_158 {strides = array<i32>} : memref<128x16xf32, #tpu.memory_space<vmem>>, vector<1x16xf32>,
    %broadcast_in_dim3A_159 = arith.constant 0.000000e+00 : f32
    %broadcast_in_dim3A_160 = vector.broadcast %broadcast_in_dim3A_159 : f32 to vector<16xf32>
    %swap3A_161 = arith.constant 19 : i32
    %swap3A_162 = arith.index_cast %swap3A_161 : i32 to index
    %swap3A_163 = arith.constant 0 : index
    %swap3A_164 = tpu.vector_load %arg8[%swap3A_162, %swap3A_163] {strides = array<i32>} : memref<128x16xf32, #tpu.memory_space<vmem>>, vector<1x16xf32>,
    %swap3A_165 = vector.shape_cast %swap3A_164 : vector<1x16xf32> to vector<16xf32>
    %swap3A_166 = vector.shape_cast %broadcast_in_dim3A_160 : vector<16xf32> to vector<1x16xf32>
    tpu.vector_store %arg8[%swap3A_162, %swap3A_163], %swap3A_166 {strides = array<i32>} : memref<128x16xf32, #tpu.memory_space<vmem>>, vector<1x16xf32>,
    %broadcast_in_dim3A_167 = arith.constant 0.000000e+00 : f32
    %broadcast_in_dim3A_168 = vector.broadcast %broadcast_in_dim3A_167 : f32 to vector<16xf32>
    %swap3A_169 = arith.constant 20 : i32
    %swap3A_170 = arith.index_cast %swap3A_169 : i32 to index
    %swap3A_171 = arith.constant 0 : index
    %swap3A_172 = tpu.vector_load %arg8[%swap3A_170, %swap3A_171] {strides = array<i32>} : memref<128x16xf32, #tpu.memory_space<vmem>>, vector<1x16xf32>,
    %swap3A_173 = vector.shape_cast %swap3A_172 : vector<1x16xf32> to vector<16xf32>
    %swap3A_174 = vector.shape_cast %broadcast_in_dim3A_168 : vector<16xf32> to vector<1x16xf32>
    tpu.vector_store %arg8[%swap3A_170, %swap3A_171], %swap3A_174 {strides = array<i32>} : memref<128x16xf32, #tpu.memory_space<vmem>>, vector<1x16xf32>,
    %broadcast_in_dim3A_175 = arith.constant 0.000000e+00 : f32
    %broadcast_in_dim3A_176 = vector.broadcast %broadcast_in_dim3A_175 : f32 to vector<16xf32>
    %swap3A_177 = arith.constant 21 : i32
    %swap3A_178 = arith.index_cast %swap3A_177 : i32 to index
    %swap3A_179 = arith.constant 0 : index
    %swap3A_180 = tpu.vector_load %arg8[%swap3A_178, %swap3A_179] {strides = array<i32>} : memref<128x16xf32, #tpu.memory_space<vmem>>, vector<1x16xf32>,
    %swap3A_181 = vector.shape_cast %swap3A_180 : vector<1x16xf32> to vector<16xf32>
    %swap3A_182 = vector.shape_cast %broadcast_in_dim3A_176 : vector<16xf32> to vector<1x16xf32>
    tpu.vector_store %arg8[%swap3A_178, %swap3A_179], %swap3A_182 {strides = array<i32>} : memref<128x16xf32, #tpu.memory_space<vmem>>, vector<1x16xf32>,
    %broadcast_in_dim3A_183 = arith.constant 0.000000e+00 : f32
    %broadcast_in_dim3A_184 = vector.broadcast %broadcast_in_dim3A_183 : f32 to vector<16xf32>
    %swap3A_185 = arith.constant 22 : i32
    %swap3A_186 = arith.index_cast %swap3A_185 : i32 to index
    %swap3A_187 = arith.constant 0 : index
    %swap3A_188 = tpu.vector_load %arg8[%swap3A_186, %swap3A_187] {strides = array<i32>} : memref<128x16xf32, #tpu.memory_space<vmem>>, vector<1x16xf32>,
    %swap3A_189 = vector.shape_cast %swap3A_188 : vector<1x16xf32> to vector<16xf32>
    %swap3A_190 = vector.shape_cast %broadcast_in_dim3A_184 : vector<16xf32> to vector<1x16xf32>
    tpu.vector_store %arg8[%swap3A_186, %swap3A_187], %swap3A_190 {strides = array<i32>} : memref<128x16xf32, #tpu.memory_space<vmem>>, vector<1x16xf32>,
    %broadcast_in_dim3A_191 = arith.constant 0.000000e+00 : f32
    %broadcast_in_dim3A_192 = vector.broadcast %broadcast_in_dim3A_191 : f32 to vector<16xf32>
    %swap3A_193 = arith.constant 23 : i32
    %swap3A_194 = arith.index_cast %swap3A_193 : i32 to index
    %swap3A_195 = arith.constant 0 : index
    %swap3A_196 = tpu.vector_load %arg8[%swap3A_194, %swap3A_195] {strides = array<i32>} : memref<128x16xf32, #tpu.memory_space<vmem>>, vector<1x16xf32>,
    %swap3A_197 = vector.shape_cast %swap3A_196 : vector<1x16xf32> to vector<16xf32>
    %swap3A_198 = vector.shape_cast %broadcast_in_dim3A_192 : vector<16xf32> to vector<1x16xf32>
    tpu.vector_store %arg8[%swap3A_194, %swap3A_195], %swap3A_198 {strides = array<i32>} : memref<128x16xf32, #tpu.memory_space<vmem>>, vector<1x16xf32>,
    %broadcast_in_dim3A_199 = arith.constant 0.000000e+00 : f32
    %broadcast_in_dim3A_200 = vector.broadcast %broadcast_in_dim3A_199 : f32 to vector<16xf32>
    %swap3A_201 = arith.constant 24 : i32
    %swap3A_202 = arith.index_cast %swap3A_201 : i32 to index
    %swap3A_203 = arith.constant 0 : index
    %swap3A_204 = tpu.vector_load %arg8[%swap3A_202, %swap3A_203] {strides = array<i32>} : memref<128x16xf32, #tpu.memory_space<vmem>>, vector<1x16xf32>,
    %swap3A_205 = vector.shape_cast %swap3A_204 : vector<1x16xf32> to vector<16xf32>
    %swap3A_206 = vector.shape_cast %broadcast_in_dim3A_200 : vector<16xf32> to vector<1x16xf32>
    tpu.vector_store %arg8[%swap3A_202, %swap3A_203], %swap3A_206 {strides = array<i32>} : memref<128x16xf32, #tpu.memory_space<vmem>>, vector<1x16xf32>,
    %broadcast_in_dim3A_207 = arith.constant 0.000000e+00 : f32
    %broadcast_in_dim3A_208 = vector.broadcast %broadcast_in_dim3A_207 : f32 to vector<16xf32>
    %swap3A_209 = arith.constant 25 : i32
    %swap3A_210 = arith.index_cast %swap3A_209 : i32 to index
    %swap3A_211 = arith.constant 0 : index
    %swap3A_212 = tpu.vector_load %arg8[%swap3A_210, %swap3A_211] {strides = array<i32>} : memref<128x16xf32, #tpu.memory_space<vmem>>, vector<1x16xf32>,
    %swap3A_213 = vector.shape_cast %swap3A_212 : vector<1x16xf32> to vector<16xf32>
    %swap3A_214 = vector.shape_cast %broadcast_in_dim3A_208 : vector<16xf32> to vector<1x16xf32>
    tpu.vector_store %arg8[%swap3A_210, %swap3A_211], %swap3A_214 {strides = array<i32>} : memref<128x16xf32, #tpu.memory_space<vmem>>, vector<1x16xf32>,
    %broadcast_in_dim3A_215 = arith.constant 0.000000e+00 : f32
    %broadcast_in_dim3A_216 = vector.broadcast %broadcast_in_dim3A_215 : f32 to vector<16xf32>
    %swap3A_217 = arith.constant 26 : i32
    %swap3A_218 = arith.index_cast %swap3A_217 : i32 to index
    %swap3A_219 = arith.constant 0 : index
    %swap3A_220 = tpu.vector_load %arg8[%swap3A_218, %swap3A_219] {strides = array<i32>} : memref<128x16xf32, #tpu.memory_space<vmem>>, vector<1x16xf32>,
    %swap3A_221 = vector.shape_cast %swap3A_220 : vector<1x16xf32> to vector<16xf32>
    %swap3A_222 = vector.shape_cast %broadcast_in_dim3A_216 : vector<16xf32> to vector<1x16xf32>
    tpu.vector_store %arg8[%swap3A_218, %swap3A_219], %swap3A_222 {strides = array<i32>} : memref<128x16xf32, #tpu.memory_space<vmem>>, vector<1x16xf32>,
    %broadcast_in_dim3A_223 = arith.constant 0.000000e+00 : f32
    %broadcast_in_dim3A_224 = vector.broadcast %broadcast_in_dim3A_223 : f32 to vector<16xf32>
    %swap3A_225 = arith.constant 27 : i32
    %swap3A_226 = arith.index_cast %swap3A_225 : i32 to index
    %swap3A_227 = arith.constant 0 : index
    %swap3A_228 = tpu.vector_load %arg8[%swap3A_226, %swap3A_227] {strides = array<i32>} : memref<128x16xf32, #tpu.memory_space<vmem>>, vector<1x16xf32>,
    %swap3A_229 = vector.shape_cast %swap3A_228 : vector<1x16xf32> to vector<16xf32>
    %swap3A_230 = vector.shape_cast %broadcast_in_dim3A_224 : vector<16xf32> to vector<1x16xf32>
    tpu.vector_store %arg8[%swap3A_226, %swap3A_227], %swap3A_230 {strides = array<i32>} : memref<128x16xf32, #tpu.memory_space<vmem>>, vector<1x16xf32>,
    %broadcast_in_dim3A_231 = arith.constant 0.000000e+00 : f32
    %broadcast_in_dim3A_232 = vector.broadcast %broadcast_in_dim3A_231 : f32 to vector<16xf32>
    %swap3A_233 = arith.constant 28 : i32
    %swap3A_234 = arith.index_cast %swap3A_233 : i32 to index
    %swap3A_235 = arith.constant 0 : index
    %swap3A_236 = tpu.vector_load %arg8[%swap3A_234, %swap3A_235] {strides = array<i32>} : memref<128x16xf32, #tpu.memory_space<vmem>>, vector<1x16xf32>,
    %swap3A_237 = vector.shape_cast %swap3A_236 : vector<1x16xf32> to vector<16xf32>
    %swap3A_238 = vector.shape_cast %broadcast_in_dim3A_232 : vector<16xf32> to vector<1x16xf32>
    tpu.vector_store %arg8[%swap3A_234, %swap3A_235], %swap3A_238 {strides = array<i32>} : memref<128x16xf32, #tpu.memory_space<vmem>>, vector<1x16xf32>,
    %broadcast_in_dim3A_239 = arith.constant 0.000000e+00 : f32
    %broadcast_in_dim3A_240 = vector.broadcast %broadcast_in_dim3A_239 : f32 to vector<16xf32>
    %swap3A_241 = arith.constant 29 : i32
    %swap3A_242 = arith.index_cast %swap3A_241 : i32 to index
    %swap3A_243 = arith.constant 0 : index
    %swap3A_244 = tpu.vector_load %arg8[%swap3A_242, %swap3A_243] {strides = array<i32>} : memref<128x16xf32, #tpu.memory_space<vmem>>, vector<1x16xf32>,
    %swap3A_245 = vector.shape_cast %swap3A_244 : vector<1x16xf32> to vector<16xf32>
    %swap3A_246 = vector.shape_cast %broadcast_in_dim3A_240 : vector<16xf32> to vector<1x16xf32>
    tpu.vector_store %arg8[%swap3A_242, %swap3A_243], %swap3A_246 {strides = array<i32>} : memref<128x16xf32, #tpu.memory_space<vmem>>, vector<1x16xf32>,
    %broadcast_in_dim3A_247 = arith.constant 0.000000e+00 : f32
    %broadcast_in_dim3A_248 = vector.broadcast %broadcast_in_dim3A_247 : f32 to vector<16xf32>
    %swap3A_249 = arith.constant 30 : i32
    %swap3A_250 = arith.index_cast %swap3A_249 : i32 to index
    %swap3A_251 = arith.constant 0 : index
    %swap3A_252 = tpu.vector_load %arg8[%swap3A_250, %swap3A_251] {strides = array<i32>} : memref<128x16xf32, #tpu.memory_space<vmem>>, vector<1x16xf32>,
    %swap3A_253 = vector.shape_cast %swap3A_252 : vector<1x16xf32> to vector<16xf32>
    %swap3A_254 = vector.shape_cast %broadcast_in_dim3A_248 : vector<16xf32> to vector<1x16xf32>
    tpu.vector_store %arg8[%swap3A_250, %swap3A_251], %swap3A_254 {strides = array<i32>} : memref<128x16xf32, #tpu.memory_space<vmem>>, vector<1x16xf32>,
    %broadcast_in_dim3A_255 = arith.constant 0.000000e+00 : f32
    %broadcast_in_dim3A_256 = vector.broadcast %broadcast_in_dim3A_255 : f32 to vector<16xf32>
    %swap3A_257 = arith.constant 31 : i32
    %swap3A_258 = arith.index_cast %swap3A_257 : i32 to index
    %swap3A_259 = arith.constant 0 : index
    %swap3A_260 = tpu.vector_load %arg8[%swap3A_258, %swap3A_259] {strides = array<i32>} : memref<128x16xf32, #tpu.memory_space<vmem>>, vector<1x16xf32>,
    %swap3A_261 = vector.shape_cast %swap3A_260 : vector<1x16xf32> to vector<16xf32>
    %swap3A_262 = vector.shape_cast %broadcast_in_dim3A_256 : vector<16xf32> to vector<1x16xf32>
    tpu.vector_store %arg8[%swap3A_258, %swap3A_259], %swap3A_262 {strides = array<i32>} : memref<128x16xf32, #tpu.memory_space<vmem>>, vector<1x16xf32>,
    %broadcast_in_dim3A_263 = arith.constant 0.000000e+00 : f32
    %broadcast_in_dim3A_264 = vector.broadcast %broadcast_in_dim3A_263 : f32 to vector<16xf32>
    %swap3A_265 = arith.constant 32 : i32
    %swap3A_266 = arith.index_cast %swap3A_265 : i32 to index
    %swap3A_267 = arith.constant 0 : index
    %swap3A_268 = tpu.vector_load %arg8[%swap3A_266, %swap3A_267] {strides = array<i32>} : memref<128x16xf32, #tpu.memory_space<vmem>>, vector<1x16xf32>,
    %swap3A_269 = vector.shape_cast %swap3A_268 : vector<1x16xf32> to vector<16xf32>
    %swap3A_270 = vector.shape_cast %broadcast_in_dim3A_264 : vector<16xf32> to vector<1x16xf32>
    tpu.vector_store %arg8[%swap3A_266, %swap3A_267], %swap3A_270 {strides = array<i32>} : memref<128x16xf32, #tpu.memory_space<vmem>>, vector<1x16xf32>,
    %broadcast_in_dim3A_271 = arith.constant 0.000000e+00 : f32
    %broadcast_in_dim3A_272 = vector.broadcast %broadcast_in_dim3A_271 : f32 to vector<16xf32>
    %swap3A_273 = arith.constant 33 : i32
    %swap3A_274 = arith.index_cast %swap3A_273 : i32 to index
    %swap3A_275 = arith.constant 0 : index
    %swap3A_276 = tpu.vector_load %arg8[%swap3A_274, %swap3A_275] {strides = array<i32>} : memref<128x16xf32, #tpu.memory_space<vmem>>, vector<1x16xf32>,
    %swap3A_277 = vector.shape_cast %swap3A_276 : vector<1x16xf32> to vector<16xf32>
    %swap3A_278 = vector.shape_cast %broadcast_in_dim3A_272 : vector<16xf32> to vector<1x16xf32>
    tpu.vector_store %arg8[%swap3A_274, %swap3A_275], %swap3A_278 {strides = array<i32>} : memref<128x16xf32, #tpu.memory_space<vmem>>, vector<1x16xf32>,
    %broadcast_in_dim3A_279 = arith.constant 0.000000e+00 : f32
    %broadcast_in_dim3A_280 = vector.broadcast %broadcast_in_dim3A_279 : f32 to vector<16xf32>
    %swap3A_281 = arith.constant 34 : i32
    %swap3A_282 = arith.index_cast %swap3A_281 : i32 to index
    %swap3A_283 = arith.constant 0 : index
    %swap3A_284 = tpu.vector_load %arg8[%swap3A_282, %swap3A_283] {strides = array<i32>} : memref<128x16xf32, #tpu.memory_space<vmem>>, vector<1x16xf32>,
    %swap3A_285 = vector.shape_cast %swap3A_284 : vector<1x16xf32> to vector<16xf32>
    %swap3A_286 = vector.shape_cast %broadcast_in_dim3A_280 : vector<16xf32> to vector<1x16xf32>
    tpu.vector_store %arg8[%swap3A_282, %swap3A_283], %swap3A_286 {strides = array<i32>} : memref<128x16xf32, #tpu.memory_space<vmem>>, vector<1x16xf32>,
    %broadcast_in_dim3A_287 = arith.constant 0.000000e+00 : f32
    %broadcast_in_dim3A_288 = vector.broadcast %broadcast_in_dim3A_287 : f32 to vector<16xf32>
    %swap3A_289 = arith.constant 35 : i32
    %swap3A_290 = arith.index_cast %swap3A_289 : i32 to index
    %swap3A_291 = arith.constant 0 : index
    %swap3A_292 = tpu.vector_load %arg8[%swap3A_290, %swap3A_291] {strides = array<i32>} : memref<128x16xf32, #tpu.memory_space<vmem>>, vector<1x16xf32>,
    %swap3A_293 = vector.shape_cast %swap3A_292 : vector<1x16xf32> to vector<16xf32>
    %swap3A_294 = vector.shape_cast %broadcast_in_dim3A_288 : vector<16xf32> to vector<1x16xf32>
    tpu.vector_store %arg8[%swap3A_290, %swap3A_291], %swap3A_294 {strides = array<i32>} : memref<128x16xf32, #tpu.memory_space<vmem>>, vector<1x16xf32>,
    %broadcast_in_dim3A_295 = arith.constant 0.000000e+00 : f32
    %broadcast_in_dim3A_296 = vector.broadcast %broadcast_in_dim3A_295 : f32 to vector<16xf32>
    %swap3A_297 = arith.constant 36 : i32
    %swap3A_298 = arith.index_cast %swap3A_297 : i32 to index
    %swap3A_299 = arith.constant 0 : index
    %swap3A_300 = tpu.vector_load %arg8[%swap3A_298, %swap3A_299] {strides = array<i32>} : memref<128x16xf32, #tpu.memory_space<vmem>>, vector<1x16xf32>,
    %swap3A_301 = vector.shape_cast %swap3A_300 : vector<1x16xf32> to vector<16xf32>
    %swap3A_302 = vector.shape_cast %broadcast_in_dim3A_296 : vector<16xf32> to vector<1x16xf32>
    tpu.vector_store %arg8[%swap3A_298, %swap3A_299], %swap3A_302 {strides = array<i32>} : memref<128x16xf32, #tpu.memory_space<vmem>>, vector<1x16xf32>,
    %broadcast_in_dim3A_303 = arith.constant 0.000000e+00 : f32
    %broadcast_in_dim3A_304 = vector.broadcast %broadcast_in_dim3A_303 : f32 to vector<16xf32>
    %swap3A_305 = arith.constant 37 : i32
    %swap3A_306 = arith.index_cast %swap3A_305 : i32 to index
    %swap3A_307 = arith.constant 0 : index
    %swap3A_308 = tpu.vector_load %arg8[%swap3A_306, %swap3A_307] {strides = array<i32>} : memref<128x16xf32, #tpu.memory_space<vmem>>, vector<1x16xf32>,
    %swap3A_309 = vector.shape_cast %swap3A_308 : vector<1x16xf32> to vector<16xf32>
    %swap3A_310 = vector.shape_cast %broadcast_in_dim3A_304 : vector<16xf32> to vector<1x16xf32>
    tpu.vector_store %arg8[%swap3A_306, %swap3A_307], %swap3A_310 {strides = array<i32>} : memref<128x16xf32, #tpu.memory_space<vmem>>, vector<1x16xf32>,
    %broadcast_in_dim3A_311 = arith.constant 0.000000e+00 : f32
    %broadcast_in_dim3A_312 = vector.broadcast %broadcast_in_dim3A_311 : f32 to vector<16xf32>
    %swap3A_313 = arith.constant 38 : i32
    %swap3A_314 = arith.index_cast %swap3A_313 : i32 to index
    %swap3A_315 = arith.constant 0 : index
    %swap3A_316 = tpu.vector_load %arg8[%swap3A_314, %swap3A_315] {strides = array<i32>} : memref<128x16xf32, #tpu.memory_space<vmem>>, vector<1x16xf32>,
    %swap3A_317 = vector.shape_cast %swap3A_316 : vector<1x16xf32> to vector<16xf32>
    %swap3A_318 = vector.shape_cast %broadcast_in_dim3A_312 : vector<16xf32> to vector<1x16xf32>
    tpu.vector_store %arg8[%swap3A_314, %swap3A_315], %swap3A_318 {strides = array<i32>} : memref<128x16xf32, #tpu.memory_space<vmem>>, vector<1x16xf32>,
    %broadcast_in_dim3A_319 = arith.constant 0.000000e+00 : f32
    %broadcast_in_dim3A_320 = vector.broadcast %broadcast_in_dim3A_319 : f32 to vector<16xf32>
    %swap3A_321 = arith.constant 39 : i32
    %swap3A_322 = arith.index_cast %swap3A_321 : i32 to index
    %swap3A_323 = arith.constant 0 : index
    %swap3A_324 = tpu.vector_load %arg8[%swap3A_322, %swap3A_323] {strides = array<i32>} : memref<128x16xf32, #tpu.memory_space<vmem>>, vector<1x16xf32>,
    %swap3A_325 = vector.shape_cast %swap3A_324 : vector<1x16xf32> to vector<16xf32>
    %swap3A_326 = vector.shape_cast %broadcast_in_dim3A_320 : vector<16xf32> to vector<1x16xf32>
    tpu.vector_store %arg8[%swap3A_322, %swap3A_323], %swap3A_326 {strides = array<i32>} : memref<128x16xf32, #tpu.memory_space<vmem>>, vector<1x16xf32>,
    %broadcast_in_dim3A_327 = arith.constant 0.000000e+00 : f32
    %broadcast_in_dim3A_328 = vector.broadcast %broadcast_in_dim3A_327 : f32 to vector<16xf32>
    %swap3A_329 = arith.constant 40 : i32
    %swap3A_330 = arith.index_cast %swap3A_329 : i32 to index
    %swap3A_331 = arith.constant 0 : index
    %swap3A_332 = tpu.vector_load %arg8[%swap3A_330, %swap3A_331] {strides = array<i32>} : memref<128x16xf32, #tpu.memory_space<vmem>>, vector<1x16xf32>,
    %swap3A_333 = vector.shape_cast %swap3A_332 : vector<1x16xf32> to vector<16xf32>
    %swap3A_334 = vector.shape_cast %broadcast_in_dim3A_328 : vector<16xf32> to vector<1x16xf32>
    tpu.vector_store %arg8[%swap3A_330, %swap3A_331], %swap3A_334 {strides = array<i32>} : memref<128x16xf32, #tpu.memory_space<vmem>>, vector<1x16xf32>,
    %broadcast_in_dim3A_335 = arith.constant 0.000000e+00 : f32
    %broadcast_in_dim3A_336 = vector.broadcast %broadcast_in_dim3A_335 : f32 to vector<16xf32>
    %swap3A_337 = arith.constant 41 : i32
    %swap3A_338 = arith.index_cast %swap3A_337 : i32 to index
    %swap3A_339 = arith.constant 0 : index
    %swap3A_340 = tpu.vector_load %arg8[%swap3A_338, %swap3A_339] {strides = array<i32>} : memref<128x16xf32, #tpu.memory_space<vmem>>, vector<1x16xf32>,
    %swap3A_341 = vector.shape_cast %swap3A_340 : vector<1x16xf32> to vector<16xf32>
    %swap3A_342 = vector.shape_cast %broadcast_in_dim3A_336 : vector<16xf32> to vector<1x16xf32>
    tpu.vector_store %arg8[%swap3A_338, %swap3A_339], %swap3A_342 {strides = array<i32>} : memref<128x16xf32, #tpu.memory_space<vmem>>, vector<1x16xf32>,
    %broadcast_in_dim3A_343 = arith.constant 0.000000e+00 : f32
    %broadcast_in_dim3A_344 = vector.broadcast %broadcast_in_dim3A_343 : f32 to vector<16xf32>
    %swap3A_345 = arith.constant 42 : i32
    %swap3A_346 = arith.index_cast %swap3A_345 : i32 to index
    %swap3A_347 = arith.constant 0 : index
    %swap3A_348 = tpu.vector_load %arg8[%swap3A_346, %swap3A_347] {strides = array<i32>} : memref<128x16xf32, #tpu.memory_space<vmem>>, vector<1x16xf32>,
    %swap3A_349 = vector.shape_cast %swap3A_348 : vector<1x16xf32> to vector<16xf32>
    %swap3A_350 = vector.shape_cast %broadcast_in_dim3A_344 : vector<16xf32> to vector<1x16xf32>
    tpu.vector_store %arg8[%swap3A_346, %swap3A_347], %swap3A_350 {strides = array<i32>} : memref<128x16xf32, #tpu.memory_space<vmem>>, vector<1x16xf32>,
    %broadcast_in_dim3A_351 = arith.constant 0.000000e+00 : f32
    %broadcast_in_dim3A_352 = vector.broadcast %broadcast_in_dim3A_351 : f32 to vector<16xf32>
    %swap3A_353 = arith.constant 43 : i32
    %swap3A_354 = arith.index_cast %swap3A_353 : i32 to index
    %swap3A_355 = arith.constant 0 : index
    %swap3A_356 = tpu.vector_load %arg8[%swap3A_354, %swap3A_355] {strides = array<i32>} : memref<128x16xf32, #tpu.memory_space<vmem>>, vector<1x16xf32>,
    %swap3A_357 = vector.shape_cast %swap3A_356 : vector<1x16xf32> to vector<16xf32>
    %swap3A_358 = vector.shape_cast %broadcast_in_dim3A_352 : vector<16xf32> to vector<1x16xf32>
    tpu.vector_store %arg8[%swap3A_354, %swap3A_355], %swap3A_358 {strides = array<i32>} : memref<128x16xf32, #tpu.memory_space<vmem>>, vector<1x16xf32>,
    %broadcast_in_dim3A_359 = arith.constant 0.000000e+00 : f32
    %broadcast_in_dim3A_360 = vector.broadcast %broadcast_in_dim3A_359 : f32 to vector<16xf32>
    %swap3A_361 = arith.constant 44 : i32
    %swap3A_362 = arith.index_cast %swap3A_361 : i32 to index
    %swap3A_363 = arith.constant 0 : index
    %swap3A_364 = tpu.vector_load %arg8[%swap3A_362, %swap3A_363] {strides = array<i32>} : memref<128x16xf32, #tpu.memory_space<vmem>>, vector<1x16xf32>,
    %swap3A_365 = vector.shape_cast %swap3A_364 : vector<1x16xf32> to vector<16xf32>
    %swap3A_366 = vector.shape_cast %broadcast_in_dim3A_360 : vector<16xf32> to vector<1x16xf32>
    tpu.vector_store %arg8[%swap3A_362, %swap3A_363], %swap3A_366 {strides = array<i32>} : memref<128x16xf32, #tpu.memory_space<vmem>>, vector<1x16xf32>,
    %broadcast_in_dim3A_367 = arith.constant 0.000000e+00 : f32
    %broadcast_in_dim3A_368 = vector.broadcast %broadcast_in_dim3A_367 : f32 to vector<16xf32>
    %swap3A_369 = arith.constant 45 : i32
    %swap3A_370 = arith.index_cast %swap3A_369 : i32 to index
    %swap3A_371 = arith.constant 0 : index
    %swap3A_372 = tpu.vector_load %arg8[%swap3A_370, %swap3A_371] {strides = array<i32>} : memref<128x16xf32, #tpu.memory_space<vmem>>, vector<1x16xf32>,
    %swap3A_373 = vector.shape_cast %swap3A_372 : vector<1x16xf32> to vector<16xf32>
    %swap3A_374 = vector.shape_cast %broadcast_in_dim3A_368 : vector<16xf32> to vector<1x16xf32>
    tpu.vector_store %arg8[%swap3A_370, %swap3A_371], %swap3A_374 {strides = array<i32>} : memref<128x16xf32, #tpu.memory_space<vmem>>, vector<1x16xf32>,
    %broadcast_in_dim3A_375 = arith.constant 0.000000e+00 : f32
    %broadcast_in_dim3A_376 = vector.broadcast %broadcast_in_dim3A_375 : f32 to vector<16xf32>
    %swap3A_377 = arith.constant 46 : i32
    %swap3A_378 = arith.index_cast %swap3A_377 : i32 to index
    %swap3A_379 = arith.constant 0 : index
    %swap3A_380 = tpu.vector_load %arg8[%swap3A_378, %swap3A_379] {strides = array<i32>} : memref<128x16xf32, #tpu.memory_space<vmem>>, vector<1x16xf32>,
    %swap3A_381 = vector.shape_cast %swap3A_380 : vector<1x16xf32> to vector<16xf32>
    %swap3A_382 = vector.shape_cast %broadcast_in_dim3A_376 : vector<16xf32> to vector<1x16xf32>
    tpu.vector_store %arg8[%swap3A_378, %swap3A_379], %swap3A_382 {strides = array<i32>} : memref<128x16xf32, #tpu.memory_space<vmem>>, vector<1x16xf32>,
    %broadcast_in_dim3A_383 = arith.constant 0.000000e+00 : f32
    %broadcast_in_dim3A_384 = vector.broadcast %broadcast_in_dim3A_383 : f32 to vector<16xf32>
    %swap3A_385 = arith.constant 47 : i32
    %swap3A_386 = arith.index_cast %swap3A_385 : i32 to index
    %swap3A_387 = arith.constant 0 : index
    %swap3A_388 = tpu.vector_load %arg8[%swap3A_386, %swap3A_387] {strides = array<i32>} : memref<128x16xf32, #tpu.memory_space<vmem>>, vector<1x16xf32>,
    %swap3A_389 = vector.shape_cast %swap3A_388 : vector<1x16xf32> to vector<16xf32>
    %swap3A_390 = vector.shape_cast %broadcast_in_dim3A_384 : vector<16xf32> to vector<1x16xf32>
    tpu.vector_store %arg8[%swap3A_386, %swap3A_387], %swap3A_390 {strides = array<i32>} : memref<128x16xf32, #tpu.memory_space<vmem>>, vector<1x16xf32>,
    %broadcast_in_dim3A_391 = arith.constant 0.000000e+00 : f32
    %broadcast_in_dim3A_392 = vector.broadcast %broadcast_in_dim3A_391 : f32 to vector<16xf32>
    %swap3A_393 = arith.constant 48 : i32
    %swap3A_394 = arith.index_cast %swap3A_393 : i32 to index
    %swap3A_395 = arith.constant 0 : index
    %swap3A_396 = tpu.vector_load %arg8[%swap3A_394, %swap3A_395] {strides = array<i32>} : memref<128x16xf32, #tpu.memory_space<vmem>>, vector<1x16xf32>,
    %swap3A_397 = vector.shape_cast %swap3A_396 : vector<1x16xf32> to vector<16xf32>
    %swap3A_398 = vector.shape_cast %broadcast_in_dim3A_392 : vector<16xf32> to vector<1x16xf32>
    tpu.vector_store %arg8[%swap3A_394, %swap3A_395], %swap3A_398 {strides = array<i32>} : memref<128x16xf32, #tpu.memory_space<vmem>>, vector<1x16xf32>,
    %broadcast_in_dim3A_399 = arith.constant 0.000000e+00 : f32
    %broadcast_in_dim3A_400 = vector.broadcast %broadcast_in_dim3A_399 : f32 to vector<16xf32>
    %swap3A_401 = arith.constant 49 : i32
    %swap3A_402 = arith.index_cast %swap3A_401 : i32 to index
    %swap3A_403 = arith.constant 0 : index
    %swap3A_404 = tpu.vector_load %arg8[%swap3A_402, %swap3A_403] {strides = array<i32>} : memref<128x16xf32, #tpu.memory_space<vmem>>, vector<1x16xf32>,
    %swap3A_405 = vector.shape_cast %swap3A_404 : vector<1x16xf32> to vector<16xf32>
    %swap3A_406 = vector.shape_cast %broadcast_in_dim3A_400 : vector<16xf32> to vector<1x16xf32>
    tpu.vector_store %arg8[%swap3A_402, %swap3A_403], %swap3A_406 {strides = array<i32>} : memref<128x16xf32, #tpu.memory_space<vmem>>, vector<1x16xf32>,
    %broadcast_in_dim3A_407 = arith.constant 0.000000e+00 : f32
    %broadcast_in_dim3A_408 = vector.broadcast %broadcast_in_dim3A_407 : f32 to vector<16xf32>
    %swap3A_409 = arith.constant 50 : i32
    %swap3A_410 = arith.index_cast %swap3A_409 : i32 to index
    %swap3A_411 = arith.constant 0 : index
    %swap3A_412 = tpu.vector_load %arg8[%swap3A_410, %swap3A_411] {strides = array<i32>} : memref<128x16xf32, #tpu.memory_space<vmem>>, vector<1x16xf32>,
    %swap3A_413 = vector.shape_cast %swap3A_412 : vector<1x16xf32> to vector<16xf32>
    %swap3A_414 = vector.shape_cast %broadcast_in_dim3A_408 : vector<16xf32> to vector<1x16xf32>
    tpu.vector_store %arg8[%swap3A_410, %swap3A_411], %swap3A_414 {strides = array<i32>} : memref<128x16xf32, #tpu.memory_space<vmem>>, vector<1x16xf32>,
    %broadcast_in_dim3A_415 = arith.constant 0.000000e+00 : f32
    %broadcast_in_dim3A_416 = vector.broadcast %broadcast_in_dim3A_415 : f32 to vector<16xf32>
    %swap3A_417 = arith.constant 51 : i32
    %swap3A_418 = arith.index_cast %swap3A_417 : i32 to index
    %swap3A_419 = arith.constant 0 : index
    %swap3A_420 = tpu.vector_load %arg8[%swap3A_418, %swap3A_419] {strides = array<i32>} : memref<128x16xf32, #tpu.memory_space<vmem>>, vector<1x16xf32>,
    %swap3A_421 = vector.shape_cast %swap3A_420 : vector<1x16xf32> to vector<16xf32>
    %swap3A_422 = vector.shape_cast %broadcast_in_dim3A_416 : vector<16xf32> to vector<1x16xf32>
    tpu.vector_store %arg8[%swap3A_418, %swap3A_419], %swap3A_422 {strides = array<i32>} : memref<128x16xf32, #tpu.memory_space<vmem>>, vector<1x16xf32>,
    %broadcast_in_dim3A_423 = arith.constant 0.000000e+00 : f32
    %broadcast_in_dim3A_424 = vector.broadcast %broadcast_in_dim3A_423 : f32 to vector<16xf32>
    %swap3A_425 = arith.constant 52 : i32
    %swap3A_426 = arith.index_cast %swap3A_425 : i32 to index
    %swap3A_427 = arith.constant 0 : index
    %swap3A_428 = tpu.vector_load %arg8[%swap3A_426, %swap3A_427] {strides = array<i32>} : memref<128x16xf32, #tpu.memory_space<vmem>>, vector<1x16xf32>,
    %swap3A_429 = vector.shape_cast %swap3A_428 : vector<1x16xf32> to vector<16xf32>
    %swap3A_430 = vector.shape_cast %broadcast_in_dim3A_424 : vector<16xf32> to vector<1x16xf32>
    tpu.vector_store %arg8[%swap3A_426, %swap3A_427], %swap3A_430 {strides = array<i32>} : memref<128x16xf32, #tpu.memory_space<vmem>>, vector<1x16xf32>,
    %broadcast_in_dim3A_431 = arith.constant 0.000000e+00 : f32
    %broadcast_in_dim3A_432 = vector.broadcast %broadcast_in_dim3A_431 : f32 to vector<16xf32>
    %swap3A_433 = arith.constant 53 : i32
    %swap3A_434 = arith.index_cast %swap3A_433 : i32 to index
    %swap3A_435 = arith.constant 0 : index
    %swap3A_436 = tpu.vector_load %arg8[%swap3A_434, %swap3A_435] {strides = array<i32>} : memref<128x16xf32, #tpu.memory_space<vmem>>, vector<1x16xf32>,
    %swap3A_437 = vector.shape_cast %swap3A_436 : vector<1x16xf32> to vector<16xf32>
    %swap3A_438 = vector.shape_cast %broadcast_in_dim3A_432 : vector<16xf32> to vector<1x16xf32>
    tpu.vector_store %arg8[%swap3A_434, %swap3A_435], %swap3A_438 {strides = array<i32>} : memref<128x16xf32, #tpu.memory_space<vmem>>, vector<1x16xf32>,
    %broadcast_in_dim3A_439 = arith.constant 0.000000e+00 : f32
    %broadcast_in_dim3A_440 = vector.broadcast %broadcast_in_dim3A_439 : f32 to vector<16xf32>
    %swap3A_441 = arith.constant 54 : i32
    %swap3A_442 = arith.index_cast %swap3A_441 : i32 to index
    %swap3A_443 = arith.constant 0 : index
    %swap3A_444 = tpu.vector_load %arg8[%swap3A_442, %swap3A_443] {strides = array<i32>} : memref<128x16xf32, #tpu.memory_space<vmem>>, vector<1x16xf32>,
    %swap3A_445 = vector.shape_cast %swap3A_444 : vector<1x16xf32> to vector<16xf32>
    %swap3A_446 = vector.shape_cast %broadcast_in_dim3A_440 : vector<16xf32> to vector<1x16xf32>
    tpu.vector_store %arg8[%swap3A_442, %swap3A_443], %swap3A_446 {strides = array<i32>} : memref<128x16xf32, #tpu.memory_space<vmem>>, vector<1x16xf32>,
    %broadcast_in_dim3A_447 = arith.constant 0.000000e+00 : f32
    %broadcast_in_dim3A_448 = vector.broadcast %broadcast_in_dim3A_447 : f32 to vector<16xf32>
    %swap3A_449 = arith.constant 55 : i32
    %swap3A_450 = arith.index_cast %swap3A_449 : i32 to index
    %swap3A_451 = arith.constant 0 : index
    %swap3A_452 = tpu.vector_load %arg8[%swap3A_450, %swap3A_451] {strides = array<i32>} : memref<128x16xf32, #tpu.memory_space<vmem>>, vector<1x16xf32>,
    %swap3A_453 = vector.shape_cast %swap3A_452 : vector<1x16xf32> to vector<16xf32>
    %swap3A_454 = vector.shape_cast %broadcast_in_dim3A_448 : vector<16xf32> to vector<1x16xf32>
    tpu.vector_store %arg8[%swap3A_450, %swap3A_451], %swap3A_454 {strides = array<i32>} : memref<128x16xf32, #tpu.memory_space<vmem>>, vector<1x16xf32>,
    %broadcast_in_dim3A_455 = arith.constant 0.000000e+00 : f32
    %broadcast_in_dim3A_456 = vector.broadcast %broadcast_in_dim3A_455 : f32 to vector<16xf32>
    %swap3A_457 = arith.constant 56 : i32
    %swap3A_458 = arith.index_cast %swap3A_457 : i32 to index
    %swap3A_459 = arith.constant 0 : index
    %swap3A_460 = tpu.vector_load %arg8[%swap3A_458, %swap3A_459] {strides = array<i32>} : memref<128x16xf32, #tpu.memory_space<vmem>>, vector<1x16xf32>,
    %swap3A_461 = vector.shape_cast %swap3A_460 : vector<1x16xf32> to vector<16xf32>
    %swap3A_462 = vector.shape_cast %broadcast_in_dim3A_456 : vector<16xf32> to vector<1x16xf32>
    tpu.vector_store %arg8[%swap3A_458, %swap3A_459], %swap3A_462 {strides = array<i32>} : memref<128x16xf32, #tpu.memory_space<vmem>>, vector<1x16xf32>,
    %broadcast_in_dim3A_463 = arith.constant 0.000000e+00 : f32
    %broadcast_in_dim3A_464 = vector.broadcast %broadcast_in_dim3A_463 : f32 to vector<16xf32>
    %swap3A_465 = arith.constant 57 : i32
    %swap3A_466 = arith.index_cast %swap3A_465 : i32 to index
    %swap3A_467 = arith.constant 0 : index
    %swap3A_468 = tpu.vector_load %arg8[%swap3A_466, %swap3A_467] {strides = array<i32>} : memref<128x16xf32, #tpu.memory_space<vmem>>, vector<1x16xf32>,
    %swap3A_469 = vector.shape_cast %swap3A_468 : vector<1x16xf32> to vector<16xf32>
    %swap3A_470 = vector.shape_cast %broadcast_in_dim3A_464 : vector<16xf32> to vector<1x16xf32>
    tpu.vector_store %arg8[%swap3A_466, %swap3A_467], %swap3A_470 {strides = array<i32>} : memref<128x16xf32, #tpu.memory_space<vmem>>, vector<1x16xf32>,
    %broadcast_in_dim3A_471 = arith.constant 0.000000e+00 : f32
    %broadcast_in_dim3A_472 = vector.broadcast %broadcast_in_dim3A_471 : f32 to vector<16xf32>
    %swap3A_473 = arith.constant 58 : i32
    %swap3A_474 = arith.index_cast %swap3A_473 : i32 to index
    %swap3A_475 = arith.constant 0 : index
    %swap3A_476 = tpu.vector_load %arg8[%swap3A_474, %swap3A_475] {strides = array<i32>} : memref<128x16xf32, #tpu.memory_space<vmem>>, vector<1x16xf32>,
    %swap3A_477 = vector.shape_cast %swap3A_476 : vector<1x16xf32> to vector<16xf32>
    %swap3A_478 = vector.shape_cast %broadcast_in_dim3A_472 : vector<16xf32> to vector<1x16xf32>
    tpu.vector_store %arg8[%swap3A_474, %swap3A_475], %swap3A_478 {strides = array<i32>} : memref<128x16xf32, #tpu.memory_space<vmem>>, vector<1x16xf32>,
    %broadcast_in_dim3A_479 = arith.constant 0.000000e+00 : f32
    %broadcast_in_dim3A_480 = vector.broadcast %broadcast_in_dim3A_479 : f32 to vector<16xf32>
    %swap3A_481 = arith.constant 59 : i32
    %swap3A_482 = arith.index_cast %swap3A_481 : i32 to index
    %swap3A_483 = arith.constant 0 : index
    %swap3A_484 = tpu.vector_load %arg8[%swap3A_482, %swap3A_483] {strides = array<i32>} : memref<128x16xf32, #tpu.memory_space<vmem>>, vector<1x16xf32>,
    %swap3A_485 = vector.shape_cast %swap3A_484 : vector<1x16xf32> to vector<16xf32>
    %swap3A_486 = vector.shape_cast %broadcast_in_dim3A_480 : vector<16xf32> to vector<1x16xf32>
    tpu.vector_store %arg8[%swap3A_482, %swap3A_483], %swap3A_486 {strides = array<i32>} : memref<128x16xf32, #tpu.memory_space<vmem>>, vector<1x16xf32>,
    %broadcast_in_dim3A_487 = arith.constant 0.000000e+00 : f32
    %broadcast_in_dim3A_488 = vector.broadcast %broadcast_in_dim3A_487 : f32 to vector<16xf32>
    %swap3A_489 = arith.constant 60 : i32
    %swap3A_490 = arith.index_cast %swap3A_489 : i32 to index
    %swap3A_491 = arith.constant 0 : index
    %swap3A_492 = tpu.vector_load %arg8[%swap3A_490, %swap3A_491] {strides = array<i32>} : memref<128x16xf32, #tpu.memory_space<vmem>>, vector<1x16xf32>,
    %swap3A_493 = vector.shape_cast %swap3A_492 : vector<1x16xf32> to vector<16xf32>
    %swap3A_494 = vector.shape_cast %broadcast_in_dim3A_488 : vector<16xf32> to vector<1x16xf32>
    tpu.vector_store %arg8[%swap3A_490, %swap3A_491], %swap3A_494 {strides = array<i32>} : memref<128x16xf32, #tpu.memory_space<vmem>>, vector<1x16xf32>,
    %broadcast_in_dim3A_495 = arith.constant 0.000000e+00 : f32
    %broadcast_in_dim3A_496 = vector.broadcast %broadcast_in_dim3A_495 : f32 to vector<16xf32>
    %swap3A_497 = arith.constant 61 : i32
    %swap3A_498 = arith.index_cast %swap3A_497 : i32 to index
    %swap3A_499 = arith.constant 0 : index
    %swap3A_500 = tpu.vector_load %arg8[%swap3A_498, %swap3A_499] {strides = array<i32>} : memref<128x16xf32, #tpu.memory_space<vmem>>, vector<1x16xf32>,
    %swap3A_501 = vector.shape_cast %swap3A_500 : vector<1x16xf32> to vector<16xf32>
    %swap3A_502 = vector.shape_cast %broadcast_in_dim3A_496 : vector<16xf32> to vector<1x16xf32>
    tpu.vector_store %arg8[%swap3A_498, %swap3A_499], %swap3A_502 {strides = array<i32>} : memref<128x16xf32, #tpu.memory_space<vmem>>, vector<1x16xf32>,
    %broadcast_in_dim3A_503 = arith.constant 0.000000e+00 : f32
    %broadcast_in_dim3A_504 = vector.broadcast %broadcast_in_dim3A_503 : f32 to vector<16xf32>
    %swap3A_505 = arith.constant 62 : i32
    %swap3A_506 = arith.index_cast %swap3A_505 : i32 to index
    %swap3A_507 = arith.constant 0 : index
    %swap3A_508 = tpu.vector_load %arg8[%swap3A_506, %swap3A_507] {strides = array<i32>} : memref<128x16xf32, #tpu.memory_space<vmem>>, vector<1x16xf32>,
    %swap3A_509 = vector.shape_cast %swap3A_508 : vector<1x16xf32> to vector<16xf32>
    %swap3A_510 = vector.shape_cast %broadcast_in_dim3A_504 : vector<16xf32> to vector<1x16xf32>
    tpu.vector_store %arg8[%swap3A_506, %swap3A_507], %swap3A_510 {strides = array<i32>} : memref<128x16xf32, #tpu.memory_space<vmem>>, vector<1x16xf32>,
    %broadcast_in_dim3A_511 = arith.constant 0.000000e+00 : f32
    %broadcast_in_dim3A_512 = vector.broadcast %broadcast_in_dim3A_511 : f32 to vector<16xf32>
    %swap3A_513 = arith.constant 63 : i32
    %swap3A_514 = arith.index_cast %swap3A_513 : i32 to index
    %swap3A_515 = arith.constant 0 : index
    %swap3A_516 = tpu.vector_load %arg8[%swap3A_514, %swap3A_515] {strides = array<i32>} : memref<128x16xf32, #tpu.memory_space<vmem>>, vector<1x16xf32>,
    %swap3A_517 = vector.shape_cast %swap3A_516 : vector<1x16xf32> to vector<16xf32>
    %swap3A_518 = vector.shape_cast %broadcast_in_dim3A_512 : vector<16xf32> to vector<1x16xf32>
    tpu.vector_store %arg8[%swap3A_514, %swap3A_515], %swap3A_518 {strides = array<i32>} : memref<128x16xf32, #tpu.memory_space<vmem>>, vector<1x16xf32>,
    %broadcast_in_dim3A_519 = arith.constant 0.000000e+00 : f32
    %broadcast_in_dim3A_520 = vector.broadcast %broadcast_in_dim3A_519 : f32 to vector<16xf32>
    %swap3A_521 = arith.constant 64 : i32
    %swap3A_522 = arith.index_cast %swap3A_521 : i32 to index
    %swap3A_523 = arith.constant 0 : index
    %swap3A_524 = tpu.vector_load %arg8[%swap3A_522, %swap3A_523] {strides = array<i32>} : memref<128x16xf32, #tpu.memory_space<vmem>>, vector<1x16xf32>,
    %swap3A_525 = vector.shape_cast %swap3A_524 : vector<1x16xf32> to vector<16xf32>
    %swap3A_526 = vector.shape_cast %broadcast_in_dim3A_520 : vector<16xf32> to vector<1x16xf32>
    tpu.vector_store %arg8[%swap3A_522, %swap3A_523], %swap3A_526 {strides = array<i32>} : memref<128x16xf32, #tpu.memory_space<vmem>>, vector<1x16xf32>,
    %broadcast_in_dim3A_527 = arith.constant 0.000000e+00 : f32
    %broadcast_in_dim3A_528 = vector.broadcast %broadcast_in_dim3A_527 : f32 to vector<16xf32>
    %swap3A_529 = arith.constant 65 : i32
    %swap3A_530 = arith.index_cast %swap3A_529 : i32 to index
    %swap3A_531 = arith.constant 0 : index
    %swap3A_532 = tpu.vector_load %arg8[%swap3A_530, %swap3A_531] {strides = array<i32>} : memref<128x16xf32, #tpu.memory_space<vmem>>, vector<1x16xf32>,
    %swap3A_533 = vector.shape_cast %swap3A_532 : vector<1x16xf32> to vector<16xf32>
    %swap3A_534 = vector.shape_cast %broadcast_in_dim3A_528 : vector<16xf32> to vector<1x16xf32>
    tpu.vector_store %arg8[%swap3A_530, %swap3A_531], %swap3A_534 {strides = array<i32>} : memref<128x16xf32, #tpu.memory_space<vmem>>, vector<1x16xf32>,
    %broadcast_in_dim3A_535 = arith.constant 0.000000e+00 : f32
    %broadcast_in_dim3A_536 = vector.broadcast %broadcast_in_dim3A_535 : f32 to vector<16xf32>
    %swap3A_537 = arith.constant 66 : i32
    %swap3A_538 = arith.index_cast %swap3A_537 : i32 to index
    %swap3A_539 = arith.constant 0 : index
    %swap3A_540 = tpu.vector_load %arg8[%swap3A_538, %swap3A_539] {strides = array<i32>} : memref<128x16xf32, #tpu.memory_space<vmem>>, vector<1x16xf32>,
    %swap3A_541 = vector.shape_cast %swap3A_540 : vector<1x16xf32> to vector<16xf32>
    %swap3A_542 = vector.shape_cast %broadcast_in_dim3A_536 : vector<16xf32> to vector<1x16xf32>
    tpu.vector_store %arg8[%swap3A_538, %swap3A_539], %swap3A_542 {strides = array<i32>} : memref<128x16xf32, #tpu.memory_space<vmem>>, vector<1x16xf32>,
    %broadcast_in_dim3A_543 = arith.constant 0.000000e+00 : f32
    %broadcast_in_dim3A_544 = vector.broadcast %broadcast_in_dim3A_543 : f32 to vector<16xf32>
    %swap3A_545 = arith.constant 67 : i32
    %swap3A_546 = arith.index_cast %swap3A_545 : i32 to index
    %swap3A_547 = arith.constant 0 : index
    %swap3A_548 = tpu.vector_load %arg8[%swap3A_546, %swap3A_547] {strides = array<i32>} : memref<128x16xf32, #tpu.memory_space<vmem>>, vector<1x16xf32>,
    %swap3A_549 = vector.shape_cast %swap3A_548 : vector<1x16xf32> to vector<16xf32>
    %swap3A_550 = vector.shape_cast %broadcast_in_dim3A_544 : vector<16xf32> to vector<1x16xf32>
    tpu.vector_store %arg8[%swap3A_546, %swap3A_547], %swap3A_550 {strides = array<i32>} : memref<128x16xf32, #tpu.memory_space<vmem>>, vector<1x16xf32>,
    %broadcast_in_dim3A_551 = arith.constant 0.000000e+00 : f32
    %broadcast_in_dim3A_552 = vector.broadcast %broadcast_in_dim3A_551 : f32 to vector<16xf32>
    %swap3A_553 = arith.constant 68 : i32
    %swap3A_554 = arith.index_cast %swap3A_553 : i32 to index
    %swap3A_555 = arith.constant 0 : index
    %swap3A_556 = tpu.vector_load %arg8[%swap3A_554, %swap3A_555] {strides = array<i32>} : memref<128x16xf32, #tpu.memory_space<vmem>>, vector<1x16xf32>,
    %swap3A_557 = vector.shape_cast %swap3A_556 : vector<1x16xf32> to vector<16xf32>
    %swap3A_558 = vector.shape_cast %broadcast_in_dim3A_552 : vector<16xf32> to vector<1x16xf32>
    tpu.vector_store %arg8[%swap3A_554, %swap3A_555], %swap3A_558 {strides = array<i32>} : memref<128x16xf32, #tpu.memory_space<vmem>>, vector<1x16xf32>,
    %broadcast_in_dim3A_559 = arith.constant 0.000000e+00 : f32
    %broadcast_in_dim3A_560 = vector.broadcast %broadcast_in_dim3A_559 : f32 to vector<16xf32>
    %swap3A_561 = arith.constant 69 : i32
    %swap3A_562 = arith.index_cast %swap3A_561 : i32 to index
    %swap3A_563 = arith.constant 0 : index
    %swap3A_564 = tpu.vector_load %arg8[%swap3A_562, %swap3A_563] {strides = array<i32>} : memref<128x16xf32, #tpu.memory_space<vmem>>, vector<1x16xf32>,
    %swap3A_565 = vector.shape_cast %swap3A_564 : vector<1x16xf32> to vector<16xf32>
    %swap3A_566 = vector.shape_cast %broadcast_in_dim3A_560 : vector<16xf32> to vector<1x16xf32>
    tpu.vector_store %arg8[%swap3A_562, %swap3A_563], %swap3A_566 {strides = array<i32>} : memref<128x16xf32, #tpu.memory_space<vmem>>, vector<1x16xf32>,
    %broadcast_in_dim3A_567 = arith.constant 0.000000e+00 : f32
    %broadcast_in_dim3A_568 = vector.broadcast %broadcast_in_dim3A_567 : f32 to vector<16xf32>
    %swap3A_569 = arith.constant 70 : i32
    %swap3A_570 = arith.index_cast %swap3A_569 : i32 to index
    %swap3A_571 = arith.constant 0 : index
    %swap3A_572 = tpu.vector_load %arg8[%swap3A_570, %swap3A_571] {strides = array<i32>} : memref<128x16xf32, #tpu.memory_space<vmem>>, vector<1x16xf32>,
    %swap3A_573 = vector.shape_cast %swap3A_572 : vector<1x16xf32> to vector<16xf32>
    %swap3A_574 = vector.shape_cast %broadcast_in_dim3A_568 : vector<16xf32> to vector<1x16xf32>
    tpu.vector_store %arg8[%swap3A_570, %swap3A_571], %swap3A_574 {strides = array<i32>} : memref<128x16xf32, #tpu.memory_space<vmem>>, vector<1x16xf32>,
    %broadcast_in_dim3A_575 = arith.constant 0.000000e+00 : f32
    %broadcast_in_dim3A_576 = vector.broadcast %broadcast_in_dim3A_575 : f32 to vector<16xf32>
    %swap3A_577 = arith.constant 71 : i32
    %swap3A_578 = arith.index_cast %swap3A_577 : i32 to index
    %swap3A_579 = arith.constant 0 : index
    %swap3A_580 = tpu.vector_load %arg8[%swap3A_578, %swap3A_579] {strides = array<i32>} : memref<128x16xf32, #tpu.memory_space<vmem>>, vector<1x16xf32>,
    %swap3A_581 = vector.shape_cast %swap3A_580 : vector<1x16xf32> to vector<16xf32>
    %swap3A_582 = vector.shape_cast %broadcast_in_dim3A_576 : vector<16xf32> to vector<1x16xf32>
    tpu.vector_store %arg8[%swap3A_578, %swap3A_579], %swap3A_582 {strides = array<i32>} : memref<128x16xf32, #tpu.memory_space<vmem>>, vector<1x16xf32>,
    %broadcast_in_dim3A_583 = arith.constant 0.000000e+00 : f32
    %broadcast_in_dim3A_584 = vector.broadcast %broadcast_in_dim3A_583 : f32 to vector<16xf32>
    %swap3A_585 = arith.constant 72 : i32
    %swap3A_586 = arith.index_cast %swap3A_585 : i32 to index
    %swap3A_587 = arith.constant 0 : index
    %swap3A_588 = tpu.vector_load %arg8[%swap3A_586, %swap3A_587] {strides = array<i32>} : memref<128x16xf32, #tpu.memory_space<vmem>>, vector<1x16xf32>,
    %swap3A_589 = vector.shape_cast %swap3A_588 : vector<1x16xf32> to vector<16xf32>
    %swap3A_590 = vector.shape_cast %broadcast_in_dim3A_584 : vector<16xf32> to vector<1x16xf32>
    tpu.vector_store %arg8[%swap3A_586, %swap3A_587], %swap3A_590 {strides = array<i32>} : memref<128x16xf32, #tpu.memory_space<vmem>>, vector<1x16xf32>,
    %broadcast_in_dim3A_591 = arith.constant 0.000000e+00 : f32
    %broadcast_in_dim3A_592 = vector.broadcast %broadcast_in_dim3A_591 : f32 to vector<16xf32>
    %swap3A_593 = arith.constant 73 : i32
    %swap3A_594 = arith.index_cast %swap3A_593 : i32 to index
    %swap3A_595 = arith.constant 0 : index
    %swap3A_596 = tpu.vector_load %arg8[%swap3A_594, %swap3A_595] {strides = array<i32>} : memref<128x16xf32, #tpu.memory_space<vmem>>, vector<1x16xf32>,
    %swap3A_597 = vector.shape_cast %swap3A_596 : vector<1x16xf32> to vector<16xf32>
    %swap3A_598 = vector.shape_cast %broadcast_in_dim3A_592 : vector<16xf32> to vector<1x16xf32>
    tpu.vector_store %arg8[%swap3A_594, %swap3A_595], %swap3A_598 {strides = array<i32>} : memref<128x16xf32, #tpu.memory_space<vmem>>, vector<1x16xf32>,
    %broadcast_in_dim3A_599 = arith.constant 0.000000e+00 : f32
    %broadcast_in_dim3A_600 = vector.broadcast %broadcast_in_dim3A_599 : f32 to vector<16xf32>
    %swap3A_601 = arith.constant 74 : i32
    %swap3A_602 = arith.index_cast %swap3A_601 : i32 to index
    %swap3A_603 = arith.constant 0 : index
    %swap3A_604 = tpu.vector_load %arg8[%swap3A_602, %swap3A_603] {strides = array<i32>} : memref<128x16xf32, #tpu.memory_space<vmem>>, vector<1x16xf32>,
    %swap3A_605 = vector.shape_cast %swap3A_604 : vector<1x16xf32> to vector<16xf32>
    %swap3A_606 = vector.shape_cast %broadcast_in_dim3A_600 : vector<16xf32> to vector<1x16xf32>
    tpu.vector_store %arg8[%swap3A_602, %swap3A_603], %swap3A_606 {strides = array<i32>} : memref<128x16xf32, #tpu.memory_space<vmem>>, vector<1x16xf32>,
    %broadcast_in_dim3A_607 = arith.constant 0.000000e+00 : f32
    %broadcast_in_dim3A_608 = vector.broadcast %broadcast_in_dim3A_607 : f32 to vector<16xf32>
    %swap3A_609 = arith.constant 75 : i32
    %swap3A_610 = arith.index_cast %swap3A_609 : i32 to index
    %swap3A_611 = arith.constant 0 : index
    %swap3A_612 = tpu.vector_load %arg8[%swap3A_610, %swap3A_611] {strides = array<i32>} : memref<128x16xf32, #tpu.memory_space<vmem>>, vector<1x16xf32>,
    %swap3A_613 = vector.shape_cast %swap3A_612 : vector<1x16xf32> to vector<16xf32>
    %swap3A_614 = vector.shape_cast %broadcast_in_dim3A_608 : vector<16xf32> to vector<1x16xf32>
    tpu.vector_store %arg8[%swap3A_610, %swap3A_611], %swap3A_614 {strides = array<i32>} : memref<128x16xf32, #tpu.memory_space<vmem>>, vector<1x16xf32>,
    %broadcast_in_dim3A_615 = arith.constant 0.000000e+00 : f32
    %broadcast_in_dim3A_616 = vector.broadcast %broadcast_in_dim3A_615 : f32 to vector<16xf32>
    %swap3A_617 = arith.constant 76 : i32
    %swap3A_618 = arith.index_cast %swap3A_617 : i32 to index
    %swap3A_619 = arith.constant 0 : index
    %swap3A_620 = tpu.vector_load %arg8[%swap3A_618, %swap3A_619] {strides = array<i32>} : memref<128x16xf32, #tpu.memory_space<vmem>>, vector<1x16xf32>,
    %swap3A_621 = vector.shape_cast %swap3A_620 : vector<1x16xf32> to vector<16xf32>
    %swap3A_622 = vector.shape_cast %broadcast_in_dim3A_616 : vector<16xf32> to vector<1x16xf32>
    tpu.vector_store %arg8[%swap3A_618, %swap3A_619], %swap3A_622 {strides = array<i32>} : memref<128x16xf32, #tpu.memory_space<vmem>>, vector<1x16xf32>,
    %broadcast_in_dim3A_623 = arith.constant 0.000000e+00 : f32
    %broadcast_in_dim3A_624 = vector.broadcast %broadcast_in_dim3A_623 : f32 to vector<16xf32>
    %swap3A_625 = arith.constant 77 : i32
    %swap3A_626 = arith.index_cast %swap3A_625 : i32 to index
    %swap3A_627 = arith.constant 0 : index
    %swap3A_628 = tpu.vector_load %arg8[%swap3A_626, %swap3A_627] {strides = array<i32>} : memref<128x16xf32, #tpu.memory_space<vmem>>, vector<1x16xf32>,
    %swap3A_629 = vector.shape_cast %swap3A_628 : vector<1x16xf32> to vector<16xf32>
    %swap3A_630 = vector.shape_cast %broadcast_in_dim3A_624 : vector<16xf32> to vector<1x16xf32>
    tpu.vector_store %arg8[%swap3A_626, %swap3A_627], %swap3A_630 {strides = array<i32>} : memref<128x16xf32, #tpu.memory_space<vmem>>, vector<1x16xf32>,
    %broadcast_in_dim3A_631 = arith.constant 0.000000e+00 : f32
    %broadcast_in_dim3A_632 = vector.broadcast %broadcast_in_dim3A_631 : f32 to vector<16xf32>
    %swap3A_633 = arith.constant 78 : i32
    %swap3A_634 = arith.index_cast %swap3A_633 : i32 to index
    %swap3A_635 = arith.constant 0 : index
    %swap3A_636 = tpu.vector_load %arg8[%swap3A_634, %swap3A_635] {strides = array<i32>} : memref<128x16xf32, #tpu.memory_space<vmem>>, vector<1x16xf32>,
    %swap3A_637 = vector.shape_cast %swap3A_636 : vector<1x16xf32> to vector<16xf32>
    %swap3A_638 = vector.shape_cast %broadcast_in_dim3A_632 : vector<16xf32> to vector<1x16xf32>
    tpu.vector_store %arg8[%swap3A_634, %swap3A_635], %swap3A_638 {strides = array<i32>} : memref<128x16xf32, #tpu.memory_space<vmem>>, vector<1x16xf32>,
    %broadcast_in_dim3A_639 = arith.constant 0.000000e+00 : f32
    %broadcast_in_dim3A_640 = vector.broadcast %broadcast_in_dim3A_639 : f32 to vector<16xf32>
    %swap3A_641 = arith.constant 79 : i32
    %swap3A_642 = arith.index_cast %swap3A_641 : i32 to index
    %swap3A_643 = arith.constant 0 : index
    %swap3A_644 = tpu.vector_load %arg8[%swap3A_642, %swap3A_643] {strides = array<i32>} : memref<128x16xf32, #tpu.memory_space<vmem>>, vector<1x16xf32>,
    %swap3A_645 = vector.shape_cast %swap3A_644 : vector<1x16xf32> to vector<16xf32>
    %swap3A_646 = vector.shape_cast %broadcast_in_dim3A_640 : vector<16xf32> to vector<1x16xf32>
    tpu.vector_store %arg8[%swap3A_642, %swap3A_643], %swap3A_646 {strides = array<i32>} : memref<128x16xf32, #tpu.memory_space<vmem>>, vector<1x16xf32>,
    %broadcast_in_dim3A_647 = arith.constant 0.000000e+00 : f32
    %broadcast_in_dim3A_648 = vector.broadcast %broadcast_in_dim3A_647 : f32 to vector<16xf32>
    %swap3A_649 = arith.constant 80 : i32
    %swap3A_650 = arith.index_cast %swap3A_649 : i32 to index
    %swap3A_651 = arith.constant 0 : index
    %swap3A_652 = tpu.vector_load %arg8[%swap3A_650, %swap3A_651] {strides = array<i32>} : memref<128x16xf32, #tpu.memory_space<vmem>>, vector<1x16xf32>,
    %swap3A_653 = vector.shape_cast %swap3A_652 : vector<1x16xf32> to vector<16xf32>
    %swap3A_654 = vector.shape_cast %broadcast_in_dim3A_648 : vector<16xf32> to vector<1x16xf32>
    tpu.vector_store %arg8[%swap3A_650, %swap3A_651], %swap3A_654 {strides = array<i32>} : memref<128x16xf32, #tpu.memory_space<vmem>>, vector<1x16xf32>,
    %broadcast_in_dim3A_655 = arith.constant 0.000000e+00 : f32
    %broadcast_in_dim3A_656 = vector.broadcast %broadcast_in_dim3A_655 : f32 to vector<16xf32>
    %swap3A_657 = arith.constant 81 : i32
    %swap3A_658 = arith.index_cast %swap3A_657 : i32 to index
    %swap3A_659 = arith.constant 0 : index
    %swap3A_660 = tpu.vector_load %arg8[%swap3A_658, %swap3A_659] {strides = array<i32>} : memref<128x16xf32, #tpu.memory_space<vmem>>, vector<1x16xf32>,
    %swap3A_661 = vector.shape_cast %swap3A_660 : vector<1x16xf32> to vector<16xf32>
    %swap3A_662 = vector.shape_cast %broadcast_in_dim3A_656 : vector<16xf32> to vector<1x16xf32>
    tpu.vector_store %arg8[%swap3A_658, %swap3A_659], %swap3A_662 {strides = array<i32>} : memref<128x16xf32, #tpu.memory_space<vmem>>, vector<1x16xf32>,
    %broadcast_in_dim3A_663 = arith.constant 0.000000e+00 : f32
    %broadcast_in_dim3A_664 = vector.broadcast %broadcast_in_dim3A_663 : f32 to vector<16xf32>
    %swap3A_665 = arith.constant 82 : i32
    %swap3A_666 = arith.index_cast %swap3A_665 : i32 to index
    %swap3A_667 = arith.constant 0 : index
    %swap3A_668 = tpu.vector_load %arg8[%swap3A_666, %swap3A_667] {strides = array<i32>} : memref<128x16xf32, #tpu.memory_space<vmem>>, vector<1x16xf32>,
    %swap3A_669 = vector.shape_cast %swap3A_668 : vector<1x16xf32> to vector<16xf32>
    %swap3A_670 = vector.shape_cast %broadcast_in_dim3A_664 : vector<16xf32> to vector<1x16xf32>
    tpu.vector_store %arg8[%swap3A_666, %swap3A_667], %swap3A_670 {strides = array<i32>} : memref<128x16xf32, #tpu.memory_space<vmem>>, vector<1x16xf32>,
    %broadcast_in_dim3A_671 = arith.constant 0.000000e+00 : f32
    %broadcast_in_dim3A_672 = vector.broadcast %broadcast_in_dim3A_671 : f32 to vector<16xf32>
    %swap3A_673 = arith.constant 83 : i32
    %swap3A_674 = arith.index_cast %swap3A_673 : i32 to index
    %swap3A_675 = arith.constant 0 : index
    %swap3A_676 = tpu.vector_load %arg8[%swap3A_674, %swap3A_675] {strides = array<i32>} : memref<128x16xf32, #tpu.memory_space<vmem>>, vector<1x16xf32>,
    %swap3A_677 = vector.shape_cast %swap3A_676 : vector<1x16xf32> to vector<16xf32>
    %swap3A_678 = vector.shape_cast %broadcast_in_dim3A_672 : vector<16xf32> to vector<1x16xf32>
    tpu.vector_store %arg8[%swap3A_674, %swap3A_675], %swap3A_678 {strides = array<i32>} : memref<128x16xf32, #tpu.memory_space<vmem>>, vector<1x16xf32>,
    %broadcast_in_dim3A_679 = arith.constant 0.000000e+00 : f32
    %broadcast_in_dim3A_680 = vector.broadcast %broadcast_in_dim3A_679 : f32 to vector<16xf32>
    %swap3A_681 = arith.constant 84 : i32
    %swap3A_682 = arith.index_cast %swap3A_681 : i32 to index
    %swap3A_683 = arith.constant 0 : index
    %swap3A_684 = tpu.vector_load %arg8[%swap3A_682, %swap3A_683] {strides = array<i32>} : memref<128x16xf32, #tpu.memory_space<vmem>>, vector<1x16xf32>,
    %swap3A_685 = vector.shape_cast %swap3A_684 : vector<1x16xf32> to vector<16xf32>
    %swap3A_686 = vector.shape_cast %broadcast_in_dim3A_680 : vector<16xf32> to vector<1x16xf32>
    tpu.vector_store %arg8[%swap3A_682, %swap3A_683], %swap3A_686 {strides = array<i32>} : memref<128x16xf32, #tpu.memory_space<vmem>>, vector<1x16xf32>,
    %broadcast_in_dim3A_687 = arith.constant 0.000000e+00 : f32
    %broadcast_in_dim3A_688 = vector.broadcast %broadcast_in_dim3A_687 : f32 to vector<16xf32>
    %swap3A_689 = arith.constant 85 : i32
    %swap3A_690 = arith.index_cast %swap3A_689 : i32 to index
    %swap3A_691 = arith.constant 0 : index
    %swap3A_692 = tpu.vector_load %arg8[%swap3A_690, %swap3A_691] {strides = array<i32>} : memref<128x16xf32, #tpu.memory_space<vmem>>, vector<1x16xf32>,
    %swap3A_693 = vector.shape_cast %swap3A_692 : vector<1x16xf32> to vector<16xf32>
    %swap3A_694 = vector.shape_cast %broadcast_in_dim3A_688 : vector<16xf32> to vector<1x16xf32>
    tpu.vector_store %arg8[%swap3A_690, %swap3A_691], %swap3A_694 {strides = array<i32>} : memref<128x16xf32, #tpu.memory_space<vmem>>, vector<1x16xf32>,
    %broadcast_in_dim3A_695 = arith.constant 0.000000e+00 : f32
    %broadcast_in_dim3A_696 = vector.broadcast %broadcast_in_dim3A_695 : f32 to vector<16xf32>
    %swap3A_697 = arith.constant 86 : i32
    %swap3A_698 = arith.index_cast %swap3A_697 : i32 to index
    %swap3A_699 = arith.constant 0 : index
    %swap3A_700 = tpu.vector_load %arg8[%swap3A_698, %swap3A_699] {strides = array<i32>} : memref<128x16xf32, #tpu.memory_space<vmem>>, vector<1x16xf32>,
    %swap3A_701 = vector.shape_cast %swap3A_700 : vector<1x16xf32> to vector<16xf32>
    %swap3A_702 = vector.shape_cast %broadcast_in_dim3A_696 : vector<16xf32> to vector<1x16xf32>
    tpu.vector_store %arg8[%swap3A_698, %swap3A_699], %swap3A_702 {strides = array<i32>} : memref<128x16xf32, #tpu.memory_space<vmem>>, vector<1x16xf32>,
    %broadcast_in_dim3A_703 = arith.constant 0.000000e+00 : f32
    %broadcast_in_dim3A_704 = vector.broadcast %broadcast_in_dim3A_703 : f32 to vector<16xf32>
    %swap3A_705 = arith.constant 87 : i32
    %swap3A_706 = arith.index_cast %swap3A_705 : i32 to index
    %swap3A_707 = arith.constant 0 : index
    %swap3A_708 = tpu.vector_load %arg8[%swap3A_706, %swap3A_707] {strides = array<i32>} : memref<128x16xf32, #tpu.memory_space<vmem>>, vector<1x16xf32>,
    %swap3A_709 = vector.shape_cast %swap3A_708 : vector<1x16xf32> to vector<16xf32>
    %swap3A_710 = vector.shape_cast %broadcast_in_dim3A_704 : vector<16xf32> to vector<1x16xf32>
    tpu.vector_store %arg8[%swap3A_706, %swap3A_707], %swap3A_710 {strides = array<i32>} : memref<128x16xf32, #tpu.memory_space<vmem>>, vector<1x16xf32>,
    %broadcast_in_dim3A_711 = arith.constant 0.000000e+00 : f32
    %broadcast_in_dim3A_712 = vector.broadcast %broadcast_in_dim3A_711 : f32 to vector<16xf32>
    %swap3A_713 = arith.constant 88 : i32
    %swap3A_714 = arith.index_cast %swap3A_713 : i32 to index
    %swap3A_715 = arith.constant 0 : index
    %swap3A_716 = tpu.vector_load %arg8[%swap3A_714, %swap3A_715] {strides = array<i32>} : memref<128x16xf32, #tpu.memory_space<vmem>>, vector<1x16xf32>,
    %swap3A_717 = vector.shape_cast %swap3A_716 : vector<1x16xf32> to vector<16xf32>
    %swap3A_718 = vector.shape_cast %broadcast_in_dim3A_712 : vector<16xf32> to vector<1x16xf32>
    tpu.vector_store %arg8[%swap3A_714, %swap3A_715], %swap3A_718 {strides = array<i32>} : memref<128x16xf32, #tpu.memory_space<vmem>>, vector<1x16xf32>,
    %broadcast_in_dim3A_719 = arith.constant 0.000000e+00 : f32
    %broadcast_in_dim3A_720 = vector.broadcast %broadcast_in_dim3A_719 : f32 to vector<16xf32>
    %swap3A_721 = arith.constant 89 : i32
    %swap3A_722 = arith.index_cast %swap3A_721 : i32 to index
    %swap3A_723 = arith.constant 0 : index
    %swap3A_724 = tpu.vector_load %arg8[%swap3A_722, %swap3A_723] {strides = array<i32>} : memref<128x16xf32, #tpu.memory_space<vmem>>, vector<1x16xf32>,
    %swap3A_725 = vector.shape_cast %swap3A_724 : vector<1x16xf32> to vector<16xf32>
    %swap3A_726 = vector.shape_cast %broadcast_in_dim3A_720 : vector<16xf32> to vector<1x16xf32>
    tpu.vector_store %arg8[%swap3A_722, %swap3A_723], %swap3A_726 {strides = array<i32>} : memref<128x16xf32, #tpu.memory_space<vmem>>, vector<1x16xf32>,
    %broadcast_in_dim3A_727 = arith.constant 0.000000e+00 : f32
    %broadcast_in_dim3A_728 = vector.broadcast %broadcast_in_dim3A_727 : f32 to vector<16xf32>
    %swap3A_729 = arith.constant 90 : i32
    %swap3A_730 = arith.index_cast %swap3A_729 : i32 to index
    %swap3A_731 = arith.constant 0 : index
    %swap3A_732 = tpu.vector_load %arg8[%swap3A_730, %swap3A_731] {strides = array<i32>} : memref<128x16xf32, #tpu.memory_space<vmem>>, vector<1x16xf32>,
    %swap3A_733 = vector.shape_cast %swap3A_732 : vector<1x16xf32> to vector<16xf32>
    %swap3A_734 = vector.shape_cast %broadcast_in_dim3A_728 : vector<16xf32> to vector<1x16xf32>
    tpu.vector_store %arg8[%swap3A_730, %swap3A_731], %swap3A_734 {strides = array<i32>} : memref<128x16xf32, #tpu.memory_space<vmem>>, vector<1x16xf32>,
    %broadcast_in_dim3A_735 = arith.constant 0.000000e+00 : f32
    %broadcast_in_dim3A_736 = vector.broadcast %broadcast_in_dim3A_735 : f32 to vector<16xf32>
    %swap3A_737 = arith.constant 91 : i32
    %swap3A_738 = arith.index_cast %swap3A_737 : i32 to index
    %swap3A_739 = arith.constant 0 : index
    %swap3A_740 = tpu.vector_load %arg8[%swap3A_738, %swap3A_739] {strides = array<i32>} : memref<128x16xf32, #tpu.memory_space<vmem>>, vector<1x16xf32>,
    %swap3A_741 = vector.shape_cast %swap3A_740 : vector<1x16xf32> to vector<16xf32>
    %swap3A_742 = vector.shape_cast %broadcast_in_dim3A_736 : vector<16xf32> to vector<1x16xf32>
    tpu.vector_store %arg8[%swap3A_738, %swap3A_739], %swap3A_742 {strides = array<i32>} : memref<128x16xf32, #tpu.memory_space<vmem>>, vector<1x16xf32>,
    %broadcast_in_dim3A_743 = arith.constant 0.000000e+00 : f32
    %broadcast_in_dim3A_744 = vector.broadcast %broadcast_in_dim3A_743 : f32 to vector<16xf32>
    %swap3A_745 = arith.constant 92 : i32
    %swap3A_746 = arith.index_cast %swap3A_745 : i32 to index
    %swap3A_747 = arith.constant 0 : index
    %swap3A_748 = tpu.vector_load %arg8[%swap3A_746, %swap3A_747] {strides = array<i32>} : memref<128x16xf32, #tpu.memory_space<vmem>>, vector<1x16xf32>,
    %swap3A_749 = vector.shape_cast %swap3A_748 : vector<1x16xf32> to vector<16xf32>
    %swap3A_750 = vector.shape_cast %broadcast_in_dim3A_744 : vector<16xf32> to vector<1x16xf32>
    tpu.vector_store %arg8[%swap3A_746, %swap3A_747], %swap3A_750 {strides = array<i32>} : memref<128x16xf32, #tpu.memory_space<vmem>>, vector<1x16xf32>,
    %broadcast_in_dim3A_751 = arith.constant 0.000000e+00 : f32
    %broadcast_in_dim3A_752 = vector.broadcast %broadcast_in_dim3A_751 : f32 to vector<16xf32>
    %swap3A_753 = arith.constant 93 : i32
    %swap3A_754 = arith.index_cast %swap3A_753 : i32 to index
    %swap3A_755 = arith.constant 0 : index
    %swap3A_756 = tpu.vector_load %arg8[%swap3A_754, %swap3A_755] {strides = array<i32>} : memref<128x16xf32, #tpu.memory_space<vmem>>, vector<1x16xf32>,
    %swap3A_757 = vector.shape_cast %swap3A_756 : vector<1x16xf32> to vector<16xf32>
    %swap3A_758 = vector.shape_cast %broadcast_in_dim3A_752 : vector<16xf32> to vector<1x16xf32>
    tpu.vector_store %arg8[%swap3A_754, %swap3A_755], %swap3A_758 {strides = array<i32>} : memref<128x16xf32, #tpu.memory_space<vmem>>, vector<1x16xf32>,
    %broadcast_in_dim3A_759 = arith.constant 0.000000e+00 : f32
    %broadcast_in_dim3A_760 = vector.broadcast %broadcast_in_dim3A_759 : f32 to vector<16xf32>
    %swap3A_761 = arith.constant 94 : i32
    %swap3A_762 = arith.index_cast %swap3A_761 : i32 to index
    %swap3A_763 = arith.constant 0 : index
    %swap3A_764 = tpu.vector_load %arg8[%swap3A_762, %swap3A_763] {strides = array<i32>} : memref<128x16xf32, #tpu.memory_space<vmem>>, vector<1x16xf32>,
    %swap3A_765 = vector.shape_cast %swap3A_764 : vector<1x16xf32> to vector<16xf32>
    %swap3A_766 = vector.shape_cast %broadcast_in_dim3A_760 : vector<16xf32> to vector<1x16xf32>
    tpu.vector_store %arg8[%swap3A_762, %swap3A_763], %swap3A_766 {strides = array<i32>} : memref<128x16xf32, #tpu.memory_space<vmem>>, vector<1x16xf32>,
    %broadcast_in_dim3A_767 = arith.constant 0.000000e+00 : f32
    %broadcast_in_dim3A_768 = vector.broadcast %broadcast_in_dim3A_767 : f32 to vector<16xf32>
    %swap3A_769 = arith.constant 95 : i32
    %swap3A_770 = arith.index_cast %swap3A_769 : i32 to index
    %swap3A_771 = arith.constant 0 : index
    %swap3A_772 = tpu.vector_load %arg8[%swap3A_770, %swap3A_771] {strides = array<i32>} : memref<128x16xf32, #tpu.memory_space<vmem>>, vector<1x16xf32>,
    %swap3A_773 = vector.shape_cast %swap3A_772 : vector<1x16xf32> to vector<16xf32>
    %swap3A_774 = vector.shape_cast %broadcast_in_dim3A_768 : vector<16xf32> to vector<1x16xf32>
    tpu.vector_store %arg8[%swap3A_770, %swap3A_771], %swap3A_774 {strides = array<i32>} : memref<128x16xf32, #tpu.memory_space<vmem>>, vector<1x16xf32>,
    %broadcast_in_dim3A_775 = arith.constant 0.000000e+00 : f32
    %broadcast_in_dim3A_776 = vector.broadcast %broadcast_in_dim3A_775 : f32 to vector<16xf32>
    %swap3A_777 = arith.constant 96 : i32
    %swap3A_778 = arith.index_cast %swap3A_777 : i32 to index
    %swap3A_779 = arith.constant 0 : index
    %swap3A_780 = tpu.vector_load %arg8[%swap3A_778, %swap3A_779] {strides = array<i32>} : memref<128x16xf32, #tpu.memory_space<vmem>>, vector<1x16xf32>,
    %swap3A_781 = vector.shape_cast %swap3A_780 : vector<1x16xf32> to vector<16xf32>
    %swap3A_782 = vector.shape_cast %broadcast_in_dim3A_776 : vector<16xf32> to vector<1x16xf32>
    tpu.vector_store %arg8[%swap3A_778, %swap3A_779], %swap3A_782 {strides = array<i32>} : memref<128x16xf32, #tpu.memory_space<vmem>>, vector<1x16xf32>,
    %broadcast_in_dim3A_783 = arith.constant 0.000000e+00 : f32
    %broadcast_in_dim3A_784 = vector.broadcast %broadcast_in_dim3A_783 : f32 to vector<16xf32>
    %swap3A_785 = arith.constant 97 : i32
    %swap3A_786 = arith.index_cast %swap3A_785 : i32 to index
    %swap3A_787 = arith.constant 0 : index
    %swap3A_788 = tpu.vector_load %arg8[%swap3A_786, %swap3A_787] {strides = array<i32>} : memref<128x16xf32, #tpu.memory_space<vmem>>, vector<1x16xf32>,
    %swap3A_789 = vector.shape_cast %swap3A_788 : vector<1x16xf32> to vector<16xf32>
    %swap3A_790 = vector.shape_cast %broadcast_in_dim3A_784 : vector<16xf32> to vector<1x16xf32>
    tpu.vector_store %arg8[%swap3A_786, %swap3A_787], %swap3A_790 {strides = array<i32>} : memref<128x16xf32, #tpu.memory_space<vmem>>, vector<1x16xf32>,
    %broadcast_in_dim3A_791 = arith.constant 0.000000e+00 : f32
    %broadcast_in_dim3A_792 = vector.broadcast %broadcast_in_dim3A_791 : f32 to vector<16xf32>
    %swap3A_793 = arith.constant 98 : i32
    %swap3A_794 = arith.index_cast %swap3A_793 : i32 to index
    %swap3A_795 = arith.constant 0 : index
    %swap3A_796 = tpu.vector_load %arg8[%swap3A_794, %swap3A_795] {strides = array<i32>} : memref<128x16xf32, #tpu.memory_space<vmem>>, vector<1x16xf32>,
    %swap3A_797 = vector.shape_cast %swap3A_796 : vector<1x16xf32> to vector<16xf32>
    %swap3A_798 = vector.shape_cast %broadcast_in_dim3A_792 : vector<16xf32> to vector<1x16xf32>
    tpu.vector_store %arg8[%swap3A_794, %swap3A_795], %swap3A_798 {strides = array<i32>} : memref<128x16xf32, #tpu.memory_space<vmem>>, vector<1x16xf32>,
    %broadcast_in_dim3A_799 = arith.constant 0.000000e+00 : f32
    %broadcast_in_dim3A_800 = vector.broadcast %broadcast_in_dim3A_799 : f32 to vector<16xf32>
    %swap3A_801 = arith.constant 99 : i32
    %swap3A_802 = arith.index_cast %swap3A_801 : i32 to index
    %swap3A_803 = arith.constant 0 : index
    %swap3A_804 = tpu.vector_load %arg8[%swap3A_802, %swap3A_803] {strides = array<i32>} : memref<128x16xf32, #tpu.memory_space<vmem>>, vector<1x16xf32>,
    %swap3A_805 = vector.shape_cast %swap3A_804 : vector<1x16xf32> to vector<16xf32>
    %swap3A_806 = vector.shape_cast %broadcast_in_dim3A_800 : vector<16xf32> to vector<1x16xf32>
    tpu.vector_store %arg8[%swap3A_802, %swap3A_803], %swap3A_806 {strides = array<i32>} : memref<128x16xf32, #tpu.memory_space<vmem>>, vector<1x16xf32>,
    %broadcast_in_dim3A_807 = arith.constant 0.000000e+00 : f32
    %broadcast_in_dim3A_808 = vector.broadcast %broadcast_in_dim3A_807 : f32 to vector<16xf32>
    %swap3A_809 = arith.constant 100 : i32
    %swap3A_810 = arith.index_cast %swap3A_809 : i32 to index
    %swap3A_811 = arith.constant 0 : index
    %swap3A_812 = tpu.vector_load %arg8[%swap3A_810, %swap3A_811] {strides = array<i32>} : memref<128x16xf32, #tpu.memory_space<vmem>>, vector<1x16xf32>,
    %swap3A_813 = vector.shape_cast %swap3A_812 : vector<1x16xf32> to vector<16xf32>
    %swap3A_814 = vector.shape_cast %broadcast_in_dim3A_808 : vector<16xf32> to vector<1x16xf32>
    tpu.vector_store %arg8[%swap3A_810, %swap3A_811], %swap3A_814 {strides = array<i32>} : memref<128x16xf32, #tpu.memory_space<vmem>>, vector<1x16xf32>,
    %broadcast_in_dim3A_815 = arith.constant 0.000000e+00 : f32
    %broadcast_in_dim3A_816 = vector.broadcast %broadcast_in_dim3A_815 : f32 to vector<16xf32>
    %swap3A_817 = arith.constant 101 : i32
    %swap3A_818 = arith.index_cast %swap3A_817 : i32 to index
    %swap3A_819 = arith.constant 0 : index
    %swap3A_820 = tpu.vector_load %arg8[%swap3A_818, %swap3A_819] {strides = array<i32>} : memref<128x16xf32, #tpu.memory_space<vmem>>, vector<1x16xf32>,
    %swap3A_821 = vector.shape_cast %swap3A_820 : vector<1x16xf32> to vector<16xf32>
    %swap3A_822 = vector.shape_cast %broadcast_in_dim3A_816 : vector<16xf32> to vector<1x16xf32>
    tpu.vector_store %arg8[%swap3A_818, %swap3A_819], %swap3A_822 {strides = array<i32>} : memref<128x16xf32, #tpu.memory_space<vmem>>, vector<1x16xf32>,
    %broadcast_in_dim3A_823 = arith.constant 0.000000e+00 : f32
    %broadcast_in_dim3A_824 = vector.broadcast %broadcast_in_dim3A_823 : f32 to vector<16xf32>
    %swap3A_825 = arith.constant 102 : i32
    %swap3A_826 = arith.index_cast %swap3A_825 : i32 to index
    %swap3A_827 = arith.constant 0 : index
    %swap3A_828 = tpu.vector_load %arg8[%swap3A_826, %swap3A_827] {strides = array<i32>} : memref<128x16xf32, #tpu.memory_space<vmem>>, vector<1x16xf32>,
    %swap3A_829 = vector.shape_cast %swap3A_828 : vector<1x16xf32> to vector<16xf32>
    %swap3A_830 = vector.shape_cast %broadcast_in_dim3A_824 : vector<16xf32> to vector<1x16xf32>
    tpu.vector_store %arg8[%swap3A_826, %swap3A_827], %swap3A_830 {strides = array<i32>} : memref<128x16xf32, #tpu.memory_space<vmem>>, vector<1x16xf32>,
    %broadcast_in_dim3A_831 = arith.constant 0.000000e+00 : f32
    %broadcast_in_dim3A_832 = vector.broadcast %broadcast_in_dim3A_831 : f32 to vector<16xf32>
    %swap3A_833 = arith.constant 103 : i32
    %swap3A_834 = arith.index_cast %swap3A_833 : i32 to index
    %swap3A_835 = arith.constant 0 : index
    %swap3A_836 = tpu.vector_load %arg8[%swap3A_834, %swap3A_835] {strides = array<i32>} : memref<128x16xf32, #tpu.memory_space<vmem>>, vector<1x16xf32>,
    %swap3A_837 = vector.shape_cast %swap3A_836 : vector<1x16xf32> to vector<16xf32>
    %swap3A_838 = vector.shape_cast %broadcast_in_dim3A_832 : vector<16xf32> to vector<1x16xf32>
    tpu.vector_store %arg8[%swap3A_834, %swap3A_835], %swap3A_838 {strides = array<i32>} : memref<128x16xf32, #tpu.memory_space<vmem>>, vector<1x16xf32>,
    %broadcast_in_dim3A_839 = arith.constant 0.000000e+00 : f32
    %broadcast_in_dim3A_840 = vector.broadcast %broadcast_in_dim3A_839 : f32 to vector<16xf32>
    %swap3A_841 = arith.constant 104 : i32
    %swap3A_842 = arith.index_cast %swap3A_841 : i32 to index
    %swap3A_843 = arith.constant 0 : index
    %swap3A_844 = tpu.vector_load %arg8[%swap3A_842, %swap3A_843] {strides = array<i32>} : memref<128x16xf32, #tpu.memory_space<vmem>>, vector<1x16xf32>,
    %swap3A_845 = vector.shape_cast %swap3A_844 : vector<1x16xf32> to vector<16xf32>
    %swap3A_846 = vector.shape_cast %broadcast_in_dim3A_840 : vector<16xf32> to vector<1x16xf32>
    tpu.vector_store %arg8[%swap3A_842, %swap3A_843], %swap3A_846 {strides = array<i32>} : memref<128x16xf32, #tpu.memory_space<vmem>>, vector<1x16xf32>,
    %broadcast_in_dim3A_847 = arith.constant 0.000000e+00 : f32
    %broadcast_in_dim3A_848 = vector.broadcast %broadcast_in_dim3A_847 : f32 to vector<16xf32>
    %swap3A_849 = arith.constant 105 : i32
    %swap3A_850 = arith.index_cast %swap3A_849 : i32 to index
    %swap3A_851 = arith.constant 0 : index
    %swap3A_852 = tpu.vector_load %arg8[%swap3A_850, %swap3A_851] {strides = array<i32>} : memref<128x16xf32, #tpu.memory_space<vmem>>, vector<1x16xf32>,
    %swap3A_853 = vector.shape_cast %swap3A_852 : vector<1x16xf32> to vector<16xf32>
    %swap3A_854 = vector.shape_cast %broadcast_in_dim3A_848 : vector<16xf32> to vector<1x16xf32>
    tpu.vector_store %arg8[%swap3A_850, %swap3A_851], %swap3A_854 {strides = array<i32>} : memref<128x16xf32, #tpu.memory_space<vmem>>, vector<1x16xf32>,
    %broadcast_in_dim3A_855 = arith.constant 0.000000e+00 : f32
    %broadcast_in_dim3A_856 = vector.broadcast %broadcast_in_dim3A_855 : f32 to vector<16xf32>
    %swap3A_857 = arith.constant 106 : i32
    %swap3A_858 = arith.index_cast %swap3A_857 : i32 to index
    %swap3A_859 = arith.constant 0 : index
    %swap3A_860 = tpu.vector_load %arg8[%swap3A_858, %swap3A_859] {strides = array<i32>} : memref<128x16xf32, #tpu.memory_space<vmem>>, vector<1x16xf32>,
    %swap3A_861 = vector.shape_cast %swap3A_860 : vector<1x16xf32> to vector<16xf32>
    %swap3A_862 = vector.shape_cast %broadcast_in_dim3A_856 : vector<16xf32> to vector<1x16xf32>
    tpu.vector_store %arg8[%swap3A_858, %swap3A_859], %swap3A_862 {strides = array<i32>} : memref<128x16xf32, #tpu.memory_space<vmem>>, vector<1x16xf32>,
    %broadcast_in_dim3A_863 = arith.constant 0.000000e+00 : f32
    %broadcast_in_dim3A_864 = vector.broadcast %broadcast_in_dim3A_863 : f32 to vector<16xf32>
    %swap3A_865 = arith.constant 107 : i32
    %swap3A_866 = arith.index_cast %swap3A_865 : i32 to index
    %swap3A_867 = arith.constant 0 : index
    %swap3A_868 = tpu.vector_load %arg8[%swap3A_866, %swap3A_867] {strides = array<i32>} : memref<128x16xf32, #tpu.memory_space<vmem>>, vector<1x16xf32>,
    %swap3A_869 = vector.shape_cast %swap3A_868 : vector<1x16xf32> to vector<16xf32>
    %swap3A_870 = vector.shape_cast %broadcast_in_dim3A_864 : vector<16xf32> to vector<1x16xf32>
    tpu.vector_store %arg8[%swap3A_866, %swap3A_867], %swap3A_870 {strides = array<i32>} : memref<128x16xf32, #tpu.memory_space<vmem>>, vector<1x16xf32>,
    %broadcast_in_dim3A_871 = arith.constant 0.000000e+00 : f32
    %broadcast_in_dim3A_872 = vector.broadcast %broadcast_in_dim3A_871 : f32 to vector<16xf32>
    %swap3A_873 = arith.constant 108 : i32
    %swap3A_874 = arith.index_cast %swap3A_873 : i32 to index
    %swap3A_875 = arith.constant 0 : index
    %swap3A_876 = tpu.vector_load %arg8[%swap3A_874, %swap3A_875] {strides = array<i32>} : memref<128x16xf32, #tpu.memory_space<vmem>>, vector<1x16xf32>,
    %swap3A_877 = vector.shape_cast %swap3A_876 : vector<1x16xf32> to vector<16xf32>
    %swap3A_878 = vector.shape_cast %broadcast_in_dim3A_872 : vector<16xf32> to vector<1x16xf32>
    tpu.vector_store %arg8[%swap3A_874, %swap3A_875], %swap3A_878 {strides = array<i32>} : memref<128x16xf32, #tpu.memory_space<vmem>>, vector<1x16xf32>,
    %broadcast_in_dim3A_879 = arith.constant 0.000000e+00 : f32
    %broadcast_in_dim3A_880 = vector.broadcast %broadcast_in_dim3A_879 : f32 to vector<16xf32>
    %swap3A_881 = arith.constant 109 : i32
    %swap3A_882 = arith.index_cast %swap3A_881 : i32 to index
    %swap3A_883 = arith.constant 0 : index
    %swap3A_884 = tpu.vector_load %arg8[%swap3A_882, %swap3A_883] {strides = array<i32>} : memref<128x16xf32, #tpu.memory_space<vmem>>, vector<1x16xf32>,
    %swap3A_885 = vector.shape_cast %swap3A_884 : vector<1x16xf32> to vector<16xf32>
    %swap3A_886 = vector.shape_cast %broadcast_in_dim3A_880 : vector<16xf32> to vector<1x16xf32>
    tpu.vector_store %arg8[%swap3A_882, %swap3A_883], %swap3A_886 {strides = array<i32>} : memref<128x16xf32, #tpu.memory_space<vmem>>, vector<1x16xf32>,
    %broadcast_in_dim3A_887 = arith.constant 0.000000e+00 : f32
    %broadcast_in_dim3A_888 = vector.broadcast %broadcast_in_dim3A_887 : f32 to vector<16xf32>
    %swap3A_889 = arith.constant 110 : i32
    %swap3A_890 = arith.index_cast %swap3A_889 : i32 to index
    %swap3A_891 = arith.constant 0 : index
    %swap3A_892 = tpu.vector_load %arg8[%swap3A_890, %swap3A_891] {strides = array<i32>} : memref<128x16xf32, #tpu.memory_space<vmem>>, vector<1x16xf32>,
    %swap3A_893 = vector.shape_cast %swap3A_892 : vector<1x16xf32> to vector<16xf32>
    %swap3A_894 = vector.shape_cast %broadcast_in_dim3A_888 : vector<16xf32> to vector<1x16xf32>
    tpu.vector_store %arg8[%swap3A_890, %swap3A_891], %swap3A_894 {strides = array<i32>} : memref<128x16xf32, #tpu.memory_space<vmem>>, vector<1x16xf32>,
    %broadcast_in_dim3A_895 = arith.constant 0.000000e+00 : f32
    %broadcast_in_dim3A_896 = vector.broadcast %broadcast_in_dim3A_895 : f32 to vector<16xf32>
    %swap3A_897 = arith.constant 111 : i32
    %swap3A_898 = arith.index_cast %swap3A_897 : i32 to index
    %swap3A_899 = arith.constant 0 : index
    %swap3A_900 = tpu.vector_load %arg8[%swap3A_898, %swap3A_899] {strides = array<i32>} : memref<128x16xf32, #tpu.memory_space<vmem>>, vector<1x16xf32>,
    %swap3A_901 = vector.shape_cast %swap3A_900 : vector<1x16xf32> to vector<16xf32>
    %swap3A_902 = vector.shape_cast %broadcast_in_dim3A_896 : vector<16xf32> to vector<1x16xf32>
    tpu.vector_store %arg8[%swap3A_898, %swap3A_899], %swap3A_902 {strides = array<i32>} : memref<128x16xf32, #tpu.memory_space<vmem>>, vector<1x16xf32>,
    %broadcast_in_dim3A_903 = arith.constant 0.000000e+00 : f32
    %broadcast_in_dim3A_904 = vector.broadcast %broadcast_in_dim3A_903 : f32 to vector<16xf32>
    %swap3A_905 = arith.constant 112 : i32
    %swap3A_906 = arith.index_cast %swap3A_905 : i32 to index
    %swap3A_907 = arith.constant 0 : index
    %swap3A_908 = tpu.vector_load %arg8[%swap3A_906, %swap3A_907] {strides = array<i32>} : memref<128x16xf32, #tpu.memory_space<vmem>>, vector<1x16xf32>,
    %swap3A_909 = vector.shape_cast %swap3A_908 : vector<1x16xf32> to vector<16xf32>
    %swap3A_910 = vector.shape_cast %broadcast_in_dim3A_904 : vector<16xf32> to vector<1x16xf32>
    tpu.vector_store %arg8[%swap3A_906, %swap3A_907], %swap3A_910 {strides = array<i32>} : memref<128x16xf32, #tpu.memory_space<vmem>>, vector<1x16xf32>,
    %broadcast_in_dim3A_911 = arith.constant 0.000000e+00 : f32
    %broadcast_in_dim3A_912 = vector.broadcast %broadcast_in_dim3A_911 : f32 to vector<16xf32>
    %swap3A_913 = arith.constant 113 : i32
    %swap3A_914 = arith.index_cast %swap3A_913 : i32 to index
    %swap3A_915 = arith.constant 0 : index
    %swap3A_916 = tpu.vector_load %arg8[%swap3A_914, %swap3A_915] {strides = array<i32>} : memref<128x16xf32, #tpu.memory_space<vmem>>, vector<1x16xf32>,
    %swap3A_917 = vector.shape_cast %swap3A_916 : vector<1x16xf32> to vector<16xf32>
    %swap3A_918 = vector.shape_cast %broadcast_in_dim3A_912 : vector<16xf32> to vector<1x16xf32>
    tpu.vector_store %arg8[%swap3A_914, %swap3A_915], %swap3A_918 {strides = array<i32>} : memref<128x16xf32, #tpu.memory_space<vmem>>, vector<1x16xf32>,
    %broadcast_in_dim3A_919 = arith.constant 0.000000e+00 : f32
    %broadcast_in_dim3A_920 = vector.broadcast %broadcast_in_dim3A_919 : f32 to vector<16xf32>
    %swap3A_921 = arith.constant 114 : i32
    %swap3A_922 = arith.index_cast %swap3A_921 : i32 to index
    %swap3A_923 = arith.constant 0 : index
    %swap3A_924 = tpu.vector_load %arg8[%swap3A_922, %swap3A_923] {strides = array<i32>} : memref<128x16xf32, #tpu.memory_space<vmem>>, vector<1x16xf32>,
    %swap3A_925 = vector.shape_cast %swap3A_924 : vector<1x16xf32> to vector<16xf32>
    %swap3A_926 = vector.shape_cast %broadcast_in_dim3A_920 : vector<16xf32> to vector<1x16xf32>
    tpu.vector_store %arg8[%swap3A_922, %swap3A_923], %swap3A_926 {strides = array<i32>} : memref<128x16xf32, #tpu.memory_space<vmem>>, vector<1x16xf32>,
    %broadcast_in_dim3A_927 = arith.constant 0.000000e+00 : f32
    %broadcast_in_dim3A_928 = vector.broadcast %broadcast_in_dim3A_927 : f32 to vector<16xf32>
    %swap3A_929 = arith.constant 115 : i32
    %swap3A_930 = arith.index_cast %swap3A_929 : i32 to index
    %swap3A_931 = arith.constant 0 : index
    %swap3A_932 = tpu.vector_load %arg8[%swap3A_930, %swap3A_931] {strides = array<i32>} : memref<128x16xf32, #tpu.memory_space<vmem>>, vector<1x16xf32>,
    %swap3A_933 = vector.shape_cast %swap3A_932 : vector<1x16xf32> to vector<16xf32>
    %swap3A_934 = vector.shape_cast %broadcast_in_dim3A_928 : vector<16xf32> to vector<1x16xf32>
    tpu.vector_store %arg8[%swap3A_930, %swap3A_931], %swap3A_934 {strides = array<i32>} : memref<128x16xf32, #tpu.memory_space<vmem>>, vector<1x16xf32>,
    %broadcast_in_dim3A_935 = arith.constant 0.000000e+00 : f32
    %broadcast_in_dim3A_936 = vector.broadcast %broadcast_in_dim3A_935 : f32 to vector<16xf32>
    %swap3A_937 = arith.constant 116 : i32
    %swap3A_938 = arith.index_cast %swap3A_937 : i32 to index
    %swap3A_939 = arith.constant 0 : index
    %swap3A_940 = tpu.vector_load %arg8[%swap3A_938, %swap3A_939] {strides = array<i32>} : memref<128x16xf32, #tpu.memory_space<vmem>>, vector<1x16xf32>,
    %swap3A_941 = vector.shape_cast %swap3A_940 : vector<1x16xf32> to vector<16xf32>
    %swap3A_942 = vector.shape_cast %broadcast_in_dim3A_936 : vector<16xf32> to vector<1x16xf32>
    tpu.vector_store %arg8[%swap3A_938, %swap3A_939], %swap3A_942 {strides = array<i32>} : memref<128x16xf32, #tpu.memory_space<vmem>>, vector<1x16xf32>,
    %broadcast_in_dim3A_943 = arith.constant 0.000000e+00 : f32
    %broadcast_in_dim3A_944 = vector.broadcast %broadcast_in_dim3A_943 : f32 to vector<16xf32>
    %swap3A_945 = arith.constant 117 : i32
    %swap3A_946 = arith.index_cast %swap3A_945 : i32 to index
    %swap3A_947 = arith.constant 0 : index
    %swap3A_948 = tpu.vector_load %arg8[%swap3A_946, %swap3A_947] {strides = array<i32>} : memref<128x16xf32, #tpu.memory_space<vmem>>, vector<1x16xf32>,
    %swap3A_949 = vector.shape_cast %swap3A_948 : vector<1x16xf32> to vector<16xf32>
    %swap3A_950 = vector.shape_cast %broadcast_in_dim3A_944 : vector<16xf32> to vector<1x16xf32>
    tpu.vector_store %arg8[%swap3A_946, %swap3A_947], %swap3A_950 {strides = array<i32>} : memref<128x16xf32, #tpu.memory_space<vmem>>, vector<1x16xf32>,
    %broadcast_in_dim3A_951 = arith.constant 0.000000e+00 : f32
    %broadcast_in_dim3A_952 = vector.broadcast %broadcast_in_dim3A_951 : f32 to vector<16xf32>
    %swap3A_953 = arith.constant 118 : i32
    %swap3A_954 = arith.index_cast %swap3A_953 : i32 to index
    %swap3A_955 = arith.constant 0 : index
    %swap3A_956 = tpu.vector_load %arg8[%swap3A_954, %swap3A_955] {strides = array<i32>} : memref<128x16xf32, #tpu.memory_space<vmem>>, vector<1x16xf32>,
    %swap3A_957 = vector.shape_cast %swap3A_956 : vector<1x16xf32> to vector<16xf32>
    %swap3A_958 = vector.shape_cast %broadcast_in_dim3A_952 : vector<16xf32> to vector<1x16xf32>
    tpu.vector_store %arg8[%swap3A_954, %swap3A_955], %swap3A_958 {strides = array<i32>} : memref<128x16xf32, #tpu.memory_space<vmem>>, vector<1x16xf32>,
    %broadcast_in_dim3A_959 = arith.constant 0.000000e+00 : f32
    %broadcast_in_dim3A_960 = vector.broadcast %broadcast_in_dim3A_959 : f32 to vector<16xf32>
    %swap3A_961 = arith.constant 119 : i32
    %swap3A_962 = arith.index_cast %swap3A_961 : i32 to index
    %swap3A_963 = arith.constant 0 : index
    %swap3A_964 = tpu.vector_load %arg8[%swap3A_962, %swap3A_963] {strides = array<i32>} : memref<128x16xf32, #tpu.memory_space<vmem>>, vector<1x16xf32>,
    %swap3A_965 = vector.shape_cast %swap3A_964 : vector<1x16xf32> to vector<16xf32>
    %swap3A_966 = vector.shape_cast %broadcast_in_dim3A_960 : vector<16xf32> to vector<1x16xf32>
    tpu.vector_store %arg8[%swap3A_962, %swap3A_963], %swap3A_966 {strides = array<i32>} : memref<128x16xf32, #tpu.memory_space<vmem>>, vector<1x16xf32>,
    %broadcast_in_dim3A_967 = arith.constant 0.000000e+00 : f32
    %broadcast_in_dim3A_968 = vector.broadcast %broadcast_in_dim3A_967 : f32 to vector<16xf32>
    %swap3A_969 = arith.constant 120 : i32
    %swap3A_970 = arith.index_cast %swap3A_969 : i32 to index
    %swap3A_971 = arith.constant 0 : index
    %swap3A_972 = tpu.vector_load %arg8[%swap3A_970, %swap3A_971] {strides = array<i32>} : memref<128x16xf32, #tpu.memory_space<vmem>>, vector<1x16xf32>,
    %swap3A_973 = vector.shape_cast %swap3A_972 : vector<1x16xf32> to vector<16xf32>
    %swap3A_974 = vector.shape_cast %broadcast_in_dim3A_968 : vector<16xf32> to vector<1x16xf32>
    tpu.vector_store %arg8[%swap3A_970, %swap3A_971], %swap3A_974 {strides = array<i32>} : memref<128x16xf32, #tpu.memory_space<vmem>>, vector<1x16xf32>,
    %broadcast_in_dim3A_975 = arith.constant 0.000000e+00 : f32
    %broadcast_in_dim3A_976 = vector.broadcast %broadcast_in_dim3A_975 : f32 to vector<16xf32>
    %swap3A_977 = arith.constant 121 : i32
    %swap3A_978 = arith.index_cast %swap3A_977 : i32 to index
    %swap3A_979 = arith.constant 0 : index
    %swap3A_980 = tpu.vector_load %arg8[%swap3A_978, %swap3A_979] {strides = array<i32>} : memref<128x16xf32, #tpu.memory_space<vmem>>, vector<1x16xf32>,
    %swap3A_981 = vector.shape_cast %swap3A_980 : vector<1x16xf32> to vector<16xf32>
    %swap3A_982 = vector.shape_cast %broadcast_in_dim3A_976 : vector<16xf32> to vector<1x16xf32>
    tpu.vector_store %arg8[%swap3A_978, %swap3A_979], %swap3A_982 {strides = array<i32>} : memref<128x16xf32, #tpu.memory_space<vmem>>, vector<1x16xf32>,
    %broadcast_in_dim3A_983 = arith.constant 0.000000e+00 : f32
    %broadcast_in_dim3A_984 = vector.broadcast %broadcast_in_dim3A_983 : f32 to vector<16xf32>
    %swap3A_985 = arith.constant 122 : i32
    %swap3A_986 = arith.index_cast %swap3A_985 : i32 to index
    %swap3A_987 = arith.constant 0 : index
    %swap3A_988 = tpu.vector_load %arg8[%swap3A_986, %swap3A_987] {strides = array<i32>} : memref<128x16xf32, #tpu.memory_space<vmem>>, vector<1x16xf32>,
    %swap3A_989 = vector.shape_cast %swap3A_988 : vector<1x16xf32> to vector<16xf32>
    %swap3A_990 = vector.shape_cast %broadcast_in_dim3A_984 : vector<16xf32> to vector<1x16xf32>
    tpu.vector_store %arg8[%swap3A_986, %swap3A_987], %swap3A_990 {strides = array<i32>} : memref<128x16xf32, #tpu.memory_space<vmem>>, vector<1x16xf32>,
    %broadcast_in_dim3A_991 = arith.constant 0.000000e+00 : f32
    %broadcast_in_dim3A_992 = vector.broadcast %broadcast_in_dim3A_991 : f32 to vector<16xf32>
    %swap3A_993 = arith.constant 123 : i32
    %swap3A_994 = arith.index_cast %swap3A_993 : i32 to index
    %swap3A_995 = arith.constant 0 : index
    %swap3A_996 = tpu.vector_load %arg8[%swap3A_994, %swap3A_995] {strides = array<i32>} : memref<128x16xf32, #tpu.memory_space<vmem>>, vector<1x16xf32>,
    %swap3A_997 = vector.shape_cast %swap3A_996 : vector<1x16xf32> to vector<16xf32>
    %swap3A_998 = vector.shape_cast %broadcast_in_dim3A_992 : vector<16xf32> to vector<1x16xf32>
    tpu.vector_store %arg8[%swap3A_994, %swap3A_995], %swap3A_998 {strides = array<i32>} : memref<128x16xf32, #tpu.memory_space<vmem>>, vector<1x16xf32>,
    %broadcast_in_dim3A_999 = arith.constant 0.000000e+00 : f32
    %broadcast_in_dim3A_1000 = vector.broadcast %broadcast_in_dim3A_999 : f32 to vector<16xf32>
    %swap3A_1001 = arith.constant 124 : i32
    %swap3A_1002 = arith.index_cast %swap3A_1001 : i32 to index
    %swap3A_1003 = arith.constant 0 : index
    %swap3A_1004 = tpu.vector_load %arg8[%swap3A_1002, %swap3A_1003] {strides = array<i32>} : memref<128x16xf32, #tpu.memory_space<vmem>>, vector<1x16xf32>,
    %swap3A_1005 = vector.shape_cast %swap3A_1004 : vector<1x16xf32> to vector<16xf32>
    %swap3A_1006 = vector.shape_cast %broadcast_in_dim3A_1000 : vector<16xf32> to vector<1x16xf32>
    tpu.vector_store %arg8[%swap3A_1002, %swap3A_1003], %swap3A_1006 {strides = array<i32>} : memref<128x16xf32, #tpu.memory_space<vmem>>, vector<1x16xf32>,
    %broadcast_in_dim3A_1007 = arith.constant 0.000000e+00 : f32
    %broadcast_in_dim3A_1008 = vector.broadcast %broadcast_in_dim3A_1007 : f32 to vector<16xf32>
    %swap3A_1009 = arith.constant 125 : i32
    %swap3A_1010 = arith.index_cast %swap3A_1009 : i32 to index
    %swap3A_1011 = arith.constant 0 : index
    %swap3A_1012 = tpu.vector_load %arg8[%swap3A_1010, %swap3A_1011] {strides = array<i32>} : memref<128x16xf32, #tpu.memory_space<vmem>>, vector<1x16xf32>,
    %swap3A_1013 = vector.shape_cast %swap3A_1012 : vector<1x16xf32> to vector<16xf32>
    %swap3A_1014 = vector.shape_cast %broadcast_in_dim3A_1008 : vector<16xf32> to vector<1x16xf32>
    tpu.vector_store %arg8[%swap3A_1010, %swap3A_1011], %swap3A_1014 {strides = array<i32>} : memref<128x16xf32, #tpu.memory_space<vmem>>, vector<1x16xf32>,
    %broadcast_in_dim3A_1015 = arith.constant 0.000000e+00 : f32
    %broadcast_in_dim3A_1016 = vector.broadcast %broadcast_in_dim3A_1015 : f32 to vector<16xf32>
    %swap3A_1017 = arith.constant 126 : i32
    %swap3A_1018 = arith.index_cast %swap3A_1017 : i32 to index
    %swap3A_1019 = arith.constant 0 : index
    %swap3A_1020 = tpu.vector_load %arg8[%swap3A_1018, %swap3A_1019] {strides = array<i32>} : memref<128x16xf32, #tpu.memory_space<vmem>>, vector<1x16xf32>,
    %swap3A_1021 = vector.shape_cast %swap3A_1020 : vector<1x16xf32> to vector<16xf32>
    %swap3A_1022 = vector.shape_cast %broadcast_in_dim3A_1016 : vector<16xf32> to vector<1x16xf32>
    tpu.vector_store %arg8[%swap3A_1018, %swap3A_1019], %swap3A_1022 {strides = array<i32>} : memref<128x16xf32, #tpu.memory_space<vmem>>, vector<1x16xf32>,
    %broadcast_in_dim3A_1023 = arith.constant 0.000000e+00 : f32
    %broadcast_in_dim3A_1024 = vector.broadcast %broadcast_in_dim3A_1023 : f32 to vector<16xf32>
    %swap3A_1025 = arith.constant 127 : i32
    %swap3A_1026 = arith.index_cast %swap3A_1025 : i32 to index
    %swap3A_1027 = arith.constant 0 : index
    %swap3A_1028 = tpu.vector_load %arg8[%swap3A_1026, %swap3A_1027] {strides = array<i32>} : memref<128x16xf32, #tpu.memory_space<vmem>>, vector<1x16xf32>,
    %swap3A_1029 = vector.shape_cast %swap3A_1028 : vector<1x16xf32> to vector<16xf32>
    %swap3A_1030 = vector.shape_cast %broadcast_in_dim3A_1024 : vector<16xf32> to vector<1x16xf32>
    tpu.vector_store %arg8[%swap3A_1026, %swap3A_1027], %swap3A_1030 {strides = array<i32>} : memref<128x16xf32, #tpu.memory_space<vmem>>, vector<1x16xf32>,
    %mul3A_1031 = arith.constant 640 : i32
    %mul3A_1032 = arith.muli %arg1, %mul3A_1031 : i32
    %add3A_1033 = arith.constant 0 : i32
    %add3A_1034 = arith.addi %mul3A_1032, %add3A_1033 : i32
    "tpu.region"() ({
      %run_scoped3A_1118 = tpu.sem_alloc : memref<!tpu.dma_semaphore, #tpu.memory_space<semaphore_mem>>
      %dma_start3A_1119 = arith.constant 0 : i32
      %dma_start3A_1120 = tpu.memref_slice %arg10[%add3A_1034, %dma_start3A_1119] : memref<10240x16xf32, #tpu.memory_space<vmem_shared>> -> memref<128x16xf32, #tpu.memory_space<vmem_shared>>
      %dma_start3A_1121 = arith.constant 0 : i32
      %dma_start3A_1122 = tpu.memref_slice %arg10[%add3A_1034, %dma_start3A_1121] : memref<10240x16xf32, #tpu.memory_space<vmem_shared>> -> memref<128x16xf32, #tpu.memory_space<vmem_shared>>
      tpu.enqueue_dma source(%arg8 : memref<128x16xf32, #tpu.memory_space<vmem>>) target(%dma_start3A_1122 : memref<128x16xf32, #tpu.memory_space<vmem_shared>>) target_semaphore(%run_scoped3A_1118 : memref<!tpu.dma_semaphore, #tpu.memory_space<semaphore_mem>>)
      %dma_wait3A = arith.constant 0 : i32
      %dma_wait3A_1123 = tpu.memref_slice %arg10[%add3A_1034, %dma_wait3A] : memref<10240x16xf32, #tpu.memory_space<vmem_shared>> -> memref<128x16xf32, #tpu.memory_space<vmem_shared>>
      %dma_wait3A_1124 = arith.constant 0 : i32
      %dma_wait3A_1125 = tpu.memref_slice %arg10[%add3A_1034, %dma_wait3A_1124] : memref<10240x16xf32, #tpu.memory_space<vmem_shared>> -> memref<128x16xf32, #tpu.memory_space<vmem_shared>>
      tpu.wait_dma2 semaphore(%run_scoped3A_1118 : memref<!tpu.dma_semaphore, #tpu.memory_space<semaphore_mem>>) src(%arg8 : memref<128x16xf32, #tpu.memory_space<vmem>>) dst(%dma_wait3A_1125 : memref<128x16xf32, #tpu.memory_space<vmem_shared>>)
      tpu.yield
    }) : () -> ()
    %mul3A_1035 = arith.constant 640 : i32
    %mul3A_1036 = arith.muli %arg1, %mul3A_1035 : i32
    %add3A_1037 = arith.constant 128 : i32
    %add3A_1038 = arith.addi %mul3A_1036, %add3A_1037 : i32
    "tpu.region"() ({
      %run_scoped3A_1118 = tpu.sem_alloc : memref<!tpu.dma_semaphore, #tpu.memory_space<semaphore_mem>>
      %dma_start3A_1119 = arith.constant 0 : i32
      %dma_start3A_1120 = tpu.memref_slice %arg10[%add3A_1038, %dma_start3A_1119] : memref<10240x16xf32, #tpu.memory_space<vmem_shared>> -> memref<128x16xf32, #tpu.memory_space<vmem_shared>>
      %dma_start3A_1121 = arith.constant 0 : i32
      %dma_start3A_1122 = tpu.memref_slice %arg10[%add3A_1038, %dma_start3A_1121] : memref<10240x16xf32, #tpu.memory_space<vmem_shared>> -> memref<128x16xf32, #tpu.memory_space<vmem_shared>>
      tpu.enqueue_dma source(%arg8 : memref<128x16xf32, #tpu.memory_space<vmem>>) target(%dma_start3A_1122 : memref<128x16xf32, #tpu.memory_space<vmem_shared>>) target_semaphore(%run_scoped3A_1118 : memref<!tpu.dma_semaphore, #tpu.memory_space<semaphore_mem>>)
      %dma_wait3A = arith.constant 0 : i32
      %dma_wait3A_1123 = tpu.memref_slice %arg10[%add3A_1038, %dma_wait3A] : memref<10240x16xf32, #tpu.memory_space<vmem_shared>> -> memref<128x16xf32, #tpu.memory_space<vmem_shared>>
      %dma_wait3A_1124 = arith.constant 0 : i32
      %dma_wait3A_1125 = tpu.memref_slice %arg10[%add3A_1038, %dma_wait3A_1124] : memref<10240x16xf32, #tpu.memory_space<vmem_shared>> -> memref<128x16xf32, #tpu.memory_space<vmem_shared>>
      tpu.wait_dma2 semaphore(%run_scoped3A_1118 : memref<!tpu.dma_semaphore, #tpu.memory_space<semaphore_mem>>) src(%arg8 : memref<128x16xf32, #tpu.memory_space<vmem>>) dst(%dma_wait3A_1125 : memref<128x16xf32, #tpu.memory_space<vmem_shared>>)
      tpu.yield
    }) : () -> ()
    %mul3A_1039 = arith.constant 640 : i32
    %mul3A_1040 = arith.muli %arg1, %mul3A_1039 : i32
    %add3A_1041 = arith.constant 256 : i32
    %add3A_1042 = arith.addi %mul3A_1040, %add3A_1041 : i32
    "tpu.region"() ({
      %run_scoped3A_1118 = tpu.sem_alloc : memref<!tpu.dma_semaphore, #tpu.memory_space<semaphore_mem>>
      %dma_start3A_1119 = arith.constant 0 : i32
      %dma_start3A_1120 = tpu.memref_slice %arg10[%add3A_1042, %dma_start3A_1119] : memref<10240x16xf32, #tpu.memory_space<vmem_shared>> -> memref<128x16xf32, #tpu.memory_space<vmem_shared>>
      %dma_start3A_1121 = arith.constant 0 : i32
      %dma_start3A_1122 = tpu.memref_slice %arg10[%add3A_1042, %dma_start3A_1121] : memref<10240x16xf32, #tpu.memory_space<vmem_shared>> -> memref<128x16xf32, #tpu.memory_space<vmem_shared>>
      tpu.enqueue_dma source(%arg8 : memref<128x16xf32, #tpu.memory_space<vmem>>) target(%dma_start3A_1122 : memref<128x16xf32, #tpu.memory_space<vmem_shared>>) target_semaphore(%run_scoped3A_1118 : memref<!tpu.dma_semaphore, #tpu.memory_space<semaphore_mem>>)
      %dma_wait3A = arith.constant 0 : i32
      %dma_wait3A_1123 = tpu.memref_slice %arg10[%add3A_1042, %dma_wait3A] : memref<10240x16xf32, #tpu.memory_space<vmem_shared>> -> memref<128x16xf32, #tpu.memory_space<vmem_shared>>
      %dma_wait3A_1124 = arith.constant 0 : i32
      %dma_wait3A_1125 = tpu.memref_slice %arg10[%add3A_1042, %dma_wait3A_1124] : memref<10240x16xf32, #tpu.memory_space<vmem_shared>> -> memref<128x16xf32, #tpu.memory_space<vmem_shared>>
      tpu.wait_dma2 semaphore(%run_scoped3A_1118 : memref<!tpu.dma_semaphore, #tpu.memory_space<semaphore_mem>>) src(%arg8 : memref<128x16xf32, #tpu.memory_space<vmem>>) dst(%dma_wait3A_1125 : memref<128x16xf32, #tpu.memory_space<vmem_shared>>)
      tpu.yield
    }) : () -> ()
    %mul3A_1043 = arith.constant 640 : i32
    %mul3A_1044 = arith.muli %arg1, %mul3A_1043 : i32
    %add3A_1045 = arith.constant 384 : i32
    %add3A_1046 = arith.addi %mul3A_1044, %add3A_1045 : i32
    "tpu.region"() ({
      %run_scoped3A_1118 = tpu.sem_alloc : memref<!tpu.dma_semaphore, #tpu.memory_space<semaphore_mem>>
      %dma_start3A_1119 = arith.constant 0 : i32
      %dma_start3A_1120 = tpu.memref_slice %arg10[%add3A_1046, %dma_start3A_1119] : memref<10240x16xf32, #tpu.memory_space<vmem_shared>> -> memref<128x16xf32, #tpu.memory_space<vmem_shared>>
      %dma_start3A_1121 = arith.constant 0 : i32
      %dma_start3A_1122 = tpu.memref_slice %arg10[%add3A_1046, %dma_start3A_1121] : memref<10240x16xf32, #tpu.memory_space<vmem_shared>> -> memref<128x16xf32, #tpu.memory_space<vmem_shared>>
      tpu.enqueue_dma source(%arg8 : memref<128x16xf32, #tpu.memory_space<vmem>>) target(%dma_start3A_1122 : memref<128x16xf32, #tpu.memory_space<vmem_shared>>) target_semaphore(%run_scoped3A_1118 : memref<!tpu.dma_semaphore, #tpu.memory_space<semaphore_mem>>)
      %dma_wait3A = arith.constant 0 : i32
      %dma_wait3A_1123 = tpu.memref_slice %arg10[%add3A_1046, %dma_wait3A] : memref<10240x16xf32, #tpu.memory_space<vmem_shared>> -> memref<128x16xf32, #tpu.memory_space<vmem_shared>>
      %dma_wait3A_1124 = arith.constant 0 : i32
      %dma_wait3A_1125 = tpu.memref_slice %arg10[%add3A_1046, %dma_wait3A_1124] : memref<10240x16xf32, #tpu.memory_space<vmem_shared>> -> memref<128x16xf32, #tpu.memory_space<vmem_shared>>
      tpu.wait_dma2 semaphore(%run_scoped3A_1118 : memref<!tpu.dma_semaphore, #tpu.memory_space<semaphore_mem>>) src(%arg8 : memref<128x16xf32, #tpu.memory_space<vmem>>) dst(%dma_wait3A_1125 : memref<128x16xf32, #tpu.memory_space<vmem_shared>>)
      tpu.yield
    }) : () -> ()
    %mul3A_1047 = arith.constant 640 : i32
    %mul3A_1048 = arith.muli %arg1, %mul3A_1047 : i32
    %add3A_1049 = arith.constant 512 : i32
    %add3A_1050 = arith.addi %mul3A_1048, %add3A_1049 : i32
    "tpu.region"() ({
      %run_scoped3A_1118 = tpu.sem_alloc : memref<!tpu.dma_semaphore, #tpu.memory_space<semaphore_mem>>
      %dma_start3A_1119 = arith.constant 0 : i32
      %dma_start3A_1120 = tpu.memref_slice %arg10[%add3A_1050, %dma_start3A_1119] : memref<10240x16xf32, #tpu.memory_space<vmem_shared>> -> memref<128x16xf32, #tpu.memory_space<vmem_shared>>
      %dma_start3A_1121 = arith.constant 0 : i32
      %dma_start3A_1122 = tpu.memref_slice %arg10[%add3A_1050, %dma_start3A_1121] : memref<10240x16xf32, #tpu.memory_space<vmem_shared>> -> memref<128x16xf32, #tpu.memory_space<vmem_shared>>
      tpu.enqueue_dma source(%arg8 : memref<128x16xf32, #tpu.memory_space<vmem>>) target(%dma_start3A_1122 : memref<128x16xf32, #tpu.memory_space<vmem_shared>>) target_semaphore(%run_scoped3A_1118 : memref<!tpu.dma_semaphore, #tpu.memory_space<semaphore_mem>>)
      %dma_wait3A = arith.constant 0 : i32
      %dma_wait3A_1123 = tpu.memref_slice %arg10[%add3A_1050, %dma_wait3A] : memref<10240x16xf32, #tpu.memory_space<vmem_shared>> -> memref<128x16xf32, #tpu.memory_space<vmem_shared>>
      %dma_wait3A_1124 = arith.constant 0 : i32
      %dma_wait3A_1125 = tpu.memref_slice %arg10[%add3A_1050, %dma_wait3A_1124] : memref<10240x16xf32, #tpu.memory_space<vmem_shared>> -> memref<128x16xf32, #tpu.memory_space<vmem_shared>>
      tpu.wait_dma2 semaphore(%run_scoped3A_1118 : memref<!tpu.dma_semaphore, #tpu.memory_space<semaphore_mem>>) src(%arg8 : memref<128x16xf32, #tpu.memory_space<vmem>>) dst(%dma_wait3A_1125 : memref<128x16xf32, #tpu.memory_space<vmem_shared>>)
      tpu.yield
    }) : () -> ()
    %mul3A_1051 = arith.constant 78 : i32
    %mul3A_1052 = arith.muli %add3A, %mul3A_1051 : i32
    %run_scoped3A = arith.constant 0 : i32
    "tpu.region"() ({
      %run_scoped3A_1118 = tpu.sem_alloc : memref<!tpu.dma_semaphore, #tpu.memory_space<semaphore_mem>>
      %dma_start3A_1119 = arith.constant 0 : i32
      %dma_start3A_1120 = arith.constant 0 : i32
      %dma_start3A_1121 = tpu.memref_slice %arg5[%dma_start3A_1119, %dma_start3A_1120] : memref<79x128xi32, #tpu.memory_space<vmem>> -> memref<78x128xi32, #tpu.memory_space<vmem>>
      %dma_start3A_1122 = arith.constant 0 : i32
      %dma_start3A_1123 = tpu.memref_slice %arg2[%mul3A_1052, %run_scoped3A, %dma_start3A_1122] : memref<2500x2x128xi32, #tpu.memory_space<hbm>> -> memref<78x1x128xi32, #tpu.memory_space<hbm>>
      %dma_start3A_1124 = tpu.memref_squeeze %dma_start3A_1123 : memref<78x1x128xi32, #tpu.memory_space<hbm>> -> memref<78x128xi32, #tpu.memory_space<hbm>>
      %dma_start3A_1125 = arith.constant 0 : i32
      %dma_start3A_1126 = arith.constant 0 : i32
      %dma_start3A_1127 = tpu.memref_slice %arg5[%dma_start3A_1125, %dma_start3A_1126] : memref<79x128xi32, #tpu.memory_space<vmem>> -> memref<78x128xi32, #tpu.memory_space<vmem>>
      %dma_start3A_1128 = arith.constant 0 : i32
      %dma_start3A_1129 = tpu.memref_slice %arg2[%mul3A_1052, %run_scoped3A, %dma_start3A_1128] : memref<2500x2x128xi32, #tpu.memory_space<hbm>> -> memref<78x1x128xi32, #tpu.memory_space<hbm>>
      %dma_start3A_1130 = tpu.memref_squeeze %dma_start3A_1129 : memref<78x1x128xi32, #tpu.memory_space<hbm>> -> memref<78x128xi32, #tpu.memory_space<hbm>>
      tpu.enqueue_dma source(%dma_start3A_1130 : memref<78x128xi32, #tpu.memory_space<hbm>>) target(%dma_start3A_1127 : memref<78x128xi32, #tpu.memory_space<vmem>>) target_semaphore(%run_scoped3A_1118 : memref<!tpu.dma_semaphore, #tpu.memory_space<semaphore_mem>>)
      %dma_wait3A = arith.constant 0 : i32
      %dma_wait3A_1131 = arith.constant 0 : i32
      %dma_wait3A_1132 = tpu.memref_slice %arg5[%dma_wait3A, %dma_wait3A_1131] : memref<79x128xi32, #tpu.memory_space<vmem>> -> memref<78x128xi32, #tpu.memory_space<vmem>>
      %dma_wait3A_1133 = arith.constant 0 : i32
      %dma_wait3A_1134 = tpu.memref_slice %arg2[%mul3A_1052, %run_scoped3A, %dma_wait3A_1133] : memref<2500x2x128xi32, #tpu.memory_space<hbm>> -> memref<78x1x128xi32, #tpu.memory_space<hbm>>
      %dma_wait3A_1135 = tpu.memref_squeeze %dma_wait3A_1134 : memref<78x1x128xi32, #tpu.memory_space<hbm>> -> memref<78x128xi32, #tpu.memory_space<hbm>>
      %dma_wait3A_1136 = arith.constant 0 : i32
      %dma_wait3A_1137 = arith.constant 0 : i32
      %dma_wait3A_1138 = tpu.memref_slice %arg5[%dma_wait3A_1136, %dma_wait3A_1137] : memref<79x128xi32, #tpu.memory_space<vmem>> -> memref<78x128xi32, #tpu.memory_space<vmem>>
      %dma_wait3A_1139 = arith.constant 0 : i32
      %dma_wait3A_1140 = tpu.memref_slice %arg2[%mul3A_1052, %run_scoped3A, %dma_wait3A_1139] : memref<2500x2x128xi32, #tpu.memory_space<hbm>> -> memref<78x1x128xi32, #tpu.memory_space<hbm>>
      %dma_wait3A_1141 = tpu.memref_squeeze %dma_wait3A_1140 : memref<78x1x128xi32, #tpu.memory_space<hbm>> -> memref<78x128xi32, #tpu.memory_space<hbm>>
      tpu.wait_dma2 semaphore(%run_scoped3A_1118 : memref<!tpu.dma_semaphore, #tpu.memory_space<semaphore_mem>>) src(%dma_wait3A_1141 : memref<78x128xi32, #tpu.memory_space<hbm>>) dst(%dma_wait3A_1138 : memref<78x128xi32, #tpu.memory_space<vmem>>)
      tpu.yield
    }) : () -> ()
    %mul3A_1053 = arith.constant 78 : i32
    %mul3A_1054 = arith.muli %add3A, %mul3A_1053 : i32
    %run_scoped3A_1055 = arith.constant 1 : i32
    "tpu.region"() ({
      %run_scoped3A_1118 = tpu.sem_alloc : memref<!tpu.dma_semaphore, #tpu.memory_space<semaphore_mem>>
      %dma_start3A_1119 = arith.constant 0 : i32
      %dma_start3A_1120 = arith.constant 0 : i32
      %dma_start3A_1121 = tpu.memref_slice %arg6[%dma_start3A_1119, %dma_start3A_1120] : memref<79x128xi32, #tpu.memory_space<vmem>> -> memref<78x128xi32, #tpu.memory_space<vmem>>
      %dma_start3A_1122 = arith.constant 0 : i32
      %dma_start3A_1123 = tpu.memref_slice %arg2[%mul3A_1054, %run_scoped3A_1055, %dma_start3A_1122] : memref<2500x2x128xi32, #tpu.memory_space<hbm>> -> memref<78x1x128xi32, #tpu.memory_space<hbm>>
      %dma_start3A_1124 = tpu.memref_squeeze %dma_start3A_1123 : memref<78x1x128xi32, #tpu.memory_space<hbm>> -> memref<78x128xi32, #tpu.memory_space<hbm>>
      %dma_start3A_1125 = arith.constant 0 : i32
      %dma_start3A_1126 = arith.constant 0 : i32
      %dma_start3A_1127 = tpu.memref_slice %arg6[%dma_start3A_1125, %dma_start3A_1126] : memref<79x128xi32, #tpu.memory_space<vmem>> -> memref<78x128xi32, #tpu.memory_space<vmem>>
      %dma_start3A_1128 = arith.constant 0 : i32
      %dma_start3A_1129 = tpu.memref_slice %arg2[%mul3A_1054, %run_scoped3A_1055, %dma_start3A_1128] : memref<2500x2x128xi32, #tpu.memory_space<hbm>> -> memref<78x1x128xi32, #tpu.memory_space<hbm>>
      %dma_start3A_1130 = tpu.memref_squeeze %dma_start3A_1129 : memref<78x1x128xi32, #tpu.memory_space<hbm>> -> memref<78x128xi32, #tpu.memory_space<hbm>>
      tpu.enqueue_dma source(%dma_start3A_1130 : memref<78x128xi32, #tpu.memory_space<hbm>>) target(%dma_start3A_1127 : memref<78x128xi32, #tpu.memory_space<vmem>>) target_semaphore(%run_scoped3A_1118 : memref<!tpu.dma_semaphore, #tpu.memory_space<semaphore_mem>>)
      %dma_wait3A = arith.constant 0 : i32
      %dma_wait3A_1131 = arith.constant 0 : i32
      %dma_wait3A_1132 = tpu.memref_slice %arg6[%dma_wait3A, %dma_wait3A_1131] : memref<79x128xi32, #tpu.memory_space<vmem>> -> memref<78x128xi32, #tpu.memory_space<vmem>>
      %dma_wait3A_1133 = arith.constant 0 : i32
      %dma_wait3A_1134 = tpu.memref_slice %arg2[%mul3A_1054, %run_scoped3A_1055, %dma_wait3A_1133] : memref<2500x2x128xi32, #tpu.memory_space<hbm>> -> memref<78x1x128xi32, #tpu.memory_space<hbm>>
      %dma_wait3A_1135 = tpu.memref_squeeze %dma_wait3A_1134 : memref<78x1x128xi32, #tpu.memory_space<hbm>> -> memref<78x128xi32, #tpu.memory_space<hbm>>
      %dma_wait3A_1136 = arith.constant 0 : i32
      %dma_wait3A_1137 = arith.constant 0 : i32
      %dma_wait3A_1138 = tpu.memref_slice %arg6[%dma_wait3A_1136, %dma_wait3A_1137] : memref<79x128xi32, #tpu.memory_space<vmem>> -> memref<78x128xi32, #tpu.memory_space<vmem>>
      %dma_wait3A_1139 = arith.constant 0 : i32
      %dma_wait3A_1140 = tpu.memref_slice %arg2[%mul3A_1054, %run_scoped3A_1055, %dma_wait3A_1139] : memref<2500x2x128xi32, #tpu.memory_space<hbm>> -> memref<78x1x128xi32, #tpu.memory_space<hbm>>
      %dma_wait3A_1141 = tpu.memref_squeeze %dma_wait3A_1140 : memref<78x1x128xi32, #tpu.memory_space<hbm>> -> memref<78x128xi32, #tpu.memory_space<hbm>>
      tpu.wait_dma2 semaphore(%run_scoped3A_1118 : memref<!tpu.dma_semaphore, #tpu.memory_space<semaphore_mem>>) src(%dma_wait3A_1141 : memref<78x128xi32, #tpu.memory_space<hbm>>) dst(%dma_wait3A_1138 : memref<78x128xi32, #tpu.memory_space<vmem>>)
      tpu.yield
    }) : () -> ()
    %lt3A_1056 = arith.constant 4 : i32
    %lt3A_1057 = arith.cmpi slt, %add3A, %lt3A_1056 : i32
    %convert_element_type3A = arith.extui %lt3A_1057 : i1 to i32
    %cond3A = arith.constant 0 : i32
    %cond3A_1058 = arith.cmpi ne, %convert_element_type3A, %cond3A : i32
    scf.if %cond3A_1058 {
      %add3A_1118 = arith.constant 2496 : i32
      %add3A_1119 = arith.addi %add3A_1118, %add3A : i32
      %run_scoped3A_1120 = arith.constant 0 : i32
      %run_scoped3A_1121 = arith.constant 78 : i32
      "tpu.region"() ({
        %run_scoped3A_1126 = tpu.sem_alloc : memref<!tpu.dma_semaphore, #tpu.memory_space<semaphore_mem>>
        %dma_start3A_1127 = arith.constant 0 : i32
        %dma_start3A_1128 = tpu.memref_slice %arg5[%run_scoped3A_1121, %dma_start3A_1127] : memref<79x128xi32, #tpu.memory_space<vmem>> -> memref<1x128xi32, #tpu.memory_space<vmem>>
        %dma_start3A_1129 = tpu.memref_squeeze %dma_start3A_1128 : memref<1x128xi32, #tpu.memory_space<vmem>> -> memref<128xi32, #tpu.memory_space<vmem>>
        %dma_start3A_1130 = arith.constant 0 : i32
        %dma_start3A_1131 = tpu.memref_slice %arg2[%add3A_1119, %run_scoped3A_1120, %dma_start3A_1130] : memref<2500x2x128xi32, #tpu.memory_space<hbm>> -> memref<1x1x128xi32, #tpu.memory_space<hbm>>
        %dma_start3A_1132 = tpu.memref_squeeze %dma_start3A_1131 : memref<1x1x128xi32, #tpu.memory_space<hbm>> -> memref<128xi32, #tpu.memory_space<hbm>>
        %dma_start3A_1133 = arith.constant 0 : i32
        %dma_start3A_1134 = tpu.memref_slice %arg5[%run_scoped3A_1121, %dma_start3A_1133] : memref<79x128xi32, #tpu.memory_space<vmem>> -> memref<1x128xi32, #tpu.memory_space<vmem>>
        %dma_start3A_1135 = tpu.memref_squeeze %dma_start3A_1134 : memref<1x128xi32, #tpu.memory_space<vmem>> -> memref<128xi32, #tpu.memory_space<vmem>>
        %dma_start3A_1136 = arith.constant 0 : i32
        %dma_start3A_1137 = tpu.memref_slice %arg2[%add3A_1119, %run_scoped3A_1120, %dma_start3A_1136] : memref<2500x2x128xi32, #tpu.memory_space<hbm>> -> memref<1x1x128xi32, #tpu.memory_space<hbm>>
        %dma_start3A_1138 = tpu.memref_squeeze %dma_start3A_1137 : memref<1x1x128xi32, #tpu.memory_space<hbm>> -> memref<128xi32, #tpu.memory_space<hbm>>
        tpu.enqueue_dma source(%dma_start3A_1138 : memref<128xi32, #tpu.memory_space<hbm>>) target(%dma_start3A_1135 : memref<128xi32, #tpu.memory_space<vmem>>) target_semaphore(%run_scoped3A_1126 : memref<!tpu.dma_semaphore, #tpu.memory_space<semaphore_mem>>)
        %dma_wait3A = arith.constant 0 : i32
        %dma_wait3A_1139 = tpu.memref_slice %arg5[%run_scoped3A_1121, %dma_wait3A] : memref<79x128xi32, #tpu.memory_space<vmem>> -> memref<1x128xi32, #tpu.memory_space<vmem>>
        %dma_wait3A_1140 = tpu.memref_squeeze %dma_wait3A_1139 : memref<1x128xi32, #tpu.memory_space<vmem>> -> memref<128xi32, #tpu.memory_space<vmem>>
        %dma_wait3A_1141 = arith.constant 0 : i32
        %dma_wait3A_1142 = tpu.memref_slice %arg2[%add3A_1119, %run_scoped3A_1120, %dma_wait3A_1141] : memref<2500x2x128xi32, #tpu.memory_space<hbm>> -> memref<1x1x128xi32, #tpu.memory_space<hbm>>
        %dma_wait3A_1143 = tpu.memref_squeeze %dma_wait3A_1142 : memref<1x1x128xi32, #tpu.memory_space<hbm>> -> memref<128xi32, #tpu.memory_space<hbm>>
        %dma_wait3A_1144 = arith.constant 0 : i32
        %dma_wait3A_1145 = tpu.memref_slice %arg5[%run_scoped3A_1121, %dma_wait3A_1144] : memref<79x128xi32, #tpu.memory_space<vmem>> -> memref<1x128xi32, #tpu.memory_space<vmem>>
        %dma_wait3A_1146 = tpu.memref_squeeze %dma_wait3A_1145 : memref<1x128xi32, #tpu.memory_space<vmem>> -> memref<128xi32, #tpu.memory_space<vmem>>
        %dma_wait3A_1147 = arith.constant 0 : i32
        %dma_wait3A_1148 = tpu.memref_slice %arg2[%add3A_1119, %run_scoped3A_1120, %dma_wait3A_1147] : memref<2500x2x128xi32, #tpu.memory_space<hbm>> -> memref<1x1x128xi32, #tpu.memory_space<hbm>>
        %dma_wait3A_1149 = tpu.memref_squeeze %dma_wait3A_1148 : memref<1x1x128xi32, #tpu.memory_space<hbm>> -> memref<128xi32, #tpu.memory_space<hbm>>
        tpu.wait_dma2 semaphore(%run_scoped3A_1126 : memref<!tpu.dma_semaphore, #tpu.memory_space<semaphore_mem>>) src(%dma_wait3A_1149 : memref<128xi32, #tpu.memory_space<hbm>>) dst(%dma_wait3A_1146 : memref<128xi32, #tpu.memory_space<vmem>>)
        tpu.yield
      }) : () -> ()
      %add3A_1122 = arith.constant 2496 : i32
      %add3A_1123 = arith.addi %add3A_1122, %add3A : i32
      %run_scoped3A_1124 = arith.constant 1 : i32
      %run_scoped3A_1125 = arith.constant 78 : i32
      "tpu.region"() ({
        %run_scoped3A_1126 = tpu.sem_alloc : memref<!tpu.dma_semaphore, #tpu.memory_space<semaphore_mem>>
        %dma_start3A_1127 = arith.constant 0 : i32
        %dma_start3A_1128 = tpu.memref_slice %arg6[%run_scoped3A_1125, %dma_start3A_1127] : memref<79x128xi32, #tpu.memory_space<vmem>> -> memref<1x128xi32, #tpu.memory_space<vmem>>
        %dma_start3A_1129 = tpu.memref_squeeze %dma_start3A_1128 : memref<1x128xi32, #tpu.memory_space<vmem>> -> memref<128xi32, #tpu.memory_space<vmem>>
        %dma_start3A_1130 = arith.constant 0 : i32
        %dma_start3A_1131 = tpu.memref_slice %arg2[%add3A_1123, %run_scoped3A_1124, %dma_start3A_1130] : memref<2500x2x128xi32, #tpu.memory_space<hbm>> -> memref<1x1x128xi32, #tpu.memory_space<hbm>>
        %dma_start3A_1132 = tpu.memref_squeeze %dma_start3A_1131 : memref<1x1x128xi32, #tpu.memory_space<hbm>> -> memref<128xi32, #tpu.memory_space<hbm>>
        %dma_start3A_1133 = arith.constant 0 : i32
        %dma_start3A_1134 = tpu.memref_slice %arg6[%run_scoped3A_1125, %dma_start3A_1133] : memref<79x128xi32, #tpu.memory_space<vmem>> -> memref<1x128xi32, #tpu.memory_space<vmem>>
        %dma_start3A_1135 = tpu.memref_squeeze %dma_start3A_1134 : memref<1x128xi32, #tpu.memory_space<vmem>> -> memref<128xi32, #tpu.memory_space<vmem>>
        %dma_start3A_1136 = arith.constant 0 : i32
        %dma_start3A_1137 = tpu.memref_slice %arg2[%add3A_1123, %run_scoped3A_1124, %dma_start3A_1136] : memref<2500x2x128xi32, #tpu.memory_space<hbm>> -> memref<1x1x128xi32, #tpu.memory_space<hbm>>
        %dma_start3A_1138 = tpu.memref_squeeze %dma_start3A_1137 : memref<1x1x128xi32, #tpu.memory_space<hbm>> -> memref<128xi32, #tpu.memory_space<hbm>>
        tpu.enqueue_dma source(%dma_start3A_1138 : memref<128xi32, #tpu.memory_space<hbm>>) target(%dma_start3A_1135 : memref<128xi32, #tpu.memory_space<vmem>>) target_semaphore(%run_scoped3A_1126 : memref<!tpu.dma_semaphore, #tpu.memory_space<semaphore_mem>>)
        %dma_wait3A = arith.constant 0 : i32
        %dma_wait3A_1139 = tpu.memref_slice %arg6[%run_scoped3A_1125, %dma_wait3A] : memref<79x128xi32, #tpu.memory_space<vmem>> -> memref<1x128xi32, #tpu.memory_space<vmem>>
        %dma_wait3A_1140 = tpu.memref_squeeze %dma_wait3A_1139 : memref<1x128xi32, #tpu.memory_space<vmem>> -> memref<128xi32, #tpu.memory_space<vmem>>
        %dma_wait3A_1141 = arith.constant 0 : i32
        %dma_wait3A_1142 = tpu.memref_slice %arg2[%add3A_1123, %run_scoped3A_1124, %dma_wait3A_1141] : memref<2500x2x128xi32, #tpu.memory_space<hbm>> -> memref<1x1x128xi32, #tpu.memory_space<hbm>>
        %dma_wait3A_1143 = tpu.memref_squeeze %dma_wait3A_1142 : memref<1x1x128xi32, #tpu.memory_space<hbm>> -> memref<128xi32, #tpu.memory_space<hbm>>
        %dma_wait3A_1144 = arith.constant 0 : i32
        %dma_wait3A_1145 = tpu.memref_slice %arg6[%run_scoped3A_1125, %dma_wait3A_1144] : memref<79x128xi32, #tpu.memory_space<vmem>> -> memref<1x128xi32, #tpu.memory_space<vmem>>
        %dma_wait3A_1146 = tpu.memref_squeeze %dma_wait3A_1145 : memref<1x128xi32, #tpu.memory_space<vmem>> -> memref<128xi32, #tpu.memory_space<vmem>>
        %dma_wait3A_1147 = arith.constant 0 : i32
        %dma_wait3A_1148 = tpu.memref_slice %arg2[%add3A_1123, %run_scoped3A_1124, %dma_wait3A_1147] : memref<2500x2x128xi32, #tpu.memory_space<hbm>> -> memref<1x1x128xi32, #tpu.memory_space<hbm>>
        %dma_wait3A_1149 = tpu.memref_squeeze %dma_wait3A_1148 : memref<1x1x128xi32, #tpu.memory_space<hbm>> -> memref<128xi32, #tpu.memory_space<hbm>>
        tpu.wait_dma2 semaphore(%run_scoped3A_1126 : memref<!tpu.dma_semaphore, #tpu.memory_space<semaphore_mem>>) src(%dma_wait3A_1149 : memref<128xi32, #tpu.memory_space<hbm>>) dst(%dma_wait3A_1146 : memref<128xi32, #tpu.memory_space<vmem>>)
        tpu.yield
      }) : () -> ()
    } else {
    }
    %barrier3A = arith.constant 0 : index
    tpu.barrier barrier_id(%barrier3A)
    %dma_start3A = arith.constant 0 : i32
    %dma_start3A_1059 = arith.constant 0 : i32
    %dma_start3A_1060 = arith.constant 0 : i32
    %dma_start3A_1061 = arith.constant 0 : i32
    %dma_start3A_1062 = tpu.memref_slice %arg7[%dma_start3A_1059, %dma_start3A_1060, %dma_start3A_1061] : memref<4x128x16xf32, #tpu.memory_space<vmem>> -> memref<1x128x16xf32, #tpu.memory_space<vmem>>
    %dma_start3A_1063 = tpu.memref_squeeze %dma_start3A_1062 : memref<1x128x16xf32, #tpu.memory_space<vmem>> -> memref<128x16xf32, #tpu.memory_space<vmem>>
    %dma_start3A_1064 = arith.constant 0 : i32
    %dma_start3A_1065 = tpu.memref_slice %arg5[%dma_start3A, %dma_start3A_1064] : memref<79x128xi32, #tpu.memory_space<vmem>> -> memref<1x128xi32, #tpu.memory_space<vmem>>
    %dma_start3A_1066 = tpu.memref_squeeze %dma_start3A_1065 : memref<1x128xi32, #tpu.memory_space<vmem>> -> memref<128xi32, #tpu.memory_space<vmem>>
    %dma_start3A_1067 = arith.constant 0 : i32
    %dma_start3A_1068 = arith.constant 0 : i32
    %dma_start3A_1069 = tpu.memref_slice %arg9[%dma_start3A_1067, %dma_start3A_1068] : memref<10240x16xf32, #tpu.memory_space<vmem_shared>> -> memref<10240x16xf32, #tpu.memory_space<vmem_shared>>
    tpu.enqueue_indirect_dma source(%dma_start3A_1069 : memref<10240x16xf32, #tpu.memory_space<vmem_shared>>) target(%dma_start3A_1063 : memref<128x16xf32, #tpu.memory_space<vmem>>) offsets(%dma_start3A_1066 : memref<128xi32, #tpu.memory_space<vmem>>) semaphore(%arg11 : memref<!tpu.dma_semaphore, #tpu.memory_space<semaphore_mem>>)
    %dma_start3A_1070 = arith.constant 1 : i32
    %dma_start3A_1071 = arith.constant 1 : i32
    %dma_start3A_1072 = arith.constant 0 : i32
    %dma_start3A_1073 = arith.constant 0 : i32
    %dma_start3A_1074 = tpu.memref_slice %arg7[%dma_start3A_1071, %dma_start3A_1072, %dma_start3A_1073] : memref<4x128x16xf32, #tpu.memory_space<vmem>> -> memref<1x128x16xf32, #tpu.memory_space<vmem>>
    %dma_start3A_1075 = tpu.memref_squeeze %dma_start3A_1074 : memref<1x128x16xf32, #tpu.memory_space<vmem>> -> memref<128x16xf32, #tpu.memory_space<vmem>>
    %dma_start3A_1076 = arith.constant 0 : i32
    %dma_start3A_1077 = tpu.memref_slice %arg5[%dma_start3A_1070, %dma_start3A_1076] : memref<79x128xi32, #tpu.memory_space<vmem>> -> memref<1x128xi32, #tpu.memory_space<vmem>>
    %dma_start3A_1078 = tpu.memref_squeeze %dma_start3A_1077 : memref<1x128xi32, #tpu.memory_space<vmem>> -> memref<128xi32, #tpu.memory_space<vmem>>
    %dma_start3A_1079 = arith.constant 0 : i32
    %dma_start3A_1080 = arith.constant 0 : i32
    %dma_start3A_1081 = tpu.memref_slice %arg9[%dma_start3A_1079, %dma_start3A_1080] : memref<10240x16xf32, #tpu.memory_space<vmem_shared>> -> memref<10240x16xf32, #tpu.memory_space<vmem_shared>>
    tpu.enqueue_indirect_dma source(%dma_start3A_1081 : memref<10240x16xf32, #tpu.memory_space<vmem_shared>>) target(%dma_start3A_1075 : memref<128x16xf32, #tpu.memory_space<vmem>>) offsets(%dma_start3A_1078 : memref<128xi32, #tpu.memory_space<vmem>>) semaphore(%arg12 : memref<!tpu.dma_semaphore, #tpu.memory_space<semaphore_mem>>)
    %dma_start3A_1082 = arith.constant 2 : i32
    %dma_start3A_1083 = arith.constant 2 : i32
    %dma_start3A_1084 = arith.constant 0 : i32
    %dma_start3A_1085 = arith.constant 0 : i32
    %dma_start3A_1086 = tpu.memref_slice %arg7[%dma_start3A_1083, %dma_start3A_1084, %dma_start3A_1085] : memref<4x128x16xf32, #tpu.memory_space<vmem>> -> memref<1x128x16xf32, #tpu.memory_space<vmem>>
    %dma_start3A_1087 = tpu.memref_squeeze %dma_start3A_1086 : memref<1x128x16xf32, #tpu.memory_space<vmem>> -> memref<128x16xf32, #tpu.memory_space<vmem>>
    %dma_start3A_1088 = arith.constant 0 : i32
    %dma_start3A_1089 = tpu.memref_slice %arg5[%dma_start3A_1082, %dma_start3A_1088] : memref<79x128xi32, #tpu.memory_space<vmem>> -> memref<1x128xi32, #tpu.memory_space<vmem>>
    %dma_start3A_1090 = tpu.memref_squeeze %dma_start3A_1089 : memref<1x128xi32, #tpu.memory_space<vmem>> -> memref<128xi32, #tpu.memory_space<vmem>>
    %dma_start3A_1091 = arith.constant 0 : i32
    %dma_start3A_1092 = arith.constant 0 : i32
    %dma_start3A_1093 = tpu.memref_slice %arg9[%dma_start3A_1091, %dma_start3A_1092] : memref<10240x16xf32, #tpu.memory_space<vmem_shared>> -> memref<10240x16xf32, #tpu.memory_space<vmem_shared>>
    tpu.enqueue_indirect_dma source(%dma_start3A_1093 : memref<10240x16xf32, #tpu.memory_space<vmem_shared>>) target(%dma_start3A_1087 : memref<128x16xf32, #tpu.memory_space<vmem>>) offsets(%dma_start3A_1090 : memref<128xi32, #tpu.memory_space<vmem>>) semaphore(%arg13 : memref<!tpu.dma_semaphore, #tpu.memory_space<semaphore_mem>>)
    %dma_start3A_1094 = arith.constant 3 : i32
    %dma_start3A_1095 = arith.constant 3 : i32
    %dma_start3A_1096 = arith.constant 0 : i32
    %dma_start3A_1097 = arith.constant 0 : i32
    %dma_start3A_1098 = tpu.memref_slice %arg7[%dma_start3A_1095, %dma_start3A_1096, %dma_start3A_1097] : memref<4x128x16xf32, #tpu.memory_space<vmem>> -> memref<1x128x16xf32, #tpu.memory_space<vmem>>
    %dma_start3A_1099 = tpu.memref_squeeze %dma_start3A_1098 : memref<1x128x16xf32, #tpu.memory_space<vmem>> -> memref<128x16xf32, #tpu.memory_space<vmem>>
    %dma_start3A_1100 = arith.constant 0 : i32
    %dma_start3A_1101 = tpu.memref_slice %arg5[%dma_start3A_1094, %dma_start3A_1100] : memref<79x128xi32, #tpu.memory_space<vmem>> -> memref<1x128xi32, #tpu.memory_space<vmem>>
    %dma_start3A_1102 = tpu.memref_squeeze %dma_start3A_1101 : memref<1x128xi32, #tpu.memory_space<vmem>> -> memref<128xi32, #tpu.memory_space<vmem>>
    %dma_start3A_1103 = arith.constant 0 : i32
    %dma_start3A_1104 = arith.constant 0 : i32
    %dma_start3A_1105 = tpu.memref_slice %arg9[%dma_start3A_1103, %dma_start3A_1104] : memref<10240x16xf32, #tpu.memory_space<vmem_shared>> -> memref<10240x16xf32, #tpu.memory_space<vmem_shared>>
    tpu.enqueue_indirect_dma source(%dma_start3A_1105 : memref<10240x16xf32, #tpu.memory_space<vmem_shared>>) target(%dma_start3A_1099 : memref<128x16xf32, #tpu.memory_space<vmem>>) offsets(%dma_start3A_1102 : memref<128xi32, #tpu.memory_space<vmem>>) semaphore(%arg14 : memref<!tpu.dma_semaphore, #tpu.memory_space<semaphore_mem>>)
    %scan3A = arith.constant 0 : i32
    %scan3A_1106 = arith.constant 20 : i32
    %scan3A_1107 = arith.addi %scan3A, %scan3A_1106 : i32
    %scan3A_1108 = arith.constant 1 : i32
    scf.for %scan3A_1118 = %scan3A to %scan3A_1107 step %scan3A_1108  : i32 {
      %mul3A_1119 = arith.constant 1 : i32
      %mul3A_1120 = arith.muli %scan3A_1118, %mul3A_1119 : i32
      %add3A_1121 = arith.constant 0 : i32
      %add3A_1122 = arith.addi %add3A_1121, %mul3A_1120 : i32
      %mul3A_1123 = arith.constant 4 : i32
      %mul3A_1124 = arith.muli %add3A_1122, %mul3A_1123 : i32
      %add3A_1125 = arith.constant 0 : i32
      %add3A_1126 = arith.addi %mul3A_1124, %add3A_1125 : i32
      %lt3A_1127 = arith.cmpi slt, %add3A_1126, %add3A_4 : i32
      %convert_element_type3A_1128 = arith.extui %lt3A_1127 : i1 to i32
      %cond3A_1129 = arith.constant 0 : i32
      %cond3A_1130 = arith.cmpi ne, %convert_element_type3A_1128, %cond3A_1129 : i32
      scf.if %cond3A_1130 {
        %dma_wait3A = arith.constant 0 : i32
        %dma_wait3A_1179 = arith.constant 0 : i32
        %dma_wait3A_1180 = arith.constant 0 : i32
        %dma_wait3A_1181 = tpu.memref_slice %arg7[%dma_wait3A, %dma_wait3A_1179, %dma_wait3A_1180] : memref<4x128x16xf32, #tpu.memory_space<vmem>> -> memref<1x128x16xf32, #tpu.memory_space<vmem>>
        %dma_wait3A_1182 = tpu.memref_squeeze %dma_wait3A_1181 : memref<1x128x16xf32, #tpu.memory_space<vmem>> -> memref<128x16xf32, #tpu.memory_space<vmem>>
        %dma_wait3A_1183 = arith.constant 0 : i32
        %dma_wait3A_1184 = arith.constant 0 : i32
        %dma_wait3A_1185 = tpu.memref_slice %arg9[%dma_wait3A_1183, %dma_wait3A_1184] : memref<10240x16xf32, #tpu.memory_space<vmem_shared>> -> memref<128x16xf32, #tpu.memory_space<vmem_shared>>
        %dma_wait3A_1186 = arith.constant 0 : i32
        %dma_wait3A_1187 = arith.constant 0 : i32
        %dma_wait3A_1188 = tpu.memref_slice %arg7[%dma_wait3A, %dma_wait3A_1186, %dma_wait3A_1187] : memref<4x128x16xf32, #tpu.memory_space<vmem>> -> memref<1x128x16xf32, #tpu.memory_space<vmem>>
        %dma_wait3A_1189 = tpu.memref_squeeze %dma_wait3A_1188 : memref<1x128x16xf32, #tpu.memory_space<vmem>> -> memref<128x16xf32, #tpu.memory_space<vmem>>
        %dma_wait3A_1190 = arith.constant 0 : i32
        %dma_wait3A_1191 = arith.constant 0 : i32
        %dma_wait3A_1192 = tpu.memref_slice %arg9[%dma_wait3A_1190, %dma_wait3A_1191] : memref<10240x16xf32, #tpu.memory_space<vmem_shared>> -> memref<128x16xf32, #tpu.memory_space<vmem_shared>>
        tpu.wait_dma2 semaphore(%arg11 : memref<!tpu.dma_semaphore, #tpu.memory_space<semaphore_mem>>) src(%dma_wait3A_1192 : memref<128x16xf32, #tpu.memory_space<vmem_shared>>) dst(%dma_wait3A_1189 : memref<128x16xf32, #tpu.memory_space<vmem>>)
        %run_scoped3A_1193 = arith.constant 0 : i32
        "tpu.region"() ({
          %run_scoped3A_1194 = tpu.sem_alloc : memref<!tpu.dma_semaphore, #tpu.memory_space<semaphore_mem>>
          %dma_start3A_1195 = arith.constant 0 : i32
          %dma_start3A_1196 = arith.constant 0 : i32
          %dma_start3A_1197 = tpu.memref_slice %arg7[%run_scoped3A_1193, %dma_start3A_1195, %dma_start3A_1196] : memref<4x128x16xf32, #tpu.memory_space<vmem>> -> memref<1x128x16xf32, #tpu.memory_space<vmem>>
          %dma_start3A_1198 = tpu.memref_squeeze %dma_start3A_1197 : memref<1x128x16xf32, #tpu.memory_space<vmem>> -> memref<128x16xf32, #tpu.memory_space<vmem>>
          %dma_start3A_1199 = arith.constant 0 : i32
          %dma_start3A_1200 = tpu.memref_slice %arg6[%add3A_1126, %dma_start3A_1199] : memref<79x128xi32, #tpu.memory_space<vmem>> -> memref<1x128xi32, #tpu.memory_space<vmem>>
          %dma_start3A_1201 = tpu.memref_squeeze %dma_start3A_1200 : memref<1x128xi32, #tpu.memory_space<vmem>> -> memref<128xi32, #tpu.memory_space<vmem>>
          %dma_start3A_1202 = arith.constant 0 : i32
          %dma_start3A_1203 = arith.constant 0 : i32
          %dma_start3A_1204 = tpu.memref_slice %arg10[%dma_start3A_1202, %dma_start3A_1203] : memref<10240x16xf32, #tpu.memory_space<vmem_shared>> -> memref<10240x16xf32, #tpu.memory_space<vmem_shared>>
          tpu.enqueue_indirect_dma source(%dma_start3A_1198 : memref<128x16xf32, #tpu.memory_space<vmem>>) target(%dma_start3A_1204 : memref<10240x16xf32, #tpu.memory_space<vmem_shared>>) offsets(%dma_start3A_1201 : memref<128xi32, #tpu.memory_space<vmem>>) semaphore(%run_scoped3A_1194 : memref<!tpu.dma_semaphore, #tpu.memory_space<semaphore_mem>>) {add = true}
          %dma_wait3A_1205 = arith.constant 0 : i32
          %dma_wait3A_1206 = arith.constant 0 : i32
          %dma_wait3A_1207 = tpu.memref_slice %arg7[%run_scoped3A_1193, %dma_wait3A_1205, %dma_wait3A_1206] : memref<4x128x16xf32, #tpu.memory_space<vmem>> -> memref<1x128x16xf32, #tpu.memory_space<vmem>>
          %dma_wait3A_1208 = tpu.memref_squeeze %dma_wait3A_1207 : memref<1x128x16xf32, #tpu.memory_space<vmem>> -> memref<128x16xf32, #tpu.memory_space<vmem>>
          %dma_wait3A_1209 = arith.constant 0 : i32
          %dma_wait3A_1210 = tpu.memref_slice %arg6[%add3A_1126, %dma_wait3A_1209] : memref<79x128xi32, #tpu.memory_space<vmem>> -> memref<1x128xi32, #tpu.memory_space<vmem>>
          %dma_wait3A_1211 = tpu.memref_squeeze %dma_wait3A_1210 : memref<1x128xi32, #tpu.memory_space<vmem>> -> memref<128xi32, #tpu.memory_space<vmem>>
          %dma_wait3A_1212 = arith.constant 0 : i32
          %dma_wait3A_1213 = arith.constant 0 : i32
          %dma_wait3A_1214 = tpu.memref_slice %arg10[%dma_wait3A_1212, %dma_wait3A_1213] : memref<10240x16xf32, #tpu.memory_space<vmem_shared>> -> memref<10240x16xf32, #tpu.memory_space<vmem_shared>>
          tpu.wait_indirect_dma semaphore(%run_scoped3A_1194 : memref<!tpu.dma_semaphore, #tpu.memory_space<semaphore_mem>>) src(%dma_wait3A_1208 : memref<128x16xf32, #tpu.memory_space<vmem>>) dst(%dma_wait3A_1214 : memref<10240x16xf32, #tpu.memory_space<vmem_shared>>)
          tpu.yield
        }) : () -> ()
      } else {
      }
      %add3A_1131 = arith.constant 4 : i32
      %add3A_1132 = arith.addi %add3A_1126, %add3A_1131 : i32
      %lt3A_1133 = arith.cmpi slt, %add3A_1132, %add3A_4 : i32
      %convert_element_type3A_1134 = arith.extui %lt3A_1133 : i1 to i32
      %cond3A_1135 = arith.constant 0 : i32
      %cond3A_1136 = arith.cmpi ne, %convert_element_type3A_1134, %cond3A_1135 : i32
      scf.if %cond3A_1136 {
        %add3A_1179 = arith.constant 4 : i32
        %add3A_1180 = arith.addi %add3A_1126, %add3A_1179 : i32
        %dma_start3A_1181 = arith.constant 0 : i32
        %dma_start3A_1182 = arith.constant 0 : i32
        %dma_start3A_1183 = arith.constant 0 : i32
        %dma_start3A_1184 = tpu.memref_slice %arg7[%dma_start3A_1181, %dma_start3A_1182, %dma_start3A_1183] : memref<4x128x16xf32, #tpu.memory_space<vmem>> -> memref<1x128x16xf32, #tpu.memory_space<vmem>>
        %dma_start3A_1185 = tpu.memref_squeeze %dma_start3A_1184 : memref<1x128x16xf32, #tpu.memory_space<vmem>> -> memref<128x16xf32, #tpu.memory_space<vmem>>
        %dma_start3A_1186 = arith.constant 0 : i32
        %dma_start3A_1187 = tpu.memref_slice %arg5[%add3A_1180, %dma_start3A_1186] : memref<79x128xi32, #tpu.memory_space<vmem>> -> memref<1x128xi32, #tpu.memory_space<vmem>>
        %dma_start3A_1188 = tpu.memref_squeeze %dma_start3A_1187 : memref<1x128xi32, #tpu.memory_space<vmem>> -> memref<128xi32, #tpu.memory_space<vmem>>
        %dma_start3A_1189 = arith.constant 0 : i32
        %dma_start3A_1190 = arith.constant 0 : i32
        %dma_start3A_1191 = tpu.memref_slice %arg9[%dma_start3A_1189, %dma_start3A_1190] : memref<10240x16xf32, #tpu.memory_space<vmem_shared>> -> memref<10240x16xf32, #tpu.memory_space<vmem_shared>>
        tpu.enqueue_indirect_dma source(%dma_start3A_1191 : memref<10240x16xf32, #tpu.memory_space<vmem_shared>>) target(%dma_start3A_1185 : memref<128x16xf32, #tpu.memory_space<vmem>>) offsets(%dma_start3A_1188 : memref<128xi32, #tpu.memory_space<vmem>>) semaphore(%arg11 : memref<!tpu.dma_semaphore, #tpu.memory_space<semaphore_mem>>)
      } else {
      }
      %mul3A_1137 = arith.constant 4 : i32
      %mul3A_1138 = arith.muli %add3A_1122, %mul3A_1137 : i32
      %add3A_1139 = arith.constant 1 : i32
      %add3A_1140 = arith.addi %mul3A_1138, %add3A_1139 : i32
      %lt3A_1141 = arith.cmpi slt, %add3A_1140, %add3A_4 : i32
      %convert_element_type3A_1142 = arith.extui %lt3A_1141 : i1 to i32
      %cond3A_1143 = arith.constant 0 : i32
      %cond3A_1144 = arith.cmpi ne, %convert_element_type3A_1142, %cond3A_1143 : i32
      scf.if %cond3A_1144 {
        %dma_wait3A = arith.constant 1 : i32
        %dma_wait3A_1179 = arith.constant 0 : i32
        %dma_wait3A_1180 = arith.constant 0 : i32
        %dma_wait3A_1181 = tpu.memref_slice %arg7[%dma_wait3A, %dma_wait3A_1179, %dma_wait3A_1180] : memref<4x128x16xf32, #tpu.memory_space<vmem>> -> memref<1x128x16xf32, #tpu.memory_space<vmem>>
        %dma_wait3A_1182 = tpu.memref_squeeze %dma_wait3A_1181 : memref<1x128x16xf32, #tpu.memory_space<vmem>> -> memref<128x16xf32, #tpu.memory_space<vmem>>
        %dma_wait3A_1183 = arith.constant 0 : i32
        %dma_wait3A_1184 = arith.constant 0 : i32
        %dma_wait3A_1185 = tpu.memref_slice %arg9[%dma_wait3A_1183, %dma_wait3A_1184] : memref<10240x16xf32, #tpu.memory_space<vmem_shared>> -> memref<128x16xf32, #tpu.memory_space<vmem_shared>>
        %dma_wait3A_1186 = arith.constant 0 : i32
        %dma_wait3A_1187 = arith.constant 0 : i32
        %dma_wait3A_1188 = tpu.memref_slice %arg7[%dma_wait3A, %dma_wait3A_1186, %dma_wait3A_1187] : memref<4x128x16xf32, #tpu.memory_space<vmem>> -> memref<1x128x16xf32, #tpu.memory_space<vmem>>
        %dma_wait3A_1189 = tpu.memref_squeeze %dma_wait3A_1188 : memref<1x128x16xf32, #tpu.memory_space<vmem>> -> memref<128x16xf32, #tpu.memory_space<vmem>>
        %dma_wait3A_1190 = arith.constant 0 : i32
        %dma_wait3A_1191 = arith.constant 0 : i32
        %dma_wait3A_1192 = tpu.memref_slice %arg9[%dma_wait3A_1190, %dma_wait3A_1191] : memref<10240x16xf32, #tpu.memory_space<vmem_shared>> -> memref<128x16xf32, #tpu.memory_space<vmem_shared>>
        tpu.wait_dma2 semaphore(%arg12 : memref<!tpu.dma_semaphore, #tpu.memory_space<semaphore_mem>>) src(%dma_wait3A_1192 : memref<128x16xf32, #tpu.memory_space<vmem_shared>>) dst(%dma_wait3A_1189 : memref<128x16xf32, #tpu.memory_space<vmem>>)
        %run_scoped3A_1193 = arith.constant 1 : i32
        "tpu.region"() ({
          %run_scoped3A_1194 = tpu.sem_alloc : memref<!tpu.dma_semaphore, #tpu.memory_space<semaphore_mem>>
          %dma_start3A_1195 = arith.constant 0 : i32
          %dma_start3A_1196 = arith.constant 0 : i32
          %dma_start3A_1197 = tpu.memref_slice %arg7[%run_scoped3A_1193, %dma_start3A_1195, %dma_start3A_1196] : memref<4x128x16xf32, #tpu.memory_space<vmem>> -> memref<1x128x16xf32, #tpu.memory_space<vmem>>
          %dma_start3A_1198 = tpu.memref_squeeze %dma_start3A_1197 : memref<1x128x16xf32, #tpu.memory_space<vmem>> -> memref<128x16xf32, #tpu.memory_space<vmem>>
          %dma_start3A_1199 = arith.constant 0 : i32
          %dma_start3A_1200 = tpu.memref_slice %arg6[%add3A_1140, %dma_start3A_1199] : memref<79x128xi32, #tpu.memory_space<vmem>> -> memref<1x128xi32, #tpu.memory_space<vmem>>
          %dma_start3A_1201 = tpu.memref_squeeze %dma_start3A_1200 : memref<1x128xi32, #tpu.memory_space<vmem>> -> memref<128xi32, #tpu.memory_space<vmem>>
          %dma_start3A_1202 = arith.constant 0 : i32
          %dma_start3A_1203 = arith.constant 0 : i32
          %dma_start3A_1204 = tpu.memref_slice %arg10[%dma_start3A_1202, %dma_start3A_1203] : memref<10240x16xf32, #tpu.memory_space<vmem_shared>> -> memref<10240x16xf32, #tpu.memory_space<vmem_shared>>
          tpu.enqueue_indirect_dma source(%dma_start3A_1198 : memref<128x16xf32, #tpu.memory_space<vmem>>) target(%dma_start3A_1204 : memref<10240x16xf32, #tpu.memory_space<vmem_shared>>) offsets(%dma_start3A_1201 : memref<128xi32, #tpu.memory_space<vmem>>) semaphore(%run_scoped3A_1194 : memref<!tpu.dma_semaphore, #tpu.memory_space<semaphore_mem>>) {add = true}
          %dma_wait3A_1205 = arith.constant 0 : i32
          %dma_wait3A_1206 = arith.constant 0 : i32
          %dma_wait3A_1207 = tpu.memref_slice %arg7[%run_scoped3A_1193, %dma_wait3A_1205, %dma_wait3A_1206] : memref<4x128x16xf32, #tpu.memory_space<vmem>> -> memref<1x128x16xf32, #tpu.memory_space<vmem>>
          %dma_wait3A_1208 = tpu.memref_squeeze %dma_wait3A_1207 : memref<1x128x16xf32, #tpu.memory_space<vmem>> -> memref<128x16xf32, #tpu.memory_space<vmem>>
          %dma_wait3A_1209 = arith.constant 0 : i32
          %dma_wait3A_1210 = tpu.memref_slice %arg6[%add3A_1140, %dma_wait3A_1209] : memref<79x128xi32, #tpu.memory_space<vmem>> -> memref<1x128xi32, #tpu.memory_space<vmem>>
          %dma_wait3A_1211 = tpu.memref_squeeze %dma_wait3A_1210 : memref<1x128xi32, #tpu.memory_space<vmem>> -> memref<128xi32, #tpu.memory_space<vmem>>
          %dma_wait3A_1212 = arith.constant 0 : i32
          %dma_wait3A_1213 = arith.constant 0 : i32
          %dma_wait3A_1214 = tpu.memref_slice %arg10[%dma_wait3A_1212, %dma_wait3A_1213] : memref<10240x16xf32, #tpu.memory_space<vmem_shared>> -> memref<10240x16xf32, #tpu.memory_space<vmem_shared>>
          tpu.wait_indirect_dma semaphore(%run_scoped3A_1194 : memref<!tpu.dma_semaphore, #tpu.memory_space<semaphore_mem>>) src(%dma_wait3A_1208 : memref<128x16xf32, #tpu.memory_space<vmem>>) dst(%dma_wait3A_1214 : memref<10240x16xf32, #tpu.memory_space<vmem_shared>>)
          tpu.yield
        }) : () -> ()
      } else {
      }
      %add3A_1145 = arith.constant 4 : i32
      %add3A_1146 = arith.addi %add3A_1140, %add3A_1145 : i32
      %lt3A_1147 = arith.cmpi slt, %add3A_1146, %add3A_4 : i32
      %convert_element_type3A_1148 = arith.extui %lt3A_1147 : i1 to i32
      %cond3A_1149 = arith.constant 0 : i32
      %cond3A_1150 = arith.cmpi ne, %convert_element_type3A_1148, %cond3A_1149 : i32
      scf.if %cond3A_1150 {
        %add3A_1179 = arith.constant 4 : i32
        %add3A_1180 = arith.addi %add3A_1140, %add3A_1179 : i32
        %dma_start3A_1181 = arith.constant 1 : i32
        %dma_start3A_1182 = arith.constant 0 : i32
        %dma_start3A_1183 = arith.constant 0 : i32
        %dma_start3A_1184 = tpu.memref_slice %arg7[%dma_start3A_1181, %dma_start3A_1182, %dma_start3A_1183] : memref<4x128x16xf32, #tpu.memory_space<vmem>> -> memref<1x128x16xf32, #tpu.memory_space<vmem>>
        %dma_start3A_1185 = tpu.memref_squeeze %dma_start3A_1184 : memref<1x128x16xf32, #tpu.memory_space<vmem>> -> memref<128x16xf32, #tpu.memory_space<vmem>>
        %dma_start3A_1186 = arith.constant 0 : i32
        %dma_start3A_1187 = tpu.memref_slice %arg5[%add3A_1180, %dma_start3A_1186] : memref<79x128xi32, #tpu.memory_space<vmem>> -> memref<1x128xi32, #tpu.memory_space<vmem>>
        %dma_start3A_1188 = tpu.memref_squeeze %dma_start3A_1187 : memref<1x128xi32, #tpu.memory_space<vmem>> -> memref<128xi32, #tpu.memory_space<vmem>>
        %dma_start3A_1189 = arith.constant 0 : i32
        %dma_start3A_1190 = arith.constant 0 : i32
        %dma_start3A_1191 = tpu.memref_slice %arg9[%dma_start3A_1189, %dma_start3A_1190] : memref<10240x16xf32, #tpu.memory_space<vmem_shared>> -> memref<10240x16xf32, #tpu.memory_space<vmem_shared>>
        tpu.enqueue_indirect_dma source(%dma_start3A_1191 : memref<10240x16xf32, #tpu.memory_space<vmem_shared>>) target(%dma_start3A_1185 : memref<128x16xf32, #tpu.memory_space<vmem>>) offsets(%dma_start3A_1188 : memref<128xi32, #tpu.memory_space<vmem>>) semaphore(%arg12 : memref<!tpu.dma_semaphore, #tpu.memory_space<semaphore_mem>>)
      } else {
      }
      %mul3A_1151 = arith.constant 4 : i32
      %mul3A_1152 = arith.muli %add3A_1122, %mul3A_1151 : i32
      %add3A_1153 = arith.constant 2 : i32
      %add3A_1154 = arith.addi %mul3A_1152, %add3A_1153 : i32
      %lt3A_1155 = arith.cmpi slt, %add3A_1154, %add3A_4 : i32
      %convert_element_type3A_1156 = arith.extui %lt3A_1155 : i1 to i32
      %cond3A_1157 = arith.constant 0 : i32
      %cond3A_1158 = arith.cmpi ne, %convert_element_type3A_1156, %cond3A_1157 : i32
      scf.if %cond3A_1158 {
        %dma_wait3A = arith.constant 2 : i32
        %dma_wait3A_1179 = arith.constant 0 : i32
        %dma_wait3A_1180 = arith.constant 0 : i32
        %dma_wait3A_1181 = tpu.memref_slice %arg7[%dma_wait3A, %dma_wait3A_1179, %dma_wait3A_1180] : memref<4x128x16xf32, #tpu.memory_space<vmem>> -> memref<1x128x16xf32, #tpu.memory_space<vmem>>
        %dma_wait3A_1182 = tpu.memref_squeeze %dma_wait3A_1181 : memref<1x128x16xf32, #tpu.memory_space<vmem>> -> memref<128x16xf32, #tpu.memory_space<vmem>>
        %dma_wait3A_1183 = arith.constant 0 : i32
        %dma_wait3A_1184 = arith.constant 0 : i32
        %dma_wait3A_1185 = tpu.memref_slice %arg9[%dma_wait3A_1183, %dma_wait3A_1184] : memref<10240x16xf32, #tpu.memory_space<vmem_shared>> -> memref<128x16xf32, #tpu.memory_space<vmem_shared>>
        %dma_wait3A_1186 = arith.constant 0 : i32
        %dma_wait3A_1187 = arith.constant 0 : i32
        %dma_wait3A_1188 = tpu.memref_slice %arg7[%dma_wait3A, %dma_wait3A_1186, %dma_wait3A_1187] : memref<4x128x16xf32, #tpu.memory_space<vmem>> -> memref<1x128x16xf32, #tpu.memory_space<vmem>>
        %dma_wait3A_1189 = tpu.memref_squeeze %dma_wait3A_1188 : memref<1x128x16xf32, #tpu.memory_space<vmem>> -> memref<128x16xf32, #tpu.memory_space<vmem>>
        %dma_wait3A_1190 = arith.constant 0 : i32
        %dma_wait3A_1191 = arith.constant 0 : i32
        %dma_wait3A_1192 = tpu.memref_slice %arg9[%dma_wait3A_1190, %dma_wait3A_1191] : memref<10240x16xf32, #tpu.memory_space<vmem_shared>> -> memref<128x16xf32, #tpu.memory_space<vmem_shared>>
        tpu.wait_dma2 semaphore(%arg13 : memref<!tpu.dma_semaphore, #tpu.memory_space<semaphore_mem>>) src(%dma_wait3A_1192 : memref<128x16xf32, #tpu.memory_space<vmem_shared>>) dst(%dma_wait3A_1189 : memref<128x16xf32, #tpu.memory_space<vmem>>)
        %run_scoped3A_1193 = arith.constant 2 : i32
        "tpu.region"() ({
          %run_scoped3A_1194 = tpu.sem_alloc : memref<!tpu.dma_semaphore, #tpu.memory_space<semaphore_mem>>
          %dma_start3A_1195 = arith.constant 0 : i32
          %dma_start3A_1196 = arith.constant 0 : i32
          %dma_start3A_1197 = tpu.memref_slice %arg7[%run_scoped3A_1193, %dma_start3A_1195, %dma_start3A_1196] : memref<4x128x16xf32, #tpu.memory_space<vmem>> -> memref<1x128x16xf32, #tpu.memory_space<vmem>>
          %dma_start3A_1198 = tpu.memref_squeeze %dma_start3A_1197 : memref<1x128x16xf32, #tpu.memory_space<vmem>> -> memref<128x16xf32, #tpu.memory_space<vmem>>
          %dma_start3A_1199 = arith.constant 0 : i32
          %dma_start3A_1200 = tpu.memref_slice %arg6[%add3A_1154, %dma_start3A_1199] : memref<79x128xi32, #tpu.memory_space<vmem>> -> memref<1x128xi32, #tpu.memory_space<vmem>>
          %dma_start3A_1201 = tpu.memref_squeeze %dma_start3A_1200 : memref<1x128xi32, #tpu.memory_space<vmem>> -> memref<128xi32, #tpu.memory_space<vmem>>
          %dma_start3A_1202 = arith.constant 0 : i32
          %dma_start3A_1203 = arith.constant 0 : i32
          %dma_start3A_1204 = tpu.memref_slice %arg10[%dma_start3A_1202, %dma_start3A_1203] : memref<10240x16xf32, #tpu.memory_space<vmem_shared>> -> memref<10240x16xf32, #tpu.memory_space<vmem_shared>>
          tpu.enqueue_indirect_dma source(%dma_start3A_1198 : memref<128x16xf32, #tpu.memory_space<vmem>>) target(%dma_start3A_1204 : memref<10240x16xf32, #tpu.memory_space<vmem_shared>>) offsets(%dma_start3A_1201 : memref<128xi32, #tpu.memory_space<vmem>>) semaphore(%run_scoped3A_1194 : memref<!tpu.dma_semaphore, #tpu.memory_space<semaphore_mem>>) {add = true}
          %dma_wait3A_1205 = arith.constant 0 : i32
          %dma_wait3A_1206 = arith.constant 0 : i32
          %dma_wait3A_1207 = tpu.memref_slice %arg7[%run_scoped3A_1193, %dma_wait3A_1205, %dma_wait3A_1206] : memref<4x128x16xf32, #tpu.memory_space<vmem>> -> memref<1x128x16xf32, #tpu.memory_space<vmem>>
          %dma_wait3A_1208 = tpu.memref_squeeze %dma_wait3A_1207 : memref<1x128x16xf32, #tpu.memory_space<vmem>> -> memref<128x16xf32, #tpu.memory_space<vmem>>
          %dma_wait3A_1209 = arith.constant 0 : i32
          %dma_wait3A_1210 = tpu.memref_slice %arg6[%add3A_1154, %dma_wait3A_1209] : memref<79x128xi32, #tpu.memory_space<vmem>> -> memref<1x128xi32, #tpu.memory_space<vmem>>
          %dma_wait3A_1211 = tpu.memref_squeeze %dma_wait3A_1210 : memref<1x128xi32, #tpu.memory_space<vmem>> -> memref<128xi32, #tpu.memory_space<vmem>>
          %dma_wait3A_1212 = arith.constant 0 : i32
          %dma_wait3A_1213 = arith.constant 0 : i32
          %dma_wait3A_1214 = tpu.memref_slice %arg10[%dma_wait3A_1212, %dma_wait3A_1213] : memref<10240x16xf32, #tpu.memory_space<vmem_shared>> -> memref<10240x16xf32, #tpu.memory_space<vmem_shared>>
          tpu.wait_indirect_dma semaphore(%run_scoped3A_1194 : memref<!tpu.dma_semaphore, #tpu.memory_space<semaphore_mem>>) src(%dma_wait3A_1208 : memref<128x16xf32, #tpu.memory_space<vmem>>) dst(%dma_wait3A_1214 : memref<10240x16xf32, #tpu.memory_space<vmem_shared>>)
          tpu.yield
        }) : () -> ()
      } else {
      }
      %add3A_1159 = arith.constant 4 : i32
      %add3A_1160 = arith.addi %add3A_1154, %add3A_1159 : i32
      %lt3A_1161 = arith.cmpi slt, %add3A_1160, %add3A_4 : i32
      %convert_element_type3A_1162 = arith.extui %lt3A_1161 : i1 to i32
      %cond3A_1163 = arith.constant 0 : i32
      %cond3A_1164 = arith.cmpi ne, %convert_element_type3A_1162, %cond3A_1163 : i32
      scf.if %cond3A_1164 {
        %add3A_1179 = arith.constant 4 : i32
        %add3A_1180 = arith.addi %add3A_1154, %add3A_1179 : i32
        %dma_start3A_1181 = arith.constant 2 : i32
        %dma_start3A_1182 = arith.constant 0 : i32
        %dma_start3A_1183 = arith.constant 0 : i32
        %dma_start3A_1184 = tpu.memref_slice %arg7[%dma_start3A_1181, %dma_start3A_1182, %dma_start3A_1183] : memref<4x128x16xf32, #tpu.memory_space<vmem>> -> memref<1x128x16xf32, #tpu.memory_space<vmem>>
        %dma_start3A_1185 = tpu.memref_squeeze %dma_start3A_1184 : memref<1x128x16xf32, #tpu.memory_space<vmem>> -> memref<128x16xf32, #tpu.memory_space<vmem>>
        %dma_start3A_1186 = arith.constant 0 : i32
        %dma_start3A_1187 = tpu.memref_slice %arg5[%add3A_1180, %dma_start3A_1186] : memref<79x128xi32, #tpu.memory_space<vmem>> -> memref<1x128xi32, #tpu.memory_space<vmem>>
        %dma_start3A_1188 = tpu.memref_squeeze %dma_start3A_1187 : memref<1x128xi32, #tpu.memory_space<vmem>> -> memref<128xi32, #tpu.memory_space<vmem>>
        %dma_start3A_1189 = arith.constant 0 : i32
        %dma_start3A_1190 = arith.constant 0 : i32
        %dma_start3A_1191 = tpu.memref_slice %arg9[%dma_start3A_1189, %dma_start3A_1190] : memref<10240x16xf32, #tpu.memory_space<vmem_shared>> -> memref<10240x16xf32, #tpu.memory_space<vmem_shared>>
        tpu.enqueue_indirect_dma source(%dma_start3A_1191 : memref<10240x16xf32, #tpu.memory_space<vmem_shared>>) target(%dma_start3A_1185 : memref<128x16xf32, #tpu.memory_space<vmem>>) offsets(%dma_start3A_1188 : memref<128xi32, #tpu.memory_space<vmem>>) semaphore(%arg13 : memref<!tpu.dma_semaphore, #tpu.memory_space<semaphore_mem>>)
      } else {
      }
      %mul3A_1165 = arith.constant 4 : i32
      %mul3A_1166 = arith.muli %add3A_1122, %mul3A_1165 : i32
      %add3A_1167 = arith.constant 3 : i32
      %add3A_1168 = arith.addi %mul3A_1166, %add3A_1167 : i32
      %lt3A_1169 = arith.cmpi slt, %add3A_1168, %add3A_4 : i32
      %convert_element_type3A_1170 = arith.extui %lt3A_1169 : i1 to i32
      %cond3A_1171 = arith.constant 0 : i32
      %cond3A_1172 = arith.cmpi ne, %convert_element_type3A_1170, %cond3A_1171 : i32
      scf.if %cond3A_1172 {
        %dma_wait3A = arith.constant 3 : i32
        %dma_wait3A_1179 = arith.constant 0 : i32
        %dma_wait3A_1180 = arith.constant 0 : i32
        %dma_wait3A_1181 = tpu.memref_slice %arg7[%dma_wait3A, %dma_wait3A_1179, %dma_wait3A_1180] : memref<4x128x16xf32, #tpu.memory_space<vmem>> -> memref<1x128x16xf32, #tpu.memory_space<vmem>>
        %dma_wait3A_1182 = tpu.memref_squeeze %dma_wait3A_1181 : memref<1x128x16xf32, #tpu.memory_space<vmem>> -> memref<128x16xf32, #tpu.memory_space<vmem>>
        %dma_wait3A_1183 = arith.constant 0 : i32
        %dma_wait3A_1184 = arith.constant 0 : i32
        %dma_wait3A_1185 = tpu.memref_slice %arg9[%dma_wait3A_1183, %dma_wait3A_1184] : memref<10240x16xf32, #tpu.memory_space<vmem_shared>> -> memref<128x16xf32, #tpu.memory_space<vmem_shared>>
        %dma_wait3A_1186 = arith.constant 0 : i32
        %dma_wait3A_1187 = arith.constant 0 : i32
        %dma_wait3A_1188 = tpu.memref_slice %arg7[%dma_wait3A, %dma_wait3A_1186, %dma_wait3A_1187] : memref<4x128x16xf32, #tpu.memory_space<vmem>> -> memref<1x128x16xf32, #tpu.memory_space<vmem>>
        %dma_wait3A_1189 = tpu.memref_squeeze %dma_wait3A_1188 : memref<1x128x16xf32, #tpu.memory_space<vmem>> -> memref<128x16xf32, #tpu.memory_space<vmem>>
        %dma_wait3A_1190 = arith.constant 0 : i32
        %dma_wait3A_1191 = arith.constant 0 : i32
        %dma_wait3A_1192 = tpu.memref_slice %arg9[%dma_wait3A_1190, %dma_wait3A_1191] : memref<10240x16xf32, #tpu.memory_space<vmem_shared>> -> memref<128x16xf32, #tpu.memory_space<vmem_shared>>
        tpu.wait_dma2 semaphore(%arg14 : memref<!tpu.dma_semaphore, #tpu.memory_space<semaphore_mem>>) src(%dma_wait3A_1192 : memref<128x16xf32, #tpu.memory_space<vmem_shared>>) dst(%dma_wait3A_1189 : memref<128x16xf32, #tpu.memory_space<vmem>>)
        %run_scoped3A_1193 = arith.constant 3 : i32
        "tpu.region"() ({
          %run_scoped3A_1194 = tpu.sem_alloc : memref<!tpu.dma_semaphore, #tpu.memory_space<semaphore_mem>>
          %dma_start3A_1195 = arith.constant 0 : i32
          %dma_start3A_1196 = arith.constant 0 : i32
          %dma_start3A_1197 = tpu.memref_slice %arg7[%run_scoped3A_1193, %dma_start3A_1195, %dma_start3A_1196] : memref<4x128x16xf32, #tpu.memory_space<vmem>> -> memref<1x128x16xf32, #tpu.memory_space<vmem>>
          %dma_start3A_1198 = tpu.memref_squeeze %dma_start3A_1197 : memref<1x128x16xf32, #tpu.memory_space<vmem>> -> memref<128x16xf32, #tpu.memory_space<vmem>>
          %dma_start3A_1199 = arith.constant 0 : i32
          %dma_start3A_1200 = tpu.memref_slice %arg6[%add3A_1168, %dma_start3A_1199] : memref<79x128xi32, #tpu.memory_space<vmem>> -> memref<1x128xi32, #tpu.memory_space<vmem>>
          %dma_start3A_1201 = tpu.memref_squeeze %dma_start3A_1200 : memref<1x128xi32, #tpu.memory_space<vmem>> -> memref<128xi32, #tpu.memory_space<vmem>>
          %dma_start3A_1202 = arith.constant 0 : i32
          %dma_start3A_1203 = arith.constant 0 : i32
          %dma_start3A_1204 = tpu.memref_slice %arg10[%dma_start3A_1202, %dma_start3A_1203] : memref<10240x16xf32, #tpu.memory_space<vmem_shared>> -> memref<10240x16xf32, #tpu.memory_space<vmem_shared>>
          tpu.enqueue_indirect_dma source(%dma_start3A_1198 : memref<128x16xf32, #tpu.memory_space<vmem>>) target(%dma_start3A_1204 : memref<10240x16xf32, #tpu.memory_space<vmem_shared>>) offsets(%dma_start3A_1201 : memref<128xi32, #tpu.memory_space<vmem>>) semaphore(%run_scoped3A_1194 : memref<!tpu.dma_semaphore, #tpu.memory_space<semaphore_mem>>) {add = true}
          %dma_wait3A_1205 = arith.constant 0 : i32
          %dma_wait3A_1206 = arith.constant 0 : i32
          %dma_wait3A_1207 = tpu.memref_slice %arg7[%run_scoped3A_1193, %dma_wait3A_1205, %dma_wait3A_1206] : memref<4x128x16xf32, #tpu.memory_space<vmem>> -> memref<1x128x16xf32, #tpu.memory_space<vmem>>
          %dma_wait3A_1208 = tpu.memref_squeeze %dma_wait3A_1207 : memref<1x128x16xf32, #tpu.memory_space<vmem>> -> memref<128x16xf32, #tpu.memory_space<vmem>>
          %dma_wait3A_1209 = arith.constant 0 : i32
          %dma_wait3A_1210 = tpu.memref_slice %arg6[%add3A_1168, %dma_wait3A_1209] : memref<79x128xi32, #tpu.memory_space<vmem>> -> memref<1x128xi32, #tpu.memory_space<vmem>>
          %dma_wait3A_1211 = tpu.memref_squeeze %dma_wait3A_1210 : memref<1x128xi32, #tpu.memory_space<vmem>> -> memref<128xi32, #tpu.memory_space<vmem>>
          %dma_wait3A_1212 = arith.constant 0 : i32
          %dma_wait3A_1213 = arith.constant 0 : i32
          %dma_wait3A_1214 = tpu.memref_slice %arg10[%dma_wait3A_1212, %dma_wait3A_1213] : memref<10240x16xf32, #tpu.memory_space<vmem_shared>> -> memref<10240x16xf32, #tpu.memory_space<vmem_shared>>
          tpu.wait_indirect_dma semaphore(%run_scoped3A_1194 : memref<!tpu.dma_semaphore, #tpu.memory_space<semaphore_mem>>) src(%dma_wait3A_1208 : memref<128x16xf32, #tpu.memory_space<vmem>>) dst(%dma_wait3A_1214 : memref<10240x16xf32, #tpu.memory_space<vmem_shared>>)
          tpu.yield
        }) : () -> ()
      } else {
      }
      %add3A_1173 = arith.constant 4 : i32
      %add3A_1174 = arith.addi %add3A_1168, %add3A_1173 : i32
      %lt3A_1175 = arith.cmpi slt, %add3A_1174, %add3A_4 : i32
      %convert_element_type3A_1176 = arith.extui %lt3A_1175 : i1 to i32
      %cond3A_1177 = arith.constant 0 : i32
      %cond3A_1178 = arith.cmpi ne, %convert_element_type3A_1176, %cond3A_1177 : i32
      scf.if %cond3A_1178 {
        %add3A_1179 = arith.constant 4 : i32
        %add3A_1180 = arith.addi %add3A_1168, %add3A_1179 : i32
        %dma_start3A_1181 = arith.constant 3 : i32
        %dma_start3A_1182 = arith.constant 0 : i32
        %dma_start3A_1183 = arith.constant 0 : i32
        %dma_start3A_1184 = tpu.memref_slice %arg7[%dma_start3A_1181, %dma_start3A_1182, %dma_start3A_1183] : memref<4x128x16xf32, #tpu.memory_space<vmem>> -> memref<1x128x16xf32, #tpu.memory_space<vmem>>
        %dma_start3A_1185 = tpu.memref_squeeze %dma_start3A_1184 : memref<1x128x16xf32, #tpu.memory_space<vmem>> -> memref<128x16xf32, #tpu.memory_space<vmem>>
        %dma_start3A_1186 = arith.constant 0 : i32
        %dma_start3A_1187 = tpu.memref_slice %arg5[%add3A_1180, %dma_start3A_1186] : memref<79x128xi32, #tpu.memory_space<vmem>> -> memref<1x128xi32, #tpu.memory_space<vmem>>
        %dma_start3A_1188 = tpu.memref_squeeze %dma_start3A_1187 : memref<1x128xi32, #tpu.memory_space<vmem>> -> memref<128xi32, #tpu.memory_space<vmem>>
        %dma_start3A_1189 = arith.constant 0 : i32
        %dma_start3A_1190 = arith.constant 0 : i32
        %dma_start3A_1191 = tpu.memref_slice %arg9[%dma_start3A_1189, %dma_start3A_1190] : memref<10240x16xf32, #tpu.memory_space<vmem_shared>> -> memref<10240x16xf32, #tpu.memory_space<vmem_shared>>
        tpu.enqueue_indirect_dma source(%dma_start3A_1191 : memref<10240x16xf32, #tpu.memory_space<vmem_shared>>) target(%dma_start3A_1185 : memref<128x16xf32, #tpu.memory_space<vmem>>) offsets(%dma_start3A_1188 : memref<128xi32, #tpu.memory_space<vmem>>) semaphore(%arg14 : memref<!tpu.dma_semaphore, #tpu.memory_space<semaphore_mem>>)
      } else {
      }
    }
    %scan3A_1109 = arith.constant 20 : i32
    %barrier3A_1110 = arith.constant 0 : index
    tpu.barrier barrier_id(%barrier3A_1110)
    %mul3A_1111 = arith.constant 640 : i32
    %mul3A_1112 = arith.muli %arg1, %mul3A_1111 : i32
    %mul3A_1113 = arith.constant 10240 : i32
    %mul3A_1114 = arith.muli %arg0, %mul3A_1113 : i32
    %mul3A_1115 = arith.constant 640 : i32
    %mul3A_1116 = arith.muli %arg1, %mul3A_1115 : i32
    %add3A_1117 = arith.addi %mul3A_1114, %mul3A_1116 : i32
    "tpu.region"() ({
      %run_scoped3A_1118 = tpu.sem_alloc : memref<!tpu.dma_semaphore, #tpu.memory_space<semaphore_mem>>
      %dma_start3A_1119 = arith.constant 0 : i32
      %dma_start3A_1120 = tpu.memref_slice %arg4[%add3A_1117, %dma_start3A_1119] : memref<20480x16xf32, #tpu.memory_space<hbm>> -> memref<640x16xf32, #tpu.memory_space<hbm>>
      %dma_start3A_1121 = arith.constant 0 : i32
      %dma_start3A_1122 = tpu.memref_slice %arg10[%mul3A_1112, %dma_start3A_1121] : memref<10240x16xf32, #tpu.memory_space<vmem_shared>> -> memref<640x16xf32, #tpu.memory_space<vmem_shared>>
      tpu.enqueue_dma source(%dma_start3A_1122 : memref<640x16xf32, #tpu.memory_space<vmem_shared>>) target(%dma_start3A_1120 : memref<640x16xf32, #tpu.memory_space<hbm>>) target_semaphore(%run_scoped3A_1118 : memref<!tpu.dma_semaphore, #tpu.memory_space<semaphore_mem>>)
      %dma_wait3A = arith.constant 0 : i32
      %dma_wait3A_1123 = tpu.memref_slice %arg4[%add3A_1117, %dma_wait3A] : memref<20480x16xf32, #tpu.memory_space<hbm>> -> memref<640x16xf32, #tpu.memory_space<hbm>>
      %dma_wait3A_1124 = arith.constant 0 : i32
      %dma_wait3A_1125 = tpu.memref_slice %arg10[%mul3A_1112, %dma_wait3A_1124] : memref<10240x16xf32, #tpu.memory_space<vmem_shared>> -> memref<640x16xf32, #tpu.memory_space<vmem_shared>>
      tpu.wait_dma2 semaphore(%run_scoped3A_1118 : memref<!tpu.dma_semaphore, #tpu.memory_space<semaphore_mem>>) src(%dma_wait3A_1125 : memref<640x16xf32, #tpu.memory_space<vmem_shared>>) dst(%dma_wait3A_1123 : memref<640x16xf32, #tpu.memory_space<hbm>>)
      tpu.yield
    }) : () -> ()
    return
  }
}

module attributes {stable_mosaic.version = 14 : i64} {
  func.func @_hn_body(%arg0: i32, %arg1: memref<1024x16xf32, #tpu.memory_space<vmem>>, %arg2: memref<20480xf32, #tpu.memory_space<vmem>>, %arg3: memref<1024x128xf32, #tpu.memory_space<vmem>>, %arg4: memref<1x10240xf32, #tpu.memory_space<vmem>>) attributes {dimension_semantics = [#tpu.dimension_semantics<arbitrary>], iteration_bounds = array<i64: 10>, scalar_prefetch = 0 : i64, scratch_operands = 0 : i64, tpu.core_type = #tpu.core_type<tc>, window_params = [{transform_indices = @transform_0, window_bounds = array<i64: 1024, 16>}, {pipeline_mode = #tpu.pipeline_mode<synchronous>, transform_indices = @transform_1, window_bounds = array<i64: 20480>}, {transform_indices = @transform_2, window_bounds = array<i64: 1024, 128>}, {pipeline_mode = #tpu.pipeline_mode<synchronous>, transform_indices = @transform_3, window_bounds = array<i64: 1, 10240>}]} {
    %mul3A = arith.constant 1024 : i32
    %mul3A_0 = arith.muli %arg0, %mul3A : i32
    %get3A = arith.index_cast %mul3A_0 : i32 to index
    %get3A_1 = vector.load %arg2[%get3A] : memref<20480xf32, #tpu.memory_space<vmem>>, vector<1024xf32>
    %mul3A_2 = arith.constant 1024 : i32
    %mul3A_3 = arith.muli %arg0, %mul3A_2 : i32
    %add3A = arith.constant 10240 : i32
    %add3A_4 = arith.addi %add3A, %mul3A_3 : i32
    %get3A_5 = arith.index_cast %add3A_4 : i32 to index
    %get3A_6 = vector.load %arg2[%get3A_5] : memref<20480xf32, #tpu.memory_space<vmem>>, vector<1024xf32>
    %add3A_7 = arith.addf %get3A_1, %get3A_6 : vector<1024xf32>
    %add3A_8 = arith.constant 1.000000e+00 : f32
    %add3A_9 = vector.broadcast %add3A_8 : f32 to vector<1024xf32>
    %add3A_10 = arith.addf %add3A_7, %add3A_9 : vector<1024xf32>
    %rsqrt3A = math.rsqrt %add3A_10 : vector<1024xf32>
    %get3A_11 = arith.constant 0 : index
    %get3A_12 = arith.constant 0 : index
    %get3A_13 = vector.load %arg1[%get3A_11, %get3A_12] : memref<1024x16xf32, #tpu.memory_space<vmem>>, vector<1024x16xf32>
    %broadcast_in_dim3A = vector.shape_cast %rsqrt3A : vector<1024xf32> to vector<1024x1xf32>
    %mul3A_14 = vector.broadcast %broadcast_in_dim3A : vector<1024x1xf32> to vector<1024x16xf32>
    %mul3A_15 = arith.mulf %get3A_13, %mul3A_14 : vector<1024x16xf32>
    %jit3A = arith.constant 0 : i32
    %convert_element_type3A = arith.sitofp %jit3A : i32 to f32
    %pad3A = vector.broadcast %convert_element_type3A : f32 to vector<1024x112xf32>
    %pad3A_16 = tpu.concatenate %mul3A_15, %pad3A in 1 : vector<1024x16xf32>, vector<1024x112xf32> -> vector<1024x128xf32>
    %swap3A = arith.constant 0 : index
    %swap3A_17 = arith.constant 0 : index
    %swap3A_18 = vector.load %arg3[%swap3A, %swap3A_17] : memref<1024x128xf32, #tpu.memory_space<vmem>>, vector<1024x128xf32>
    tpu.vector_store %arg3[%swap3A, %swap3A_17], %pad3A_16 {strides = array<i32>} : memref<1024x128xf32, #tpu.memory_space<vmem>>, vector<1024x128xf32>,
    %mul3A_19 = arith.constant 1024 : i32
    %mul3A_20 = arith.muli %arg0, %mul3A_19 : i32
    %swap3A_21 = arith.constant 0 : index
    %swap3A_22 = arith.index_cast %mul3A_20 : i32 to index
    %swap3A_23 = vector.load %arg4[%swap3A_21, %swap3A_22] : memref<1x10240xf32, #tpu.memory_space<vmem>>, vector<1x1024xf32>
    %swap3A_24 = vector.shape_cast %swap3A_23 : vector<1x1024xf32> to vector<1024xf32>
    %swap3A_25 = vector.shape_cast %rsqrt3A : vector<1024xf32> to vector<1x1024xf32>
    tpu.vector_store %arg4[%swap3A_21, %swap3A_22], %swap3A_25 {strides = array<i32>} : memref<1x10240xf32, #tpu.memory_space<vmem>>, vector<1x1024xf32>,
    return
  }
  func.func @transform_0(%arg0: i32) -> (i32, i32) {
    %c0_i32 = arith.constant 0 : i32
    %c0_i32_0 = arith.constant 0 : i32
    return %arg0, %c0_i32 : i32, i32
  }
  func.func @transform_1(%arg0: i32) -> i32 {
    %c0_i32 = arith.constant 0 : i32
    %c0_i32_0 = arith.constant 0 : i32
    return %c0_i32 : i32
  }
  func.func @transform_2(%arg0: i32) -> (i32, i32) {
    %c0_i32 = arith.constant 0 : i32
    %c0_i32_0 = arith.constant 0 : i32
    return %arg0, %c0_i32 : i32, i32
  }
  func.func @transform_3(%arg0: i32) -> (i32, i32) {
    %c0_i32 = arith.constant 0 : i32
    %c0_i32_0 = arith.constant 0 : i32
    %c0_i32_1 = arith.constant 0 : i32
    return %c0_i32, %c0_i32_0 : i32, i32
  }
}

module attributes {stable_mosaic.version = 14 : i64} {
  func.func @_mm_body(%arg0: i32, %arg1: memref<1024x128xf32, #tpu.memory_space<vmem>>, %arg2: memref<128x16xf32, #tpu.memory_space<vmem>>, %arg3: memref<1024x16xf32, #tpu.memory_space<vmem>>) attributes {dimension_semantics = [#tpu.dimension_semantics<arbitrary>], iteration_bounds = array<i64: 10>, scalar_prefetch = 0 : i64, scratch_operands = 0 : i64, tpu.core_type = #tpu.core_type<tc>, window_params = [{transform_indices = @transform_0, window_bounds = array<i64: 1024, 128>}, {pipeline_mode = #tpu.pipeline_mode<synchronous>, transform_indices = @transform_1, window_bounds = array<i64: 128, 16>}, {transform_indices = @transform_2, window_bounds = array<i64: 1024, 16>}]} {
    %get3A = arith.constant 0 : index
    %get3A_0 = arith.constant 0 : index
    %get3A_1 = vector.load %arg1[%get3A, %get3A_0] : memref<1024x128xf32, #tpu.memory_space<vmem>>, vector<1024x128xf32>
    %get3A_2 = arith.constant 0 : index
    %get3A_3 = arith.constant 0 : index
    %get3A_4 = vector.load %arg2[%get3A_2, %get3A_3] : memref<128x16xf32, #tpu.memory_space<vmem>>, vector<128x16xf32>
    %dot_general3A = arith.constant dense<0.000000e+00> : vector<1024x16xf32>
    %dot_general3A_5 = tpu.matmul %get3A_1, %get3A_4, %dot_general3A {dimension_numbers = #tpu.dot_dimension_numbers<[1], [0], [0], [1], [0, 0, 1, 1], [], []>, transpose_lhs_hint = false} : vector<1024x128xf32>, vector<128x16xf32>, vector<1024x16xf32> -> vector<1024x16xf32>
    %swap3A = arith.constant 0 : index
    %swap3A_6 = arith.constant 0 : index
    %swap3A_7 = vector.load %arg3[%swap3A, %swap3A_6] : memref<1024x16xf32, #tpu.memory_space<vmem>>, vector<1024x16xf32>
    tpu.vector_store %arg3[%swap3A, %swap3A_6], %dot_general3A_5 {strides = array<i32>} : memref<1024x16xf32, #tpu.memory_space<vmem>>, vector<1024x16xf32>,
    return
  }
  func.func @transform_0(%arg0: i32) -> (i32, i32) {
    %c0_i32 = arith.constant 0 : i32
    %c0_i32_0 = arith.constant 0 : i32
    return %arg0, %c0_i32 : i32, i32
  }
  func.func @transform_1(%arg0: i32) -> (i32, i32) {
    %c0_i32 = arith.constant 0 : i32
    %c0_i32_0 = arith.constant 0 : i32
    %c0_i32_1 = arith.constant 0 : i32
    return %c0_i32, %c0_i32_0 : i32, i32
  }
  func.func @transform_2(%arg0: i32) -> (i32, i32) {
    %c0_i32 = arith.constant 0 : i32
    %c0_i32_0 = arith.constant 0 : i32
    return %arg0, %c0_i32 : i32, i32
  }
}

module attributes {stable_mosaic.version = 14 : i64} {
  func.func @_mlp_body(%arg0: i32, %arg1: memref<1024x16xf32, #tpu.memory_space<vmem>>, %arg2: memref<1024x16xf32, #tpu.memory_space<vmem>>, %arg3: memref<1024x128xf32, #tpu.memory_space<vmem>>, %arg4: memref<1x10240xf32, #tpu.memory_space<vmem>>, %arg5: memref<1x16xf32, #tpu.memory_space<vmem>>, %arg6: memref<16x16xf32, #tpu.memory_space<vmem>>, %arg7: memref<1x16xf32, #tpu.memory_space<vmem>>, %arg8: memref<16x32xf32, #tpu.memory_space<vmem>>, %arg9: memref<1x32xf32, #tpu.memory_space<vmem>>, %arg10: memref<32x1xf32, #tpu.memory_space<vmem>>, %arg11: memref<1x1xf32, #tpu.memory_space<vmem>>, %arg12: memref<1024x1xf32, #tpu.memory_space<vmem>>) attributes {dimension_semantics = [#tpu.dimension_semantics<arbitrary>], iteration_bounds = array<i64: 10>, scalar_prefetch = 0 : i64, scratch_operands = 0 : i64, tpu.core_type = #tpu.core_type<tc>, window_params = [{transform_indices = @transform_0, window_bounds = array<i64: 1024, 16>}, {transform_indices = @transform_1, window_bounds = array<i64: 1024, 16>}, {transform_indices = @transform_2, window_bounds = array<i64: 1024, 128>}, {pipeline_mode = #tpu.pipeline_mode<synchronous>, transform_indices = @transform_3, window_bounds = array<i64: 1, 10240>}, {pipeline_mode = #tpu.pipeline_mode<synchronous>, transform_indices = @transform_4, window_bounds = array<i64: 1, 16>}, {pipeline_mode = #tpu.pipeline_mode<synchronous>, transform_indices = @transform_5, window_bounds = array<i64: 16, 16>}, {pipeline_mode = #tpu.pipeline_mode<synchronous>, transform_indices = @transform_6, window_bounds = array<i64: 1, 16>}, {pipeline_mode = #tpu.pipeline_mode<synchronous>, transform_indices = @transform_7, window_bounds = array<i64: 16, 32>}, {pipeline_mode = #tpu.pipeline_mode<synchronous>, transform_indices = @transform_8, window_bounds = array<i64: 1, 32>}, {pipeline_mode = #tpu.pipeline_mode<synchronous>, transform_indices = @transform_9, window_bounds = array<i64: 32, 1>}, {pipeline_mode = #tpu.pipeline_mode<synchronous>, transform_indices = @transform_10, window_bounds = array<i64: 1, 1>}, {transform_indices = @transform_11, window_bounds = array<i64: 1024, 1>}]} {
    %get3A = arith.constant 0 : index
    %get3A_0 = arith.constant 0 : index
    %get3A_1 = vector.load %arg1[%get3A, %get3A_0] : memref<1024x16xf32, #tpu.memory_space<vmem>>, vector<1024x16xf32>
    %get3A_2 = arith.constant 0 : index
    %get3A_3 = arith.constant 0 : index
    %get3A_4 = vector.load %arg2[%get3A_2, %get3A_3] : memref<1024x16xf32, #tpu.memory_space<vmem>>, vector<1024x16xf32>
    %add3A = arith.addf %get3A_1, %get3A_4 : vector<1024x16xf32>
    %get3A_5 = arith.constant 0 : index
    %get3A_6 = arith.constant 0 : index
    %get3A_7 = vector.load %arg3[%get3A_5, %get3A_6] : memref<1024x128xf32, #tpu.memory_space<vmem>>, vector<1024x16xf32>
    %add3A_8 = arith.addf %add3A, %get3A_7 : vector<1024x16xf32>
    %mul3A = arith.constant 1024 : i32
    %mul3A_9 = arith.muli %arg0, %mul3A : i32
    %get3A_10 = arith.constant 0 : index
    %get3A_11 = arith.index_cast %mul3A_9 : i32 to index
    %get3A_12 = vector.load %arg4[%get3A_10, %get3A_11] : memref<1x10240xf32, #tpu.memory_space<vmem>>, vector<1x1024xf32>
    %get3A_13 = vector.shape_cast %get3A_12 : vector<1x1024xf32> to vector<1024xf32>
    %broadcast_in_dim3A = vector.shape_cast %get3A_13 : vector<1024xf32> to vector<1024x1xf32>
    %mul3A_14 = vector.broadcast %broadcast_in_dim3A : vector<1024x1xf32> to vector<1024x16xf32>
    %mul3A_15 = arith.mulf %add3A_8, %mul3A_14 : vector<1024x16xf32>
    %get3A_16 = arith.constant 0 : index
    %get3A_17 = arith.constant 0 : index
    %get3A_18 = vector.load %arg5[%get3A_16, %get3A_17] : memref<1x16xf32, #tpu.memory_space<vmem>>, vector<1x16xf32>
    %add3A_19 = vector.broadcast %get3A_18 : vector<1x16xf32> to vector<1024x16xf32>
    %add3A_20 = arith.addf %mul3A_15, %add3A_19 : vector<1024x16xf32>
    %max3A = arith.constant 0.000000e+00 : f32
    %max3A_21 = vector.broadcast %max3A : f32 to vector<1024x16xf32>
    %max3A_22 = arith.maximumf %add3A_20, %max3A_21 : vector<1024x16xf32>
    %get3A_23 = arith.constant 0 : index
    %get3A_24 = arith.constant 0 : index
    %get3A_25 = vector.load %arg6[%get3A_23, %get3A_24] : memref<16x16xf32, #tpu.memory_space<vmem>>, vector<16x16xf32>
    %dot_general3A = arith.constant dense<0.000000e+00> : vector<1024x16xf32>
    %dot_general3A_26 = tpu.matmul %max3A_22, %get3A_25, %dot_general3A {dimension_numbers = #tpu.dot_dimension_numbers<[1], [0], [0], [1], [0, 0, 1, 1], [], []>, transpose_lhs_hint = false} : vector<1024x16xf32>, vector<16x16xf32>, vector<1024x16xf32> -> vector<1024x16xf32>
    %get3A_27 = arith.constant 0 : index
    %get3A_28 = arith.constant 0 : index
    %get3A_29 = vector.load %arg7[%get3A_27, %get3A_28] : memref<1x16xf32, #tpu.memory_space<vmem>>, vector<1x16xf32>
    %add3A_30 = vector.broadcast %get3A_29 : vector<1x16xf32> to vector<1024x16xf32>
    %add3A_31 = arith.addf %dot_general3A_26, %add3A_30 : vector<1024x16xf32>
    %max3A_32 = arith.constant 0.000000e+00 : f32
    %max3A_33 = vector.broadcast %max3A_32 : f32 to vector<1024x16xf32>
    %max3A_34 = arith.maximumf %add3A_31, %max3A_33 : vector<1024x16xf32>
    %get3A_35 = arith.constant 0 : index
    %get3A_36 = arith.constant 0 : index
    %get3A_37 = vector.load %arg8[%get3A_35, %get3A_36] : memref<16x32xf32, #tpu.memory_space<vmem>>, vector<16x32xf32>
    %dot_general3A_38 = arith.constant dense<0.000000e+00> : vector<1024x32xf32>
    %dot_general3A_39 = tpu.matmul %max3A_34, %get3A_37, %dot_general3A_38 {dimension_numbers = #tpu.dot_dimension_numbers<[1], [0], [0], [1], [0, 0, 1, 1], [], []>, transpose_lhs_hint = false} : vector<1024x16xf32>, vector<16x32xf32>, vector<1024x32xf32> -> vector<1024x32xf32>
    %get3A_40 = arith.constant 0 : index
    %get3A_41 = arith.constant 0 : index
    %get3A_42 = vector.load %arg9[%get3A_40, %get3A_41] : memref<1x32xf32, #tpu.memory_space<vmem>>, vector<1x32xf32>
    %add3A_43 = vector.broadcast %get3A_42 : vector<1x32xf32> to vector<1024x32xf32>
    %add3A_44 = arith.addf %dot_general3A_39, %add3A_43 : vector<1024x32xf32>
    %max3A_45 = arith.constant 0.000000e+00 : f32
    %max3A_46 = vector.broadcast %max3A_45 : f32 to vector<1024x32xf32>
    %max3A_47 = arith.maximumf %add3A_44, %max3A_46 : vector<1024x32xf32>
    %get3A_48 = arith.constant 0 : index
    %get3A_49 = arith.constant 0 : index
    %get3A_50 = vector.load %arg10[%get3A_48, %get3A_49] : memref<32x1xf32, #tpu.memory_space<vmem>>, vector<32x1xf32>
    %dot_general3A_51 = arith.constant dense<0.000000e+00> : vector<1024x1xf32>
    %dot_general3A_52 = tpu.matmul %max3A_47, %get3A_50, %dot_general3A_51 {dimension_numbers = #tpu.dot_dimension_numbers<[1], [0], [0], [1], [0, 0, 1, 1], [], []>, transpose_lhs_hint = false} : vector<1024x32xf32>, vector<32x1xf32>, vector<1024x1xf32> -> vector<1024x1xf32>
    %get3A_53 = arith.constant 0 : index
    %get3A_54 = arith.constant 0 : index
    %get3A_55 = vector.load %arg11[%get3A_53, %get3A_54] : memref<1x1xf32, #tpu.memory_space<vmem>>, vector<1x1xf32>
    %add3A_56 = vector.broadcast %get3A_55 : vector<1x1xf32> to vector<1024x1xf32>
    %add3A_57 = arith.addf %dot_general3A_52, %add3A_56 : vector<1024x1xf32>
    %logistic3A = arith.negf %add3A_57 : vector<1024x1xf32>
    %logistic3A_58 = math.exp %logistic3A : vector<1024x1xf32>
    %logistic3A_59 = arith.constant 1.000000e+00 : f32
    %logistic3A_60 = vector.broadcast %logistic3A_59 : f32 to vector<1024x1xf32>
    %logistic3A_61 = arith.addf %logistic3A_60, %logistic3A_58 : vector<1024x1xf32>
    %logistic3A_62 = arith.divf %logistic3A_60, %logistic3A_61 : vector<1024x1xf32>
    %swap3A = arith.constant 0 : index
    %swap3A_63 = arith.constant 0 : index
    %swap3A_64 = vector.load %arg12[%swap3A, %swap3A_63] : memref<1024x1xf32, #tpu.memory_space<vmem>>, vector<1024x1xf32>
    tpu.vector_store %arg12[%swap3A, %swap3A_63], %logistic3A_62 {strides = array<i32>} : memref<1024x1xf32, #tpu.memory_space<vmem>>, vector<1024x1xf32>,
    return
  }
  func.func @transform_0(%arg0: i32) -> (i32, i32) {
    %c0_i32 = arith.constant 0 : i32
    %c0_i32_0 = arith.constant 0 : i32
    return %arg0, %c0_i32 : i32, i32
  }
  func.func @transform_1(%arg0: i32) -> (i32, i32) {
    %add3A = arith.constant 10 : i32
    %add3A_0 = arith.addi %arg0, %add3A : i32
    %c0_i32 = arith.constant 0 : i32
    %c0_i32_1 = arith.constant 0 : i32
    return %add3A_0, %c0_i32 : i32, i32
  }
  func.func @transform_2(%arg0: i32) -> (i32, i32) {
    %c0_i32 = arith.constant 0 : i32
    %c0_i32_0 = arith.constant 0 : i32
    return %arg0, %c0_i32 : i32, i32
  }
  func.func @transform_3(%arg0: i32) -> (i32, i32) {
    %c0_i32 = arith.constant 0 : i32
    %c0_i32_0 = arith.constant 0 : i32
    %c0_i32_1 = arith.constant 0 : i32
    return %c0_i32, %c0_i32_0 : i32, i32
  }
  func.func @transform_4(%arg0: i32) -> (i32, i32) {
    %c0_i32 = arith.constant 0 : i32
    %c0_i32_0 = arith.constant 0 : i32
    %c0_i32_1 = arith.constant 0 : i32
    return %c0_i32, %c0_i32_0 : i32, i32
  }
  func.func @transform_5(%arg0: i32) -> (i32, i32) {
    %c0_i32 = arith.constant 0 : i32
    %c0_i32_0 = arith.constant 0 : i32
    %c0_i32_1 = arith.constant 0 : i32
    return %c0_i32, %c0_i32_0 : i32, i32
  }
  func.func @transform_6(%arg0: i32) -> (i32, i32) {
    %c0_i32 = arith.constant 0 : i32
    %c0_i32_0 = arith.constant 0 : i32
    %c0_i32_1 = arith.constant 0 : i32
    return %c0_i32, %c0_i32_0 : i32, i32
  }
  func.func @transform_7(%arg0: i32) -> (i32, i32) {
    %c0_i32 = arith.constant 0 : i32
    %c0_i32_0 = arith.constant 0 : i32
    %c0_i32_1 = arith.constant 0 : i32
    return %c0_i32, %c0_i32_0 : i32, i32
  }
  func.func @transform_8(%arg0: i32) -> (i32, i32) {
    %c0_i32 = arith.constant 0 : i32
    %c0_i32_0 = arith.constant 0 : i32
    %c0_i32_1 = arith.constant 0 : i32
    return %c0_i32, %c0_i32_0 : i32, i32
  }
  func.func @transform_9(%arg0: i32) -> (i32, i32) {
    %c0_i32 = arith.constant 0 : i32
    %c0_i32_0 = arith.constant 0 : i32
    %c0_i32_1 = arith.constant 0 : i32
    return %c0_i32, %c0_i32_0 : i32, i32
  }
  func.func @transform_10(%arg0: i32) -> (i32, i32) {
    %c0_i32 = arith.constant 0 : i32
    %c0_i32_0 = arith.constant 0 : i32
    %c0_i32_1 = arith.constant 0 : i32
    return %c0_i32, %c0_i32_0 : i32, i32
  }
  func.func @transform_11(%arg0: i32) -> (i32, i32) {
    %c0_i32 = arith.constant 0 : i32
    %c0_i32_0 = arith.constant 0 : i32
    return %arg0, %c0_i32 : i32, i32
  }
}

</mosaic_0001>

<sc_bundles>
// kernel: kernel.10.cloned.1.call-start
scs
__scs_entry_jumppad:
0x0: {  	(pc) =	sbr.rel $0x88, $3  }
0x1: {  	(tag) =	ssettag $0x0;
	lr =	simm.s32 $0x1  }
0x2: {  	[smem:$0x3F97] =	sst lr;
	_ =	strace $0xD0000000  }
0x3: {  	_ = 	snop  }
0x4: {  	_ = 	snop  }
0x5: {  	_ = 	snop  }
0x6: {  	_ = 	snop  }
0x7: {  	_ = 	snop  }
__scs_overlays_trampoline_lowered:
0x8: {  	[smem:$0x3FA6] =	sst s0  }
0x9: {  	[smem:$0x3FA7] =	sst s1  }
0xa: {  	[smem:$0x3FA8] =	sst s2  }
0xb: {  	[smem:$0x3FA9] =	sst s3  }
0xc: {  	[smem:$0x3FAA] =	sst s4  }
0xd: {  	[smem:$0x3FAB] =	sst s5  }
0xe: {  	[smem:$0x3FAC] =	sst s6  }
0xf: {  	[smem:$0x3FAD] =	sst s7  }
0x10: {  	[smem:$0x3FAE] =	sst s8  }
0x11: {  	[smem:$0x3FAF] =	sst s9;
	s0 =	simm.s32 @!p0 $0x0  }
0x12: {  	s1 =	sld [smem:$0x3F95];
	s0 =	simm.s32 @p0 $0x1  }
0x13: {  	[smem:$0x3FB0] =	sst s0;
	s0 =	simm.s32 @!p1 $0x0  }
0x14: {  	s2 =	sld [smem:$0x3F94];
	s0 =	simm.s32 @p1 $0x1  }
0x15: {  	[smem:$0x3FB1] =	sst s0;
	s0 =	simm.s32 @!p2 $0x0  }
0x16: {  	s3 =	sld [smem:$0x3FDB];
	s0 =	simm.s32 @p2 $0x1  }
0x17: {  	s4 =	simm.s32 $0x1BF5;
	[smem:$0x3FB3] =	sst s0  }
0x18: {  	s0 =	sld [smem:$0x3F96];
	_ =	swait.ge [sflag:s4], $0x0  }
0x19: {  	s7 =	sld [smem:$0x3F97]  }
0x1a: {  	s8 =	sadd.s32 $0xFFFFE003, lr  }
0x1b: {  	s9 =	sadd.s32 $0xFFFFFEF7, lr;
	s5 =	simm.s32 $0xFFFFFFFF;
	p2 =	slt.u32 s8, $0xFFFFF086  }
0x1c: {  	p1 =	slt.u32 s9, $0xF7A;
	s5 =	simm.s32 @!p2 $0x0  }
0x1d: {  	s5 =	simm.s32 @p1 $0x1;
	p0 =	seq.s32 s7, s2  }
0x1e: {  	s7 =	smul.u32 @!p0 $0xF7A, s2;
	p2 =	seq.s32 @!p0 s5, $0x0  }
0x1f: {  	s9 =	smul.u32 $0xF7A, s1;
	s8 =	simm.s32 @!p0 $0x1BF5;
	p2 =	por !p2, p0  }
0x20: {  	[sflag:s8] =	ssyncset.s32 @!p0 $0xFFFFF086;
	s6 =	sadd.s32 @!p0 s3, s7;
	s7 =	simm.s32 @!p0 $0x108  }
0x21: {  	s3 =	sadd.s32 s3, s9;
	s6 =	sadd.s32 @!p0 $0x88, s6;
	s7 =	simm.s32 @p2 $0x1082  }
0x22: {  	[simem:s7], [sflag:s8] =	dma.local @!p0 [hbm:s6], $0xF7A  }
0x23: {  	s9 =	sor.u32 $0xD0000000, s2;
	s6 =	simm.s32 $0x108;
	_ =	swait.ge @!p0 [sflag:s8], $0x0  }
0x24: {  	s3 =	sadd.s32 $0x88, s3;
	s6 =	simm.s32 @!p1 $0x1082;
	[sflag:s4] =	ssyncset.s32 $0xFFFFF086  }
0x25: {  	[simem:s6], [sflag:s4] =	dma.local [hbm:s3], $0xF7A  }
0x26: {  	[smem:$0x3F97] =	sst s1;
	(tag) =	ssettag s2;
	_ =	strace s9  }
0x27: {  	s1 =	sld [smem:$0x3FA7]  }
0x28: {  	s2 =	sld [smem:$0x3FA8]  }
0x29: {  	s4 =	sld [smem:$0x3FAA]  }
0x2a: {  	p0 =	seq.s32 s5, $0x0;
	s5 =	sld [smem:$0x3FAB]  }
0x2b: {  	s6 =	sld [smem:$0x3FAC]  }
0x2c: {  	s7 =	sld [smem:$0x3FAD]  }
0x2d: {  	s3 =	simm.s32 $0x108;
	s8 =	sld [smem:$0x3FAE]  }
0x2e: {  	s3 =	simm.s32 @!p0 $0x1082;
	s9 =	sld [smem:$0x3FAF]  }
0x2f: {  	lr =	sadd.s32 s0, s3;
	s0 =	sld [smem:$0x3FA6]  }
0x30: {  	s3 =	sld [smem:$0x3FA9]  }
0x31: {  	[smem:$0x3FB2] =	sst s10  }
0x32: {  	s10 =	sld [smem:$0x3FB0];
	_ =	sdelay $0x3  }
0x33: {  	p0 =	seq.s32 s10, $0x1;
	s10 =	sld [smem:$0x3FB2];
	_ =	sdelay $0x3  }
0x34: {  	[smem:$0x3FB2] =	sst s10  }
0x35: {  	s10 =	sld [smem:$0x3FB1];
	_ =	sdelay $0x3  }
0x36: {  	p1 =	seq.s32 s10, $0x1;
	s10 =	sld [smem:$0x3FB2];
	_ =	sdelay $0x3  }
0x37: {  	[smem:$0x3FB2] =	sst s10  }
0x38: {  	s10 =	sld [smem:$0x3FB3]  }
0x39: {  	_ = 	snop;
	(pc) =	sbr.ind lr, $3  }
0x3a: {  	_ = 	snop  }
0x3b: {  	_ = 	snop  }
0x3c: {  	p2 =	seq.s32 s10, $0x1;
	s10 =	sld [smem:$0x3FB2]  }
0x3d: {  	_ =	shalt  }
0x3e: {  	_ =	shalt  }
0x3f: {  	_ =	shalt  }
0x40: {  	_ =	shalt  }
0x41: {  	_ =	shalt  }
0x42: {  	_ =	shalt  }
0x43: {  	_ =	shalt  }
0x44: {  	_ =	shalt  }
0x45: {  	_ =	shalt  }
0x46: {  	_ =	shalt  }
0x47: {  	_ =	shalt  }
0x48: {  	_ =	shalt  }
0x49: {  	_ =	shalt  }
0x4a: {  	_ =	shalt  }
0x4b: {  	_ =	shalt  }
0x4c: {  	_ =	shalt  }
0x4d: {  	_ =	shalt  }
0x4e: {  	_ =	shalt  }
0x4f: {  	_ =	shalt  }
0x50: {  	_ =	shalt  }
0x51: {  	_ =	shalt  }
0x52: {  	_ =	shalt  }
0x53: {  	_ =	shalt  }
0x54: {  	_ =	shalt  }
0x55: {  	_ =	shalt  }
0x56: {  	_ =	shalt  }
0x57: {  	_ =	shalt  }
0x58: {  	_ =	shalt  }
0x59: {  	_ =	shalt  }
0x5a: {  	_ =	shalt  }
0x5b: {  	_ =	shalt  }
0x5c: {  	_ =	shalt  }
0x5d: {  	_ =	shalt  }
0x5e: {  	_ =	shalt  }
0x5f: {  	_ =	shalt  }
0x60: {  	_ =	shalt  }
0x61: {  	_ =	shalt  }
0x62: {  	_ =	shalt  }
0x63: {  	_ =	shalt  }
0x64: {  	_ =	shalt  }
0x65: {  	_ =	shalt  }
0x66: {  	_ =	shalt  }
0x67: {  	_ =	shalt  }
0x68: {  	_ =	shalt  }
0x69: {  	_ =	shalt  }
0x6a: {  	_ =	shalt  }
0x6b: {  	_ =	shalt  }
0x6c: {  	_ =	shalt  }
0x6d: {  	_ =	shalt  }
0x6e: {  	_ =	shalt  }
0x6f: {  	_ =	shalt  }
0x70: {  	_ =	shalt  }
0x71: {  	_ =	shalt  }
0x72: {  	_ =	shalt  }
0x73: {  	_ =	shalt  }
0x74: {  	_ =	shalt  }
0x75: {  	_ =	shalt  }
0x76: {  	_ =	shalt  }
0x77: {  	_ =	shalt  }
0x78: {  	_ =	shalt  }
0x79: {  	_ =	shalt  }
0x7a: {  	_ =	shalt  }
0x7b: {  	_ =	shalt  }
0x7c: {  	_ =	shalt  }
0x7d: {  	_ =	shalt  }
0x7e: {  	_ =	shalt  }
0x7f: {  	_ =	shalt  }
0x80: {  	_ =	shalt  }
0x81: {  	_ =	shalt  }
0x82: {  	_ =	shalt  }
0x83: {  	_ =	shalt  }
0x84: {  	_ =	shalt  }
0x85: {  	_ =	shalt  }
0x86: {  	_ =	shalt  }
0x87: {  	_ =	shalt  }
.Lfunc_end0:
.L_simem_size_0:
called_computation.1_lowered:
.L_overlay_start_0:
0x88: {  	s2 =	sld [smem:$0x3FD9]  }
0x89: {  	s3 =	sld [smem:$0x3FFE];
	_ =	sdelay $0x1  }
0x8a: {  	s1 =	srdreg.scid  }
0x8b: {  	s0 =	sand.u32 $0x1, s1  }
0x8c: {  	s17 =	sshll.u32 s0, $0xA;
	s2 =	sadd.s32 s3, s2  }
0x8d: {  	s2 =	sadd.s32 s2, s17  }
0x8e: {  	[smem:$0x3FBE] =	sst s2  }
0x8f: {  	_ = 	snop  }
0x90: {  	s2 =	sld [smem:$0x3FC8];
	(tm) =	ssettm $0x1  }
0x91: {  	s18 =	sld [smem:$0x3FFB];
	_ =	sdelay $0x3  }
0x92: {  	_ =	strace s18  }
0x93: {  	s3 =	sld [smem:$0x3FFC];
	_ =	sdelay $0x3  }
0x94: {  	_ =	strace s3  }
0x95: {  	s3 =	sld [smem:$0x3FFD];
	_ =	sdelay $0x3  }
0x96: {  	_ =	strace s3  }
0x97: {  	_ =	strace $0x8FFFFFFF  }
0x98: {  	s19 =	sld [smem:$0x3FDB];
	_ =	sdelay $0x1  }
0x99: {  	s4 =	simm.s32 $_scs_section_size  }
0x9a: {  	s5 =	simm.s32 $_size__tile_overlayer_lowered;
	s6 =	simm.s32 $_tile_overlayer_lowered  }
0x9b: {  	s22 =	simm.s32 $0x1BFF;
	s21 =	sshll.u32 s6, $0x1;
	s3 =	sadd.s32 s4, s19  }
0x9c: {  	s7 =	simm.s32 $0x0;
	s20 =	sshll.u32 s5, $0x1;
	s5 =	sadd.s32 s21, s3  }
0x9d: {  	[timem:s7], [sflag:s22] =	dma.local [hbm:s5], s20  }
0x9e: {  	_ =	swait.ge [sflag:s22], s20  }
0x9f: {  	s4 =	ssub.s32 $0x0, s20;
	[sflag:s22] =	ssyncset.done $0x0  }
0xa0: {  	[sflag:s22] =	ssyncadd.s32 s4;
	_ =	sdelay $0x1  }
0xa1: {  	s23 =	simm.s32 $0x1B8B  }
0xa2: {  	_ =	swait.ge [sflag:s23], $0x1  }
0xa3: {  	[sflag:s23] =	ssyncset.done $0x0  }
0xa4: {  	s25 =	simm.s32 $0x1B8E;
	s24 =	sld [smem:$0x3FFE];
	[sflag:s23] =	ssyncadd.s32 $0xFFFFFFFF  }
0xa5: {  	s26 =	simm.s32 $execute0_lowered;
	[smem:$0x3FD2] =	sst s25  }
0xa6: {  	s5 =	sshll.u32 s26, $0x1;
	_ =	strace $0x80000049;
	[dreg:$0x1] =	wrdreg $0xFFFFFFFF  }
0xa7: {  	s28 =	simm.s32 $_size_execute0_lowered;
	s3 =	sadd.s32 s3, s5;
	[dreg:$0x0] =	wrdreg $0x0  }
0xa8: {  	s5 =	sshll.u32 s28, $0x1;
	[dreg:$0x2] =	wrdreg s3  }
0xa9: {  	[dreg:$0x3] =	wrdreg s5  }
0xaa: {  	[dreg:$0x4] =	wrdreg $0xC0  }
0xab: {  	_ =	task [dreg:s7], $0x5FFFF  }
0xac: {  	[dreg:$0x1] =	wrdreg $0xFFFFFFFF  }
0xad: {  	[dreg:$0x0] =	wrdreg $0x60  }
0xae: {  	[dreg:$0x2] =	wrdreg s2  }
0xaf: {  	[dreg:$0x3] =	wrdreg s24  }
0xb0: {  	[dreg:$0x4] =	wrdreg $0x77000  }
0xb1: {  	[dreg:$0x5] =	wrdreg $0x9F000  }
0xb2: {  	[dreg:$0x6] =	wrdreg $0x9  }
0xb3: {  	_ =	task.clear_ibuf [dreg:s7], $0x7FFFF;
	_ =	strace $0x90000049  }
0xb4: {  	s29 =	simm.s32 $0x9;
	_ =	strace $0x8000004B  }
0xb5: {  	_ =	swait.ge [sflag:s29], $0x1  }
0xb6: {  	[sflag:s29] =	ssyncadd.s32 $0xFFFFFFFF  }
0xb7: {  	_ =	strace $0x9000004B  }
0xb8: {  	_ =	sfence  }
0xb9: {  	s30 =	sld [smem:$0x0];
	_ =	sdelay $0x2  }
0xba: {  	s31 =	sshll.u32 s1, $0xD;
	s1 =	sshrl.u32 s1, $0x2  }
0xbb: {  	s3 =	sand.u32 $0x4000, s31;
	s1 =	sadd.s32 s1, s30  }
0xbc: {  	s0 =	sor.u32 s3, s0;
	s1 =	sshll.u32 s1, $0x11  }
0xbd: {  	s0 =	sor.u32 s1, s0  }
0xbe: {  	s0 =	sadd.s32 $0x8F2B, s0  }
0xbf: {  	[sflag:s0] =	ssyncadd.remote.s32 $0x1  }
0xc0: {  	_ =	sfence.sel $0xFFFF  }
0xc1: {  	[dreg:$0x0] =	wrdreg $0xFFFFFFFF;
	(pc) =	sbr.abs _section_cstart, $3  }
0xc2: {  	[dreg:$0x1] =	wrdreg $0xFFFFFFFF  }
0xc3: {  	_ =	task.clear_ibuf [dreg:s7], $0x2FFFF;
	_ =	strace $0x9FFFFFFF  }
0xc4: {  	(tm) =	ssettm $0x7FFFFFFF  }
0xc5: {  	_ =	shalt  }
tec
execute0_lowered:
.L_overlay_start_1:
0x0: {  	(tag) =	ssettag $0x1  }
0x1: {  	s0 =	rddreg [dreg:$0x0]  }
0x2: {  	s1 =	rddreg [dreg:$0x1]  }
0x3: {  	s2 =	rddreg [dreg:$0x2];
	s19 =	stileid.u32  }
0x4: {  	s4 =	srdreg.scid;
	s3 =	rddreg [dreg:$0x3]  }
0x5: {  	s7 =	simm.s32 $0x0;
	s20 =	simm.s32 $0x2;
	s28 =	simm.s32 $0x4F00  }
0x6: {  	s29 =	simm.s32 $0x5700;
	s30 =	simm.s32 $0x5F00;
	s5 =	smul.u32 $0x500, s19  }
0x7: {  	s4 =	sand.u32 $0x1, s4;
	[smem:$0x7FF] =	sst s7;
	s21 =	smul.u32 $0x2800, s19  }
0x8: {  	s9 =	sshll.u32 s19, $0x1;
	s10 =	smul.u32 $0xA000, s19;
	s25 =	sshll.u32 s19, $0x6  }
0x9: {  	p0 =	sgt.u32 s19, $0x1;
	s19 =	simm.s32 $0x1;
	s6 =	smul.u32 $0x5000, s4  }
0xa: {  	_ =	strace $0x8000004A;
	s23 =	ssub.s32 $0x2, s4;
	s4 =	sor.u32 s4, s9  }
0xb: {  	s22 =	sadd.s32 s21, s1;
	s8 =	sshrl.u32 s23, $0x1;
	s18 =	sadd.s32 s21, s2  }
0xc: {  	s26 =	sshrl.u32 s10, $0x2;
	s11 =	smul.u32 $0x9C0, s4;
	s7 =	sadd.s32 s21, s3  }
0xd: {  	s4 =	sshll.u32 s4, $0x5;
	s21 =	simm.s32 $0x4;
	s5 =	sadd.s32 s5, s6  }
0xe: {  	s17 =	ssub.s32 s23, s8;
	s24 =	sadd.s32 $0x2000, s22;
	s6 =	sor.u32 $0x1C05, s25  }
0xf: {  	s12 =	sadd.s32 s26, s3;
	s18 =	sshrl.u32 s18, $0x3;
	s22 =	simm.s32 $0x5  }
0x10: {  	s23 =	simm.s32 $0x6F00;
	s25 =	simm.s32 $0x100;
	s26 =	simm.s32 $0x0  }
0x11: {  	s8 =	simm.s32 $0x0;
	s1 =	sadd.s32 s5, s1;
	[dreg:$0x5] =	wrdreg s24  }
0x12: {  	s31 =	sadd.s32 $0x800, s12;
	s9 =	sadd.s32 $0x1000, s12;
	s10 =	sadd.s32 $0x1800, s12  }
0x13: {  	s11 =	sadd.s32 s0, s11;
	s12 =	sadd.s32 $0x2000, s12;
	s0 =	sadd.s32 s4, s0  }
0x14: {  	s17 =	smax.u32 s17, $0x1;
	s24 =	simm.s32 $0x80;
	[dreg:$0x6] =	wrdreg s31  }
0x15: {  	s13 =	sadd.s32 $0x10, s11;
	s14 =	sadd.s32 $0x13800, s0;
	s15 =	sadd.s32 $0x13810, s0  }
0x16: {  	v0 =	vimm.f32 $0.0e+00;
	s16 =	sadd.s32 $0x2A000, s1;
	s1 =	simm.s32 $0x6700;
	s0 =	simm.s32 $0x3  }
.LBB2_1:
0x17: {  	s4 =	rddreg [dreg:$0x5];
	s5 =	simm.s32 $0x10  }
0x18: {  	[spmem:s18@s20], [sflag:s6] =	dma.strided [hbm:s4@s5], $0x500, s19, $0x2   }
0x19: {  	_ =	swait.ge [sflag:s22], $0x500  }
0x1a: {  	[sflag:s22] =	ssyncset.done $0x0  }
0x1b: {  	[sflag:s22] =	ssyncadd.s32 $0xFFFFFB00  }
0x1c: {  	[tilespmem:$0x6F00] =	vst v0  }
0x1d: {  	[tilespmem:$0x6F10] =	vst v0  }
0x1e: {  	[tilespmem:$0x6F20] =	vst v0  }
0x1f: {  	[tilespmem:$0x6F30] =	vst v0  }
0x20: {  	[tilespmem:$0x6F40] =	vst v0  }
0x21: {  	[tilespmem:$0x6F50] =	vst v0  }
0x22: {  	[tilespmem:$0x6F60] =	vst v0  }
0x23: {  	[tilespmem:$0x6F70] =	vst v0  }
0x24: {  	[tilespmem:$0x6F80] =	vst v0  }
0x25: {  	[tilespmem:$0x6F90] =	vst v0  }
0x26: {  	[tilespmem:$0x6FA0] =	vst v0  }
0x27: {  	[tilespmem:$0x6FB0] =	vst v0  }
0x28: {  	[tilespmem:$0x6FC0] =	vst v0  }
0x29: {  	[tilespmem:$0x6FD0] =	vst v0  }
0x2a: {  	[tilespmem:$0x6FE0] =	vst v0  }
0x2b: {  	[tilespmem:$0x6FF0] =	vst v0  }
0x2c: {  	[tilespmem:$0x7000] =	vst v0  }
0x2d: {  	[tilespmem:$0x7010] =	vst v0  }
0x2e: {  	[tilespmem:$0x7020] =	vst v0  }
0x2f: {  	[tilespmem:$0x7030] =	vst v0  }
0x30: {  	[tilespmem:$0x7040] =	vst v0  }
0x31: {  	[tilespmem:$0x7050] =	vst v0  }
0x32: {  	[tilespmem:$0x7060] =	vst v0  }
0x33: {  	[tilespmem:$0x7070] =	vst v0  }
0x34: {  	[tilespmem:$0x7080] =	vst v0  }
0x35: {  	[tilespmem:$0x7090] =	vst v0  }
0x36: {  	[tilespmem:$0x70A0] =	vst v0  }
0x37: {  	[tilespmem:$0x70B0] =	vst v0  }
0x38: {  	[tilespmem:$0x70C0] =	vst v0  }
0x39: {  	[tilespmem:$0x70D0] =	vst v0  }
0x3a: {  	[tilespmem:$0x70E0] =	vst v0  }
0x3b: {  	[tilespmem:$0x70F0] =	vst v0  }
0x3c: {  	[tilespmem:$0x7100] =	vst v0  }
0x3d: {  	[tilespmem:$0x7110] =	vst v0  }
0x3e: {  	[tilespmem:$0x7120] =	vst v0  }
0x3f: {  	[tilespmem:$0x7130] =	vst v0  }
0x40: {  	[tilespmem:$0x7140] =	vst v0  }
0x41: {  	[tilespmem:$0x7150] =	vst v0  }
0x42: {  	[tilespmem:$0x7160] =	vst v0  }
0x43: {  	[tilespmem:$0x7170] =	vst v0  }
0x44: {  	[tilespmem:$0x7180] =	vst v0  }
0x45: {  	[tilespmem:$0x7190] =	vst v0  }
0x46: {  	[tilespmem:$0x71A0] =	vst v0  }
0x47: {  	[tilespmem:$0x71B0] =	vst v0  }
0x48: {  	[tilespmem:$0x71C0] =	vst v0  }
0x49: {  	[tilespmem:$0x71D0] =	vst v0  }
0x4a: {  	[tilespmem:$0x71E0] =	vst v0  }
0x4b: {  	[tilespmem:$0x71F0] =	vst v0  }
0x4c: {  	[tilespmem:$0x7200] =	vst v0  }
0x4d: {  	[tilespmem:$0x7210] =	vst v0  }
0x4e: {  	[tilespmem:$0x7220] =	vst v0  }
0x4f: {  	[tilespmem:$0x7230] =	vst v0  }
0x50: {  	[tilespmem:$0x7240] =	vst v0  }
0x51: {  	[tilespmem:$0x7250] =	vst v0  }
0x52: {  	[tilespmem:$0x7260] =	vst v0  }
0x53: {  	[tilespmem:$0x7270] =	vst v0  }
0x54: {  	[tilespmem:$0x7280] =	vst v0  }
0x55: {  	[tilespmem:$0x7290] =	vst v0  }
0x56: {  	[tilespmem:$0x72A0] =	vst v0  }
0x57: {  	[tilespmem:$0x72B0] =	vst v0  }
0x58: {  	[tilespmem:$0x72C0] =	vst v0  }
0x59: {  	[tilespmem:$0x72D0] =	vst v0  }
0x5a: {  	[tilespmem:$0x72E0] =	vst v0  }
0x5b: {  	[tilespmem:$0x72F0] =	vst v0  }
0x5c: {  	[tilespmem:$0x7300] =	vst v0  }
0x5d: {  	[tilespmem:$0x7310] =	vst v0  }
0x5e: {  	[tilespmem:$0x7320] =	vst v0  }
0x5f: {  	[tilespmem:$0x7330] =	vst v0  }
0x60: {  	[tilespmem:$0x7340] =	vst v0  }
0x61: {  	[tilespmem:$0x7350] =	vst v0  }
0x62: {  	[tilespmem:$0x7360] =	vst v0  }
0x63: {  	[tilespmem:$0x7370] =	vst v0  }
0x64: {  	[tilespmem:$0x7380] =	vst v0  }
0x65: {  	[tilespmem:$0x7390] =	vst v0  }
0x66: {  	[tilespmem:$0x73A0] =	vst v0  }
0x67: {  	[tilespmem:$0x73B0] =	vst v0  }
0x68: {  	[tilespmem:$0x73C0] =	vst v0  }
0x69: {  	[tilespmem:$0x73D0] =	vst v0  }
0x6a: {  	[tilespmem:$0x73E0] =	vst v0  }
0x6b: {  	[tilespmem:$0x73F0] =	vst v0  }
0x6c: {  	[tilespmem:$0x7400] =	vst v0  }
0x6d: {  	[tilespmem:$0x7410] =	vst v0  }
0x6e: {  	[tilespmem:$0x7420] =	vst v0  }
0x6f: {  	[tilespmem:$0x7430] =	vst v0  }
0x70: {  	[tilespmem:$0x7440] =	vst v0  }
0x71: {  	[tilespmem:$0x7450] =	vst v0  }
0x72: {  	[tilespmem:$0x7460] =	vst v0  }
0x73: {  	[tilespmem:$0x7470] =	vst v0  }
0x74: {  	[tilespmem:$0x7480] =	vst v0  }
0x75: {  	[tilespmem:$0x7490] =	vst v0  }
0x76: {  	[tilespmem:$0x74A0] =	vst v0  }
0x77: {  	[tilespmem:$0x74B0] =	vst v0  }
0x78: {  	[tilespmem:$0x74C0] =	vst v0  }
0x79: {  	[tilespmem:$0x74D0] =	vst v0  }
0x7a: {  	[tilespmem:$0x74E0] =	vst v0  }
0x7b: {  	[tilespmem:$0x74F0] =	vst v0  }
0x7c: {  	[tilespmem:$0x7500] =	vst v0  }
0x7d: {  	[tilespmem:$0x7510] =	vst v0  }
0x7e: {  	[tilespmem:$0x7520] =	vst v0  }
0x7f: {  	[tilespmem:$0x7530] =	vst v0  }
0x80: {  	[tilespmem:$0x7540] =	vst v0  }
0x81: {  	[tilespmem:$0x7550] =	vst v0  }
0x82: {  	[tilespmem:$0x7560] =	vst v0  }
0x83: {  	[tilespmem:$0x7570] =	vst v0  }
0x84: {  	[tilespmem:$0x7580] =	vst v0  }
0x85: {  	[tilespmem:$0x7590] =	vst v0  }
0x86: {  	[tilespmem:$0x75A0] =	vst v0  }
0x87: {  	[tilespmem:$0x75B0] =	vst v0  }
0x88: {  	[tilespmem:$0x75C0] =	vst v0  }
0x89: {  	[tilespmem:$0x75D0] =	vst v0  }
0x8a: {  	[tilespmem:$0x75E0] =	vst v0  }
0x8b: {  	[tilespmem:$0x75F0] =	vst v0  }
0x8c: {  	[tilespmem:$0x7600] =	vst v0  }
0x8d: {  	[tilespmem:$0x7610] =	vst v0  }
0x8e: {  	[tilespmem:$0x7620] =	vst v0  }
0x8f: {  	[tilespmem:$0x7630] =	vst v0  }
0x90: {  	[tilespmem:$0x7640] =	vst v0  }
0x91: {  	[tilespmem:$0x7650] =	vst v0  }
0x92: {  	[tilespmem:$0x7660] =	vst v0  }
0x93: {  	[tilespmem:$0x7670] =	vst v0  }
0x94: {  	[tilespmem:$0x7680] =	vst v0  }
0x95: {  	[tilespmem:$0x7690] =	vst v0  }
0x96: {  	[tilespmem:$0x76A0] =	vst v0  }
0x97: {  	[tilespmem:$0x76B0] =	vst v0  }
0x98: {  	[tilespmem:$0x76C0] =	vst v0  }
0x99: {  	[tilespmem:$0x76D0] =	vst v0  }
0x9a: {  	[tilespmem:$0x76E0] =	vst v0  }
0x9b: {  	[tilespmem:$0x76F0] =	vst v0  }
0x9c: {  	[spmem:s7] =	stream.linear.scatter [tilespmem:s23], [sflag:$0x5], $0x800, $0x38;
	[tilespmem:$0xC700] =	vst v63  }
0x9d: {  	_ =	swait.ge [sflag:s22], $0x800  }
0x9e: {  	[sflag:s22] =	ssyncset.done $0x0  }
0x9f: {  	s5 =	rddreg [dreg:$0x6];
	[sflag:s22] =	ssyncadd.s32 $0xFFFFF800  }
0xa0: {  	[spmem:s5] =	stream.linear.scatter [tilespmem:s23], [sflag:$0x5], $0x800, $0x38;
	[tilespmem:$0xC700] =	vst v63  }
0xa1: {  	_ =	swait.ge [sflag:s22], $0x800  }
0xa2: {  	[sflag:s22] =	ssyncset.done $0x0  }
0xa3: {  	[sflag:s22] =	ssyncadd.s32 $0xFFFFF800  }
0xa4: {  	[spmem:s9] =	stream.linear.scatter [tilespmem:s23], [sflag:$0x5], $0x800, $0x38;
	[tilespmem:$0xC700] =	vst v63  }
0xa5: {  	_ =	swait.ge [sflag:s22], $0x800  }
0xa6: {  	[sflag:s22] =	ssyncset.done $0x0  }
0xa7: {  	[sflag:s22] =	ssyncadd.s32 $0xFFFFF800  }
0xa8: {  	[spmem:s10] =	stream.linear.scatter [tilespmem:s23], [sflag:$0x5], $0x800, $0x38;
	[tilespmem:$0xC700] =	vst v63  }
0xa9: {  	_ =	swait.ge [sflag:s22], $0x800  }
0xaa: {  	[sflag:s22] =	ssyncset.done $0x0  }
0xab: {  	[sflag:s22] =	ssyncadd.s32 $0xFFFFF800  }
0xac: {  	[spmem:s12] =	stream.linear.scatter [tilespmem:s23], [sflag:$0x5], $0x800, $0x38;
	[tilespmem:$0xC700] =	vst v63  }
0xad: {  	_ =	swait.ge [sflag:s22], $0x800  }
0xae: {  	[sflag:s22] =	ssyncset.done $0x0  }
0xaf: {  	[sflag:s22] =	ssyncadd.s32 $0xFFFFF800  }
0xb0: {  	[tilespmem:s8], [sflag:$0x5] =	stream.strided.gather [hbm4b:s11+s24], $0x2700, s25, s24, $0x38;
	[tilespmem:$0xC700] =	vst v63  }
0xb1: {  	_ =	swait.ge [sflag:s22], $0x2700  }
0xb2: {  	[sflag:s22] =	ssyncset.done $0x0  }
0xb3: {  	s5 =	simm.s32 $0x2780;
	[sflag:s22] =	ssyncadd.s32 $0xFFFFD900  }
0xb4: {  	[tilespmem:s5], [sflag:$0x5] =	stream.strided.gather [hbm4b:s13+s24], $0x2700, s25, s24, $0x38;
	[tilespmem:$0xC700] =	vst v63  }
0xb5: {  	_ =	swait.ge [sflag:s22], $0x2700  }
0xb6: {  	[sflag:s22] =	ssyncset.done $0x0  }
0xb7: {  	s31 =	simm.s32 @!p0 $0x2700;
	s4 =	simm.s32 @!p0 $0x0;
	[sflag:s22] =	ssyncadd.s32 $0xFFFFD900  }
0xb8: {  	[tilespmem:s31], [sflag:$0x5] =	stream.linear.gather @!p0 [hbm4b:s14+s4], $0x80, $0x38;
	[tilespmem:$0xC700] =	vst v63  }
0xb9: {  	s31 =	simm.s32 @!p0 $0x5  }
0xba: {  	_ =	swait.ge @!p0 [sflag:s31], $0x80  }
0xbb: {  	[sflag:s31] =	ssyncset.done @!p0 $0x0  }
0xbc: {  	s5 =	simm.s32 @!p0 $0x4E80;
	[sflag:s31] =	ssyncadd.s32 @!p0 $0xFFFFFF80  }
0xbd: {  	[tilespmem:s5], [sflag:$0x5] =	stream.linear.gather @!p0 [hbm4b:s15+s4], $0x80, $0x38;
	[tilespmem:$0xC700] =	vst v63  }
0xbe: {  	_ =	swait.ge @!p0 [sflag:s31], $0x80  }
0xbf: {  	[sflag:s31] =	ssyncset.done @!p0 $0x0  }
0xc0: {  	[sflag:s31] =	ssyncadd.s32 @!p0 $0xFFFFFF80  }
0xc1: {  	[bflag:$0x0] =	sbarrier.arrive $0xFFFF  }
0xc2: {  	[tilespmem:s28], [sflag:$0x1] =	stream.indirect.gather [spmem:s2], $0x10, s8, s24, $0xb8;
	[tilespmem:$0xC700] =	vst v63  }
0xc3: {  	_ = 	snop  }
0xc4: {  	[tilespmem:s29], [sflag:$0x2] =	stream.indirect.gather [spmem:s2], $0x10, s24, s24, $0xb8;
	[tilespmem:$0xC700] =	vst v63  }
0xc5: {  	_ = 	snop  }
0xc6: {  	[tilespmem:s30], [sflag:$0x3] =	stream.indirect.gather [spmem:s2], $0x10, s25, s24, $0xb8;
	[tilespmem:$0xC700] =	vst v63  }
0xc7: {  	s5 =	simm.s32 $0x180  }
0xc8: {  	[tilespmem:s1], [sflag:$0x4] =	stream.indirect.gather [spmem:s2], $0x10, s5, s24, $0xb8;
	[tilespmem:$0xC700] =	vst v63  }
0xc9: {  	_ =	swait.ge [sflag:s19], $0x800  }
0xca: {  	[sflag:s19] =	ssyncset.done $0x0  }
0xcb: {  	s5 =	simm.s32 $0x2780;
	[sflag:s19] =	ssyncadd.s32 $0xFFFFF800  }
0xcc: {  	[spmem:s3] =	stream.indirect.scatter.add.f32 [tilespmem:s28], [sflag:$0x5], $0x10, s5, s24, $0xb8;
	[tilespmem:$0xC700] =	vst v63  }
0xcd: {  	_ =	swait.ge [sflag:s22], $0x800  }
0xce: {  	[sflag:s22] =	ssyncset.done $0x0  }
0xcf: {  	s5 =	simm.s32 $0x200;
	[sflag:s22] =	ssyncadd.s32 $0xFFFFF800  }
0xd0: {  	[tilespmem:s28], [sflag:$0x1] =	stream.indirect.gather [spmem:s2], $0x10, s5, s24, $0xb8;
	[tilespmem:$0xC700] =	vst v63  }
0xd1: {  	_ =	swait.ge [sflag:s20], $0x800  }
0xd2: {  	[sflag:s20] =	ssyncset.done $0x0  }
0xd3: {  	s5 =	simm.s32 $0x2800;
	[sflag:s20] =	ssyncadd.s32 $0xFFFFF800  }
0xd4: {  	[spmem:s3] =	stream.indirect.scatter.add.f32 [tilespmem:s29], [sflag:$0x5], $0x10, s5, s24, $0xb8;
	[tilespmem:$0xC700] =	vst v63  }
0xd5: {  	_ =	swait.ge [sflag:s22], $0x800  }
0xd6: {  	[sflag:s22] =	ssyncset.done $0x0  }
0xd7: {  	s5 =	simm.s32 $0x280;
	[sflag:s22] =	ssyncadd.s32 $0xFFFFF800  }
0xd8: {  	[tilespmem:s29], [sflag:$0x2] =	stream.indirect.gather [spmem:s2], $0x10, s5, s24, $0xb8;
	[tilespmem:$0xC700] =	vst v63  }
0xd9: {  	_ =	swait.ge [sflag:s0], $0x800  }
0xda: {  	[sflag:s0] =	ssyncset.done $0x0  }
0xdb: {  	s5 =	simm.s32 $0x2880;
	[sflag:s0] =	ssyncadd.s32 $0xFFFFF800  }
0xdc: {  	[spmem:s3] =	stream.indirect.scatter.add.f32 [tilespmem:s30], [sflag:$0x5], $0x10, s5, s24, $0xb8;
	[tilespmem:$0xC700] =	vst v63  }
0xdd: {  	_ =	swait.ge [sflag:s22], $0x800  }
0xde: {  	[sflag:s22] =	ssyncset.done $0x0  }
0xdf: {  	s5 =	simm.s32 $0x300;
	[sflag:s22] =	ssyncadd.s32 $0xFFFFF800  }
0xe0: {  	[tilespmem:s30], [sflag:$0x3] =	stream.indirect.gather [spmem:s2], $0x10, s5, s24, $0xb8;
	[tilespmem:$0xC700] =	vst v63  }
0xe1: {  	_ =	swait.ge [sflag:s21], $0x800  }
0xe2: {  	[sflag:s21] =	ssyncset.done $0x0  }
0xe3: {  	s5 =	simm.s32 $0x2900;
	[sflag:s21] =	ssyncadd.s32 $0xFFFFF800  }
0xe4: {  	[spmem:s3] =	stream.indirect.scatter.add.f32 [tilespmem:s1], [sflag:$0x5], $0x10, s5, s24, $0xb8;
	[tilespmem:$0xC700] =	vst v63  }
0xe5: {  	_ =	swait.ge [sflag:s22], $0x800  }
0xe6: {  	[sflag:s22] =	ssyncset.done $0x0  }
0xe7: {  	s4 =	simm.s32 $0x380;
	s31 =	simm.s32 $0x800;
	[sflag:s22] =	ssyncadd.s32 $0xFFFFF800  }
.LBB2_2:
0xe8: {  	[tilespmem:s1], [sflag:$0x4] =	stream.indirect.gather [spmem:s2], $0x10, s4, s24, $0xb8;
	[tilespmem:$0xC700] =	vst v63  }
0xe9: {  	s4 =	smov.u32 s31  }
0xea: {  	p1 =	sne.s32 s31, $0x8800;
	s31 =	sadd.s32 $0x800, s31;
	_ =	swait.ge [sflag:s19], $0x800  }
0xeb: {  	s4 =	sshra.s32 s4, $0x2;
	[sflag:s19] =	ssyncset.done $0x0  }
0xec: {  	s5 =	sadd.s32 $0x2780, s4;
	[sflag:s19] =	ssyncadd.s32 $0xFFFFF800  }
0xed: {  	[spmem:s3] =	stream.indirect.scatter.add.f32 [tilespmem:s28], [sflag:$0x5], $0x10, s5, s24, $0xb8;
	[tilespmem:$0xC700] =	vst v63  }
0xee: {  	_ =	swait.ge [sflag:s22], $0x800  }
0xef: {  	[sflag:s22] =	ssyncset.done $0x0  }
0xf0: {  	s5 =	sadd.s32 $0x200, s4;
	[sflag:s22] =	ssyncadd.s32 $0xFFFFF800  }
0xf1: {  	[tilespmem:s28], [sflag:$0x1] =	stream.indirect.gather [spmem:s2], $0x10, s5, s24, $0xb8;
	[tilespmem:$0xC700] =	vst v63  }
0xf2: {  	_ =	swait.ge [sflag:s20], $0x800  }
0xf3: {  	[sflag:s20] =	ssyncset.done $0x0  }
0xf4: {  	s5 =	sadd.s32 $0x2800, s4;
	[sflag:s20] =	ssyncadd.s32 $0xFFFFF800  }
0xf5: {  	[spmem:s3] =	stream.indirect.scatter.add.f32 [tilespmem:s29], [sflag:$0x5], $0x10, s5, s24, $0xb8;
	[tilespmem:$0xC700] =	vst v63  }
0xf6: {  	_ =	swait.ge [sflag:s22], $0x800  }
0xf7: {  	[sflag:s22] =	ssyncset.done $0x0  }
0xf8: {  	s5 =	sadd.s32 $0x280, s4;
	[sflag:s22] =	ssyncadd.s32 $0xFFFFF800  }
0xf9: {  	[tilespmem:s29], [sflag:$0x2] =	stream.indirect.gather [spmem:s2], $0x10, s5, s24, $0xb8;
	[tilespmem:$0xC700] =	vst v63  }
0xfa: {  	_ =	swait.ge [sflag:s0], $0x800  }
0xfb: {  	[sflag:s0] =	ssyncset.done $0x0  }
0xfc: {  	s5 =	sadd.s32 $0x2880, s4;
	[sflag:s0] =	ssyncadd.s32 $0xFFFFF800  }
0xfd: {  	[spmem:s3] =	stream.indirect.scatter.add.f32 [tilespmem:s30], [sflag:$0x5], $0x10, s5, s24, $0xb8;
	[tilespmem:$0xC700] =	vst v63  }
0xfe: {  	_ =	swait.ge [sflag:s22], $0x800  }
0xff: {  	[sflag:s22] =	ssyncset.done $0x0  }
0x100: {  	s5 =	sadd.s32 $0x300, s4;
	[sflag:s22] =	ssyncadd.s32 $0xFFFFF800  }
0x101: {  	[tilespmem:s30], [sflag:$0x3] =	stream.indirect.gather [spmem:s2], $0x10, s5, s24, $0xb8;
	[tilespmem:$0xC700] =	vst v63  }
0x102: {  	_ =	swait.ge [sflag:s21], $0x800  }
0x103: {  	[sflag:s21] =	ssyncset.done $0x0  }
.Ltmp0:
0x104: {  	s5 =	sadd.s32 $0x2900, s4;
	[sflag:s21] =	ssyncadd.s32 $0xFFFFF800;
	(pc) =	sbr.rel @p1 .LBB2_2-.Ltmp0, $4  }
0x105: {  	[spmem:s3] =	stream.indirect.scatter.add.f32 [tilespmem:s1], [sflag:$0x5], $0x10, s5, s24, $0xb8;
	[tilespmem:$0xC700] =	vst v63  }
0x106: {  	_ =	swait.ge [sflag:s22], $0x800  }
0x107: {  	[sflag:s22] =	ssyncset.done $0x0  }
0x108: {  	s4 =	sadd.s32 $0x380, s4;
	[sflag:s22] =	ssyncadd.s32 $0xFFFFF800  }
0x109: {  	[tilespmem:s1], [sflag:$0x4] =	stream.indirect.gather [spmem:s2], $0x10, s4, s24, $0xb8;
	[tilespmem:$0xC700] =	vst v63  }
0x10a: {  	_ =	swait.ge [sflag:s19], $0x800  }
0x10b: {  	[sflag:s19] =	ssyncset.done $0x0  }
0x10c: {  	s5 =	simm.s32 $0x4B80;
	[sflag:s19] =	ssyncadd.s32 $0xFFFFF800  }
0x10d: {  	[spmem:s3] =	stream.indirect.scatter.add.f32 [tilespmem:s28], [sflag:$0x5], $0x10, s5, s24, $0xb8;
	[tilespmem:$0xC700] =	vst v63  }
0x10e: {  	_ =	swait.ge [sflag:s22], $0x800  }
0x10f: {  	[sflag:s22] =	ssyncset.done $0x0  }
0x110: {  	s31 =	simm.s32 $0x2600;
	[sflag:s22] =	ssyncadd.s32 $0xFFFFF800  }
0x111: {  	[tilespmem:s28], [sflag:$0x1] =	stream.indirect.gather [spmem:s2], $0x10, s31, s24, $0xb8;
	[tilespmem:$0xC700] =	vst v63  }
0x112: {  	_ =	swait.ge [sflag:s20], $0x800  }
0x113: {  	[sflag:s20] =	ssyncset.done $0x0  }
0x114: {  	s5 =	simm.s32 $0x4C00;
	[sflag:s20] =	ssyncadd.s32 $0xFFFFF800  }
0x115: {  	[spmem:s3] =	stream.indirect.scatter.add.f32 [tilespmem:s29], [sflag:$0x5], $0x10, s5, s24, $0xb8;
	[tilespmem:$0xC700] =	vst v63  }
0x116: {  	_ =	swait.ge [sflag:s22], $0x800  }
0x117: {  	[sflag:s22] =	ssyncset.done $0x0  }
0x118: {  	s31 =	simm.s32 $0x2680;
	[sflag:s22] =	ssyncadd.s32 $0xFFFFF800  }
0x119: {  	[tilespmem:s29], [sflag:$0x2] =	stream.indirect.gather [spmem:s2], $0x10, s31, s24, $0xb8;
	[tilespmem:$0xC700] =	vst v63  }
0x11a: {  	_ =	swait.ge [sflag:s0], $0x800  }
0x11b: {  	[sflag:s0] =	ssyncset.done $0x0  }
0x11c: {  	s5 =	simm.s32 $0x4C80;
	[sflag:s0] =	ssyncadd.s32 $0xFFFFF800  }
0x11d: {  	[spmem:s3] =	stream.indirect.scatter.add.f32 [tilespmem:s30], [sflag:$0x5], $0x10, s5, s24, $0xb8;
	[tilespmem:$0xC700] =	vst v63  }
0x11e: {  	_ =	swait.ge [sflag:s22], $0x800  }
0x11f: {  	s4 =	simm.s32 @!p0 $0x80;
	[sflag:s22] =	ssyncset.done $0x0  }
0x120: {  	s31 =	simm.s32 @!p0 $0x5F00;
	s5 =	simm.s32 @!p0 $0x2700;
	[sflag:s22] =	ssyncadd.s32 $0xFFFFF800  }
0x121: {  	[tilespmem:s31], [sflag:$0x3] =	stream.indirect.gather @!p0 [spmem:s2], $0x10, s5, s4, $0xb8;
	[tilespmem:$0xC700] =	vst v63  }
0x122: {  	_ =	swait.ge [sflag:s21], $0x800  }
0x123: {  	[sflag:s21] =	ssyncset.done $0x0  }
0x124: {  	s5 =	simm.s32 $0x4D00;
	[sflag:s21] =	ssyncadd.s32 $0xFFFFF800  }
0x125: {  	[spmem:s3] =	stream.indirect.scatter.add.f32 [tilespmem:s1], [sflag:$0x5], $0x10, s5, s24, $0xb8;
	[tilespmem:$0xC700] =	vst v63  }
0x126: {  	_ =	swait.ge [sflag:s22], $0x800  }
0x127: {  	[sflag:s22] =	ssyncset.done $0x0  }
0x128: {  	[sflag:s22] =	ssyncadd.s32 $0xFFFFF800  }
0x129: {  	_ =	swait.ge [sflag:s19], $0x800  }
0x12a: {  	[sflag:s19] =	ssyncset.done $0x0  }
0x12b: {  	s5 =	simm.s32 $0x4D80;
	[sflag:s19] =	ssyncadd.s32 $0xFFFFF800  }
0x12c: {  	[spmem:s3] =	stream.indirect.scatter.add.f32 [tilespmem:s28], [sflag:$0x5], $0x10, s5, s24, $0xb8;
	[tilespmem:$0xC700] =	vst v63  }
0x12d: {  	_ =	swait.ge [sflag:s22], $0x800  }
0x12e: {  	[sflag:s22] =	ssyncset.done $0x0  }
0x12f: {  	[sflag:s22] =	ssyncadd.s32 $0xFFFFF800  }
0x130: {  	_ =	swait.ge [sflag:s20], $0x800  }
0x131: {  	[sflag:s20] =	ssyncset.done $0x0  }
0x132: {  	s5 =	simm.s32 $0x4E00;
	[sflag:s20] =	ssyncadd.s32 $0xFFFFF800  }
0x133: {  	[spmem:s3] =	stream.indirect.scatter.add.f32 [tilespmem:s29], [sflag:$0x5], $0x10, s5, s24, $0xb8;
	[tilespmem:$0xC700] =	vst v63  }
0x134: {  	_ =	swait.ge [sflag:s22], $0x800  }
0x135: {  	[sflag:s22] =	ssyncset.done $0x0  }
0x136: {  	s5 =	simm.s32 @!p0 $0x3;
	[sflag:s22] =	ssyncadd.s32 $0xFFFFF800  }
0x137: {  	_ =	swait.ge @!p0 [sflag:s5], $0x800  }
0x138: {  	[sflag:s5] =	ssyncset.done @!p0 $0x0  }
0x139: {  	[sflag:s5] =	ssyncadd.s32 @!p0 $0xFFFFF800;
	s5 =	simm.s32 @!p0 $0x4E80  }
0x13a: {  	[spmem:s3] =	stream.indirect.scatter.add.f32 @!p0 [tilespmem:s31], [sflag:$0x5], $0x10, s5, s4, $0xb8;
	[tilespmem:$0xC700] =	vst v63  }
0x13b: {  	s4 =	simm.s32 @!p0 $0x5  }
0x13c: {  	_ =	swait.ge @!p0 [sflag:s4], $0x800  }
0x13d: {  	s26 =	sadd.s32 $0x1, s26;
	[sflag:s4] =	ssyncset.done @!p0 $0x0  }
0x13e: {  	p1 =	sne.s32 s26, s17;
	[sflag:s4] =	ssyncadd.s32 @!p0 $0xFFFFF800  }
.Ltmp1:
0x13f: {  	s31 =	sshrl.u32 s7, $0x3;
	[bflag:$0x0] =	sbarrier.arrive $0xFFFF;
	(pc) =	sbr.rel @p1 .LBB2_1-.Ltmp1, $4  }
0x140: {  	[hbm:s16], [sflag:s6] =	dma.local [spmem:s31], $0x500  }
0x141: {  	_ =	swait.ge [sflag:s22], $0x500  }
0x142: {  	[sflag:s22] =	ssyncset.done $0x0  }
0x143: {  	[sflag:s22] =	ssyncadd.s32 $0xFFFFFB00  }
0x144: {  	_ =	sfence.sel $0x180000  }
0x145: {  	[bflag:$0x0] =	sbarrier.arrive $0xFFFF  }
0x146: {  	_ =	strace $0x9000004A  }
0x147: {  	s0 =	stileid.u32;
	[bflag:$0x2] =	sbarrier.arrive $0xFFFF  }
0x148: {  	p0 =	sne.s32 s0, $0x0;
	s0 =	rddreg [dreg:$0x4]  }
0x149: {  	s0 =	sadd.s32 @!p0 $0x100000, s0  }
0x14a: {  	[sflag:s0] =	ssyncadd.tile.s32 @!p0 $0x1;
	_ =	shalt  }
.Lfunc_end2:
_tile_overlayer_lowered:
.L_overlay_start_2:
0x14b: {  	(tag) =	ssettag $0x2  }
0x14c: {  	s0 =	rddreg [dreg:$0x0];
	s2 =	stileid.u32  }
0x14d: {  	s1 =	rddreg [dreg:$0x1];
	p0 =	sne.s32 s2, $0x0  }
0x14e: {  	s3 =	rddreg [dreg:$0x2];
	[bflag:$0x3] =	sbarrier.arrive $0xFFFF;
	s2 =	simm.s32 @!p0 $0x1C05  }
0x14f: {  	[timem:s3], [sflag:s2] =	dma.local @!p0 [hbm:s0], s1  }
0x150: {  	s0 =	simm.s32 @!p0 $0x5  }
0x151: {  	_ =	swait.ge @!p0 [sflag:s0], s1  }
0x152: {  	s1 =	ssub.s32 @!p0 $0x0, s1;
	[sflag:s0] =	ssyncset.done @!p0 $0x0  }
0x153: {  	[sflag:s0] =	ssyncadd.s32 @!p0 s1  }
0x154: {  	[bflag:$0x3] =	sbarrier.arrive $0xFFFF  }
0x155: {  	_ =	shalt  }

// kernel: kernel.7.cloned.1.call-start
scs
__scs_entry_jumppad:
0x0: {  	(pc) =	sbr.rel $0x88, $3  }
0x1: {  	(tag) =	ssettag $0x0;
	lr =	simm.s32 $0x1  }
0x2: {  	[smem:$0x3F97] =	sst lr;
	_ =	strace $0xD0000000  }
0x3: {  	_ = 	snop  }
0x4: {  	_ = 	snop  }
0x5: {  	_ = 	snop  }
0x6: {  	_ = 	snop  }
0x7: {  	_ = 	snop  }
__scs_overlays_trampoline_lowered:
0x8: {  	[smem:$0x3FA6] =	sst s0  }
0x9: {  	[smem:$0x3FA7] =	sst s1  }
0xa: {  	[smem:$0x3FA8] =	sst s2  }
0xb: {  	[smem:$0x3FA9] =	sst s3  }
0xc: {  	[smem:$0x3FAA] =	sst s4  }
0xd: {  	[smem:$0x3FAB] =	sst s5  }
0xe: {  	[smem:$0x3FAC] =	sst s6  }
0xf: {  	[smem:$0x3FAD] =	sst s7  }
0x10: {  	[smem:$0x3FAE] =	sst s8  }
0x11: {  	[smem:$0x3FAF] =	sst s9;
	s0 =	simm.s32 @!p0 $0x0  }
0x12: {  	s1 =	sld [smem:$0x3F95];
	s0 =	simm.s32 @p0 $0x1  }
0x13: {  	[smem:$0x3FB0] =	sst s0;
	s0 =	simm.s32 @!p1 $0x0  }
0x14: {  	s2 =	sld [smem:$0x3F94];
	s0 =	simm.s32 @p1 $0x1  }
0x15: {  	[smem:$0x3FB1] =	sst s0;
	s0 =	simm.s32 @!p2 $0x0  }
0x16: {  	s3 =	sld [smem:$0x3FDB];
	s0 =	simm.s32 @p2 $0x1  }
0x17: {  	s4 =	simm.s32 $0x1BF5;
	[smem:$0x3FB3] =	sst s0  }
0x18: {  	s0 =	sld [smem:$0x3F96];
	_ =	swait.ge [sflag:s4], $0x0  }
0x19: {  	s7 =	sld [smem:$0x3F97]  }
0x1a: {  	s8 =	sadd.s32 $0xFFFFE003, lr  }
0x1b: {  	s9 =	sadd.s32 $0xFFFFFEF7, lr;
	s5 =	simm.s32 $0xFFFFFFFF;
	p2 =	slt.u32 s8, $0xFFFFF086  }
0x1c: {  	p1 =	slt.u32 s9, $0xF7A;
	s5 =	simm.s32 @!p2 $0x0  }
0x1d: {  	s5 =	simm.s32 @p1 $0x1;
	p0 =	seq.s32 s7, s2  }
0x1e: {  	s7 =	smul.u32 @!p0 $0xF7A, s2;
	p2 =	seq.s32 @!p0 s5, $0x0  }
0x1f: {  	s9 =	smul.u32 $0xF7A, s1;
	s8 =	simm.s32 @!p0 $0x1BF5;
	p2 =	por !p2, p0  }
0x20: {  	[sflag:s8] =	ssyncset.s32 @!p0 $0xFFFFF086;
	s6 =	sadd.s32 @!p0 s3, s7;
	s7 =	simm.s32 @!p0 $0x108  }
0x21: {  	s3 =	sadd.s32 s3, s9;
	s6 =	sadd.s32 @!p0 $0x88, s6;
	s7 =	simm.s32 @p2 $0x1082  }
0x22: {  	[simem:s7], [sflag:s8] =	dma.local @!p0 [hbm:s6], $0xF7A  }
0x23: {  	s9 =	sor.u32 $0xD0000000, s2;
	s6 =	simm.s32 $0x108;
	_ =	swait.ge @!p0 [sflag:s8], $0x0  }
0x24: {  	s3 =	sadd.s32 $0x88, s3;
	s6 =	simm.s32 @!p1 $0x1082;
	[sflag:s4] =	ssyncset.s32 $0xFFFFF086  }
0x25: {  	[simem:s6], [sflag:s4] =	dma.local [hbm:s3], $0xF7A  }
0x26: {  	[smem:$0x3F97] =	sst s1;
	(tag) =	ssettag s2;
	_ =	strace s9  }
0x27: {  	s1 =	sld [smem:$0x3FA7]  }
0x28: {  	s2 =	sld [smem:$0x3FA8]  }
0x29: {  	s4 =	sld [smem:$0x3FAA]  }
0x2a: {  	p0 =	seq.s32 s5, $0x0;
	s5 =	sld [smem:$0x3FAB]  }
0x2b: {  	s6 =	sld [smem:$0x3FAC]  }
0x2c: {  	s7 =	sld [smem:$0x3FAD]  }
0x2d: {  	s3 =	simm.s32 $0x108;
	s8 =	sld [smem:$0x3FAE]  }
0x2e: {  	s3 =	simm.s32 @!p0 $0x1082;
	s9 =	sld [smem:$0x3FAF]  }
0x2f: {  	lr =	sadd.s32 s0, s3;
	s0 =	sld [smem:$0x3FA6]  }
0x30: {  	s3 =	sld [smem:$0x3FA9]  }
0x31: {  	[smem:$0x3FB2] =	sst s10  }
0x32: {  	s10 =	sld [smem:$0x3FB0];
	_ =	sdelay $0x3  }
0x33: {  	p0 =	seq.s32 s10, $0x1;
	s10 =	sld [smem:$0x3FB2];
	_ =	sdelay $0x3  }
0x34: {  	[smem:$0x3FB2] =	sst s10  }
0x35: {  	s10 =	sld [smem:$0x3FB1];
	_ =	sdelay $0x3  }
0x36: {  	p1 =	seq.s32 s10, $0x1;
	s10 =	sld [smem:$0x3FB2];
	_ =	sdelay $0x3  }
0x37: {  	[smem:$0x3FB2] =	sst s10  }
0x38: {  	s10 =	sld [smem:$0x3FB3]  }
0x39: {  	_ = 	snop;
	(pc) =	sbr.ind lr, $3  }
0x3a: {  	_ = 	snop  }
0x3b: {  	_ = 	snop  }
0x3c: {  	p2 =	seq.s32 s10, $0x1;
	s10 =	sld [smem:$0x3FB2]  }
0x3d: {  	_ =	shalt  }
0x3e: {  	_ =	shalt  }
0x3f: {  	_ =	shalt  }
0x40: {  	_ =	shalt  }
0x41: {  	_ =	shalt  }
0x42: {  	_ =	shalt  }
0x43: {  	_ =	shalt  }
0x44: {  	_ =	shalt  }
0x45: {  	_ =	shalt  }
0x46: {  	_ =	shalt  }
0x47: {  	_ =	shalt  }
0x48: {  	_ =	shalt  }
0x49: {  	_ =	shalt  }
0x4a: {  	_ =	shalt  }
0x4b: {  	_ =	shalt  }
0x4c: {  	_ =	shalt  }
0x4d: {  	_ =	shalt  }
0x4e: {  	_ =	shalt  }
0x4f: {  	_ =	shalt  }
0x50: {  	_ =	shalt  }
0x51: {  	_ =	shalt  }
0x52: {  	_ =	shalt  }
0x53: {  	_ =	shalt  }
0x54: {  	_ =	shalt  }
0x55: {  	_ =	shalt  }
0x56: {  	_ =	shalt  }
0x57: {  	_ =	shalt  }
0x58: {  	_ =	shalt  }
0x59: {  	_ =	shalt  }
0x5a: {  	_ =	shalt  }
0x5b: {  	_ =	shalt  }
0x5c: {  	_ =	shalt  }
0x5d: {  	_ =	shalt  }
0x5e: {  	_ =	shalt  }
0x5f: {  	_ =	shalt  }
0x60: {  	_ =	shalt  }
0x61: {  	_ =	shalt  }
0x62: {  	_ =	shalt  }
0x63: {  	_ =	shalt  }
0x64: {  	_ =	shalt  }
0x65: {  	_ =	shalt  }
0x66: {  	_ =	shalt  }
0x67: {  	_ =	shalt  }
0x68: {  	_ =	shalt  }
0x69: {  	_ =	shalt  }
0x6a: {  	_ =	shalt  }
0x6b: {  	_ =	shalt  }
0x6c: {  	_ =	shalt  }
0x6d: {  	_ =	shalt  }
0x6e: {  	_ =	shalt  }
0x6f: {  	_ =	shalt  }
0x70: {  	_ =	shalt  }
0x71: {  	_ =	shalt  }
0x72: {  	_ =	shalt  }
0x73: {  	_ =	shalt  }
0x74: {  	_ =	shalt  }
0x75: {  	_ =	shalt  }
0x76: {  	_ =	shalt  }
0x77: {  	_ =	shalt  }
0x78: {  	_ =	shalt  }
0x79: {  	_ =	shalt  }
0x7a: {  	_ =	shalt  }
0x7b: {  	_ =	shalt  }
0x7c: {  	_ =	shalt  }
0x7d: {  	_ =	shalt  }
0x7e: {  	_ =	shalt  }
0x7f: {  	_ =	shalt  }
0x80: {  	_ =	shalt  }
0x81: {  	_ =	shalt  }
0x82: {  	_ =	shalt  }
0x83: {  	_ =	shalt  }
0x84: {  	_ =	shalt  }
0x85: {  	_ =	shalt  }
0x86: {  	_ =	shalt  }
0x87: {  	_ =	shalt  }
.Lfunc_end0:
.L_simem_size_0:
called_computation_lowered:
.L_overlay_start_0:
0x88: {  	s2 =	sld [smem:$0x3FD9]  }
0x89: {  	s3 =	sld [smem:$0x3FFE];
	_ =	sdelay $0x1  }
0x8a: {  	s1 =	srdreg.scid  }
0x8b: {  	s0 =	sand.u32 $0x1, s1  }
0x8c: {  	s17 =	sshll.u32 s0, $0xA;
	s2 =	sadd.s32 s3, s2  }
0x8d: {  	s2 =	sadd.s32 s2, s17  }
0x8e: {  	[smem:$0x3FBE] =	sst s2  }
0x8f: {  	_ = 	snop  }
0x90: {  	s2 =	sld [smem:$0x3FC8];
	(tm) =	ssettm $0x1  }
0x91: {  	s18 =	sld [smem:$0x3FFB];
	_ =	sdelay $0x3  }
0x92: {  	_ =	strace s18  }
0x93: {  	s3 =	sld [smem:$0x3FFC];
	_ =	sdelay $0x3  }
0x94: {  	_ =	strace s3  }
0x95: {  	s3 =	sld [smem:$0x3FFD];
	_ =	sdelay $0x3  }
0x96: {  	_ =	strace s3  }
0x97: {  	_ =	strace $0x8FFFFFFF  }
0x98: {  	s19 =	sld [smem:$0x3FDB];
	_ =	sdelay $0x1  }
0x99: {  	s4 =	simm.s32 $_scs_section_size  }
0x9a: {  	s5 =	simm.s32 $_size__tile_overlayer_lowered;
	s6 =	simm.s32 $_tile_overlayer_lowered  }
0x9b: {  	s22 =	simm.s32 $0x1BFF;
	s21 =	sshll.u32 s6, $0x1;
	s3 =	sadd.s32 s4, s19  }
0x9c: {  	s7 =	simm.s32 $0x0;
	s20 =	sshll.u32 s5, $0x1;
	s5 =	sadd.s32 s21, s3  }
0x9d: {  	[timem:s7], [sflag:s22] =	dma.local [hbm:s5], s20  }
0x9e: {  	_ =	swait.ge [sflag:s22], s20  }
0x9f: {  	s4 =	ssub.s32 $0x0, s20;
	[sflag:s22] =	ssyncset.done $0x0  }
0xa0: {  	[sflag:s22] =	ssyncadd.s32 s4;
	_ =	sdelay $0x1  }
0xa1: {  	s23 =	simm.s32 $0x1B8B  }
0xa2: {  	_ =	swait.ge [sflag:s23], $0x1  }
0xa3: {  	[sflag:s23] =	ssyncset.done $0x0  }
0xa4: {  	s25 =	simm.s32 $0x1B8E;
	s24 =	sld [smem:$0x3FFE];
	[sflag:s23] =	ssyncadd.s32 $0xFFFFFFFF  }
0xa5: {  	s26 =	simm.s32 $execute0_lowered;
	[smem:$0x3FD2] =	sst s25  }
0xa6: {  	s5 =	sshll.u32 s26, $0x1;
	_ =	strace $0x80000046;
	[dreg:$0x1] =	wrdreg $0xFFFFFFFF  }
0xa7: {  	s28 =	simm.s32 $_size_execute0_lowered;
	s3 =	sadd.s32 s3, s5;
	[dreg:$0x0] =	wrdreg $0x0  }
0xa8: {  	s5 =	sshll.u32 s28, $0x1;
	[dreg:$0x2] =	wrdreg s3  }
0xa9: {  	[dreg:$0x3] =	wrdreg s5  }
0xaa: {  	[dreg:$0x4] =	wrdreg $0xC0  }
0xab: {  	_ =	task [dreg:s7], $0x5FFFF  }
0xac: {  	[dreg:$0x1] =	wrdreg $0xFFFFFFFF  }
0xad: {  	[dreg:$0x0] =	wrdreg $0x60  }
0xae: {  	[dreg:$0x2] =	wrdreg s2  }
0xaf: {  	[dreg:$0x3] =	wrdreg s24  }
0xb0: {  	[dreg:$0x4] =	wrdreg $0x2A800  }
0xb1: {  	[dreg:$0x5] =	wrdreg $0x9  }
0xb2: {  	_ =	task.clear_ibuf [dreg:s7], $0x6FFFF;
	_ =	strace $0x90000046  }
0xb3: {  	s29 =	simm.s32 $0x9;
	_ =	strace $0x80000048  }
0xb4: {  	_ =	swait.ge [sflag:s29], $0x1  }
0xb5: {  	[sflag:s29] =	ssyncadd.s32 $0xFFFFFFFF  }
0xb6: {  	_ =	strace $0x90000048  }
0xb7: {  	_ =	sfence  }
0xb8: {  	s30 =	sld [smem:$0x0];
	_ =	sdelay $0x2  }
0xb9: {  	s31 =	sshll.u32 s1, $0xD;
	s1 =	sshrl.u32 s1, $0x2  }
0xba: {  	s3 =	sand.u32 $0x4000, s31;
	s1 =	sadd.s32 s1, s30  }
0xbb: {  	s0 =	sor.u32 s3, s0;
	s1 =	sshll.u32 s1, $0x11  }
0xbc: {  	s0 =	sor.u32 s1, s0  }
0xbd: {  	s0 =	sadd.s32 $0x8F2B, s0  }
0xbe: {  	[sflag:s0] =	ssyncadd.remote.s32 $0x1  }
0xbf: {  	_ =	sfence.sel $0xFFFF  }
0xc0: {  	[dreg:$0x0] =	wrdreg $0xFFFFFFFF;
	(pc) =	sbr.abs _section_cstart, $3  }
0xc1: {  	[dreg:$0x1] =	wrdreg $0xFFFFFFFF  }
0xc2: {  	_ =	task.clear_ibuf [dreg:s7], $0x2FFFF;
	_ =	strace $0x9FFFFFFF  }
0xc3: {  	(tm) =	ssettm $0x7FFFFFFF  }
tec
execute0_lowered:
.L_overlay_start_1:
0x0: {  	(tag) =	ssettag $0x1  }
0x1: {  	s0 =	rddreg [dreg:$0x0]  }
0x2: {  	s1 =	rddreg [dreg:$0x1];
	s3 =	srdreg.scid  }
0x3: {  	s10 =	stileid.u32;
	s2 =	rddreg [dreg:$0x2]  }
0x4: {  	s11 =	simm.s32 $0x2;
	s12 =	simm.s32 $0x80;
	s13 =	simm.s32 $0x100  }
0x5: {  	s14 =	simm.s32 $0x2780;
	s16 =	simm.s32 $0x200;
	s17 =	simm.s32 $0x280  }
0x6: {  	s18 =	simm.s32 $0x300;
	s19 =	simm.s32 $0x380;
	s20 =	simm.s32 $0x400  }
0x7: {  	s21 =	simm.s32 $0x480;
	s22 =	simm.s32 $0x500;
	s23 =	simm.s32 $0x580  }
0x8: {  	s24 =	simm.s32 $0x600;
	s25 =	simm.s32 $0x680;
	s28 =	simm.s32 $0x780  }
0x9: {  	s29 =	simm.s32 $0x1;
	s30 =	simm.s32 $0x0;
	s4 =	sand.u32 $0x1, s3  }
0xa: {  	s5 =	smul.u32 $0x280, s10;
	s3 =	simm.s32 $0x0;
	s7 =	sshll.u32 s10, $0x1  }
0xb: {  	p0 =	slt.u32 s10, $0x2;
	s6 =	smul.u32 $0x2800, s4;
	[smem:$0x7FF] =	sst s3  }
0xc: {  	s8 =	ssub.s32 $0x2, s4;
	s7 =	sor.u32 s4, s7;
	s4 =	simm.s32 $0x4F  }
0xd: {  	_ =	strace $0x80000047;
	s26 =	sshrl.u32 s8, $0x1;
	s31 =	smul.u32 $0x9C0, s7  }
0xe: {  	s4 =	simm.s32 @!p0 $0x4E;
	s7 =	sshll.u32 s7, $0x5;
	p0 =	sgt.u32 s10, $0x1  }
0xf: {  	s6 =	sadd.s32 s5, s6;
	s9 =	ssub.s32 s8, s26;
	s5 =	sadd.s32 s5, s2  }
0x10: {  	s26 =	simm.s32 $0x700;
	s6 =	sshrl.u32 s6, $0x3;
	s9 =	smax.u32 s9, $0x1  }
0x11: {  	s1 =	sadd.s32 s6, s1;
	s6 =	sadd.s32 s31, s0;
	s0 =	sadd.s32 s7, s0  }
0x12: {  	v0 =	vimm.f32 $1.000000000e+00;
	v1 =	vimm.f32 $0.0e+00;
	s6 =	sadd.s32 $0x10, s6;
	s7 =	sadd.s32 $0x13810, s0;
	s8 =	sadd.s32 $0x2000, s1  }
.LBB2_1:
0x13: {  	[tilespmem:$0x2780] =	vst v0  }
0x14: {  	[tilespmem:$0x2790] =	vst v0  }
0x15: {  	[tilespmem:$0x27A0] =	vst v0  }
0x16: {  	[tilespmem:$0x27B0] =	vst v0  }
0x17: {  	[tilespmem:$0x27C0] =	vst v0  }
0x18: {  	[tilespmem:$0x27D0] =	vst v0  }
0x19: {  	[tilespmem:$0x27E0] =	vst v0  }
0x1a: {  	[tilespmem:$0x27F0] =	vst v0  }
0x1b: {  	[tilespmem:$0x2800] =	vst v1  }
0x1c: {  	[tilespmem:$0x2810] =	vst v1  }
0x1d: {  	[tilespmem:$0x2820] =	vst v1  }
0x1e: {  	[tilespmem:$0x2830] =	vst v1  }
0x1f: {  	[tilespmem:$0x2840] =	vst v1  }
0x20: {  	[tilespmem:$0x2850] =	vst v1  }
0x21: {  	[tilespmem:$0x2860] =	vst v1  }
0x22: {  	[tilespmem:$0x2870] =	vst v1  }
0x23: {  	[tilespmem:$0x2880] =	vst v1  }
0x24: {  	[tilespmem:$0x2890] =	vst v1  }
0x25: {  	[tilespmem:$0x28A0] =	vst v1  }
0x26: {  	[tilespmem:$0x28B0] =	vst v1  }
0x27: {  	[tilespmem:$0x28C0] =	vst v1  }
0x28: {  	[tilespmem:$0x28D0] =	vst v1  }
0x29: {  	[tilespmem:$0x28E0] =	vst v1  }
0x2a: {  	[tilespmem:$0x28F0] =	vst v1  }
0x2b: {  	[tilespmem:$0x2900] =	vst v1  }
0x2c: {  	[tilespmem:$0x2910] =	vst v1  }
0x2d: {  	[tilespmem:$0x2920] =	vst v1  }
0x2e: {  	[tilespmem:$0x2930] =	vst v1  }
0x2f: {  	[tilespmem:$0x2940] =	vst v1  }
0x30: {  	[tilespmem:$0x2950] =	vst v1  }
0x31: {  	[tilespmem:$0x2960] =	vst v1  }
0x32: {  	[tilespmem:$0x2970] =	vst v1  }
0x33: {  	[tilespmem:$0x2980] =	vst v1  }
0x34: {  	[tilespmem:$0x2990] =	vst v1  }
0x35: {  	[tilespmem:$0x29A0] =	vst v1  }
0x36: {  	[tilespmem:$0x29B0] =	vst v1  }
0x37: {  	[tilespmem:$0x29C0] =	vst v1  }
0x38: {  	[tilespmem:$0x29D0] =	vst v1  }
0x39: {  	[tilespmem:$0x29E0] =	vst v1  }
0x3a: {  	[tilespmem:$0x29F0] =	vst v1  }
0x3b: {  	[tilespmem:$0x2A00] =	vst v1  }
0x3c: {  	[tilespmem:$0x2A10] =	vst v1  }
0x3d: {  	[tilespmem:$0x2A20] =	vst v1  }
0x3e: {  	[tilespmem:$0x2A30] =	vst v1  }
0x3f: {  	[tilespmem:$0x2A40] =	vst v1  }
0x40: {  	[tilespmem:$0x2A50] =	vst v1  }
0x41: {  	[tilespmem:$0x2A60] =	vst v1  }
0x42: {  	[tilespmem:$0x2A70] =	vst v1;
	s0 =	simm.s32 $0x2800  }
0x43: {  	[spmem:s5] =	stream.linear.scatter [tilespmem:s0], [sflag:$0x2], $0x280, $0x38;
	[tilespmem:$0x2D00] =	vst v63  }
0x44: {  	_ =	swait.ge [sflag:s11], $0x280  }
0x45: {  	[sflag:s11] =	ssyncset.done $0x0  }
0x46: {  	[sflag:s11] =	ssyncadd.s32 $0xFFFFFD80  }
0x47: {  	[tilespmem:s3], [sflag:$0x2] =	stream.strided.gather [hbm4b:s6+s12], $0x2700, s13, s12, $0x38;
	[tilespmem:$0x2D00] =	vst v63  }
0x48: {  	_ =	swait.ge [sflag:s11], $0x2700  }
0x49: {  	[sflag:s11] =	ssyncset.done $0x0  }
0x4a: {  	s1 =	simm.s32 @!p0 $0x2700;
	s0 =	simm.s32 @!p0 $0x0;
	[sflag:s11] =	ssyncadd.s32 $0xFFFFD900  }
0x4b: {  	[tilespmem:s1], [sflag:$0x2] =	stream.linear.gather @!p0 [hbm4b:s7+s0], $0x80, $0x38;
	[tilespmem:$0x2D00] =	vst v63  }
0x4c: {  	s0 =	simm.s32 @!p0 $0x2  }
0x4d: {  	_ =	swait.ge @!p0 [sflag:s0], $0x80  }
0x4e: {  	[sflag:s0] =	ssyncset.done @!p0 $0x0  }
0x4f: {  	[sflag:s0] =	ssyncadd.s32 @!p0 $0xFFFFFF80  }
0x50: {  	[bflag:$0x0] =	sbarrier.arrive $0xFFFF  }
0x51: {  	[spmem:s2] =	stream.indirect.scatter.add.f32 [tilespmem:s14], [sflag:$0x1], $0x1, s3, s12, $0xb8;
	[tilespmem:$0x2D00] =	vst v63  }
0x52: {  	_ = 	snop  }
0x53: {  	[spmem:s2] =	stream.indirect.scatter.add.f32 [tilespmem:s14], [sflag:$0x1], $0x1, s12, s12, $0xb8;
	[tilespmem:$0x2D00] =	vst v63  }
0x54: {  	_ = 	snop  }
0x55: {  	[spmem:s2] =	stream.indirect.scatter.add.f32 [tilespmem:s14], [sflag:$0x1], $0x1, s13, s12, $0xb8;
	[tilespmem:$0x2D00] =	vst v63  }
0x56: {  	s15 =	simm.s32 $0x180  }
0x57: {  	[spmem:s2] =	stream.indirect.scatter.add.f32 [tilespmem:s14], [sflag:$0x1], $0x1, s15, s12, $0xb8;
	[tilespmem:$0x2D00] =	vst v63  }
0x58: {  	_ = 	snop  }
0x59: {  	[spmem:s2] =	stream.indirect.scatter.add.f32 [tilespmem:s14], [sflag:$0x1], $0x1, s16, s12, $0xb8;
	[tilespmem:$0x2D00] =	vst v63  }
0x5a: {  	_ = 	snop  }
0x5b: {  	[spmem:s2] =	stream.indirect.scatter.add.f32 [tilespmem:s14], [sflag:$0x1], $0x1, s17, s12, $0xb8;
	[tilespmem:$0x2D00] =	vst v63  }
0x5c: {  	_ = 	snop  }
0x5d: {  	[spmem:s2] =	stream.indirect.scatter.add.f32 [tilespmem:s14], [sflag:$0x1], $0x1, s18, s12, $0xb8;
	[tilespmem:$0x2D00] =	vst v63  }
0x5e: {  	_ = 	snop  }
0x5f: {  	[spmem:s2] =	stream.indirect.scatter.add.f32 [tilespmem:s14], [sflag:$0x1], $0x1, s19, s12, $0xb8;
	[tilespmem:$0x2D00] =	vst v63  }
0x60: {  	_ = 	snop  }
0x61: {  	[spmem:s2] =	stream.indirect.scatter.add.f32 [tilespmem:s14], [sflag:$0x1], $0x1, s20, s12, $0xb8;
	[tilespmem:$0x2D00] =	vst v63  }
0x62: {  	_ = 	snop  }
0x63: {  	[spmem:s2] =	stream.indirect.scatter.add.f32 [tilespmem:s14], [sflag:$0x1], $0x1, s21, s12, $0xb8;
	[tilespmem:$0x2D00] =	vst v63  }
0x64: {  	_ = 	snop  }
0x65: {  	[spmem:s2] =	stream.indirect.scatter.add.f32 [tilespmem:s14], [sflag:$0x1], $0x1, s22, s12, $0xb8;
	[tilespmem:$0x2D00] =	vst v63  }
0x66: {  	_ = 	snop  }
0x67: {  	[spmem:s2] =	stream.indirect.scatter.add.f32 [tilespmem:s14], [sflag:$0x1], $0x1, s23, s12, $0xb8;
	[tilespmem:$0x2D00] =	vst v63  }
0x68: {  	_ = 	snop  }
0x69: {  	[spmem:s2] =	stream.indirect.scatter.add.f32 [tilespmem:s14], [sflag:$0x1], $0x1, s24, s12, $0xb8;
	[tilespmem:$0x2D00] =	vst v63  }
0x6a: {  	_ = 	snop  }
0x6b: {  	[spmem:s2] =	stream.indirect.scatter.add.f32 [tilespmem:s14], [sflag:$0x1], $0x1, s25, s12, $0xb8;
	[tilespmem:$0x2D00] =	vst v63  }
0x6c: {  	p1 =	sle.u32 s4, $0x10  }
0x6d: {  	[spmem:s2] =	stream.indirect.scatter.add.f32 [tilespmem:s14], [sflag:$0x1], $0x1, s26, s12, $0xb8;
	[tilespmem:$0x2D00] =	vst v63  }
0x6e: {  	s10 =	simm.s32 @!p1 $0x1  }
0x6f: {  	[spmem:s2] =	stream.indirect.scatter.add.f32 [tilespmem:s14], [sflag:$0x1], $0x1, s28, s12, $0xb8;
	[tilespmem:$0x2D00] =	vst v63  }
0x70: {  	s31 =	simm.s32 $0x11;
	_ =	swait.ge @!p1 [sflag:s10], $0x80  }
0x71: {  	s1 =	simm.s32 $0x880;
	s0 =	simm.s32 $0x800;
	[sflag:s10] =	ssyncset.done @!p1 $0x0  }
0x72: {  	s15 =	simm.s32 @!p1 $0x2780;
	[sflag:s10] =	ssyncadd.s32 @!p1 $0xFFFFFF80;
	s10 =	simm.s32 @!p1 $0x80  }
.LBB2_2:
0x73: {  	[spmem:s2] =	stream.indirect.scatter.add.f32 @!p1 [tilespmem:s15], [sflag:$0x1], $0x1, s0, s10, $0xb8;
	[tilespmem:$0x2D00] =	vst v63  }
0x74: {  	p1 =	sge.u32 s31, s4;
	s31 =	sadd.s32 $0x1, s31  }
0x75: {  	p2 =	sne.s32 s31, $0x4F  }
.Ltmp0:
0x76: {  	(pc) =	sbr.rel @p2 .LBB2_2-.Ltmp0, $4  }
0x77: {  	s0 =	smov.u32 s1;
	s10 =	simm.s32 @!p1 $0x1  }
0x78: {  	_ =	swait.ge @!p1 [sflag:s10], $0x80  }
0x79: {  	s1 =	sadd.s32 $0x80, s1;
	[sflag:s10] =	ssyncset.done @!p1 $0x0  }
0x7a: {  	s15 =	simm.s32 @!p1 $0x2780;
	[sflag:s10] =	ssyncadd.s32 @!p1 $0xFFFFFF80;
	s10 =	simm.s32 @!p1 $0x80  }
0x7b: {  	[spmem:s2] =	stream.indirect.scatter.add.f32 @!p1 [tilespmem:s15], [sflag:$0x1], $0x1, s0, s10, $0xb8;
	[tilespmem:$0x2D00] =	vst v63  }
0x7c: {  	_ =	swait.ge [sflag:s29], $0x80  }
0x7d: {  	[sflag:s29] =	ssyncset.done $0x0  }
0x7e: {  	[sflag:s29] =	ssyncadd.s32 $0xFFFFFF80  }
0x7f: {  	_ =	swait.ge [sflag:s29], $0x80  }
0x80: {  	[sflag:s29] =	ssyncset.done $0x0  }
0x81: {  	[sflag:s29] =	ssyncadd.s32 $0xFFFFFF80  }
0x82: {  	_ =	swait.ge [sflag:s29], $0x80  }
0x83: {  	[sflag:s29] =	ssyncset.done $0x0  }
0x84: {  	[sflag:s29] =	ssyncadd.s32 $0xFFFFFF80  }
0x85: {  	_ =	swait.ge [sflag:s29], $0x80  }
0x86: {  	[sflag:s29] =	ssyncset.done $0x0  }
0x87: {  	[sflag:s29] =	ssyncadd.s32 $0xFFFFFF80  }
0x88: {  	_ =	swait.ge [sflag:s29], $0x80  }
0x89: {  	[sflag:s29] =	ssyncset.done $0x0  }
0x8a: {  	[sflag:s29] =	ssyncadd.s32 $0xFFFFFF80  }
0x8b: {  	_ =	swait.ge [sflag:s29], $0x80  }
0x8c: {  	[sflag:s29] =	ssyncset.done $0x0  }
0x8d: {  	[sflag:s29] =	ssyncadd.s32 $0xFFFFFF80  }
0x8e: {  	_ =	swait.ge [sflag:s29], $0x80  }
0x8f: {  	[sflag:s29] =	ssyncset.done $0x0  }
0x90: {  	[sflag:s29] =	ssyncadd.s32 $0xFFFFFF80  }
0x91: {  	_ =	swait.ge [sflag:s29], $0x80  }
0x92: {  	[sflag:s29] =	ssyncset.done $0x0  }
0x93: {  	[sflag:s29] =	ssyncadd.s32 $0xFFFFFF80  }
0x94: {  	_ =	swait.ge [sflag:s29], $0x80  }
0x95: {  	[sflag:s29] =	ssyncset.done $0x0  }
0x96: {  	[sflag:s29] =	ssyncadd.s32 $0xFFFFFF80  }
0x97: {  	_ =	swait.ge [sflag:s29], $0x80  }
0x98: {  	[sflag:s29] =	ssyncset.done $0x0  }
0x99: {  	[sflag:s29] =	ssyncadd.s32 $0xFFFFFF80  }
0x9a: {  	_ =	swait.ge [sflag:s29], $0x80  }
0x9b: {  	[sflag:s29] =	ssyncset.done $0x0  }
0x9c: {  	[sflag:s29] =	ssyncadd.s32 $0xFFFFFF80  }
0x9d: {  	_ =	swait.ge [sflag:s29], $0x80  }
0x9e: {  	[sflag:s29] =	ssyncset.done $0x0  }
0x9f: {  	[sflag:s29] =	ssyncadd.s32 $0xFFFFFF80  }
0xa0: {  	_ =	swait.ge [sflag:s29], $0x80  }
0xa1: {  	[sflag:s29] =	ssyncset.done $0x0  }
0xa2: {  	[sflag:s29] =	ssyncadd.s32 $0xFFFFFF80  }
0xa3: {  	_ =	swait.ge [sflag:s29], $0x80  }
0xa4: {  	[sflag:s29] =	ssyncset.done $0x0  }
0xa5: {  	[sflag:s29] =	ssyncadd.s32 $0xFFFFFF80  }
0xa6: {  	_ =	swait.ge [sflag:s29], $0x80  }
0xa7: {  	[sflag:s29] =	ssyncset.done $0x0  }
0xa8: {  	[sflag:s29] =	ssyncadd.s32 $0xFFFFFF80  }
0xa9: {  	s31 =	stileid.u32;
	_ =	swait.ge [sflag:s29], $0x80  }
0xaa: {  	s1 =	sshrl.u32 s5, $0x3;
	s30 =	sadd.s32 $0x1, s30;
	[sflag:s29] =	ssyncset.done $0x0  }
0xab: {  	s0 =	sshll.u32 s31, $0x6;
	p1 =	sne.s32 s30, s9;
	[sflag:s29] =	ssyncadd.s32 $0xFFFFFF80  }
.Ltmp1:
0xac: {  	s0 =	sor.u32 $0x1C02, s0;
	[bflag:$0x0] =	sbarrier.arrive $0xFFFF;
	(pc) =	sbr.rel @p1 .LBB2_1-.Ltmp1, $4  }
0xad: {  	[hbm:s8], [sflag:s0] =	dma.local [spmem:s1], $0x50  }
0xae: {  	_ =	swait.ge [sflag:s11], $0x50  }
0xaf: {  	[sflag:s11] =	ssyncset.done $0x0  }
0xb0: {  	[sflag:s11] =	ssyncadd.s32 $0xFFFFFFB0  }
0xb1: {  	_ =	sfence.sel $0x180000  }
0xb2: {  	[bflag:$0x0] =	sbarrier.arrive $0xFFFF  }
0xb3: {  	_ =	strace $0x90000047  }
0xb4: {  	s0 =	stileid.u32;
	[bflag:$0x2] =	sbarrier.arrive $0xFFFF  }
0xb5: {  	p0 =	sne.s32 s0, $0x0;
	s0 =	rddreg [dreg:$0x3]  }
0xb6: {  	s0 =	sadd.s32 @!p0 $0x100000, s0  }
0xb7: {  	[sflag:s0] =	ssyncadd.tile.s32 @!p0 $0x1;
	_ =	shalt  }
.Lfunc_end2:
_tile_overlayer_lowered:
.L_overlay_start_2:
0xb8: {  	(tag) =	ssettag $0x2  }
0xb9: {  	s0 =	rddreg [dreg:$0x0];
	s2 =	stileid.u32  }
0xba: {  	s1 =	rddreg [dreg:$0x1];
	p0 =	sne.s32 s2, $0x0  }
0xbb: {  	s3 =	rddreg [dreg:$0x2];
	[bflag:$0x3] =	sbarrier.arrive $0xFFFF;
	s2 =	simm.s32 @!p0 $0x1C02  }
0xbc: {  	[timem:s3], [sflag:s2] =	dma.local @!p0 [hbm:s0], s1  }
0xbd: {  	s0 =	simm.s32 @!p0 $0x2  }
0xbe: {  	_ =	swait.ge @!p0 [sflag:s0], s1  }
0xbf: {  	s1 =	ssub.s32 @!p0 $0x0, s1;
	[sflag:s0] =	ssyncset.done @!p0 $0x0  }
0xc0: {  	[sflag:s0] =	ssyncadd.s32 @!p0 s1  }
0xc1: {  	[bflag:$0x3] =	sbarrier.arrive $0xFFFF  }
0xc2: {  	_ =	shalt  }

</sc_bundles>
